<compile_context>
chip_gen: v7x
topology: tpu7x:2x2x1
jax: 0.10.2.dev20260603
libtpu: 0.0.44.dev20260713+nightly
codegen_flags: <defaults>
</compile_context>

<pallas_src>
import jax
import jax.numpy as jnp
from jax import lax
from jax.experimental import pallas as pl
from jax.experimental.pallas import tpu as pltpu
from jax.experimental.pallas import tpu_sc as plsc

N_NODES = 10000
N_TAB = 10240
E_RAW = 320000
E_AUG = E_RAW + N_NODES
NC, NS, LANES = 2, 16, 16
CH = 128
CPT = 164
E_PAD = NS * CPT * CH
ROWS_PER_TILE = N_TAB // NS
H = 8
HC = H // NC
HD = 16
FC = HC * HD



def _qkv_body(x_ref, wq_ref, bq_ref, wk_ref, bk_ref, wv_ref,
              q_ref, k_ref, v_ref):
    xb = x_ref[...]
    q = jnp.dot(xb, wq_ref[0], preferred_element_type=jnp.float32)
    q_ref[0] = jnp.maximum(q + bq_ref[0], 0.0)
    k = jnp.dot(xb, wk_ref[0], preferred_element_type=jnp.float32)
    k_ref[0] = jnp.maximum(k + bk_ref[0], 0.0)
    v_ref[0] = jnp.dot(xb, wv_ref[0], preferred_element_type=jnp.float32)


def _split_cols(w):
    w2 = w.reshape(w.shape[0], NC, FC) if w.ndim == 2 else w.reshape(1, NC, FC)
    return jnp.swapaxes(w2, 0, 1)


def _qkv(x_pad, wq, bq, wk, bk, wv):
    blk = 256
    grid = (N_TAB // blk, NC)
    wspec = pl.BlockSpec((1, 128, FC), lambda i, j: (j, 0, 0))
    bspec = pl.BlockSpec((1, 1, FC), lambda i, j: (j, 0, 0))
    xspec = pl.BlockSpec((blk, 128), lambda i, j: (i, 0))
    ospec = pl.BlockSpec((1, blk, FC), lambda i, j: (j, i, 0))
    out = jax.ShapeDtypeStruct((NC, N_TAB, FC), jnp.float32)
    return pl.pallas_call(
        _qkv_body,
        grid=grid,
        in_specs=[xspec, wspec, bspec, wspec, bspec, wspec],
        out_specs=[ospec, ospec, ospec],
        out_shape=[out, out, out],
    )(x_pad, _split_cols(wq), _split_cols(bq), _split_cols(wk),
      _split_cols(bk), _split_cols(wv))



def _edge_body(q_hbm, k_hbm, v_hbm, ridx_hbm, cidx_hbm, zrow_hbm, zden_hbm,
               bias_hbm,
               out_hbm,
               ridx_s, cidx_s, qb, kb, vb, eb, bias_v,
               acc_out, acc_den,
               gsem0, gsem1, isem0, isem1, isem2, isem3, ssem0, ssem1):
    c = lax.axis_index("c")
    s = lax.axis_index("s")
    lane = lax.broadcasted_iota(jnp.int32, (LANES,), 0)
    zvec = jnp.zeros((LANES,), jnp.float32)
    gsem = (gsem0, gsem1)
    isem = (isem0, isem1, isem2, isem3)
    ssem = (ssem0, ssem1)

    pltpu.sync_copy(zrow_hbm, acc_out.at[pl.ds(s * ROWS_PER_TILE, ROWS_PER_TILE)])
    pltpu.sync_copy(zden_hbm, acc_den.at[pl.ds(s * ROWS_PER_TILE, ROWS_PER_TILE)])

    pltpu.sync_copy(ridx_hbm.at[s, pl.ds(0, 4)], ridx_s)
    pltpu.sync_copy(cidx_hbm.at[s, pl.ds(0, 4)], cidx_s)

    plsc.subcore_barrier()

    def gather_copies(p, slot):
        return (
            pltpu.make_async_copy(q_hbm.at[c].at[ridx_s.at[slot]], qb.at[p],
                                  gsem[p]),
            pltpu.make_async_copy(k_hbm.at[c].at[cidx_s.at[slot]], kb.at[p],
                                  gsem[p]),
            pltpu.make_async_copy(v_hbm.at[c].at[cidx_s.at[slot]], vb.at[p],
                                  gsem[p]),
        )

    def issue_gather(p, slot):
        pltpu.async_copy(q_hbm.at[c].at[ridx_s.at[slot]], qb.at[p], gsem[p])
        pltpu.async_copy(k_hbm.at[c].at[cidx_s.at[slot]], kb.at[p], gsem[p])
        pltpu.async_copy(v_hbm.at[c].at[cidx_s.at[slot]], vb.at[p], gsem[p])

    idx15 = jnp.full((LANES, 1), HD - 1, jnp.int32)
    gdn = lax.GatherDimensionNumbers(
        offset_dims=(), collapsed_slice_dims=(0,), start_index_map=(0,))

    def _bcast_last(v):
        return lax.gather(v, idx15, gdn, slice_sizes=(1,),
                          mode=lax.GatherScatterMode.PROMISE_IN_BOUNDS)

    def _bcast_lane(v, h):
        idx = jnp.full((LANES, 1), h, jnp.int32)
        return lax.gather(v, idx, gdn, slice_sizes=(1,),
                          mode=lax.GatherScatterMode.PROMISE_IN_BOUNDS)

    def compute_chunk(p, slot):
        qbb, kbb, vbb, ebb = qb.at[p], kb.at[p], vb.at[p], eb.at[p]

        EB = 4

        def batch_body(t2, carry2):
            base = t2 * EB
            prods = []
            for i in range(EB):
                e = base + i
                for h in range(HC):
                    sl = pl.ds(h * HD, HD)
                    prods.append(qbb[e, sl] * kbb[e, sl])
            css = [plsc.cumsum(pr) for pr in prods]
            ws = [jnp.exp(_bcast_last(cs)) for cs in css]
            for i in range(EB):
                e = base + i
                row = zvec
                for h in range(HC):
                    w = ws[i * HC + h]
                    sl = pl.ds(h * HD, HD)
                    vbb[e, sl] = vbb[e, sl] * w
                    row = jnp.where(lane == h, w, row)
                ebb[e, :] = row
            return carry2

        lax.fori_loop(0, CH // EB, batch_body, 0)
        pltpu.async_copy(ebb, acc_den.at[ridx_s.at[slot]], ssem[p], add=True)
        pltpu.async_copy(vbb, acc_out.at[ridx_s.at[slot]], ssem[p], add=True)

    def drain_scatter(p, slot):
        pltpu.make_async_copy(eb.at[p], acc_den.at[ridx_s.at[slot]],
                              ssem[p]).wait()
        pltpu.make_async_copy(vb.at[p], acc_out.at[ridx_s.at[slot]],
                              ssem[p]).wait()

    issue_gather(0, 0)

    def quad_body(t, carry):
        for bb in range(4):
            j = 4 * t + bb
            p = bb % 2
            slot = bb
            pslot = (bb - 1) % 4
            nslot = (bb + 1) % 4
            for cp in gather_copies(p, slot):
                cp.wait()

            @pl.when(j >= 1)
            def _():
                drain_scatter(1 - p, pslot)

            @pl.when(jnp.logical_and(j >= 1, j + 3 < CPT))
            def _():
                pltpu.async_copy(ridx_hbm.at[s, j + 3], ridx_s.at[pslot],
                                 isem[pslot])
                pltpu.async_copy(cidx_hbm.at[s, j + 3], cidx_s.at[pslot],
                                 isem[pslot])

            nxt = j + 1

            @pl.when(jnp.logical_and(nxt >= 4, nxt < CPT))
            def _():
                pltpu.make_async_copy(ridx_hbm.at[s, nxt], ridx_s.at[nslot],
                                      isem[nslot]).wait()
                pltpu.make_async_copy(cidx_hbm.at[s, nxt], cidx_s.at[nslot],
                                      isem[nslot]).wait()

            @pl.when(nxt < CPT)
            def _():
                issue_gather(1 - p, nslot)

            compute_chunk(p, slot)
        return carry

    lax.fori_loop(0, CPT // 4, quad_body, 0)
    drain_scatter(1, 3)
    plsc.subcore_barrier()

    pltpu.sync_copy(bias_hbm.at[c], bias_v)
    bias_h = [bias_v[pl.ds(h * HD, HD)] for h in range(HC)]

    def blk_body(bi, carry):
        r0 = s * ROWS_PER_TILE + bi * CH
        pltpu.sync_copy(acc_out.at[pl.ds(r0, CH)], qb.at[0])
        pltpu.sync_copy(acc_den.at[pl.ds(r0, CH)], eb.at[0])

        def row_body(e, carry2):
            rcp = 1.0 / eb[0, e, :]
            for h in range(HC):
                sl = pl.ds(h * HD, HD)
                qb[0, e, sl] = qb[0, e, sl] * _bcast_lane(rcp, h) + bias_h[h]
            return carry2

        lax.fori_loop(0, CH, row_body, 0, unroll=2)
        pltpu.sync_copy(qb.at[0],
                        out_hbm.at[pl.ds(r0, CH), pl.ds(c * FC, FC)])
        return carry

    lax.fori_loop(0, ROWS_PER_TILE // CH, blk_body, 0)


def _edge_phase(q, k, v, ridx3, cidx3, bias2):
    mesh = plsc.VectorSubcoreMesh(core_axis_name="c", subcore_axis_name="s")
    zrow = jnp.zeros((ROWS_PER_TILE, FC), jnp.float32)
    zden = jnp.zeros((ROWS_PER_TILE, HD), jnp.float32)
    fn = pl.kernel(
        _edge_body,
        out_type=jax.ShapeDtypeStruct((N_TAB, 128), jnp.float32),
        mesh=mesh,
        compiler_params=pltpu.CompilerParams(
            needs_layout_passes=False, use_tc_tiling_on_sc=False),
        scratch_types=[
            pltpu.VMEM((4, CH), jnp.int32),
            pltpu.VMEM((4, CH), jnp.int32),
            pltpu.VMEM((2, CH, FC), jnp.float32),
            pltpu.VMEM((2, CH, FC), jnp.float32),
            pltpu.VMEM((2, CH, FC), jnp.float32),
            pltpu.VMEM((2, CH, HD), jnp.float32),
            pltpu.VMEM((FC,), jnp.float32),
            pltpu.VMEM_SHARED((N_TAB, FC), jnp.float32),
            pltpu.VMEM_SHARED((N_TAB, HD), jnp.float32),
            pltpu.SemaphoreType.DMA,
            pltpu.SemaphoreType.DMA,
            pltpu.SemaphoreType.DMA,
            pltpu.SemaphoreType.DMA,
            pltpu.SemaphoreType.DMA,
            pltpu.SemaphoreType.DMA,
            pltpu.SemaphoreType.DMA,
            pltpu.SemaphoreType.DMA,
        ],
    )
    return fn(q, k, v, ridx3, cidx3, zrow, zden, bias2)



@jax.jit
def kernel(x, edge_index, query_kernel, query_bias, key_kernel, key_bias,
           kernel, bias):
    n = x.shape[0]
    x_pad = jnp.concatenate(
        [x, jnp.zeros((N_TAB - n, x.shape[1]), x.dtype)], axis=0)
    q, k, v = _qkv(x_pad, query_kernel, query_bias, key_kernel, key_bias,
                   kernel)

    self_loop = jnp.arange(n, dtype=edge_index.dtype)
    rows = jnp.concatenate([edge_index[0], self_loop])
    cols = jnp.concatenate([edge_index[1], self_loop])
    pad = E_PAD - E_AUG
    dummy = jnp.full((pad,), N_NODES, dtype=rows.dtype)
    ridx3 = jnp.concatenate([rows, dummy]).reshape(NS, CPT, CH)
    cidx3 = jnp.concatenate([cols, dummy]).reshape(NS, CPT, CH)

    bias2 = bias.reshape(NC, FC)
    outp = _edge_phase(q, k, v, ridx3, cidx3, bias2)
    return outp[:N_NODES]

# --- scband reference (transcript-rebuilt; emitter-appended) ---
"""Pipeline reference for scband-gat-66623532696010 (READ-ONLY COPY).

The authoritative reference and input builder live on the scoring server;
editing this copy changes nothing except your own understanding.
"""

import jax, jax.numpy as jnp
import numpy as np

N = 10000
E = 320000
D = 128
UNITS = 128
ATT_UNITS = 128
NUM_HEADS = 8


def _glorot(key, shape):
    limit = np.sqrt(6.0 / (shape[0] + shape[1]))
    return jax.random.uniform(key, shape, minval=-limit, maxval=limit, dtype=jnp.float32)


def setup_inputs(seed: int = 0) -> dict:
    key = jax.random.key(seed)
    ks = jax.random.split(key, 8)
    x = jax.random.normal(ks[0], (N, D), dtype=jnp.float32)
    edge_index = jax.random.randint(ks[1], (2, E), 0, N, dtype=jnp.int32)
    query_kernel = _glorot(ks[2], (D, ATT_UNITS))
    query_bias = jnp.zeros((ATT_UNITS,), jnp.float32)
    key_kernel = _glorot(ks[3], (D, ATT_UNITS))
    key_bias = jnp.zeros((ATT_UNITS,), jnp.float32)
    kernel = _glorot(ks[4], (D, UNITS))
    bias = jnp.zeros((UNITS,), jnp.float32)
    return {"x": x, "edge_index": edge_index,
            "query_kernel": query_kernel, "query_bias": query_bias,
            "key_kernel": key_kernel, "key_bias": key_bias,
            "kernel": kernel, "bias": bias}


def _gat_forward(x, query_kernel, query_bias, key_kernel, key_bias, kernel, bias, edge_index):
    num_nodes = x.shape[0]
    # add self-loop edges (as tf_geometric gat does)
    self_loop = jnp.arange(num_nodes, dtype=edge_index.dtype)
    ei = jnp.concatenate([edge_index, jnp.stack([self_loop, self_loop], axis=0)], axis=1)
    row, col = ei[0], ei[1]

    Q = jax.nn.relu(x @ query_kernel + query_bias)  # query_activation = relu
    Q = jnp.take(Q, row, axis=0)                    # [num_edges, att_units]
    K = jax.nn.relu(x @ key_kernel + key_bias)      # key_activation = relu
    K = jnp.take(K, col, axis=0)                    # [num_edges, att_units]
    V = x @ kernel                                  # [num_nodes, units]

    # split heads along feature dim, stack head-major along edge dim
    Q_ = jnp.concatenate(jnp.split(Q, NUM_HEADS, axis=-1), axis=0)  # [num_edges*H, att_units/H]
    K_ = jnp.concatenate(jnp.split(K, NUM_HEADS, axis=-1), axis=0)
    att_score = jnp.sum(Q_ * K_, axis=-1)                            # [num_edges*H]

    num_edges = row.shape[0]
    # split_value_heads=True: split V into heads, offset node ids per head
    V_ = jnp.concatenate(jnp.split(V, NUM_HEADS, axis=-1), axis=0)   # [num_nodes*H, units/H]
    offsets = jnp.repeat(jnp.arange(NUM_HEADS, dtype=row.dtype) * num_nodes, num_edges)
    row_ = jnp.tile(row, NUM_HEADS) + offsets
    col_ = jnp.tile(col, NUM_HEADS) + offsets
    num_seg = num_nodes * NUM_HEADS

    # segment softmax over destination (row) segments
    seg_max = jax.ops.segment_max(att_score, row_, num_segments=num_seg)
    exp = jnp.exp(att_score - jnp.take(seg_max, row_, axis=0))
    denom = jax.ops.segment_sum(exp, row_, num_segments=num_seg)
    normed = exp / jnp.take(denom, row_, axis=0)

    # gcn_mapper + sum_reducer: weighted neighbor aggregation via scatter-add
    msgs = jnp.take(V_, col_, axis=0) * normed[:, None]
    h_ = jax.ops.segment_sum(msgs, row_, num_segments=num_seg)       # [num_nodes*H, units/H]

    # merge heads back: concat head blocks along feature dim
    h = jnp.concatenate(jnp.split(h_, NUM_HEADS, axis=0), axis=-1)   # [num_nodes, units]
    h = h + bias  # use_bias=True; activation=None
    return h


def reference(x, edge_index, query_kernel, query_bias, key_kernel, key_bias, kernel, bias):
    return _gat_forward(x, query_kernel, query_bias, key_kernel, key_bias, kernel, bias, edge_index)

if __name__ == "__main__":
    import jax
    _d = setup_inputs()
    print(jax.jit(kernel)(*tuple(_d.values())))

</pallas_src>

<mosaic_0001>
#map = affine_map<(d0, d1) -> (0, 0, 0)>
#map1 = affine_map<(d0, d1) -> (0, 0)>
module attributes {stable_mosaic.version = 14 : i64} {
  func.func @_edge_body(%arg0: i32, %arg1: i32, %arg2: memref<2x10240x64xf32, #tpu.memory_space<hbm>>, %arg3: memref<2x10240x64xf32, #tpu.memory_space<hbm>>, %arg4: memref<2x10240x64xf32, #tpu.memory_space<hbm>>, %arg5: memref<16x164x128xi32, #tpu.memory_space<hbm>>, %arg6: memref<16x164x128xi32, #tpu.memory_space<hbm>>, %arg7: memref<640x64xf32, #tpu.memory_space<hbm>>, %arg8: memref<640x16xf32, #tpu.memory_space<hbm>>, %arg9: memref<2x64xf32, #tpu.memory_space<hbm>>, %arg10: memref<10240x128xf32, #tpu.memory_space<hbm>>, %arg11: memref<4x128xi32, #tpu.memory_space<vmem>>, %arg12: memref<4x128xi32, #tpu.memory_space<vmem>>, %arg13: memref<2x128x64xf32, #tpu.memory_space<vmem>>, %arg14: memref<2x128x64xf32, #tpu.memory_space<vmem>>, %arg15: memref<2x128x64xf32, #tpu.memory_space<vmem>>, %arg16: memref<2x128x16xf32, #tpu.memory_space<vmem>>, %arg17: memref<64xf32, #tpu.memory_space<vmem>>, %arg18: memref<10240x64xf32, #tpu.memory_space<vmem_shared>>, %arg19: memref<10240x16xf32, #tpu.memory_space<vmem_shared>>, %arg20: memref<!tpu.dma_semaphore, #tpu.memory_space<semaphore_mem>>, %arg21: memref<!tpu.dma_semaphore, #tpu.memory_space<semaphore_mem>>, %arg22: memref<!tpu.dma_semaphore, #tpu.memory_space<semaphore_mem>>, %arg23: memref<!tpu.dma_semaphore, #tpu.memory_space<semaphore_mem>>, %arg24: memref<!tpu.dma_semaphore, #tpu.memory_space<semaphore_mem>>, %arg25: memref<!tpu.dma_semaphore, #tpu.memory_space<semaphore_mem>>, %arg26: memref<!tpu.dma_semaphore, #tpu.memory_space<semaphore_mem>>, %arg27: memref<!tpu.dma_semaphore, #tpu.memory_space<semaphore_mem>>) attributes {dimension_semantics = [#tpu.dimension_semantics<core_parallel>, #tpu.dimension_semantics<subcore_parallel>], iteration_bounds = array<i64: 2, 16>, scalar_prefetch = 0 : i64, scratch_operands = 17 : i64, tpu.core_type = #tpu.core_type<sc_vector_subcore>, window_params = [{transform_indices = #map}, {transform_indices = #map}, {transform_indices = #map}, {transform_indices = #map}, {transform_indices = #map}, {transform_indices = #map1}, {transform_indices = #map1}, {transform_indices = #map1}, {transform_indices = #map1}]} {
    %iota3A = tpu.iota {dimensions = array<i32: 0>} : vector<16xi32>
    %broadcast_in_dim3A = arith.constant 0.000000e+00 : f32
    %broadcast_in_dim3A_0 = vector.broadcast %broadcast_in_dim3A : f32 to vector<16xf32>
    %mul3A = arith.constant 640 : i32
    %mul3A_1 = arith.muli %arg1, %mul3A : i32
    "tpu.region"() ({
      %run_scoped3A = tpu.sem_alloc : memref<!tpu.dma_semaphore, #tpu.memory_space<semaphore_mem>>
      %dma_start3A_95 = arith.constant 0 : i32
      %dma_start3A_96 = tpu.memref_slice %arg18[%mul3A_1, %dma_start3A_95] : memref<10240x64xf32, #tpu.memory_space<vmem_shared>> -> memref<640x64xf32, #tpu.memory_space<vmem_shared>>
      tpu.enqueue_dma source(%arg7 : memref<640x64xf32, #tpu.memory_space<hbm>>) target(%dma_start3A_96 : memref<640x64xf32, #tpu.memory_space<vmem_shared>>) target_semaphore(%run_scoped3A : memref<!tpu.dma_semaphore, #tpu.memory_space<semaphore_mem>>)
      %dma_wait3A_97 = arith.constant 0 : i32
      %dma_wait3A_98 = tpu.memref_slice %arg18[%mul3A_1, %dma_wait3A_97] : memref<10240x64xf32, #tpu.memory_space<vmem_shared>> -> memref<640x64xf32, #tpu.memory_space<vmem_shared>>
      tpu.wait_dma2 semaphore(%run_scoped3A : memref<!tpu.dma_semaphore, #tpu.memory_space<semaphore_mem>>) src(%arg7 : memref<640x64xf32, #tpu.memory_space<hbm>>) dst(%dma_wait3A_98 : memref<640x64xf32, #tpu.memory_space<vmem_shared>>)
      tpu.yield
    }) : () -> ()
    %mul3A_2 = arith.constant 640 : i32
    %mul3A_3 = arith.muli %arg1, %mul3A_2 : i32
    "tpu.region"() ({
      %run_scoped3A = tpu.sem_alloc : memref<!tpu.dma_semaphore, #tpu.memory_space<semaphore_mem>>
      %dma_start3A_95 = arith.constant 0 : i32
      %dma_start3A_96 = tpu.memref_slice %arg19[%mul3A_3, %dma_start3A_95] : memref<10240x16xf32, #tpu.memory_space<vmem_shared>> -> memref<640x16xf32, #tpu.memory_space<vmem_shared>>
      tpu.enqueue_dma source(%arg8 : memref<640x16xf32, #tpu.memory_space<hbm>>) target(%dma_start3A_96 : memref<640x16xf32, #tpu.memory_space<vmem_shared>>) target_semaphore(%run_scoped3A : memref<!tpu.dma_semaphore, #tpu.memory_space<semaphore_mem>>)
      %dma_wait3A_97 = arith.constant 0 : i32
      %dma_wait3A_98 = tpu.memref_slice %arg19[%mul3A_3, %dma_wait3A_97] : memref<10240x16xf32, #tpu.memory_space<vmem_shared>> -> memref<640x16xf32, #tpu.memory_space<vmem_shared>>
      tpu.wait_dma2 semaphore(%run_scoped3A : memref<!tpu.dma_semaphore, #tpu.memory_space<semaphore_mem>>) src(%arg8 : memref<640x16xf32, #tpu.memory_space<hbm>>) dst(%dma_wait3A_98 : memref<640x16xf32, #tpu.memory_space<vmem_shared>>)
      tpu.yield
    }) : () -> ()
    "tpu.region"() ({
      %run_scoped3A = tpu.sem_alloc : memref<!tpu.dma_semaphore, #tpu.memory_space<semaphore_mem>>
      %dma_start3A_95 = arith.constant 0 : i32
      %dma_start3A_96 = arith.constant 0 : i32
      %dma_start3A_97 = tpu.memref_slice %arg5[%arg1, %dma_start3A_95, %dma_start3A_96] : memref<16x164x128xi32, #tpu.memory_space<hbm>> -> memref<1x4x128xi32, #tpu.memory_space<hbm>>
      %dma_start3A_98 = tpu.memref_squeeze %dma_start3A_97 : memref<1x4x128xi32, #tpu.memory_space<hbm>> -> memref<4x128xi32, #tpu.memory_space<hbm>>
      %dma_start3A_99 = arith.constant 0 : i32
      %dma_start3A_100 = arith.constant 0 : i32
      %dma_start3A_101 = tpu.memref_slice %arg5[%arg1, %dma_start3A_99, %dma_start3A_100] : memref<16x164x128xi32, #tpu.memory_space<hbm>> -> memref<1x4x128xi32, #tpu.memory_space<hbm>>
      %dma_start3A_102 = tpu.memref_squeeze %dma_start3A_101 : memref<1x4x128xi32, #tpu.memory_space<hbm>> -> memref<4x128xi32, #tpu.memory_space<hbm>>
      tpu.enqueue_dma source(%dma_start3A_102 : memref<4x128xi32, #tpu.memory_space<hbm>>) target(%arg11 : memref<4x128xi32, #tpu.memory_space<vmem>>) target_semaphore(%run_scoped3A : memref<!tpu.dma_semaphore, #tpu.memory_space<semaphore_mem>>)
      %dma_wait3A_103 = arith.constant 0 : i32
      %dma_wait3A_104 = arith.constant 0 : i32
      %dma_wait3A_105 = tpu.memref_slice %arg5[%arg1, %dma_wait3A_103, %dma_wait3A_104] : memref<16x164x128xi32, #tpu.memory_space<hbm>> -> memref<1x4x128xi32, #tpu.memory_space<hbm>>
      %dma_wait3A_106 = tpu.memref_squeeze %dma_wait3A_105 : memref<1x4x128xi32, #tpu.memory_space<hbm>> -> memref<4x128xi32, #tpu.memory_space<hbm>>
      %dma_wait3A_107 = arith.constant 0 : i32
      %dma_wait3A_108 = arith.constant 0 : i32
      %dma_wait3A_109 = tpu.memref_slice %arg5[%arg1, %dma_wait3A_107, %dma_wait3A_108] : memref<16x164x128xi32, #tpu.memory_space<hbm>> -> memref<1x4x128xi32, #tpu.memory_space<hbm>>
      %dma_wait3A_110 = tpu.memref_squeeze %dma_wait3A_109 : memref<1x4x128xi32, #tpu.memory_space<hbm>> -> memref<4x128xi32, #tpu.memory_space<hbm>>
      tpu.wait_dma2 semaphore(%run_scoped3A : memref<!tpu.dma_semaphore, #tpu.memory_space<semaphore_mem>>) src(%dma_wait3A_110 : memref<4x128xi32, #tpu.memory_space<hbm>>) dst(%arg11 : memref<4x128xi32, #tpu.memory_space<vmem>>)
      tpu.yield
    }) : () -> ()
    "tpu.region"() ({
      %run_scoped3A = tpu.sem_alloc : memref<!tpu.dma_semaphore, #tpu.memory_space<semaphore_mem>>
      %dma_start3A_95 = arith.constant 0 : i32
      %dma_start3A_96 = arith.constant 0 : i32
      %dma_start3A_97 = tpu.memref_slice %arg6[%arg1, %dma_start3A_95, %dma_start3A_96] : memref<16x164x128xi32, #tpu.memory_space<hbm>> -> memref<1x4x128xi32, #tpu.memory_space<hbm>>
      %dma_start3A_98 = tpu.memref_squeeze %dma_start3A_97 : memref<1x4x128xi32, #tpu.memory_space<hbm>> -> memref<4x128xi32, #tpu.memory_space<hbm>>
      %dma_start3A_99 = arith.constant 0 : i32
      %dma_start3A_100 = arith.constant 0 : i32
      %dma_start3A_101 = tpu.memref_slice %arg6[%arg1, %dma_start3A_99, %dma_start3A_100] : memref<16x164x128xi32, #tpu.memory_space<hbm>> -> memref<1x4x128xi32, #tpu.memory_space<hbm>>
      %dma_start3A_102 = tpu.memref_squeeze %dma_start3A_101 : memref<1x4x128xi32, #tpu.memory_space<hbm>> -> memref<4x128xi32, #tpu.memory_space<hbm>>
      tpu.enqueue_dma source(%dma_start3A_102 : memref<4x128xi32, #tpu.memory_space<hbm>>) target(%arg12 : memref<4x128xi32, #tpu.memory_space<vmem>>) target_semaphore(%run_scoped3A : memref<!tpu.dma_semaphore, #tpu.memory_space<semaphore_mem>>)
      %dma_wait3A_103 = arith.constant 0 : i32
      %dma_wait3A_104 = arith.constant 0 : i32
      %dma_wait3A_105 = tpu.memref_slice %arg6[%arg1, %dma_wait3A_103, %dma_wait3A_104] : memref<16x164x128xi32, #tpu.memory_space<hbm>> -> memref<1x4x128xi32, #tpu.memory_space<hbm>>
      %dma_wait3A_106 = tpu.memref_squeeze %dma_wait3A_105 : memref<1x4x128xi32, #tpu.memory_space<hbm>> -> memref<4x128xi32, #tpu.memory_space<hbm>>
      %dma_wait3A_107 = arith.constant 0 : i32
      %dma_wait3A_108 = arith.constant 0 : i32
      %dma_wait3A_109 = tpu.memref_slice %arg6[%arg1, %dma_wait3A_107, %dma_wait3A_108] : memref<16x164x128xi32, #tpu.memory_space<hbm>> -> memref<1x4x128xi32, #tpu.memory_space<hbm>>
      %dma_wait3A_110 = tpu.memref_squeeze %dma_wait3A_109 : memref<1x4x128xi32, #tpu.memory_space<hbm>> -> memref<4x128xi32, #tpu.memory_space<hbm>>
      tpu.wait_dma2 semaphore(%run_scoped3A : memref<!tpu.dma_semaphore, #tpu.memory_space<semaphore_mem>>) src(%dma_wait3A_110 : memref<4x128xi32, #tpu.memory_space<hbm>>) dst(%arg12 : memref<4x128xi32, #tpu.memory_space<vmem>>)
      tpu.yield
    }) : () -> ()
    %barrier3A = arith.constant 0 : index
    tpu.barrier barrier_id(%barrier3A)
    %broadcast_in_dim3A_4 = arith.constant 15 : i32
    %broadcast_in_dim3A_5 = vector.broadcast %broadcast_in_dim3A_4 : i32 to vector<16x1xi32>
    %dma_start3A = arith.constant 0 : i32
    %dma_start3A_6 = arith.constant 0 : i32
    %dma_start3A_7 = arith.constant 0 : i32
    %dma_start3A_8 = arith.constant 0 : i32
    %dma_start3A_9 = tpu.memref_slice %arg13[%dma_start3A_6, %dma_start3A_7, %dma_start3A_8] : memref<2x128x64xf32, #tpu.memory_space<vmem>> -> memref<1x128x64xf32, #tpu.memory_space<vmem>>
    %dma_start3A_10 = tpu.memref_squeeze %dma_start3A_9 : memref<1x128x64xf32, #tpu.memory_space<vmem>> -> memref<128x64xf32, #tpu.memory_space<vmem>>
    %dma_start3A_11 = arith.constant 0 : i32
    %dma_start3A_12 = tpu.memref_slice %arg11[%dma_start3A, %dma_start3A_11] : memref<4x128xi32, #tpu.memory_space<vmem>> -> memref<1x128xi32, #tpu.memory_space<vmem>>
    %dma_start3A_13 = tpu.memref_squeeze %dma_start3A_12 : memref<1x128xi32, #tpu.memory_space<vmem>> -> memref<128xi32, #tpu.memory_space<vmem>>
    %dma_start3A_14 = arith.constant 0 : i32
    %dma_start3A_15 = arith.constant 0 : i32
    %dma_start3A_16 = tpu.memref_slice %arg2[%arg0, %dma_start3A_14, %dma_start3A_15] : memref<2x10240x64xf32, #tpu.memory_space<hbm>> -> memref<1x10240x64xf32, #tpu.memory_space<hbm>>
    %dma_start3A_17 = tpu.memref_squeeze %dma_start3A_16 : memref<1x10240x64xf32, #tpu.memory_space<hbm>> -> memref<10240x64xf32, #tpu.memory_space<hbm>>
    %dma_start3A_18 = arith.constant 0 : i32
    %dma_start3A_19 = arith.constant 0 : i32
    %dma_start3A_20 = tpu.memref_slice %dma_start3A_17[%dma_start3A_18, %dma_start3A_19] : memref<10240x64xf32, #tpu.memory_space<hbm>> -> memref<10240x64xf32, #tpu.memory_space<hbm>>
    tpu.enqueue_indirect_dma source(%dma_start3A_20 : memref<10240x64xf32, #tpu.memory_space<hbm>>) target(%dma_start3A_10 : memref<128x64xf32, #tpu.memory_space<vmem>>) offsets(%dma_start3A_13 : memref<128xi32, #tpu.memory_space<vmem>>) semaphore(%arg20 : memref<!tpu.dma_semaphore, #tpu.memory_space<semaphore_mem>>)
    %dma_start3A_21 = arith.constant 0 : i32
    %dma_start3A_22 = arith.constant 0 : i32
    %dma_start3A_23 = arith.constant 0 : i32
    %dma_start3A_24 = arith.constant 0 : i32
    %dma_start3A_25 = tpu.memref_slice %arg14[%dma_start3A_22, %dma_start3A_23, %dma_start3A_24] : memref<2x128x64xf32, #tpu.memory_space<vmem>> -> memref<1x128x64xf32, #tpu.memory_space<vmem>>
    %dma_start3A_26 = tpu.memref_squeeze %dma_start3A_25 : memref<1x128x64xf32, #tpu.memory_space<vmem>> -> memref<128x64xf32, #tpu.memory_space<vmem>>
    %dma_start3A_27 = arith.constant 0 : i32
    %dma_start3A_28 = tpu.memref_slice %arg12[%dma_start3A_21, %dma_start3A_27] : memref<4x128xi32, #tpu.memory_space<vmem>> -> memref<1x128xi32, #tpu.memory_space<vmem>>
    %dma_start3A_29 = tpu.memref_squeeze %dma_start3A_28 : memref<1x128xi32, #tpu.memory_space<vmem>> -> memref<128xi32, #tpu.memory_space<vmem>>
    %dma_start3A_30 = arith.constant 0 : i32
    %dma_start3A_31 = arith.constant 0 : i32
    %dma_start3A_32 = tpu.memref_slice %arg3[%arg0, %dma_start3A_30, %dma_start3A_31] : memref<2x10240x64xf32, #tpu.memory_space<hbm>> -> memref<1x10240x64xf32, #tpu.memory_space<hbm>>
    %dma_start3A_33 = tpu.memref_squeeze %dma_start3A_32 : memref<1x10240x64xf32, #tpu.memory_space<hbm>> -> memref<10240x64xf32, #tpu.memory_space<hbm>>
    %dma_start3A_34 = arith.constant 0 : i32
    %dma_start3A_35 = arith.constant 0 : i32
    %dma_start3A_36 = tpu.memref_slice %dma_start3A_33[%dma_start3A_34, %dma_start3A_35] : memref<10240x64xf32, #tpu.memory_space<hbm>> -> memref<10240x64xf32, #tpu.memory_space<hbm>>
    tpu.enqueue_indirect_dma source(%dma_start3A_36 : memref<10240x64xf32, #tpu.memory_space<hbm>>) target(%dma_start3A_26 : memref<128x64xf32, #tpu.memory_space<vmem>>) offsets(%dma_start3A_29 : memref<128xi32, #tpu.memory_space<vmem>>) semaphore(%arg20 : memref<!tpu.dma_semaphore, #tpu.memory_space<semaphore_mem>>)
    %dma_start3A_37 = arith.constant 0 : i32
    %dma_start3A_38 = arith.constant 0 : i32
    %dma_start3A_39 = arith.constant 0 : i32
    %dma_start3A_40 = arith.constant 0 : i32
    %dma_start3A_41 = tpu.memref_slice %arg15[%dma_start3A_38, %dma_start3A_39, %dma_start3A_40] : memref<2x128x64xf32, #tpu.memory_space<vmem>> -> memref<1x128x64xf32, #tpu.memory_space<vmem>>
    %dma_start3A_42 = tpu.memref_squeeze %dma_start3A_41 : memref<1x128x64xf32, #tpu.memory_space<vmem>> -> memref<128x64xf32, #tpu.memory_space<vmem>>
    %dma_start3A_43 = arith.constant 0 : i32
    %dma_start3A_44 = tpu.memref_slice %arg12[%dma_start3A_37, %dma_start3A_43] : memref<4x128xi32, #tpu.memory_space<vmem>> -> memref<1x128xi32, #tpu.memory_space<vmem>>
    %dma_start3A_45 = tpu.memref_squeeze %dma_start3A_44 : memref<1x128xi32, #tpu.memory_space<vmem>> -> memref<128xi32, #tpu.memory_space<vmem>>
    %dma_start3A_46 = arith.constant 0 : i32
    %dma_start3A_47 = arith.constant 0 : i32
    %dma_start3A_48 = tpu.memref_slice %arg4[%arg0, %dma_start3A_46, %dma_start3A_47] : memref<2x10240x64xf32, #tpu.memory_space<hbm>> -> memref<1x10240x64xf32, #tpu.memory_space<hbm>>
    %dma_start3A_49 = tpu.memref_squeeze %dma_start3A_48 : memref<1x10240x64xf32, #tpu.memory_space<hbm>> -> memref<10240x64xf32, #tpu.memory_space<hbm>>
    %dma_start3A_50 = arith.constant 0 : i32
    %dma_start3A_51 = arith.constant 0 : i32
    %dma_start3A_52 = tpu.memref_slice %dma_start3A_49[%dma_start3A_50, %dma_start3A_51] : memref<10240x64xf32, #tpu.memory_space<hbm>> -> memref<10240x64xf32, #tpu.memory_space<hbm>>
    tpu.enqueue_indirect_dma source(%dma_start3A_52 : memref<10240x64xf32, #tpu.memory_space<hbm>>) target(%dma_start3A_42 : memref<128x64xf32, #tpu.memory_space<vmem>>) offsets(%dma_start3A_45 : memref<128xi32, #tpu.memory_space<vmem>>) semaphore(%arg20 : memref<!tpu.dma_semaphore, #tpu.memory_space<semaphore_mem>>)
    %scan3A = arith.constant 0 : i32
    %scan3A_53 = arith.constant 0 : i32
    %scan3A_54 = arith.constant 41 : i32
    %scan3A_55 = arith.addi %scan3A_53, %scan3A_54 : i32
    %scan3A_56 = arith.constant 1 : i32
    scf.for %scan3A_95 = %scan3A_53 to %scan3A_55 step %scan3A_56  : i32 {
      %mul3A_96 = arith.constant 4 : i32
      %mul3A_97 = arith.muli %mul3A_96, %scan3A_95 : i32
      %add3A = arith.constant 0 : i32
      %add3A_98 = arith.addi %mul3A_97, %add3A : i32
      %dma_wait3A_99 = arith.constant 0 : i32
      %dma_wait3A_100 = arith.constant 0 : i32
      %dma_wait3A_101 = arith.constant 0 : i32
      %dma_wait3A_102 = arith.constant 0 : i32
      %dma_wait3A_103 = tpu.memref_slice %arg13[%dma_wait3A_100, %dma_wait3A_101, %dma_wait3A_102] : memref<2x128x64xf32, #tpu.memory_space<vmem>> -> memref<1x128x64xf32, #tpu.memory_space<vmem>>
      %dma_wait3A_104 = tpu.memref_squeeze %dma_wait3A_103 : memref<1x128x64xf32, #tpu.memory_space<vmem>> -> memref<128x64xf32, #tpu.memory_space<vmem>>
      %dma_wait3A_105 = arith.constant 0 : i32
      %dma_wait3A_106 = tpu.memref_slice %arg11[%dma_wait3A_99, %dma_wait3A_105] : memref<4x128xi32, #tpu.memory_space<vmem>> -> memref<1x128xi32, #tpu.memory_space<vmem>>
      %dma_wait3A_107 = tpu.memref_squeeze %dma_wait3A_106 : memref<1x128xi32, #tpu.memory_space<vmem>> -> memref<128xi32, #tpu.memory_space<vmem>>
      %dma_wait3A_108 = arith.constant 0 : i32
      %dma_wait3A_109 = arith.constant 0 : i32
      %dma_wait3A_110 = tpu.memref_slice %arg2[%arg0, %dma_wait3A_108, %dma_wait3A_109] : memref<2x10240x64xf32, #tpu.memory_space<hbm>> -> memref<1x10240x64xf32, #tpu.memory_space<hbm>>
      %dma_wait3A_111 = tpu.memref_squeeze %dma_wait3A_110 : memref<1x10240x64xf32, #tpu.memory_space<hbm>> -> memref<10240x64xf32, #tpu.memory_space<hbm>>
      %dma_wait3A_112 = arith.constant 0 : i32
      %dma_wait3A_113 = arith.constant 0 : i32
      %dma_wait3A_114 = tpu.memref_slice %dma_wait3A_111[%dma_wait3A_112, %dma_wait3A_113] : memref<10240x64xf32, #tpu.memory_space<hbm>> -> memref<10240x64xf32, #tpu.memory_space<hbm>>
      tpu.wait_indirect_dma semaphore(%arg20 : memref<!tpu.dma_semaphore, #tpu.memory_space<semaphore_mem>>) src(%dma_wait3A_114 : memref<10240x64xf32, #tpu.memory_space<hbm>>) dst(%dma_wait3A_104 : memref<128x64xf32, #tpu.memory_space<vmem>>)
      %dma_wait3A_115 = arith.constant 0 : i32
      %dma_wait3A_116 = arith.constant 0 : i32
      %dma_wait3A_117 = arith.constant 0 : i32
      %dma_wait3A_118 = arith.constant 0 : i32
      %dma_wait3A_119 = tpu.memref_slice %arg14[%dma_wait3A_116, %dma_wait3A_117, %dma_wait3A_118] : memref<2x128x64xf32, #tpu.memory_space<vmem>> -> memref<1x128x64xf32, #tpu.memory_space<vmem>>
      %dma_wait3A_120 = tpu.memref_squeeze %dma_wait3A_119 : memref<1x128x64xf32, #tpu.memory_space<vmem>> -> memref<128x64xf32, #tpu.memory_space<vmem>>
      %dma_wait3A_121 = arith.constant 0 : i32
      %dma_wait3A_122 = tpu.memref_slice %arg12[%dma_wait3A_115, %dma_wait3A_121] : memref<4x128xi32, #tpu.memory_space<vmem>> -> memref<1x128xi32, #tpu.memory_space<vmem>>
      %dma_wait3A_123 = tpu.memref_squeeze %dma_wait3A_122 : memref<1x128xi32, #tpu.memory_space<vmem>> -> memref<128xi32, #tpu.memory_space<vmem>>
      %dma_wait3A_124 = arith.constant 0 : i32
      %dma_wait3A_125 = arith.constant 0 : i32
      %dma_wait3A_126 = tpu.memref_slice %arg3[%arg0, %dma_wait3A_124, %dma_wait3A_125] : memref<2x10240x64xf32, #tpu.memory_space<hbm>> -> memref<1x10240x64xf32, #tpu.memory_space<hbm>>
      %dma_wait3A_127 = tpu.memref_squeeze %dma_wait3A_126 : memref<1x10240x64xf32, #tpu.memory_space<hbm>> -> memref<10240x64xf32, #tpu.memory_space<hbm>>
      %dma_wait3A_128 = arith.constant 0 : i32
      %dma_wait3A_129 = arith.constant 0 : i32
      %dma_wait3A_130 = tpu.memref_slice %dma_wait3A_127[%dma_wait3A_128, %dma_wait3A_129] : memref<10240x64xf32, #tpu.memory_space<hbm>> -> memref<10240x64xf32, #tpu.memory_space<hbm>>
      tpu.wait_indirect_dma semaphore(%arg20 : memref<!tpu.dma_semaphore, #tpu.memory_space<semaphore_mem>>) src(%dma_wait3A_130 : memref<10240x64xf32, #tpu.memory_space<hbm>>) dst(%dma_wait3A_120 : memref<128x64xf32, #tpu.memory_space<vmem>>)
      %dma_wait3A_131 = arith.constant 0 : i32
      %dma_wait3A_132 = arith.constant 0 : i32
      %dma_wait3A_133 = arith.constant 0 : i32
      %dma_wait3A_134 = arith.constant 0 : i32
      %dma_wait3A_135 = tpu.memref_slice %arg15[%dma_wait3A_132, %dma_wait3A_133, %dma_wait3A_134] : memref<2x128x64xf32, #tpu.memory_space<vmem>> -> memref<1x128x64xf32, #tpu.memory_space<vmem>>
      %dma_wait3A_136 = tpu.memref_squeeze %dma_wait3A_135 : memref<1x128x64xf32, #tpu.memory_space<vmem>> -> memref<128x64xf32, #tpu.memory_space<vmem>>
      %dma_wait3A_137 = arith.constant 0 : i32
      %dma_wait3A_138 = tpu.memref_slice %arg12[%dma_wait3A_131, %dma_wait3A_137] : memref<4x128xi32, #tpu.memory_space<vmem>> -> memref<1x128xi32, #tpu.memory_space<vmem>>
      %dma_wait3A_139 = tpu.memref_squeeze %dma_wait3A_138 : memref<1x128xi32, #tpu.memory_space<vmem>> -> memref<128xi32, #tpu.memory_space<vmem>>
      %dma_wait3A_140 = arith.constant 0 : i32
      %dma_wait3A_141 = arith.constant 0 : i32
      %dma_wait3A_142 = tpu.memref_slice %arg4[%arg0, %dma_wait3A_140, %dma_wait3A_141] : memref<2x10240x64xf32, #tpu.memory_space<hbm>> -> memref<1x10240x64xf32, #tpu.memory_space<hbm>>
      %dma_wait3A_143 = tpu.memref_squeeze %dma_wait3A_142 : memref<1x10240x64xf32, #tpu.memory_space<hbm>> -> memref<10240x64xf32, #tpu.memory_space<hbm>>
      %dma_wait3A_144 = arith.constant 0 : i32
      %dma_wait3A_145 = arith.constant 0 : i32
      %dma_wait3A_146 = tpu.memref_slice %dma_wait3A_143[%dma_wait3A_144, %dma_wait3A_145] : memref<10240x64xf32, #tpu.memory_space<hbm>> -> memref<10240x64xf32, #tpu.memory_space<hbm>>
      tpu.wait_indirect_dma semaphore(%arg20 : memref<!tpu.dma_semaphore, #tpu.memory_space<semaphore_mem>>) src(%dma_wait3A_146 : memref<10240x64xf32, #tpu.memory_space<hbm>>) dst(%dma_wait3A_136 : memref<128x64xf32, #tpu.memory_space<vmem>>)
      %ge3A = arith.constant 1 : i32
      %ge3A_147 = arith.cmpi sge, %add3A_98, %ge3A : i32
      %convert_element_type3A = arith.extui %ge3A_147 : i1 to i32
      %cond3A = arith.constant 0 : i32
      %cond3A_148 = arith.cmpi ne, %convert_element_type3A, %cond3A : i32
      scf.if %cond3A_148 {
        %dma_wait3A_554 = arith.constant 1 : i32
        %dma_wait3A_555 = arith.constant 3 : i32
        %dma_wait3A_556 = arith.constant 0 : i32
        %dma_wait3A_557 = arith.constant 0 : i32
        %dma_wait3A_558 = tpu.memref_slice %arg16[%dma_wait3A_554, %dma_wait3A_556, %dma_wait3A_557] : memref<2x128x16xf32, #tpu.memory_space<vmem>> -> memref<1x128x16xf32, #tpu.memory_space<vmem>>
        %dma_wait3A_559 = tpu.memref_squeeze %dma_wait3A_558 : memref<1x128x16xf32, #tpu.memory_space<vmem>> -> memref<128x16xf32, #tpu.memory_space<vmem>>
        %dma_wait3A_560 = arith.constant 0 : i32
        %dma_wait3A_561 = tpu.memref_slice %arg11[%dma_wait3A_555, %dma_wait3A_560] : memref<4x128xi32, #tpu.memory_space<vmem>> -> memref<1x128xi32, #tpu.memory_space<vmem>>
        %dma_wait3A_562 = tpu.memref_squeeze %dma_wait3A_561 : memref<1x128xi32, #tpu.memory_space<vmem>> -> memref<128xi32, #tpu.memory_space<vmem>>
        %dma_wait3A_563 = arith.constant 0 : i32
        %dma_wait3A_564 = arith.constant 0 : i32
        %dma_wait3A_565 = tpu.memref_slice %arg19[%dma_wait3A_563, %dma_wait3A_564] : memref<10240x16xf32, #tpu.memory_space<vmem_shared>> -> memref<10240x16xf32, #tpu.memory_space<vmem_shared>>
        tpu.wait_indirect_dma semaphore(%arg27 : memref<!tpu.dma_semaphore, #tpu.memory_space<semaphore_mem>>) src(%dma_wait3A_559 : memref<128x16xf32, #tpu.memory_space<vmem>>) dst(%dma_wait3A_565 : memref<10240x16xf32, #tpu.memory_space<vmem_shared>>)
        %dma_wait3A_566 = arith.constant 1 : i32
        %dma_wait3A_567 = arith.constant 3 : i32
        %dma_wait3A_568 = arith.constant 0 : i32
        %dma_wait3A_569 = arith.constant 0 : i32
        %dma_wait3A_570 = tpu.memref_slice %arg15[%dma_wait3A_566, %dma_wait3A_568, %dma_wait3A_569] : memref<2x128x64xf32, #tpu.memory_space<vmem>> -> memref<1x128x64xf32, #tpu.memory_space<vmem>>
        %dma_wait3A_571 = tpu.memref_squeeze %dma_wait3A_570 : memref<1x128x64xf32, #tpu.memory_space<vmem>> -> memref<128x64xf32, #tpu.memory_space<vmem>>
        %dma_wait3A_572 = arith.constant 0 : i32
        %dma_wait3A_573 = tpu.memref_slice %arg11[%dma_wait3A_567, %dma_wait3A_572] : memref<4x128xi32, #tpu.memory_space<vmem>> -> memref<1x128xi32, #tpu.memory_space<vmem>>
        %dma_wait3A_574 = tpu.memref_squeeze %dma_wait3A_573 : memref<1x128xi32, #tpu.memory_space<vmem>> -> memref<128xi32, #tpu.memory_space<vmem>>
        %dma_wait3A_575 = arith.constant 0 : i32
        %dma_wait3A_576 = arith.constant 0 : i32
        %dma_wait3A_577 = tpu.memref_slice %arg18[%dma_wait3A_575, %dma_wait3A_576] : memref<10240x64xf32, #tpu.memory_space<vmem_shared>> -> memref<10240x64xf32, #tpu.memory_space<vmem_shared>>
        tpu.wait_indirect_dma semaphore(%arg27 : memref<!tpu.dma_semaphore, #tpu.memory_space<semaphore_mem>>) src(%dma_wait3A_571 : memref<128x64xf32, #tpu.memory_space<vmem>>) dst(%dma_wait3A_577 : memref<10240x64xf32, #tpu.memory_space<vmem_shared>>)
      } else {
      }
      %ge3A_149 = arith.constant 1 : i32
      %ge3A_150 = arith.cmpi sge, %add3A_98, %ge3A_149 : i32
      %add3A_151 = arith.constant 3 : i32
      %add3A_152 = arith.addi %add3A_98, %add3A_151 : i32
      %lt3A = arith.constant 164 : i32
      %lt3A_153 = arith.cmpi slt, %add3A_152, %lt3A : i32
      %and3A = arith.andi %ge3A_150, %lt3A_153 : i1
      %convert_element_type3A_154 = arith.extui %and3A : i1 to i32
      %cond3A_155 = arith.constant 0 : i32
      %cond3A_156 = arith.cmpi ne, %convert_element_type3A_154, %cond3A_155 : i32
      scf.if %cond3A_156 {
        %add3A_554 = arith.constant 3 : i32
        %add3A_555 = arith.addi %add3A_98, %add3A_554 : i32
        %dma_start3A_556 = arith.constant 3 : i32
        %dma_start3A_557 = arith.constant 0 : i32
        %dma_start3A_558 = tpu.memref_slice %arg11[%dma_start3A_556, %dma_start3A_557] : memref<4x128xi32, #tpu.memory_space<vmem>> -> memref<1x128xi32, #tpu.memory_space<vmem>>
        %dma_start3A_559 = tpu.memref_squeeze %dma_start3A_558 : memref<1x128xi32, #tpu.memory_space<vmem>> -> memref<128xi32, #tpu.memory_space<vmem>>
        %dma_start3A_560 = arith.constant 0 : i32
        %dma_start3A_561 = tpu.memref_slice %arg5[%arg1, %add3A_555, %dma_start3A_560] : memref<16x164x128xi32, #tpu.memory_space<hbm>> -> memref<1x1x128xi32, #tpu.memory_space<hbm>>
        %dma_start3A_562 = tpu.memref_squeeze %dma_start3A_561 : memref<1x1x128xi32, #tpu.memory_space<hbm>> -> memref<128xi32, #tpu.memory_space<hbm>>
        %dma_start3A_563 = arith.constant 0 : i32
        %dma_start3A_564 = tpu.memref_slice %arg11[%dma_start3A_556, %dma_start3A_563] : memref<4x128xi32, #tpu.memory_space<vmem>> -> memref<1x128xi32, #tpu.memory_space<vmem>>
        %dma_start3A_565 = tpu.memref_squeeze %dma_start3A_564 : memref<1x128xi32, #tpu.memory_space<vmem>> -> memref<128xi32, #tpu.memory_space<vmem>>
        %dma_start3A_566 = arith.constant 0 : i32
        %dma_start3A_567 = tpu.memref_slice %arg5[%arg1, %add3A_555, %dma_start3A_566] : memref<16x164x128xi32, #tpu.memory_space<hbm>> -> memref<1x1x128xi32, #tpu.memory_space<hbm>>
        %dma_start3A_568 = tpu.memref_squeeze %dma_start3A_567 : memref<1x1x128xi32, #tpu.memory_space<hbm>> -> memref<128xi32, #tpu.memory_space<hbm>>
        tpu.enqueue_dma source(%dma_start3A_568 : memref<128xi32, #tpu.memory_space<hbm>>) target(%dma_start3A_565 : memref<128xi32, #tpu.memory_space<vmem>>) target_semaphore(%arg25 : memref<!tpu.dma_semaphore, #tpu.memory_space<semaphore_mem>>)
        %add3A_569 = arith.constant 3 : i32
        %add3A_570 = arith.addi %add3A_98, %add3A_569 : i32
        %dma_start3A_571 = arith.constant 3 : i32
        %dma_start3A_572 = arith.constant 0 : i32
        %dma_start3A_573 = tpu.memref_slice %arg12[%dma_start3A_571, %dma_start3A_572] : memref<4x128xi32, #tpu.memory_space<vmem>> -> memref<1x128xi32, #tpu.memory_space<vmem>>
        %dma_start3A_574 = tpu.memref_squeeze %dma_start3A_573 : memref<1x128xi32, #tpu.memory_space<vmem>> -> memref<128xi32, #tpu.memory_space<vmem>>
        %dma_start3A_575 = arith.constant 0 : i32
        %dma_start3A_576 = tpu.memref_slice %arg6[%arg1, %add3A_570, %dma_start3A_575] : memref<16x164x128xi32, #tpu.memory_space<hbm>> -> memref<1x1x128xi32, #tpu.memory_space<hbm>>
        %dma_start3A_577 = tpu.memref_squeeze %dma_start3A_576 : memref<1x1x128xi32, #tpu.memory_space<hbm>> -> memref<128xi32, #tpu.memory_space<hbm>>
        %dma_start3A_578 = arith.constant 0 : i32
        %dma_start3A_579 = tpu.memref_slice %arg12[%dma_start3A_571, %dma_start3A_578] : memref<4x128xi32, #tpu.memory_space<vmem>> -> memref<1x128xi32, #tpu.memory_space<vmem>>
        %dma_start3A_580 = tpu.memref_squeeze %dma_start3A_579 : memref<1x128xi32, #tpu.memory_space<vmem>> -> memref<128xi32, #tpu.memory_space<vmem>>
        %dma_start3A_581 = arith.constant 0 : i32
        %dma_start3A_582 = tpu.memref_slice %arg6[%arg1, %add3A_570, %dma_start3A_581] : memref<16x164x128xi32, #tpu.memory_space<hbm>> -> memref<1x1x128xi32, #tpu.memory_space<hbm>>
        %dma_start3A_583 = tpu.memref_squeeze %dma_start3A_582 : memref<1x1x128xi32, #tpu.memory_space<hbm>> -> memref<128xi32, #tpu.memory_space<hbm>>
        tpu.enqueue_dma source(%dma_start3A_583 : memref<128xi32, #tpu.memory_space<hbm>>) target(%dma_start3A_580 : memref<128xi32, #tpu.memory_space<vmem>>) target_semaphore(%arg25 : memref<!tpu.dma_semaphore, #tpu.memory_space<semaphore_mem>>)
      } else {
      }
      %add3A_157 = arith.constant 1 : i32
      %add3A_158 = arith.addi %add3A_98, %add3A_157 : i32
      %ge3A_159 = arith.constant 4 : i32
      %ge3A_160 = arith.cmpi sge, %add3A_158, %ge3A_159 : i32
      %lt3A_161 = arith.constant 164 : i32
      %lt3A_162 = arith.cmpi slt, %add3A_158, %lt3A_161 : i32
      %and3A_163 = arith.andi %ge3A_160, %lt3A_162 : i1
      %convert_element_type3A_164 = arith.extui %and3A_163 : i1 to i32
      %cond3A_165 = arith.constant 0 : i32
      %cond3A_166 = arith.cmpi ne, %convert_element_type3A_164, %cond3A_165 : i32
      scf.if %cond3A_166 {
        %dma_wait3A_554 = arith.constant 1 : i32
        %dma_wait3A_555 = arith.constant 0 : i32
        %dma_wait3A_556 = tpu.memref_slice %arg11[%dma_wait3A_554, %dma_wait3A_555] : memref<4x128xi32, #tpu.memory_space<vmem>> -> memref<1x128xi32, #tpu.memory_space<vmem>>
        %dma_wait3A_557 = tpu.memref_squeeze %dma_wait3A_556 : memref<1x128xi32, #tpu.memory_space<vmem>> -> memref<128xi32, #tpu.memory_space<vmem>>
        %dma_wait3A_558 = arith.constant 0 : i32
        %dma_wait3A_559 = tpu.memref_slice %arg5[%arg1, %add3A_158, %dma_wait3A_558] : memref<16x164x128xi32, #tpu.memory_space<hbm>> -> memref<1x1x128xi32, #tpu.memory_space<hbm>>
        %dma_wait3A_560 = tpu.memref_squeeze %dma_wait3A_559 : memref<1x1x128xi32, #tpu.memory_space<hbm>> -> memref<128xi32, #tpu.memory_space<hbm>>
        %dma_wait3A_561 = arith.constant 0 : i32
        %dma_wait3A_562 = tpu.memref_slice %arg11[%dma_wait3A_554, %dma_wait3A_561] : memref<4x128xi32, #tpu.memory_space<vmem>> -> memref<1x128xi32, #tpu.memory_space<vmem>>
        %dma_wait3A_563 = tpu.memref_squeeze %dma_wait3A_562 : memref<1x128xi32, #tpu.memory_space<vmem>> -> memref<128xi32, #tpu.memory_space<vmem>>
        %dma_wait3A_564 = arith.constant 0 : i32
        %dma_wait3A_565 = tpu.memref_slice %arg5[%arg1, %add3A_158, %dma_wait3A_564] : memref<16x164x128xi32, #tpu.memory_space<hbm>> -> memref<1x1x128xi32, #tpu.memory_space<hbm>>
        %dma_wait3A_566 = tpu.memref_squeeze %dma_wait3A_565 : memref<1x1x128xi32, #tpu.memory_space<hbm>> -> memref<128xi32, #tpu.memory_space<hbm>>
        tpu.wait_dma2 semaphore(%arg23 : memref<!tpu.dma_semaphore, #tpu.memory_space<semaphore_mem>>) src(%dma_wait3A_566 : memref<128xi32, #tpu.memory_space<hbm>>) dst(%dma_wait3A_563 : memref<128xi32, #tpu.memory_space<vmem>>)
        %dma_wait3A_567 = arith.constant 1 : i32
        %dma_wait3A_568 = arith.constant 0 : i32
        %dma_wait3A_569 = tpu.memref_slice %arg12[%dma_wait3A_567, %dma_wait3A_568] : memref<4x128xi32, #tpu.memory_space<vmem>> -> memref<1x128xi32, #tpu.memory_space<vmem>>
        %dma_wait3A_570 = tpu.memref_squeeze %dma_wait3A_569 : memref<1x128xi32, #tpu.memory_space<vmem>> -> memref<128xi32, #tpu.memory_space<vmem>>
        %dma_wait3A_571 = arith.constant 0 : i32
        %dma_wait3A_572 = tpu.memref_slice %arg6[%arg1, %add3A_158, %dma_wait3A_571] : memref<16x164x128xi32, #tpu.memory_space<hbm>> -> memref<1x1x128xi32, #tpu.memory_space<hbm>>
        %dma_wait3A_573 = tpu.memref_squeeze %dma_wait3A_572 : memref<1x1x128xi32, #tpu.memory_space<hbm>> -> memref<128xi32, #tpu.memory_space<hbm>>
        %dma_wait3A_574 = arith.constant 0 : i32
        %dma_wait3A_575 = tpu.memref_slice %arg12[%dma_wait3A_567, %dma_wait3A_574] : memref<4x128xi32, #tpu.memory_space<vmem>> -> memref<1x128xi32, #tpu.memory_space<vmem>>
        %dma_wait3A_576 = tpu.memref_squeeze %dma_wait3A_575 : memref<1x128xi32, #tpu.memory_space<vmem>> -> memref<128xi32, #tpu.memory_space<vmem>>
        %dma_wait3A_577 = arith.constant 0 : i32
        %dma_wait3A_578 = tpu.memref_slice %arg6[%arg1, %add3A_158, %dma_wait3A_577] : memref<16x164x128xi32, #tpu.memory_space<hbm>> -> memref<1x1x128xi32, #tpu.memory_space<hbm>>
        %dma_wait3A_579 = tpu.memref_squeeze %dma_wait3A_578 : memref<1x1x128xi32, #tpu.memory_space<hbm>> -> memref<128xi32, #tpu.memory_space<hbm>>
        tpu.wait_dma2 semaphore(%arg23 : memref<!tpu.dma_semaphore, #tpu.memory_space<semaphore_mem>>) src(%dma_wait3A_579 : memref<128xi32, #tpu.memory_space<hbm>>) dst(%dma_wait3A_576 : memref<128xi32, #tpu.memory_space<vmem>>)
      } else {
      }
      %lt3A_167 = arith.constant 164 : i32
      %lt3A_168 = arith.cmpi slt, %add3A_158, %lt3A_167 : i32
      %convert_element_type3A_169 = arith.extui %lt3A_168 : i1 to i32
      %cond3A_170 = arith.constant 0 : i32
      %cond3A_171 = arith.cmpi ne, %convert_element_type3A_169, %cond3A_170 : i32
      scf.if %cond3A_171 {
        %dma_start3A_554 = arith.constant 1 : i32
        %dma_start3A_555 = arith.constant 1 : i32
        %dma_start3A_556 = arith.constant 0 : i32
        %dma_start3A_557 = arith.constant 0 : i32
        %dma_start3A_558 = tpu.memref_slice %arg13[%dma_start3A_555, %dma_start3A_556, %dma_start3A_557] : memref<2x128x64xf32, #tpu.memory_space<vmem>> -> memref<1x128x64xf32, #tpu.memory_space<vmem>>
        %dma_start3A_559 = tpu.memref_squeeze %dma_start3A_558 : memref<1x128x64xf32, #tpu.memory_space<vmem>> -> memref<128x64xf32, #tpu.memory_space<vmem>>
        %dma_start3A_560 = arith.constant 0 : i32
        %dma_start3A_561 = tpu.memref_slice %arg11[%dma_start3A_554, %dma_start3A_560] : memref<4x128xi32, #tpu.memory_space<vmem>> -> memref<1x128xi32, #tpu.memory_space<vmem>>
        %dma_start3A_562 = tpu.memref_squeeze %dma_start3A_561 : memref<1x128xi32, #tpu.memory_space<vmem>> -> memref<128xi32, #tpu.memory_space<vmem>>
        %dma_start3A_563 = arith.constant 0 : i32
        %dma_start3A_564 = arith.constant 0 : i32
        %dma_start3A_565 = tpu.memref_slice %arg2[%arg0, %dma_start3A_563, %dma_start3A_564] : memref<2x10240x64xf32, #tpu.memory_space<hbm>> -> memref<1x10240x64xf32, #tpu.memory_space<hbm>>
        %dma_start3A_566 = tpu.memref_squeeze %dma_start3A_565 : memref<1x10240x64xf32, #tpu.memory_space<hbm>> -> memref<10240x64xf32, #tpu.memory_space<hbm>>
        %dma_start3A_567 = arith.constant 0 : i32
        %dma_start3A_568 = arith.constant 0 : i32
        %dma_start3A_569 = tpu.memref_slice %dma_start3A_566[%dma_start3A_567, %dma_start3A_568] : memref<10240x64xf32, #tpu.memory_space<hbm>> -> memref<10240x64xf32, #tpu.memory_space<hbm>>
        tpu.enqueue_indirect_dma source(%dma_start3A_569 : memref<10240x64xf32, #tpu.memory_space<hbm>>) target(%dma_start3A_559 : memref<128x64xf32, #tpu.memory_space<vmem>>) offsets(%dma_start3A_562 : memref<128xi32, #tpu.memory_space<vmem>>) semaphore(%arg21 : memref<!tpu.dma_semaphore, #tpu.memory_space<semaphore_mem>>)
        %dma_start3A_570 = arith.constant 1 : i32
        %dma_start3A_571 = arith.constant 1 : i32
        %dma_start3A_572 = arith.constant 0 : i32
        %dma_start3A_573 = arith.constant 0 : i32
        %dma_start3A_574 = tpu.memref_slice %arg14[%dma_start3A_571, %dma_start3A_572, %dma_start3A_573] : memref<2x128x64xf32, #tpu.memory_space<vmem>> -> memref<1x128x64xf32, #tpu.memory_space<vmem>>
        %dma_start3A_575 = tpu.memref_squeeze %dma_start3A_574 : memref<1x128x64xf32, #tpu.memory_space<vmem>> -> memref<128x64xf32, #tpu.memory_space<vmem>>
        %dma_start3A_576 = arith.constant 0 : i32
        %dma_start3A_577 = tpu.memref_slice %arg12[%dma_start3A_570, %dma_start3A_576] : memref<4x128xi32, #tpu.memory_space<vmem>> -> memref<1x128xi32, #tpu.memory_space<vmem>>
        %dma_start3A_578 = tpu.memref_squeeze %dma_start3A_577 : memref<1x128xi32, #tpu.memory_space<vmem>> -> memref<128xi32, #tpu.memory_space<vmem>>
        %dma_start3A_579 = arith.constant 0 : i32
        %dma_start3A_580 = arith.constant 0 : i32
        %dma_start3A_581 = tpu.memref_slice %arg3[%arg0, %dma_start3A_579, %dma_start3A_580] : memref<2x10240x64xf32, #tpu.memory_space<hbm>> -> memref<1x10240x64xf32, #tpu.memory_space<hbm>>
        %dma_start3A_582 = tpu.memref_squeeze %dma_start3A_581 : memref<1x10240x64xf32, #tpu.memory_space<hbm>> -> memref<10240x64xf32, #tpu.memory_space<hbm>>
        %dma_start3A_583 = arith.constant 0 : i32
        %dma_start3A_584 = arith.constant 0 : i32
        %dma_start3A_585 = tpu.memref_slice %dma_start3A_582[%dma_start3A_583, %dma_start3A_584] : memref<10240x64xf32, #tpu.memory_space<hbm>> -> memref<10240x64xf32, #tpu.memory_space<hbm>>
        tpu.enqueue_indirect_dma source(%dma_start3A_585 : memref<10240x64xf32, #tpu.memory_space<hbm>>) target(%dma_start3A_575 : memref<128x64xf32, #tpu.memory_space<vmem>>) offsets(%dma_start3A_578 : memref<128xi32, #tpu.memory_space<vmem>>) semaphore(%arg21 : memref<!tpu.dma_semaphore, #tpu.memory_space<semaphore_mem>>)
        %dma_start3A_586 = arith.constant 1 : i32
        %dma_start3A_587 = arith.constant 1 : i32
        %dma_start3A_588 = arith.constant 0 : i32
        %dma_start3A_589 = arith.constant 0 : i32
        %dma_start3A_590 = tpu.memref_slice %arg15[%dma_start3A_587, %dma_start3A_588, %dma_start3A_589] : memref<2x128x64xf32, #tpu.memory_space<vmem>> -> memref<1x128x64xf32, #tpu.memory_space<vmem>>
        %dma_start3A_591 = tpu.memref_squeeze %dma_start3A_590 : memref<1x128x64xf32, #tpu.memory_space<vmem>> -> memref<128x64xf32, #tpu.memory_space<vmem>>
        %dma_start3A_592 = arith.constant 0 : i32
        %dma_start3A_593 = tpu.memref_slice %arg12[%dma_start3A_586, %dma_start3A_592] : memref<4x128xi32, #tpu.memory_space<vmem>> -> memref<1x128xi32, #tpu.memory_space<vmem>>
        %dma_start3A_594 = tpu.memref_squeeze %dma_start3A_593 : memref<1x128xi32, #tpu.memory_space<vmem>> -> memref<128xi32, #tpu.memory_space<vmem>>
        %dma_start3A_595 = arith.constant 0 : i32
        %dma_start3A_596 = arith.constant 0 : i32
        %dma_start3A_597 = tpu.memref_slice %arg4[%arg0, %dma_start3A_595, %dma_start3A_596] : memref<2x10240x64xf32, #tpu.memory_space<hbm>> -> memref<1x10240x64xf32, #tpu.memory_space<hbm>>
        %dma_start3A_598 = tpu.memref_squeeze %dma_start3A_597 : memref<1x10240x64xf32, #tpu.memory_space<hbm>> -> memref<10240x64xf32, #tpu.memory_space<hbm>>
        %dma_start3A_599 = arith.constant 0 : i32
        %dma_start3A_600 = arith.constant 0 : i32
        %dma_start3A_601 = tpu.memref_slice %dma_start3A_598[%dma_start3A_599, %dma_start3A_600] : memref<10240x64xf32, #tpu.memory_space<hbm>> -> memref<10240x64xf32, #tpu.memory_space<hbm>>
        tpu.enqueue_indirect_dma source(%dma_start3A_601 : memref<10240x64xf32, #tpu.memory_space<hbm>>) target(%dma_start3A_591 : memref<128x64xf32, #tpu.memory_space<vmem>>) offsets(%dma_start3A_594 : memref<128xi32, #tpu.memory_space<vmem>>) semaphore(%arg21 : memref<!tpu.dma_semaphore, #tpu.memory_space<semaphore_mem>>)
      } else {
      }
      %scan3A_172 = arith.constant 0 : i32
      %scan3A_173 = arith.constant 0 : i32
      %scan3A_174 = arith.constant 0 : i32
      %scan3A_175 = arith.constant 0 : i32
      %scan3A_176 = arith.constant 0 : i32
      %scan3A_177 = arith.constant 0 : i32
      %scan3A_178 = arith.constant 32 : i32
      %scan3A_179 = arith.addi %scan3A_177, %scan3A_178 : i32
      %scan3A_180 = arith.constant 1 : i32
      scf.for %scan3A_554 = %scan3A_177 to %scan3A_179 step %scan3A_180  : i32 {
        %mul3A_555 = arith.constant 4 : i32
        %mul3A_556 = arith.muli %scan3A_554, %mul3A_555 : i32
        %add3A_557 = arith.constant 0 : i32
        %add3A_558 = arith.addi %mul3A_556, %add3A_557 : i32
        %get3A_559 = arith.constant 0 : i32
        %get3A_560 = arith.constant 0 : i32
        %get3A_561 = tpu.memref_slice %arg13[%scan3A_173, %get3A_559, %get3A_560] : memref<2x128x64xf32, #tpu.memory_space<vmem>> -> memref<1x128x64xf32, #tpu.memory_space<vmem>>
        %get3A_562 = tpu.memref_squeeze %get3A_561 : memref<1x128x64xf32, #tpu.memory_space<vmem>> -> memref<128x64xf32, #tpu.memory_space<vmem>>
        %get3A_563 = arith.index_cast %add3A_558 : i32 to index
        %get3A_564 = arith.constant 0 : index
        %get3A_565 = tpu.vector_load %get3A_562[%get3A_563, %get3A_564] {strides = array<i32>} : memref<128x64xf32, #tpu.memory_space<vmem>>, vector<16xf32>,
        %get3A_566 = arith.constant 0 : i32
        %get3A_567 = arith.constant 0 : i32
        %get3A_568 = tpu.memref_slice %arg14[%scan3A_174, %get3A_566, %get3A_567] : memref<2x128x64xf32, #tpu.memory_space<vmem>> -> memref<1x128x64xf32, #tpu.memory_space<vmem>>
        %get3A_569 = tpu.memref_squeeze %get3A_568 : memref<1x128x64xf32, #tpu.memory_space<vmem>> -> memref<128x64xf32, #tpu.memory_space<vmem>>
        %get3A_570 = arith.index_cast %add3A_558 : i32 to index
        %get3A_571 = arith.constant 0 : index
        %get3A_572 = tpu.vector_load %get3A_569[%get3A_570, %get3A_571] {strides = array<i32>} : memref<128x64xf32, #tpu.memory_space<vmem>>, vector<16xf32>,
        %mul3A_573 = arith.mulf %get3A_565, %get3A_572 : vector<16xf32>
        %get3A_574 = arith.constant 0 : i32
        %get3A_575 = arith.constant 0 : i32
        %get3A_576 = tpu.memref_slice %arg13[%scan3A_173, %get3A_574, %get3A_575] : memref<2x128x64xf32, #tpu.memory_space<vmem>> -> memref<1x128x64xf32, #tpu.memory_space<vmem>>
        %get3A_577 = tpu.memref_squeeze %get3A_576 : memref<1x128x64xf32, #tpu.memory_space<vmem>> -> memref<128x64xf32, #tpu.memory_space<vmem>>
        %get3A_578 = arith.index_cast %add3A_558 : i32 to index
        %get3A_579 = arith.constant 16 : index
        %get3A_580 = tpu.vector_load %get3A_577[%get3A_578, %get3A_579] {strides = array<i32>} : memref<128x64xf32, #tpu.memory_space<vmem>>, vector<16xf32>,
        %get3A_581 = arith.constant 0 : i32
        %get3A_582 = arith.constant 0 : i32
        %get3A_583 = tpu.memref_slice %arg14[%scan3A_174, %get3A_581, %get3A_582] : memref<2x128x64xf32, #tpu.memory_space<vmem>> -> memref<1x128x64xf32, #tpu.memory_space<vmem>>
        %get3A_584 = tpu.memref_squeeze %get3A_583 : memref<1x128x64xf32, #tpu.memory_space<vmem>> -> memref<128x64xf32, #tpu.memory_space<vmem>>
        %get3A_585 = arith.index_cast %add3A_558 : i32 to index
        %get3A_586 = arith.constant 16 : index
        %get3A_587 = tpu.vector_load %get3A_584[%get3A_585, %get3A_586] {strides = array<i32>} : memref<128x64xf32, #tpu.memory_space<vmem>>, vector<16xf32>,
        %mul3A_588 = arith.mulf %get3A_580, %get3A_587 : vector<16xf32>
        %get3A_589 = arith.constant 0 : i32
        %get3A_590 = arith.constant 0 : i32
        %get3A_591 = tpu.memref_slice %arg13[%scan3A_173, %get3A_589, %get3A_590] : memref<2x128x64xf32, #tpu.memory_space<vmem>> -> memref<1x128x64xf32, #tpu.memory_space<vmem>>
        %get3A_592 = tpu.memref_squeeze %get3A_591 : memref<1x128x64xf32, #tpu.memory_space<vmem>> -> memref<128x64xf32, #tpu.memory_space<vmem>>
        %get3A_593 = arith.index_cast %add3A_558 : i32 to index
        %get3A_594 = arith.constant 32 : index
        %get3A_595 = tpu.vector_load %get3A_592[%get3A_593, %get3A_594] {strides = array<i32>} : memref<128x64xf32, #tpu.memory_space<vmem>>, vector<16xf32>,
        %get3A_596 = arith.constant 0 : i32
        %get3A_597 = arith.constant 0 : i32
        %get3A_598 = tpu.memref_slice %arg14[%scan3A_174, %get3A_596, %get3A_597] : memref<2x128x64xf32, #tpu.memory_space<vmem>> -> memref<1x128x64xf32, #tpu.memory_space<vmem>>
        %get3A_599 = tpu.memref_squeeze %get3A_598 : memref<1x128x64xf32, #tpu.memory_space<vmem>> -> memref<128x64xf32, #tpu.memory_space<vmem>>
        %get3A_600 = arith.index_cast %add3A_558 : i32 to index
        %get3A_601 = arith.constant 32 : index
        %get3A_602 = tpu.vector_load %get3A_599[%get3A_600, %get3A_601] {strides = array<i32>} : memref<128x64xf32, #tpu.memory_space<vmem>>, vector<16xf32>,
        %mul3A_603 = arith.mulf %get3A_595, %get3A_602 : vector<16xf32>
        %get3A_604 = arith.constant 0 : i32
        %get3A_605 = arith.constant 0 : i32
        %get3A_606 = tpu.memref_slice %arg13[%scan3A_173, %get3A_604, %get3A_605] : memref<2x128x64xf32, #tpu.memory_space<vmem>> -> memref<1x128x64xf32, #tpu.memory_space<vmem>>
        %get3A_607 = tpu.memref_squeeze %get3A_606 : memref<1x128x64xf32, #tpu.memory_space<vmem>> -> memref<128x64xf32, #tpu.memory_space<vmem>>
        %get3A_608 = arith.index_cast %add3A_558 : i32 to index
        %get3A_609 = arith.constant 48 : index
        %get3A_610 = tpu.vector_load %get3A_607[%get3A_608, %get3A_609] {strides = array<i32>} : memref<128x64xf32, #tpu.memory_space<vmem>>, vector<16xf32>,
        %get3A_611 = arith.constant 0 : i32
        %get3A_612 = arith.constant 0 : i32
        %get3A_613 = tpu.memref_slice %arg14[%scan3A_174, %get3A_611, %get3A_612] : memref<2x128x64xf32, #tpu.memory_space<vmem>> -> memref<1x128x64xf32, #tpu.memory_space<vmem>>
        %get3A_614 = tpu.memref_squeeze %get3A_613 : memref<1x128x64xf32, #tpu.memory_space<vmem>> -> memref<128x64xf32, #tpu.memory_space<vmem>>
        %get3A_615 = arith.index_cast %add3A_558 : i32 to index
        %get3A_616 = arith.constant 48 : index
        %get3A_617 = tpu.vector_load %get3A_614[%get3A_615, %get3A_616] {strides = array<i32>} : memref<128x64xf32, #tpu.memory_space<vmem>>, vector<16xf32>,
        %mul3A_618 = arith.mulf %get3A_610, %get3A_617 : vector<16xf32>
        %add3A_619 = arith.constant 1 : i32
        %add3A_620 = arith.addi %mul3A_556, %add3A_619 : i32
        %get3A_621 = arith.constant 0 : i32
        %get3A_622 = arith.constant 0 : i32
        %get3A_623 = tpu.memref_slice %arg13[%scan3A_173, %get3A_621, %get3A_622] : memref<2x128x64xf32, #tpu.memory_space<vmem>> -> memref<1x128x64xf32, #tpu.memory_space<vmem>>
        %get3A_624 = tpu.memref_squeeze %get3A_623 : memref<1x128x64xf32, #tpu.memory_space<vmem>> -> memref<128x64xf32, #tpu.memory_space<vmem>>
        %get3A_625 = arith.index_cast %add3A_620 : i32 to index
        %get3A_626 = arith.constant 0 : index
        %get3A_627 = tpu.vector_load %get3A_624[%get3A_625, %get3A_626] {strides = array<i32>} : memref<128x64xf32, #tpu.memory_space<vmem>>, vector<16xf32>,
        %get3A_628 = arith.constant 0 : i32
        %get3A_629 = arith.constant 0 : i32
        %get3A_630 = tpu.memref_slice %arg14[%scan3A_174, %get3A_628, %get3A_629] : memref<2x128x64xf32, #tpu.memory_space<vmem>> -> memref<1x128x64xf32, #tpu.memory_space<vmem>>
        %get3A_631 = tpu.memref_squeeze %get3A_630 : memref<1x128x64xf32, #tpu.memory_space<vmem>> -> memref<128x64xf32, #tpu.memory_space<vmem>>
        %get3A_632 = arith.index_cast %add3A_620 : i32 to index
        %get3A_633 = arith.constant 0 : index
        %get3A_634 = tpu.vector_load %get3A_631[%get3A_632, %get3A_633] {strides = array<i32>} : memref<128x64xf32, #tpu.memory_space<vmem>>, vector<16xf32>,
        %mul3A_635 = arith.mulf %get3A_627, %get3A_634 : vector<16xf32>
        %get3A_636 = arith.constant 0 : i32
        %get3A_637 = arith.constant 0 : i32
        %get3A_638 = tpu.memref_slice %arg13[%scan3A_173, %get3A_636, %get3A_637] : memref<2x128x64xf32, #tpu.memory_space<vmem>> -> memref<1x128x64xf32, #tpu.memory_space<vmem>>
        %get3A_639 = tpu.memref_squeeze %get3A_638 : memref<1x128x64xf32, #tpu.memory_space<vmem>> -> memref<128x64xf32, #tpu.memory_space<vmem>>
        %get3A_640 = arith.index_cast %add3A_620 : i32 to index
        %get3A_641 = arith.constant 16 : index
        %get3A_642 = tpu.vector_load %get3A_639[%get3A_640, %get3A_641] {strides = array<i32>} : memref<128x64xf32, #tpu.memory_space<vmem>>, vector<16xf32>,
        %get3A_643 = arith.constant 0 : i32
        %get3A_644 = arith.constant 0 : i32
        %get3A_645 = tpu.memref_slice %arg14[%scan3A_174, %get3A_643, %get3A_644] : memref<2x128x64xf32, #tpu.memory_space<vmem>> -> memref<1x128x64xf32, #tpu.memory_space<vmem>>
        %get3A_646 = tpu.memref_squeeze %get3A_645 : memref<1x128x64xf32, #tpu.memory_space<vmem>> -> memref<128x64xf32, #tpu.memory_space<vmem>>
        %get3A_647 = arith.index_cast %add3A_620 : i32 to index
        %get3A_648 = arith.constant 16 : index
        %get3A_649 = tpu.vector_load %get3A_646[%get3A_647, %get3A_648] {strides = array<i32>} : memref<128x64xf32, #tpu.memory_space<vmem>>, vector<16xf32>,
        %mul3A_650 = arith.mulf %get3A_642, %get3A_649 : vector<16xf32>
        %get3A_651 = arith.constant 0 : i32
        %get3A_652 = arith.constant 0 : i32
        %get3A_653 = tpu.memref_slice %arg13[%scan3A_173, %get3A_651, %get3A_652] : memref<2x128x64xf32, #tpu.memory_space<vmem>> -> memref<1x128x64xf32, #tpu.memory_space<vmem>>
        %get3A_654 = tpu.memref_squeeze %get3A_653 : memref<1x128x64xf32, #tpu.memory_space<vmem>> -> memref<128x64xf32, #tpu.memory_space<vmem>>
        %get3A_655 = arith.index_cast %add3A_620 : i32 to index
        %get3A_656 = arith.constant 32 : index
        %get3A_657 = tpu.vector_load %get3A_654[%get3A_655, %get3A_656] {strides = array<i32>} : memref<128x64xf32, #tpu.memory_space<vmem>>, vector<16xf32>,
        %get3A_658 = arith.constant 0 : i32
        %get3A_659 = arith.constant 0 : i32
        %get3A_660 = tpu.memref_slice %arg14[%scan3A_174, %get3A_658, %get3A_659] : memref<2x128x64xf32, #tpu.memory_space<vmem>> -> memref<1x128x64xf32, #tpu.memory_space<vmem>>
        %get3A_661 = tpu.memref_squeeze %get3A_660 : memref<1x128x64xf32, #tpu.memory_space<vmem>> -> memref<128x64xf32, #tpu.memory_space<vmem>>
        %get3A_662 = arith.index_cast %add3A_620 : i32 to index
        %get3A_663 = arith.constant 32 : index
        %get3A_664 = tpu.vector_load %get3A_661[%get3A_662, %get3A_663] {strides = array<i32>} : memref<128x64xf32, #tpu.memory_space<vmem>>, vector<16xf32>,
        %mul3A_665 = arith.mulf %get3A_657, %get3A_664 : vector<16xf32>
        %get3A_666 = arith.constant 0 : i32
        %get3A_667 = arith.constant 0 : i32
        %get3A_668 = tpu.memref_slice %arg13[%scan3A_173, %get3A_666, %get3A_667] : memref<2x128x64xf32, #tpu.memory_space<vmem>> -> memref<1x128x64xf32, #tpu.memory_space<vmem>>
        %get3A_669 = tpu.memref_squeeze %get3A_668 : memref<1x128x64xf32, #tpu.memory_space<vmem>> -> memref<128x64xf32, #tpu.memory_space<vmem>>
        %get3A_670 = arith.index_cast %add3A_620 : i32 to index
        %get3A_671 = arith.constant 48 : index
        %get3A_672 = tpu.vector_load %get3A_669[%get3A_670, %get3A_671] {strides = array<i32>} : memref<128x64xf32, #tpu.memory_space<vmem>>, vector<16xf32>,
        %get3A_673 = arith.constant 0 : i32
        %get3A_674 = arith.constant 0 : i32
        %get3A_675 = tpu.memref_slice %arg14[%scan3A_174, %get3A_673, %get3A_674] : memref<2x128x64xf32, #tpu.memory_space<vmem>> -> memref<1x128x64xf32, #tpu.memory_space<vmem>>
        %get3A_676 = tpu.memref_squeeze %get3A_675 : memref<1x128x64xf32, #tpu.memory_space<vmem>> -> memref<128x64xf32, #tpu.memory_space<vmem>>
        %get3A_677 = arith.index_cast %add3A_620 : i32 to index
        %get3A_678 = arith.constant 48 : index
        %get3A_679 = tpu.vector_load %get3A_676[%get3A_677, %get3A_678] {strides = array<i32>} : memref<128x64xf32, #tpu.memory_space<vmem>>, vector<16xf32>,
        %mul3A_680 = arith.mulf %get3A_672, %get3A_679 : vector<16xf32>
        %add3A_681 = arith.constant 2 : i32
        %add3A_682 = arith.addi %mul3A_556, %add3A_681 : i32
        %get3A_683 = arith.constant 0 : i32
        %get3A_684 = arith.constant 0 : i32
        %get3A_685 = tpu.memref_slice %arg13[%scan3A_173, %get3A_683, %get3A_684] : memref<2x128x64xf32, #tpu.memory_space<vmem>> -> memref<1x128x64xf32, #tpu.memory_space<vmem>>
        %get3A_686 = tpu.memref_squeeze %get3A_685 : memref<1x128x64xf32, #tpu.memory_space<vmem>> -> memref<128x64xf32, #tpu.memory_space<vmem>>
        %get3A_687 = arith.index_cast %add3A_682 : i32 to index
        %get3A_688 = arith.constant 0 : index
        %get3A_689 = tpu.vector_load %get3A_686[%get3A_687, %get3A_688] {strides = array<i32>} : memref<128x64xf32, #tpu.memory_space<vmem>>, vector<16xf32>,
        %get3A_690 = arith.constant 0 : i32
        %get3A_691 = arith.constant 0 : i32
        %get3A_692 = tpu.memref_slice %arg14[%scan3A_174, %get3A_690, %get3A_691] : memref<2x128x64xf32, #tpu.memory_space<vmem>> -> memref<1x128x64xf32, #tpu.memory_space<vmem>>
        %get3A_693 = tpu.memref_squeeze %get3A_692 : memref<1x128x64xf32, #tpu.memory_space<vmem>> -> memref<128x64xf32, #tpu.memory_space<vmem>>
        %get3A_694 = arith.index_cast %add3A_682 : i32 to index
        %get3A_695 = arith.constant 0 : index
        %get3A_696 = tpu.vector_load %get3A_693[%get3A_694, %get3A_695] {strides = array<i32>} : memref<128x64xf32, #tpu.memory_space<vmem>>, vector<16xf32>,
        %mul3A_697 = arith.mulf %get3A_689, %get3A_696 : vector<16xf32>
        %get3A_698 = arith.constant 0 : i32
        %get3A_699 = arith.constant 0 : i32
        %get3A_700 = tpu.memref_slice %arg13[%scan3A_173, %get3A_698, %get3A_699] : memref<2x128x64xf32, #tpu.memory_space<vmem>> -> memref<1x128x64xf32, #tpu.memory_space<vmem>>
        %get3A_701 = tpu.memref_squeeze %get3A_700 : memref<1x128x64xf32, #tpu.memory_space<vmem>> -> memref<128x64xf32, #tpu.memory_space<vmem>>
        %get3A_702 = arith.index_cast %add3A_682 : i32 to index
        %get3A_703 = arith.constant 16 : index
        %get3A_704 = tpu.vector_load %get3A_701[%get3A_702, %get3A_703] {strides = array<i32>} : memref<128x64xf32, #tpu.memory_space<vmem>>, vector<16xf32>,
        %get3A_705 = arith.constant 0 : i32
        %get3A_706 = arith.constant 0 : i32
        %get3A_707 = tpu.memref_slice %arg14[%scan3A_174, %get3A_705, %get3A_706] : memref<2x128x64xf32, #tpu.memory_space<vmem>> -> memref<1x128x64xf32, #tpu.memory_space<vmem>>
        %get3A_708 = tpu.memref_squeeze %get3A_707 : memref<1x128x64xf32, #tpu.memory_space<vmem>> -> memref<128x64xf32, #tpu.memory_space<vmem>>
        %get3A_709 = arith.index_cast %add3A_682 : i32 to index
        %get3A_710 = arith.constant 16 : index
        %get3A_711 = tpu.vector_load %get3A_708[%get3A_709, %get3A_710] {strides = array<i32>} : memref<128x64xf32, #tpu.memory_space<vmem>>, vector<16xf32>,
        %mul3A_712 = arith.mulf %get3A_704, %get3A_711 : vector<16xf32>
        %get3A_713 = arith.constant 0 : i32
        %get3A_714 = arith.constant 0 : i32
        %get3A_715 = tpu.memref_slice %arg13[%scan3A_173, %get3A_713, %get3A_714] : memref<2x128x64xf32, #tpu.memory_space<vmem>> -> memref<1x128x64xf32, #tpu.memory_space<vmem>>
        %get3A_716 = tpu.memref_squeeze %get3A_715 : memref<1x128x64xf32, #tpu.memory_space<vmem>> -> memref<128x64xf32, #tpu.memory_space<vmem>>
        %get3A_717 = arith.index_cast %add3A_682 : i32 to index
        %get3A_718 = arith.constant 32 : index
        %get3A_719 = tpu.vector_load %get3A_716[%get3A_717, %get3A_718] {strides = array<i32>} : memref<128x64xf32, #tpu.memory_space<vmem>>, vector<16xf32>,
        %get3A_720 = arith.constant 0 : i32
        %get3A_721 = arith.constant 0 : i32
        %get3A_722 = tpu.memref_slice %arg14[%scan3A_174, %get3A_720, %get3A_721] : memref<2x128x64xf32, #tpu.memory_space<vmem>> -> memref<1x128x64xf32, #tpu.memory_space<vmem>>
        %get3A_723 = tpu.memref_squeeze %get3A_722 : memref<1x128x64xf32, #tpu.memory_space<vmem>> -> memref<128x64xf32, #tpu.memory_space<vmem>>
        %get3A_724 = arith.index_cast %add3A_682 : i32 to index
        %get3A_725 = arith.constant 32 : index
        %get3A_726 = tpu.vector_load %get3A_723[%get3A_724, %get3A_725] {strides = array<i32>} : memref<128x64xf32, #tpu.memory_space<vmem>>, vector<16xf32>,
        %mul3A_727 = arith.mulf %get3A_719, %get3A_726 : vector<16xf32>
        %get3A_728 = arith.constant 0 : i32
        %get3A_729 = arith.constant 0 : i32
        %get3A_730 = tpu.memref_slice %arg13[%scan3A_173, %get3A_728, %get3A_729] : memref<2x128x64xf32, #tpu.memory_space<vmem>> -> memref<1x128x64xf32, #tpu.memory_space<vmem>>
        %get3A_731 = tpu.memref_squeeze %get3A_730 : memref<1x128x64xf32, #tpu.memory_space<vmem>> -> memref<128x64xf32, #tpu.memory_space<vmem>>
        %get3A_732 = arith.index_cast %add3A_682 : i32 to index
        %get3A_733 = arith.constant 48 : index
        %get3A_734 = tpu.vector_load %get3A_731[%get3A_732, %get3A_733] {strides = array<i32>} : memref<128x64xf32, #tpu.memory_space<vmem>>, vector<16xf32>,
        %get3A_735 = arith.constant 0 : i32
        %get3A_736 = arith.constant 0 : i32
        %get3A_737 = tpu.memref_slice %arg14[%scan3A_174, %get3A_735, %get3A_736] : memref<2x128x64xf32, #tpu.memory_space<vmem>> -> memref<1x128x64xf32, #tpu.memory_space<vmem>>
        %get3A_738 = tpu.memref_squeeze %get3A_737 : memref<1x128x64xf32, #tpu.memory_space<vmem>> -> memref<128x64xf32, #tpu.memory_space<vmem>>
        %get3A_739 = arith.index_cast %add3A_682 : i32 to index
        %get3A_740 = arith.constant 48 : index
        %get3A_741 = tpu.vector_load %get3A_738[%get3A_739, %get3A_740] {strides = array<i32>} : memref<128x64xf32, #tpu.memory_space<vmem>>, vector<16xf32>,
        %mul3A_742 = arith.mulf %get3A_734, %get3A_741 : vector<16xf32>
        %add3A_743 = arith.constant 3 : i32
        %add3A_744 = arith.addi %mul3A_556, %add3A_743 : i32
        %get3A_745 = arith.constant 0 : i32
        %get3A_746 = arith.constant 0 : i32
        %get3A_747 = tpu.memref_slice %arg13[%scan3A_173, %get3A_745, %get3A_746] : memref<2x128x64xf32, #tpu.memory_space<vmem>> -> memref<1x128x64xf32, #tpu.memory_space<vmem>>
        %get3A_748 = tpu.memref_squeeze %get3A_747 : memref<1x128x64xf32, #tpu.memory_space<vmem>> -> memref<128x64xf32, #tpu.memory_space<vmem>>
        %get3A_749 = arith.index_cast %add3A_744 : i32 to index
        %get3A_750 = arith.constant 0 : index
        %get3A_751 = tpu.vector_load %get3A_748[%get3A_749, %get3A_750] {strides = array<i32>} : memref<128x64xf32, #tpu.memory_space<vmem>>, vector<16xf32>,
        %get3A_752 = arith.constant 0 : i32
        %get3A_753 = arith.constant 0 : i32
        %get3A_754 = tpu.memref_slice %arg14[%scan3A_174, %get3A_752, %get3A_753] : memref<2x128x64xf32, #tpu.memory_space<vmem>> -> memref<1x128x64xf32, #tpu.memory_space<vmem>>
        %get3A_755 = tpu.memref_squeeze %get3A_754 : memref<1x128x64xf32, #tpu.memory_space<vmem>> -> memref<128x64xf32, #tpu.memory_space<vmem>>
        %get3A_756 = arith.index_cast %add3A_744 : i32 to index
        %get3A_757 = arith.constant 0 : index
        %get3A_758 = tpu.vector_load %get3A_755[%get3A_756, %get3A_757] {strides = array<i32>} : memref<128x64xf32, #tpu.memory_space<vmem>>, vector<16xf32>,
        %mul3A_759 = arith.mulf %get3A_751, %get3A_758 : vector<16xf32>
        %get3A_760 = arith.constant 0 : i32
        %get3A_761 = arith.constant 0 : i32
        %get3A_762 = tpu.memref_slice %arg13[%scan3A_173, %get3A_760, %get3A_761] : memref<2x128x64xf32, #tpu.memory_space<vmem>> -> memref<1x128x64xf32, #tpu.memory_space<vmem>>
        %get3A_763 = tpu.memref_squeeze %get3A_762 : memref<1x128x64xf32, #tpu.memory_space<vmem>> -> memref<128x64xf32, #tpu.memory_space<vmem>>
        %get3A_764 = arith.index_cast %add3A_744 : i32 to index
        %get3A_765 = arith.constant 16 : index
        %get3A_766 = tpu.vector_load %get3A_763[%get3A_764, %get3A_765] {strides = array<i32>} : memref<128x64xf32, #tpu.memory_space<vmem>>, vector<16xf32>,
        %get3A_767 = arith.constant 0 : i32
        %get3A_768 = arith.constant 0 : i32
        %get3A_769 = tpu.memref_slice %arg14[%scan3A_174, %get3A_767, %get3A_768] : memref<2x128x64xf32, #tpu.memory_space<vmem>> -> memref<1x128x64xf32, #tpu.memory_space<vmem>>
        %get3A_770 = tpu.memref_squeeze %get3A_769 : memref<1x128x64xf32, #tpu.memory_space<vmem>> -> memref<128x64xf32, #tpu.memory_space<vmem>>
        %get3A_771 = arith.index_cast %add3A_744 : i32 to index
        %get3A_772 = arith.constant 16 : index
        %get3A_773 = tpu.vector_load %get3A_770[%get3A_771, %get3A_772] {strides = array<i32>} : memref<128x64xf32, #tpu.memory_space<vmem>>, vector<16xf32>,
        %mul3A_774 = arith.mulf %get3A_766, %get3A_773 : vector<16xf32>
        %get3A_775 = arith.constant 0 : i32
        %get3A_776 = arith.constant 0 : i32
        %get3A_777 = tpu.memref_slice %arg13[%scan3A_173, %get3A_775, %get3A_776] : memref<2x128x64xf32, #tpu.memory_space<vmem>> -> memref<1x128x64xf32, #tpu.memory_space<vmem>>
        %get3A_778 = tpu.memref_squeeze %get3A_777 : memref<1x128x64xf32, #tpu.memory_space<vmem>> -> memref<128x64xf32, #tpu.memory_space<vmem>>
        %get3A_779 = arith.index_cast %add3A_744 : i32 to index
        %get3A_780 = arith.constant 32 : index
        %get3A_781 = tpu.vector_load %get3A_778[%get3A_779, %get3A_780] {strides = array<i32>} : memref<128x64xf32, #tpu.memory_space<vmem>>, vector<16xf32>,
        %get3A_782 = arith.constant 0 : i32
        %get3A_783 = arith.constant 0 : i32
        %get3A_784 = tpu.memref_slice %arg14[%scan3A_174, %get3A_782, %get3A_783] : memref<2x128x64xf32, #tpu.memory_space<vmem>> -> memref<1x128x64xf32, #tpu.memory_space<vmem>>
        %get3A_785 = tpu.memref_squeeze %get3A_784 : memref<1x128x64xf32, #tpu.memory_space<vmem>> -> memref<128x64xf32, #tpu.memory_space<vmem>>
        %get3A_786 = arith.index_cast %add3A_744 : i32 to index
        %get3A_787 = arith.constant 32 : index
        %get3A_788 = tpu.vector_load %get3A_785[%get3A_786, %get3A_787] {strides = array<i32>} : memref<128x64xf32, #tpu.memory_space<vmem>>, vector<16xf32>,
        %mul3A_789 = arith.mulf %get3A_781, %get3A_788 : vector<16xf32>
        %get3A_790 = arith.constant 0 : i32
        %get3A_791 = arith.constant 0 : i32
        %get3A_792 = tpu.memref_slice %arg13[%scan3A_173, %get3A_790, %get3A_791] : memref<2x128x64xf32, #tpu.memory_space<vmem>> -> memref<1x128x64xf32, #tpu.memory_space<vmem>>
        %get3A_793 = tpu.memref_squeeze %get3A_792 : memref<1x128x64xf32, #tpu.memory_space<vmem>> -> memref<128x64xf32, #tpu.memory_space<vmem>>
        %get3A_794 = arith.index_cast %add3A_744 : i32 to index
        %get3A_795 = arith.constant 48 : index
        %get3A_796 = tpu.vector_load %get3A_793[%get3A_794, %get3A_795] {strides = array<i32>} : memref<128x64xf32, #tpu.memory_space<vmem>>, vector<16xf32>,
        %get3A_797 = arith.constant 0 : i32
        %get3A_798 = arith.constant 0 : i32
        %get3A_799 = tpu.memref_slice %arg14[%scan3A_174, %get3A_797, %get3A_798] : memref<2x128x64xf32, #tpu.memory_space<vmem>> -> memref<1x128x64xf32, #tpu.memory_space<vmem>>
        %get3A_800 = tpu.memref_squeeze %get3A_799 : memref<1x128x64xf32, #tpu.memory_space<vmem>> -> memref<128x64xf32, #tpu.memory_space<vmem>>
        %get3A_801 = arith.index_cast %add3A_744 : i32 to index
        %get3A_802 = arith.constant 48 : index
        %get3A_803 = tpu.vector_load %get3A_800[%get3A_801, %get3A_802] {strides = array<i32>} : memref<128x64xf32, #tpu.memory_space<vmem>>, vector<16xf32>,
        %mul3A_804 = arith.mulf %get3A_796, %get3A_803 : vector<16xf32>
        %broadcast_in_dim3A_805 = arith.constant true
        %broadcast_in_dim3A_806 = vector.broadcast %broadcast_in_dim3A_805 : i1 to vector<16xi1>
        %masked_cumsum3A = tpu.scan <sum>, %mul3A_573 masked %broadcast_in_dim3A_806 : vector<16xf32>, vector<16xi1> -> vector<16xf32>
        %broadcast_in_dim3A_807 = arith.constant true
        %broadcast_in_dim3A_808 = vector.broadcast %broadcast_in_dim3A_807 : i1 to vector<16xi1>
        %masked_cumsum3A_809 = tpu.scan <sum>, %mul3A_588 masked %broadcast_in_dim3A_808 : vector<16xf32>, vector<16xi1> -> vector<16xf32>
        %broadcast_in_dim3A_810 = arith.constant true
        %broadcast_in_dim3A_811 = vector.broadcast %broadcast_in_dim3A_810 : i1 to vector<16xi1>
        %masked_cumsum3A_812 = tpu.scan <sum>, %mul3A_603 masked %broadcast_in_dim3A_811 : vector<16xf32>, vector<16xi1> -> vector<16xf32>
        %broadcast_in_dim3A_813 = arith.constant true
        %broadcast_in_dim3A_814 = vector.broadcast %broadcast_in_dim3A_813 : i1 to vector<16xi1>
        %masked_cumsum3A_815 = tpu.scan <sum>, %mul3A_618 masked %broadcast_in_dim3A_814 : vector<16xf32>, vector<16xi1> -> vector<16xf32>
        %broadcast_in_dim3A_816 = arith.constant true
        %broadcast_in_dim3A_817 = vector.broadcast %broadcast_in_dim3A_816 : i1 to vector<16xi1>
        %masked_cumsum3A_818 = tpu.scan <sum>, %mul3A_635 masked %broadcast_in_dim3A_817 : vector<16xf32>, vector<16xi1> -> vector<16xf32>
        %broadcast_in_dim3A_819 = arith.constant true
        %broadcast_in_dim3A_820 = vector.broadcast %broadcast_in_dim3A_819 : i1 to vector<16xi1>
        %masked_cumsum3A_821 = tpu.scan <sum>, %mul3A_650 masked %broadcast_in_dim3A_820 : vector<16xf32>, vector<16xi1> -> vector<16xf32>
        %broadcast_in_dim3A_822 = arith.constant true
        %broadcast_in_dim3A_823 = vector.broadcast %broadcast_in_dim3A_822 : i1 to vector<16xi1>
        %masked_cumsum3A_824 = tpu.scan <sum>, %mul3A_665 masked %broadcast_in_dim3A_823 : vector<16xf32>, vector<16xi1> -> vector<16xf32>
        %broadcast_in_dim3A_825 = arith.constant true
        %broadcast_in_dim3A_826 = vector.broadcast %broadcast_in_dim3A_825 : i1 to vector<16xi1>
        %masked_cumsum3A_827 = tpu.scan <sum>, %mul3A_680 masked %broadcast_in_dim3A_826 : vector<16xf32>, vector<16xi1> -> vector<16xf32>
        %broadcast_in_dim3A_828 = arith.constant true
        %broadcast_in_dim3A_829 = vector.broadcast %broadcast_in_dim3A_828 : i1 to vector<16xi1>
        %masked_cumsum3A_830 = tpu.scan <sum>, %mul3A_697 masked %broadcast_in_dim3A_829 : vector<16xf32>, vector<16xi1> -> vector<16xf32>
        %broadcast_in_dim3A_831 = arith.constant true
        %broadcast_in_dim3A_832 = vector.broadcast %broadcast_in_dim3A_831 : i1 to vector<16xi1>
        %masked_cumsum3A_833 = tpu.scan <sum>, %mul3A_712 masked %broadcast_in_dim3A_832 : vector<16xf32>, vector<16xi1> -> vector<16xf32>
        %broadcast_in_dim3A_834 = arith.constant true
        %broadcast_in_dim3A_835 = vector.broadcast %broadcast_in_dim3A_834 : i1 to vector<16xi1>
        %masked_cumsum3A_836 = tpu.scan <sum>, %mul3A_727 masked %broadcast_in_dim3A_835 : vector<16xf32>, vector<16xi1> -> vector<16xf32>
        %broadcast_in_dim3A_837 = arith.constant true
        %broadcast_in_dim3A_838 = vector.broadcast %broadcast_in_dim3A_837 : i1 to vector<16xi1>
        %masked_cumsum3A_839 = tpu.scan <sum>, %mul3A_742 masked %broadcast_in_dim3A_838 : vector<16xf32>, vector<16xi1> -> vector<16xf32>
        %broadcast_in_dim3A_840 = arith.constant true
        %broadcast_in_dim3A_841 = vector.broadcast %broadcast_in_dim3A_840 : i1 to vector<16xi1>
        %masked_cumsum3A_842 = tpu.scan <sum>, %mul3A_759 masked %broadcast_in_dim3A_841 : vector<16xf32>, vector<16xi1> -> vector<16xf32>
        %broadcast_in_dim3A_843 = arith.constant true
        %broadcast_in_dim3A_844 = vector.broadcast %broadcast_in_dim3A_843 : i1 to vector<16xi1>
        %masked_cumsum3A_845 = tpu.scan <sum>, %mul3A_774 masked %broadcast_in_dim3A_844 : vector<16xf32>, vector<16xi1> -> vector<16xf32>
        %broadcast_in_dim3A_846 = arith.constant true
        %broadcast_in_dim3A_847 = vector.broadcast %broadcast_in_dim3A_846 : i1 to vector<16xi1>
        %masked_cumsum3A_848 = tpu.scan <sum>, %mul3A_789 masked %broadcast_in_dim3A_847 : vector<16xf32>, vector<16xi1> -> vector<16xf32>
        %broadcast_in_dim3A_849 = arith.constant true
        %broadcast_in_dim3A_850 = vector.broadcast %broadcast_in_dim3A_849 : i1 to vector<16xi1>
        %masked_cumsum3A_851 = tpu.scan <sum>, %mul3A_804 masked %broadcast_in_dim3A_850 : vector<16xf32>, vector<16xi1> -> vector<16xf32>
        %gather3A = vector.shape_cast %broadcast_in_dim3A_5 : vector<16x1xi32> to vector<16xi32>
        %gather3A_852 = tpu.dynamic_gather %masked_cumsum3A[%gather3A] in [0] : vector<16xf32>, vector<16xi32> -> vector<16xf32>
        %exp3A = math.exp %gather3A_852 : vector<16xf32>
        %gather3A_853 = vector.shape_cast %broadcast_in_dim3A_5 : vector<16x1xi32> to vector<16xi32>
        %gather3A_854 = tpu.dynamic_gather %masked_cumsum3A_809[%gather3A_853] in [0] : vector<16xf32>, vector<16xi32> -> vector<16xf32>
        %exp3A_855 = math.exp %gather3A_854 : vector<16xf32>
        %gather3A_856 = vector.shape_cast %broadcast_in_dim3A_5 : vector<16x1xi32> to vector<16xi32>
        %gather3A_857 = tpu.dynamic_gather %masked_cumsum3A_812[%gather3A_856] in [0] : vector<16xf32>, vector<16xi32> -> vector<16xf32>
        %exp3A_858 = math.exp %gather3A_857 : vector<16xf32>
        %gather3A_859 = vector.shape_cast %broadcast_in_dim3A_5 : vector<16x1xi32> to vector<16xi32>
        %gather3A_860 = tpu.dynamic_gather %masked_cumsum3A_815[%gather3A_859] in [0] : vector<16xf32>, vector<16xi32> -> vector<16xf32>
        %exp3A_861 = math.exp %gather3A_860 : vector<16xf32>
        %gather3A_862 = vector.shape_cast %broadcast_in_dim3A_5 : vector<16x1xi32> to vector<16xi32>
        %gather3A_863 = tpu.dynamic_gather %masked_cumsum3A_818[%gather3A_862] in [0] : vector<16xf32>, vector<16xi32> -> vector<16xf32>
        %exp3A_864 = math.exp %gather3A_863 : vector<16xf32>
        %gather3A_865 = vector.shape_cast %broadcast_in_dim3A_5 : vector<16x1xi32> to vector<16xi32>
        %gather3A_866 = tpu.dynamic_gather %masked_cumsum3A_821[%gather3A_865] in [0] : vector<16xf32>, vector<16xi32> -> vector<16xf32>
        %exp3A_867 = math.exp %gather3A_866 : vector<16xf32>
        %gather3A_868 = vector.shape_cast %broadcast_in_dim3A_5 : vector<16x1xi32> to vector<16xi32>
        %gather3A_869 = tpu.dynamic_gather %masked_cumsum3A_824[%gather3A_868] in [0] : vector<16xf32>, vector<16xi32> -> vector<16xf32>
        %exp3A_870 = math.exp %gather3A_869 : vector<16xf32>
        %gather3A_871 = vector.shape_cast %broadcast_in_dim3A_5 : vector<16x1xi32> to vector<16xi32>
        %gather3A_872 = tpu.dynamic_gather %masked_cumsum3A_827[%gather3A_871] in [0] : vector<16xf32>, vector<16xi32> -> vector<16xf32>
        %exp3A_873 = math.exp %gather3A_872 : vector<16xf32>
        %gather3A_874 = vector.shape_cast %broadcast_in_dim3A_5 : vector<16x1xi32> to vector<16xi32>
        %gather3A_875 = tpu.dynamic_gather %masked_cumsum3A_830[%gather3A_874] in [0] : vector<16xf32>, vector<16xi32> -> vector<16xf32>
        %exp3A_876 = math.exp %gather3A_875 : vector<16xf32>
        %gather3A_877 = vector.shape_cast %broadcast_in_dim3A_5 : vector<16x1xi32> to vector<16xi32>
        %gather3A_878 = tpu.dynamic_gather %masked_cumsum3A_833[%gather3A_877] in [0] : vector<16xf32>, vector<16xi32> -> vector<16xf32>
        %exp3A_879 = math.exp %gather3A_878 : vector<16xf32>
        %gather3A_880 = vector.shape_cast %broadcast_in_dim3A_5 : vector<16x1xi32> to vector<16xi32>
        %gather3A_881 = tpu.dynamic_gather %masked_cumsum3A_836[%gather3A_880] in [0] : vector<16xf32>, vector<16xi32> -> vector<16xf32>
        %exp3A_882 = math.exp %gather3A_881 : vector<16xf32>
        %gather3A_883 = vector.shape_cast %broadcast_in_dim3A_5 : vector<16x1xi32> to vector<16xi32>
        %gather3A_884 = tpu.dynamic_gather %masked_cumsum3A_839[%gather3A_883] in [0] : vector<16xf32>, vector<16xi32> -> vector<16xf32>
        %exp3A_885 = math.exp %gather3A_884 : vector<16xf32>
        %gather3A_886 = vector.shape_cast %broadcast_in_dim3A_5 : vector<16x1xi32> to vector<16xi32>
        %gather3A_887 = tpu.dynamic_gather %masked_cumsum3A_842[%gather3A_886] in [0] : vector<16xf32>, vector<16xi32> -> vector<16xf32>
        %exp3A_888 = math.exp %gather3A_887 : vector<16xf32>
        %gather3A_889 = vector.shape_cast %broadcast_in_dim3A_5 : vector<16x1xi32> to vector<16xi32>
        %gather3A_890 = tpu.dynamic_gather %masked_cumsum3A_845[%gather3A_889] in [0] : vector<16xf32>, vector<16xi32> -> vector<16xf32>
        %exp3A_891 = math.exp %gather3A_890 : vector<16xf32>
        %gather3A_892 = vector.shape_cast %broadcast_in_dim3A_5 : vector<16x1xi32> to vector<16xi32>
        %gather3A_893 = tpu.dynamic_gather %masked_cumsum3A_848[%gather3A_892] in [0] : vector<16xf32>, vector<16xi32> -> vector<16xf32>
        %exp3A_894 = math.exp %gather3A_893 : vector<16xf32>
        %gather3A_895 = vector.shape_cast %broadcast_in_dim3A_5 : vector<16x1xi32> to vector<16xi32>
        %gather3A_896 = tpu.dynamic_gather %masked_cumsum3A_851[%gather3A_895] in [0] : vector<16xf32>, vector<16xi32> -> vector<16xf32>
        %exp3A_897 = math.exp %gather3A_896 : vector<16xf32>
        %add3A_898 = arith.constant 0 : i32
        %add3A_899 = arith.addi %mul3A_556, %add3A_898 : i32
        %get3A_900 = arith.constant 0 : i32
        %get3A_901 = arith.constant 0 : i32
        %get3A_902 = tpu.memref_slice %arg15[%scan3A_175, %get3A_900, %get3A_901] : memref<2x128x64xf32, #tpu.memory_space<vmem>> -> memref<1x128x64xf32, #tpu.memory_space<vmem>>
        %get3A_903 = tpu.memref_squeeze %get3A_902 : memref<1x128x64xf32, #tpu.memory_space<vmem>> -> memref<128x64xf32, #tpu.memory_space<vmem>>
        %get3A_904 = arith.index_cast %add3A_899 : i32 to index
        %get3A_905 = arith.constant 0 : index
        %get3A_906 = tpu.vector_load %get3A_903[%get3A_904, %get3A_905] {strides = array<i32>} : memref<128x64xf32, #tpu.memory_space<vmem>>, vector<16xf32>,
        %mul3A_907 = arith.mulf %get3A_906, %exp3A : vector<16xf32>
        %swap3A = arith.constant 0 : i32
        %swap3A_908 = arith.constant 0 : i32
        %swap3A_909 = tpu.memref_slice %arg15[%scan3A_175, %swap3A, %swap3A_908] : memref<2x128x64xf32, #tpu.memory_space<vmem>> -> memref<1x128x64xf32, #tpu.memory_space<vmem>>
        %swap3A_910 = tpu.memref_squeeze %swap3A_909 : memref<1x128x64xf32, #tpu.memory_space<vmem>> -> memref<128x64xf32, #tpu.memory_space<vmem>>
        %swap3A_911 = arith.index_cast %add3A_899 : i32 to index
        %swap3A_912 = arith.constant 0 : index
        %swap3A_913 = tpu.vector_load %swap3A_910[%swap3A_911, %swap3A_912] {strides = array<i32>} : memref<128x64xf32, #tpu.memory_space<vmem>>, vector<16xf32>,
        tpu.vector_store %swap3A_910[%swap3A_911, %swap3A_912], %mul3A_907 {strides = array<i32>} : memref<128x64xf32, #tpu.memory_space<vmem>>, vector<16xf32>,
        %eq3A = arith.constant 0 : i32
        %eq3A_914 = vector.broadcast %eq3A : i32 to vector<16xi32>
        %eq3A_915 = arith.cmpi eq, %iota3A, %eq3A_914 : vector<16xi32>
        %select_n3A = arith.select %eq3A_915, %exp3A, %broadcast_in_dim3A_0 : vector<16xi1>, vector<16xf32>
        %get3A_916 = arith.constant 0 : i32
        %get3A_917 = arith.constant 0 : i32
        %get3A_918 = tpu.memref_slice %arg15[%scan3A_175, %get3A_916, %get3A_917] : memref<2x128x64xf32, #tpu.memory_space<vmem>> -> memref<1x128x64xf32, #tpu.memory_space<vmem>>
        %get3A_919 = tpu.memref_squeeze %get3A_918 : memref<1x128x64xf32, #tpu.memory_space<vmem>> -> memref<128x64xf32, #tpu.memory_space<vmem>>
        %get3A_920 = arith.index_cast %add3A_899 : i32 to index
        %get3A_921 = arith.constant 16 : index
        %get3A_922 = tpu.vector_load %get3A_919[%get3A_920, %get3A_921] {strides = array<i32>} : memref<128x64xf32, #tpu.memory_space<vmem>>, vector<16xf32>,
        %mul3A_923 = arith.mulf %get3A_922, %exp3A_855 : vector<16xf32>
        %swap3A_924 = arith.constant 0 : i32
        %swap3A_925 = arith.constant 0 : i32
        %swap3A_926 = tpu.memref_slice %arg15[%scan3A_175, %swap3A_924, %swap3A_925] : memref<2x128x64xf32, #tpu.memory_space<vmem>> -> memref<1x128x64xf32, #tpu.memory_space<vmem>>
        %swap3A_927 = tpu.memref_squeeze %swap3A_926 : memref<1x128x64xf32, #tpu.memory_space<vmem>> -> memref<128x64xf32, #tpu.memory_space<vmem>>
        %swap3A_928 = arith.index_cast %add3A_899 : i32 to index
        %swap3A_929 = arith.constant 16 : index
        %swap3A_930 = tpu.vector_load %swap3A_927[%swap3A_928, %swap3A_929] {strides = array<i32>} : memref<128x64xf32, #tpu.memory_space<vmem>>, vector<16xf32>,
        tpu.vector_store %swap3A_927[%swap3A_928, %swap3A_929], %mul3A_923 {strides = array<i32>} : memref<128x64xf32, #tpu.memory_space<vmem>>, vector<16xf32>,
        %eq3A_931 = arith.constant 1 : i32
        %eq3A_932 = vector.broadcast %eq3A_931 : i32 to vector<16xi32>
        %eq3A_933 = arith.cmpi eq, %iota3A, %eq3A_932 : vector<16xi32>
        %select_n3A_934 = arith.select %eq3A_933, %exp3A_855, %select_n3A : vector<16xi1>, vector<16xf32>
        %get3A_935 = arith.constant 0 : i32
        %get3A_936 = arith.constant 0 : i32
        %get3A_937 = tpu.memref_slice %arg15[%scan3A_175, %get3A_935, %get3A_936] : memref<2x128x64xf32, #tpu.memory_space<vmem>> -> memref<1x128x64xf32, #tpu.memory_space<vmem>>
        %get3A_938 = tpu.memref_squeeze %get3A_937 : memref<1x128x64xf32, #tpu.memory_space<vmem>> -> memref<128x64xf32, #tpu.memory_space<vmem>>
        %get3A_939 = arith.index_cast %add3A_899 : i32 to index
        %get3A_940 = arith.constant 32 : index
        %get3A_941 = tpu.vector_load %get3A_938[%get3A_939, %get3A_940] {strides = array<i32>} : memref<128x64xf32, #tpu.memory_space<vmem>>, vector<16xf32>,
        %mul3A_942 = arith.mulf %get3A_941, %exp3A_858 : vector<16xf32>
        %swap3A_943 = arith.constant 0 : i32
        %swap3A_944 = arith.constant 0 : i32
        %swap3A_945 = tpu.memref_slice %arg15[%scan3A_175, %swap3A_943, %swap3A_944] : memref<2x128x64xf32, #tpu.memory_space<vmem>> -> memref<1x128x64xf32, #tpu.memory_space<vmem>>
        %swap3A_946 = tpu.memref_squeeze %swap3A_945 : memref<1x128x64xf32, #tpu.memory_space<vmem>> -> memref<128x64xf32, #tpu.memory_space<vmem>>
        %swap3A_947 = arith.index_cast %add3A_899 : i32 to index
        %swap3A_948 = arith.constant 32 : index
        %swap3A_949 = tpu.vector_load %swap3A_946[%swap3A_947, %swap3A_948] {strides = array<i32>} : memref<128x64xf32, #tpu.memory_space<vmem>>, vector<16xf32>,
        tpu.vector_store %swap3A_946[%swap3A_947, %swap3A_948], %mul3A_942 {strides = array<i32>} : memref<128x64xf32, #tpu.memory_space<vmem>>, vector<16xf32>,
        %eq3A_950 = arith.constant 2 : i32
        %eq3A_951 = vector.broadcast %eq3A_950 : i32 to vector<16xi32>
        %eq3A_952 = arith.cmpi eq, %iota3A, %eq3A_951 : vector<16xi32>
        %select_n3A_953 = arith.select %eq3A_952, %exp3A_858, %select_n3A_934 : vector<16xi1>, vector<16xf32>
        %get3A_954 = arith.constant 0 : i32
        %get3A_955 = arith.constant 0 : i32
        %get3A_956 = tpu.memref_slice %arg15[%scan3A_175, %get3A_954, %get3A_955] : memref<2x128x64xf32, #tpu.memory_space<vmem>> -> memref<1x128x64xf32, #tpu.memory_space<vmem>>
        %get3A_957 = tpu.memref_squeeze %get3A_956 : memref<1x128x64xf32, #tpu.memory_space<vmem>> -> memref<128x64xf32, #tpu.memory_space<vmem>>
        %get3A_958 = arith.index_cast %add3A_899 : i32 to index
        %get3A_959 = arith.constant 48 : index
        %get3A_960 = tpu.vector_load %get3A_957[%get3A_958, %get3A_959] {strides = array<i32>} : memref<128x64xf32, #tpu.memory_space<vmem>>, vector<16xf32>,
        %mul3A_961 = arith.mulf %get3A_960, %exp3A_861 : vector<16xf32>
        %swap3A_962 = arith.constant 0 : i32
        %swap3A_963 = arith.constant 0 : i32
        %swap3A_964 = tpu.memref_slice %arg15[%scan3A_175, %swap3A_962, %swap3A_963] : memref<2x128x64xf32, #tpu.memory_space<vmem>> -> memref<1x128x64xf32, #tpu.memory_space<vmem>>
        %swap3A_965 = tpu.memref_squeeze %swap3A_964 : memref<1x128x64xf32, #tpu.memory_space<vmem>> -> memref<128x64xf32, #tpu.memory_space<vmem>>
        %swap3A_966 = arith.index_cast %add3A_899 : i32 to index
        %swap3A_967 = arith.constant 48 : index
        %swap3A_968 = tpu.vector_load %swap3A_965[%swap3A_966, %swap3A_967] {strides = array<i32>} : memref<128x64xf32, #tpu.memory_space<vmem>>, vector<16xf32>,
        tpu.vector_store %swap3A_965[%swap3A_966, %swap3A_967], %mul3A_961 {strides = array<i32>} : memref<128x64xf32, #tpu.memory_space<vmem>>, vector<16xf32>,
        %eq3A_969 = arith.constant 3 : i32
        %eq3A_970 = vector.broadcast %eq3A_969 : i32 to vector<16xi32>
        %eq3A_971 = arith.cmpi eq, %iota3A, %eq3A_970 : vector<16xi32>
        %select_n3A_972 = arith.select %eq3A_971, %exp3A_861, %select_n3A_953 : vector<16xi1>, vector<16xf32>
        %swap3A_973 = arith.constant 0 : i32
        %swap3A_974 = arith.constant 0 : i32
        %swap3A_975 = tpu.memref_slice %arg16[%scan3A_176, %swap3A_973, %swap3A_974] : memref<2x128x16xf32, #tpu.memory_space<vmem>> -> memref<1x128x16xf32, #tpu.memory_space<vmem>>
        %swap3A_976 = tpu.memref_squeeze %swap3A_975 : memref<1x128x16xf32, #tpu.memory_space<vmem>> -> memref<128x16xf32, #tpu.memory_space<vmem>>
        %swap3A_977 = arith.index_cast %add3A_899 : i32 to index
        %swap3A_978 = arith.constant 0 : index
        %swap3A_979 = tpu.vector_load %swap3A_976[%swap3A_977, %swap3A_978] {strides = array<i32>} : memref<128x16xf32, #tpu.memory_space<vmem>>, vector<16xf32>,
        tpu.vector_store %swap3A_976[%swap3A_977, %swap3A_978], %select_n3A_972 {strides = array<i32>} : memref<128x16xf32, #tpu.memory_space<vmem>>, vector<16xf32>,
        %add3A_980 = arith.constant 1 : i32
        %add3A_981 = arith.addi %mul3A_556, %add3A_980 : i32
        %get3A_982 = arith.constant 0 : i32
        %get3A_983 = arith.constant 0 : i32
        %get3A_984 = tpu.memref_slice %arg15[%scan3A_175, %get3A_982, %get3A_983] : memref<2x128x64xf32, #tpu.memory_space<vmem>> -> memref<1x128x64xf32, #tpu.memory_space<vmem>>
        %get3A_985 = tpu.memref_squeeze %get3A_984 : memref<1x128x64xf32, #tpu.memory_space<vmem>> -> memref<128x64xf32, #tpu.memory_space<vmem>>
        %get3A_986 = arith.index_cast %add3A_981 : i32 to index
        %get3A_987 = arith.constant 0 : index
        %get3A_988 = tpu.vector_load %get3A_985[%get3A_986, %get3A_987] {strides = array<i32>} : memref<128x64xf32, #tpu.memory_space<vmem>>, vector<16xf32>,
        %mul3A_989 = arith.mulf %get3A_988, %exp3A_864 : vector<16xf32>
        %swap3A_990 = arith.constant 0 : i32
        %swap3A_991 = arith.constant 0 : i32
        %swap3A_992 = tpu.memref_slice %arg15[%scan3A_175, %swap3A_990, %swap3A_991] : memref<2x128x64xf32, #tpu.memory_space<vmem>> -> memref<1x128x64xf32, #tpu.memory_space<vmem>>
        %swap3A_993 = tpu.memref_squeeze %swap3A_992 : memref<1x128x64xf32, #tpu.memory_space<vmem>> -> memref<128x64xf32, #tpu.memory_space<vmem>>
        %swap3A_994 = arith.index_cast %add3A_981 : i32 to index
        %swap3A_995 = arith.constant 0 : index
        %swap3A_996 = tpu.vector_load %swap3A_993[%swap3A_994, %swap3A_995] {strides = array<i32>} : memref<128x64xf32, #tpu.memory_space<vmem>>, vector<16xf32>,
        tpu.vector_store %swap3A_993[%swap3A_994, %swap3A_995], %mul3A_989 {strides = array<i32>} : memref<128x64xf32, #tpu.memory_space<vmem>>, vector<16xf32>,
        %eq3A_997 = arith.constant 0 : i32
        %eq3A_998 = vector.broadcast %eq3A_997 : i32 to vector<16xi32>
        %eq3A_999 = arith.cmpi eq, %iota3A, %eq3A_998 : vector<16xi32>
        %select_n3A_1000 = arith.select %eq3A_999, %exp3A_864, %broadcast_in_dim3A_0 : vector<16xi1>, vector<16xf32>
        %get3A_1001 = arith.constant 0 : i32
        %get3A_1002 = arith.constant 0 : i32
        %get3A_1003 = tpu.memref_slice %arg15[%scan3A_175, %get3A_1001, %get3A_1002] : memref<2x128x64xf32, #tpu.memory_space<vmem>> -> memref<1x128x64xf32, #tpu.memory_space<vmem>>
        %get3A_1004 = tpu.memref_squeeze %get3A_1003 : memref<1x128x64xf32, #tpu.memory_space<vmem>> -> memref<128x64xf32, #tpu.memory_space<vmem>>
        %get3A_1005 = arith.index_cast %add3A_981 : i32 to index
        %get3A_1006 = arith.constant 16 : index
        %get3A_1007 = tpu.vector_load %get3A_1004[%get3A_1005, %get3A_1006] {strides = array<i32>} : memref<128x64xf32, #tpu.memory_space<vmem>>, vector<16xf32>,
        %mul3A_1008 = arith.mulf %get3A_1007, %exp3A_867 : vector<16xf32>
        %swap3A_1009 = arith.constant 0 : i32
        %swap3A_1010 = arith.constant 0 : i32
        %swap3A_1011 = tpu.memref_slice %arg15[%scan3A_175, %swap3A_1009, %swap3A_1010] : memref<2x128x64xf32, #tpu.memory_space<vmem>> -> memref<1x128x64xf32, #tpu.memory_space<vmem>>
        %swap3A_1012 = tpu.memref_squeeze %swap3A_1011 : memref<1x128x64xf32, #tpu.memory_space<vmem>> -> memref<128x64xf32, #tpu.memory_space<vmem>>
        %swap3A_1013 = arith.index_cast %add3A_981 : i32 to index
        %swap3A_1014 = arith.constant 16 : index
        %swap3A_1015 = tpu.vector_load %swap3A_1012[%swap3A_1013, %swap3A_1014] {strides = array<i32>} : memref<128x64xf32, #tpu.memory_space<vmem>>, vector<16xf32>,
        tpu.vector_store %swap3A_1012[%swap3A_1013, %swap3A_1014], %mul3A_1008 {strides = array<i32>} : memref<128x64xf32, #tpu.memory_space<vmem>>, vector<16xf32>,
        %eq3A_1016 = arith.constant 1 : i32
        %eq3A_1017 = vector.broadcast %eq3A_1016 : i32 to vector<16xi32>
        %eq3A_1018 = arith.cmpi eq, %iota3A, %eq3A_1017 : vector<16xi32>
        %select_n3A_1019 = arith.select %eq3A_1018, %exp3A_867, %select_n3A_1000 : vector<16xi1>, vector<16xf32>
        %get3A_1020 = arith.constant 0 : i32
        %get3A_1021 = arith.constant 0 : i32
        %get3A_1022 = tpu.memref_slice %arg15[%scan3A_175, %get3A_1020, %get3A_1021] : memref<2x128x64xf32, #tpu.memory_space<vmem>> -> memref<1x128x64xf32, #tpu.memory_space<vmem>>
        %get3A_1023 = tpu.memref_squeeze %get3A_1022 : memref<1x128x64xf32, #tpu.memory_space<vmem>> -> memref<128x64xf32, #tpu.memory_space<vmem>>
        %get3A_1024 = arith.index_cast %add3A_981 : i32 to index
        %get3A_1025 = arith.constant 32 : index
        %get3A_1026 = tpu.vector_load %get3A_1023[%get3A_1024, %get3A_1025] {strides = array<i32>} : memref<128x64xf32, #tpu.memory_space<vmem>>, vector<16xf32>,
        %mul3A_1027 = arith.mulf %get3A_1026, %exp3A_870 : vector<16xf32>
        %swap3A_1028 = arith.constant 0 : i32
        %swap3A_1029 = arith.constant 0 : i32
        %swap3A_1030 = tpu.memref_slice %arg15[%scan3A_175, %swap3A_1028, %swap3A_1029] : memref<2x128x64xf32, #tpu.memory_space<vmem>> -> memref<1x128x64xf32, #tpu.memory_space<vmem>>
        %swap3A_1031 = tpu.memref_squeeze %swap3A_1030 : memref<1x128x64xf32, #tpu.memory_space<vmem>> -> memref<128x64xf32, #tpu.memory_space<vmem>>
        %swap3A_1032 = arith.index_cast %add3A_981 : i32 to index
        %swap3A_1033 = arith.constant 32 : index
        %swap3A_1034 = tpu.vector_load %swap3A_1031[%swap3A_1032, %swap3A_1033] {strides = array<i32>} : memref<128x64xf32, #tpu.memory_space<vmem>>, vector<16xf32>,
        tpu.vector_store %swap3A_1031[%swap3A_1032, %swap3A_1033], %mul3A_1027 {strides = array<i32>} : memref<128x64xf32, #tpu.memory_space<vmem>>, vector<16xf32>,
        %eq3A_1035 = arith.constant 2 : i32
        %eq3A_1036 = vector.broadcast %eq3A_1035 : i32 to vector<16xi32>
        %eq3A_1037 = arith.cmpi eq, %iota3A, %eq3A_1036 : vector<16xi32>
        %select_n3A_1038 = arith.select %eq3A_1037, %exp3A_870, %select_n3A_1019 : vector<16xi1>, vector<16xf32>
        %get3A_1039 = arith.constant 0 : i32
        %get3A_1040 = arith.constant 0 : i32
        %get3A_1041 = tpu.memref_slice %arg15[%scan3A_175, %get3A_1039, %get3A_1040] : memref<2x128x64xf32, #tpu.memory_space<vmem>> -> memref<1x128x64xf32, #tpu.memory_space<vmem>>
        %get3A_1042 = tpu.memref_squeeze %get3A_1041 : memref<1x128x64xf32, #tpu.memory_space<vmem>> -> memref<128x64xf32, #tpu.memory_space<vmem>>
        %get3A_1043 = arith.index_cast %add3A_981 : i32 to index
        %get3A_1044 = arith.constant 48 : index
        %get3A_1045 = tpu.vector_load %get3A_1042[%get3A_1043, %get3A_1044] {strides = array<i32>} : memref<128x64xf32, #tpu.memory_space<vmem>>, vector<16xf32>,
        %mul3A_1046 = arith.mulf %get3A_1045, %exp3A_873 : vector<16xf32>
        %swap3A_1047 = arith.constant 0 : i32
        %swap3A_1048 = arith.constant 0 : i32
        %swap3A_1049 = tpu.memref_slice %arg15[%scan3A_175, %swap3A_1047, %swap3A_1048] : memref<2x128x64xf32, #tpu.memory_space<vmem>> -> memref<1x128x64xf32, #tpu.memory_space<vmem>>
        %swap3A_1050 = tpu.memref_squeeze %swap3A_1049 : memref<1x128x64xf32, #tpu.memory_space<vmem>> -> memref<128x64xf32, #tpu.memory_space<vmem>>
        %swap3A_1051 = arith.index_cast %add3A_981 : i32 to index
        %swap3A_1052 = arith.constant 48 : index
        %swap3A_1053 = tpu.vector_load %swap3A_1050[%swap3A_1051, %swap3A_1052] {strides = array<i32>} : memref<128x64xf32, #tpu.memory_space<vmem>>, vector<16xf32>,
        tpu.vector_store %swap3A_1050[%swap3A_1051, %swap3A_1052], %mul3A_1046 {strides = array<i32>} : memref<128x64xf32, #tpu.memory_space<vmem>>, vector<16xf32>,
        %eq3A_1054 = arith.constant 3 : i32
        %eq3A_1055 = vector.broadcast %eq3A_1054 : i32 to vector<16xi32>
        %eq3A_1056 = arith.cmpi eq, %iota3A, %eq3A_1055 : vector<16xi32>
        %select_n3A_1057 = arith.select %eq3A_1056, %exp3A_873, %select_n3A_1038 : vector<16xi1>, vector<16xf32>
        %swap3A_1058 = arith.constant 0 : i32
        %swap3A_1059 = arith.constant 0 : i32
        %swap3A_1060 = tpu.memref_slice %arg16[%scan3A_176, %swap3A_1058, %swap3A_1059] : memref<2x128x16xf32, #tpu.memory_space<vmem>> -> memref<1x128x16xf32, #tpu.memory_space<vmem>>
        %swap3A_1061 = tpu.memref_squeeze %swap3A_1060 : memref<1x128x16xf32, #tpu.memory_space<vmem>> -> memref<128x16xf32, #tpu.memory_space<vmem>>
        %swap3A_1062 = arith.index_cast %add3A_981 : i32 to index
        %swap3A_1063 = arith.constant 0 : index
        %swap3A_1064 = tpu.vector_load %swap3A_1061[%swap3A_1062, %swap3A_1063] {strides = array<i32>} : memref<128x16xf32, #tpu.memory_space<vmem>>, vector<16xf32>,
        tpu.vector_store %swap3A_1061[%swap3A_1062, %swap3A_1063], %select_n3A_1057 {strides = array<i32>} : memref<128x16xf32, #tpu.memory_space<vmem>>, vector<16xf32>,
        %add3A_1065 = arith.constant 2 : i32
        %add3A_1066 = arith.addi %mul3A_556, %add3A_1065 : i32
        %get3A_1067 = arith.constant 0 : i32
        %get3A_1068 = arith.constant 0 : i32
        %get3A_1069 = tpu.memref_slice %arg15[%scan3A_175, %get3A_1067, %get3A_1068] : memref<2x128x64xf32, #tpu.memory_space<vmem>> -> memref<1x128x64xf32, #tpu.memory_space<vmem>>
        %get3A_1070 = tpu.memref_squeeze %get3A_1069 : memref<1x128x64xf32, #tpu.memory_space<vmem>> -> memref<128x64xf32, #tpu.memory_space<vmem>>
        %get3A_1071 = arith.index_cast %add3A_1066 : i32 to index
        %get3A_1072 = arith.constant 0 : index
        %get3A_1073 = tpu.vector_load %get3A_1070[%get3A_1071, %get3A_1072] {strides = array<i32>} : memref<128x64xf32, #tpu.memory_space<vmem>>, vector<16xf32>,
        %mul3A_1074 = arith.mulf %get3A_1073, %exp3A_876 : vector<16xf32>
        %swap3A_1075 = arith.constant 0 : i32
        %swap3A_1076 = arith.constant 0 : i32
        %swap3A_1077 = tpu.memref_slice %arg15[%scan3A_175, %swap3A_1075, %swap3A_1076] : memref<2x128x64xf32, #tpu.memory_space<vmem>> -> memref<1x128x64xf32, #tpu.memory_space<vmem>>
        %swap3A_1078 = tpu.memref_squeeze %swap3A_1077 : memref<1x128x64xf32, #tpu.memory_space<vmem>> -> memref<128x64xf32, #tpu.memory_space<vmem>>
        %swap3A_1079 = arith.index_cast %add3A_1066 : i32 to index
        %swap3A_1080 = arith.constant 0 : index
        %swap3A_1081 = tpu.vector_load %swap3A_1078[%swap3A_1079, %swap3A_1080] {strides = array<i32>} : memref<128x64xf32, #tpu.memory_space<vmem>>, vector<16xf32>,
        tpu.vector_store %swap3A_1078[%swap3A_1079, %swap3A_1080], %mul3A_1074 {strides = array<i32>} : memref<128x64xf32, #tpu.memory_space<vmem>>, vector<16xf32>,
        %eq3A_1082 = arith.constant 0 : i32
        %eq3A_1083 = vector.broadcast %eq3A_1082 : i32 to vector<16xi32>
        %eq3A_1084 = arith.cmpi eq, %iota3A, %eq3A_1083 : vector<16xi32>
        %select_n3A_1085 = arith.select %eq3A_1084, %exp3A_876, %broadcast_in_dim3A_0 : vector<16xi1>, vector<16xf32>
        %get3A_1086 = arith.constant 0 : i32
        %get3A_1087 = arith.constant 0 : i32
        %get3A_1088 = tpu.memref_slice %arg15[%scan3A_175, %get3A_1086, %get3A_1087] : memref<2x128x64xf32, #tpu.memory_space<vmem>> -> memref<1x128x64xf32, #tpu.memory_space<vmem>>
        %get3A_1089 = tpu.memref_squeeze %get3A_1088 : memref<1x128x64xf32, #tpu.memory_space<vmem>> -> memref<128x64xf32, #tpu.memory_space<vmem>>
        %get3A_1090 = arith.index_cast %add3A_1066 : i32 to index
        %get3A_1091 = arith.constant 16 : index
        %get3A_1092 = tpu.vector_load %get3A_1089[%get3A_1090, %get3A_1091] {strides = array<i32>} : memref<128x64xf32, #tpu.memory_space<vmem>>, vector<16xf32>,
        %mul3A_1093 = arith.mulf %get3A_1092, %exp3A_879 : vector<16xf32>
        %swap3A_1094 = arith.constant 0 : i32
        %swap3A_1095 = arith.constant 0 : i32
        %swap3A_1096 = tpu.memref_slice %arg15[%scan3A_175, %swap3A_1094, %swap3A_1095] : memref<2x128x64xf32, #tpu.memory_space<vmem>> -> memref<1x128x64xf32, #tpu.memory_space<vmem>>
        %swap3A_1097 = tpu.memref_squeeze %swap3A_1096 : memref<1x128x64xf32, #tpu.memory_space<vmem>> -> memref<128x64xf32, #tpu.memory_space<vmem>>
        %swap3A_1098 = arith.index_cast %add3A_1066 : i32 to index
        %swap3A_1099 = arith.constant 16 : index
        %swap3A_1100 = tpu.vector_load %swap3A_1097[%swap3A_1098, %swap3A_1099] {strides = array<i32>} : memref<128x64xf32, #tpu.memory_space<vmem>>, vector<16xf32>,
        tpu.vector_store %swap3A_1097[%swap3A_1098, %swap3A_1099], %mul3A_1093 {strides = array<i32>} : memref<128x64xf32, #tpu.memory_space<vmem>>, vector<16xf32>,
        %eq3A_1101 = arith.constant 1 : i32
        %eq3A_1102 = vector.broadcast %eq3A_1101 : i32 to vector<16xi32>
        %eq3A_1103 = arith.cmpi eq, %iota3A, %eq3A_1102 : vector<16xi32>
        %select_n3A_1104 = arith.select %eq3A_1103, %exp3A_879, %select_n3A_1085 : vector<16xi1>, vector<16xf32>
        %get3A_1105 = arith.constant 0 : i32
        %get3A_1106 = arith.constant 0 : i32
        %get3A_1107 = tpu.memref_slice %arg15[%scan3A_175, %get3A_1105, %get3A_1106] : memref<2x128x64xf32, #tpu.memory_space<vmem>> -> memref<1x128x64xf32, #tpu.memory_space<vmem>>
        %get3A_1108 = tpu.memref_squeeze %get3A_1107 : memref<1x128x64xf32, #tpu.memory_space<vmem>> -> memref<128x64xf32, #tpu.memory_space<vmem>>
        %get3A_1109 = arith.index_cast %add3A_1066 : i32 to index
        %get3A_1110 = arith.constant 32 : index
        %get3A_1111 = tpu.vector_load %get3A_1108[%get3A_1109, %get3A_1110] {strides = array<i32>} : memref<128x64xf32, #tpu.memory_space<vmem>>, vector<16xf32>,
        %mul3A_1112 = arith.mulf %get3A_1111, %exp3A_882 : vector<16xf32>
        %swap3A_1113 = arith.constant 0 : i32
        %swap3A_1114 = arith.constant 0 : i32
        %swap3A_1115 = tpu.memref_slice %arg15[%scan3A_175, %swap3A_1113, %swap3A_1114] : memref<2x128x64xf32, #tpu.memory_space<vmem>> -> memref<1x128x64xf32, #tpu.memory_space<vmem>>
        %swap3A_1116 = tpu.memref_squeeze %swap3A_1115 : memref<1x128x64xf32, #tpu.memory_space<vmem>> -> memref<128x64xf32, #tpu.memory_space<vmem>>
        %swap3A_1117 = arith.index_cast %add3A_1066 : i32 to index
        %swap3A_1118 = arith.constant 32 : index
        %swap3A_1119 = tpu.vector_load %swap3A_1116[%swap3A_1117, %swap3A_1118] {strides = array<i32>} : memref<128x64xf32, #tpu.memory_space<vmem>>, vector<16xf32>,
        tpu.vector_store %swap3A_1116[%swap3A_1117, %swap3A_1118], %mul3A_1112 {strides = array<i32>} : memref<128x64xf32, #tpu.memory_space<vmem>>, vector<16xf32>,
        %eq3A_1120 = arith.constant 2 : i32
        %eq3A_1121 = vector.broadcast %eq3A_1120 : i32 to vector<16xi32>
        %eq3A_1122 = arith.cmpi eq, %iota3A, %eq3A_1121 : vector<16xi32>
        %select_n3A_1123 = arith.select %eq3A_1122, %exp3A_882, %select_n3A_1104 : vector<16xi1>, vector<16xf32>
        %get3A_1124 = arith.constant 0 : i32
        %get3A_1125 = arith.constant 0 : i32
        %get3A_1126 = tpu.memref_slice %arg15[%scan3A_175, %get3A_1124, %get3A_1125] : memref<2x128x64xf32, #tpu.memory_space<vmem>> -> memref<1x128x64xf32, #tpu.memory_space<vmem>>
        %get3A_1127 = tpu.memref_squeeze %get3A_1126 : memref<1x128x64xf32, #tpu.memory_space<vmem>> -> memref<128x64xf32, #tpu.memory_space<vmem>>
        %get3A_1128 = arith.index_cast %add3A_1066 : i32 to index
        %get3A_1129 = arith.constant 48 : index
        %get3A_1130 = tpu.vector_load %get3A_1127[%get3A_1128, %get3A_1129] {strides = array<i32>} : memref<128x64xf32, #tpu.memory_space<vmem>>, vector<16xf32>,
        %mul3A_1131 = arith.mulf %get3A_1130, %exp3A_885 : vector<16xf32>
        %swap3A_1132 = arith.constant 0 : i32
        %swap3A_1133 = arith.constant 0 : i32
        %swap3A_1134 = tpu.memref_slice %arg15[%scan3A_175, %swap3A_1132, %swap3A_1133] : memref<2x128x64xf32, #tpu.memory_space<vmem>> -> memref<1x128x64xf32, #tpu.memory_space<vmem>>
        %swap3A_1135 = tpu.memref_squeeze %swap3A_1134 : memref<1x128x64xf32, #tpu.memory_space<vmem>> -> memref<128x64xf32, #tpu.memory_space<vmem>>
        %swap3A_1136 = arith.index_cast %add3A_1066 : i32 to index
        %swap3A_1137 = arith.constant 48 : index
        %swap3A_1138 = tpu.vector_load %swap3A_1135[%swap3A_1136, %swap3A_1137] {strides = array<i32>} : memref<128x64xf32, #tpu.memory_space<vmem>>, vector<16xf32>,
        tpu.vector_store %swap3A_1135[%swap3A_1136, %swap3A_1137], %mul3A_1131 {strides = array<i32>} : memref<128x64xf32, #tpu.memory_space<vmem>>, vector<16xf32>,
        %eq3A_1139 = arith.constant 3 : i32
        %eq3A_1140 = vector.broadcast %eq3A_1139 : i32 to vector<16xi32>
        %eq3A_1141 = arith.cmpi eq, %iota3A, %eq3A_1140 : vector<16xi32>
        %select_n3A_1142 = arith.select %eq3A_1141, %exp3A_885, %select_n3A_1123 : vector<16xi1>, vector<16xf32>
        %swap3A_1143 = arith.constant 0 : i32
        %swap3A_1144 = arith.constant 0 : i32
        %swap3A_1145 = tpu.memref_slice %arg16[%scan3A_176, %swap3A_1143, %swap3A_1144] : memref<2x128x16xf32, #tpu.memory_space<vmem>> -> memref<1x128x16xf32, #tpu.memory_space<vmem>>
        %swap3A_1146 = tpu.memref_squeeze %swap3A_1145 : memref<1x128x16xf32, #tpu.memory_space<vmem>> -> memref<128x16xf32, #tpu.memory_space<vmem>>
        %swap3A_1147 = arith.index_cast %add3A_1066 : i32 to index
        %swap3A_1148 = arith.constant 0 : index
        %swap3A_1149 = tpu.vector_load %swap3A_1146[%swap3A_1147, %swap3A_1148] {strides = array<i32>} : memref<128x16xf32, #tpu.memory_space<vmem>>, vector<16xf32>,
        tpu.vector_store %swap3A_1146[%swap3A_1147, %swap3A_1148], %select_n3A_1142 {strides = array<i32>} : memref<128x16xf32, #tpu.memory_space<vmem>>, vector<16xf32>,
        %add3A_1150 = arith.constant 3 : i32
        %add3A_1151 = arith.addi %mul3A_556, %add3A_1150 : i32
        %get3A_1152 = arith.constant 0 : i32
        %get3A_1153 = arith.constant 0 : i32
        %get3A_1154 = tpu.memref_slice %arg15[%scan3A_175, %get3A_1152, %get3A_1153] : memref<2x128x64xf32, #tpu.memory_space<vmem>> -> memref<1x128x64xf32, #tpu.memory_space<vmem>>
        %get3A_1155 = tpu.memref_squeeze %get3A_1154 : memref<1x128x64xf32, #tpu.memory_space<vmem>> -> memref<128x64xf32, #tpu.memory_space<vmem>>
        %get3A_1156 = arith.index_cast %add3A_1151 : i32 to index
        %get3A_1157 = arith.constant 0 : index
        %get3A_1158 = tpu.vector_load %get3A_1155[%get3A_1156, %get3A_1157] {strides = array<i32>} : memref<128x64xf32, #tpu.memory_space<vmem>>, vector<16xf32>,
        %mul3A_1159 = arith.mulf %get3A_1158, %exp3A_888 : vector<16xf32>
        %swap3A_1160 = arith.constant 0 : i32
        %swap3A_1161 = arith.constant 0 : i32
        %swap3A_1162 = tpu.memref_slice %arg15[%scan3A_175, %swap3A_1160, %swap3A_1161] : memref<2x128x64xf32, #tpu.memory_space<vmem>> -> memref<1x128x64xf32, #tpu.memory_space<vmem>>
        %swap3A_1163 = tpu.memref_squeeze %swap3A_1162 : memref<1x128x64xf32, #tpu.memory_space<vmem>> -> memref<128x64xf32, #tpu.memory_space<vmem>>
        %swap3A_1164 = arith.index_cast %add3A_1151 : i32 to index
        %swap3A_1165 = arith.constant 0 : index
        %swap3A_1166 = tpu.vector_load %swap3A_1163[%swap3A_1164, %swap3A_1165] {strides = array<i32>} : memref<128x64xf32, #tpu.memory_space<vmem>>, vector<16xf32>,
        tpu.vector_store %swap3A_1163[%swap3A_1164, %swap3A_1165], %mul3A_1159 {strides = array<i32>} : memref<128x64xf32, #tpu.memory_space<vmem>>, vector<16xf32>,
        %eq3A_1167 = arith.constant 0 : i32
        %eq3A_1168 = vector.broadcast %eq3A_1167 : i32 to vector<16xi32>
        %eq3A_1169 = arith.cmpi eq, %iota3A, %eq3A_1168 : vector<16xi32>
        %select_n3A_1170 = arith.select %eq3A_1169, %exp3A_888, %broadcast_in_dim3A_0 : vector<16xi1>, vector<16xf32>
        %get3A_1171 = arith.constant 0 : i32
        %get3A_1172 = arith.constant 0 : i32
        %get3A_1173 = tpu.memref_slice %arg15[%scan3A_175, %get3A_1171, %get3A_1172] : memref<2x128x64xf32, #tpu.memory_space<vmem>> -> memref<1x128x64xf32, #tpu.memory_space<vmem>>
        %get3A_1174 = tpu.memref_squeeze %get3A_1173 : memref<1x128x64xf32, #tpu.memory_space<vmem>> -> memref<128x64xf32, #tpu.memory_space<vmem>>
        %get3A_1175 = arith.index_cast %add3A_1151 : i32 to index
        %get3A_1176 = arith.constant 16 : index
        %get3A_1177 = tpu.vector_load %get3A_1174[%get3A_1175, %get3A_1176] {strides = array<i32>} : memref<128x64xf32, #tpu.memory_space<vmem>>, vector<16xf32>,
        %mul3A_1178 = arith.mulf %get3A_1177, %exp3A_891 : vector<16xf32>
        %swap3A_1179 = arith.constant 0 : i32
        %swap3A_1180 = arith.constant 0 : i32
        %swap3A_1181 = tpu.memref_slice %arg15[%scan3A_175, %swap3A_1179, %swap3A_1180] : memref<2x128x64xf32, #tpu.memory_space<vmem>> -> memref<1x128x64xf32, #tpu.memory_space<vmem>>
        %swap3A_1182 = tpu.memref_squeeze %swap3A_1181 : memref<1x128x64xf32, #tpu.memory_space<vmem>> -> memref<128x64xf32, #tpu.memory_space<vmem>>
        %swap3A_1183 = arith.index_cast %add3A_1151 : i32 to index
        %swap3A_1184 = arith.constant 16 : index
        %swap3A_1185 = tpu.vector_load %swap3A_1182[%swap3A_1183, %swap3A_1184] {strides = array<i32>} : memref<128x64xf32, #tpu.memory_space<vmem>>, vector<16xf32>,
        tpu.vector_store %swap3A_1182[%swap3A_1183, %swap3A_1184], %mul3A_1178 {strides = array<i32>} : memref<128x64xf32, #tpu.memory_space<vmem>>, vector<16xf32>,
        %eq3A_1186 = arith.constant 1 : i32
        %eq3A_1187 = vector.broadcast %eq3A_1186 : i32 to vector<16xi32>
        %eq3A_1188 = arith.cmpi eq, %iota3A, %eq3A_1187 : vector<16xi32>
        %select_n3A_1189 = arith.select %eq3A_1188, %exp3A_891, %select_n3A_1170 : vector<16xi1>, vector<16xf32>
        %get3A_1190 = arith.constant 0 : i32
        %get3A_1191 = arith.constant 0 : i32
        %get3A_1192 = tpu.memref_slice %arg15[%scan3A_175, %get3A_1190, %get3A_1191] : memref<2x128x64xf32, #tpu.memory_space<vmem>> -> memref<1x128x64xf32, #tpu.memory_space<vmem>>
        %get3A_1193 = tpu.memref_squeeze %get3A_1192 : memref<1x128x64xf32, #tpu.memory_space<vmem>> -> memref<128x64xf32, #tpu.memory_space<vmem>>
        %get3A_1194 = arith.index_cast %add3A_1151 : i32 to index
        %get3A_1195 = arith.constant 32 : index
        %get3A_1196 = tpu.vector_load %get3A_1193[%get3A_1194, %get3A_1195] {strides = array<i32>} : memref<128x64xf32, #tpu.memory_space<vmem>>, vector<16xf32>,
        %mul3A_1197 = arith.mulf %get3A_1196, %exp3A_894 : vector<16xf32>
        %swap3A_1198 = arith.constant 0 : i32
        %swap3A_1199 = arith.constant 0 : i32
        %swap3A_1200 = tpu.memref_slice %arg15[%scan3A_175, %swap3A_1198, %swap3A_1199] : memref<2x128x64xf32, #tpu.memory_space<vmem>> -> memref<1x128x64xf32, #tpu.memory_space<vmem>>
        %swap3A_1201 = tpu.memref_squeeze %swap3A_1200 : memref<1x128x64xf32, #tpu.memory_space<vmem>> -> memref<128x64xf32, #tpu.memory_space<vmem>>
        %swap3A_1202 = arith.index_cast %add3A_1151 : i32 to index
        %swap3A_1203 = arith.constant 32 : index
        %swap3A_1204 = tpu.vector_load %swap3A_1201[%swap3A_1202, %swap3A_1203] {strides = array<i32>} : memref<128x64xf32, #tpu.memory_space<vmem>>, vector<16xf32>,
        tpu.vector_store %swap3A_1201[%swap3A_1202, %swap3A_1203], %mul3A_1197 {strides = array<i32>} : memref<128x64xf32, #tpu.memory_space<vmem>>, vector<16xf32>,
        %eq3A_1205 = arith.constant 2 : i32
        %eq3A_1206 = vector.broadcast %eq3A_1205 : i32 to vector<16xi32>
        %eq3A_1207 = arith.cmpi eq, %iota3A, %eq3A_1206 : vector<16xi32>
        %select_n3A_1208 = arith.select %eq3A_1207, %exp3A_894, %select_n3A_1189 : vector<16xi1>, vector<16xf32>
        %get3A_1209 = arith.constant 0 : i32
        %get3A_1210 = arith.constant 0 : i32
        %get3A_1211 = tpu.memref_slice %arg15[%scan3A_175, %get3A_1209, %get3A_1210] : memref<2x128x64xf32, #tpu.memory_space<vmem>> -> memref<1x128x64xf32, #tpu.memory_space<vmem>>
        %get3A_1212 = tpu.memref_squeeze %get3A_1211 : memref<1x128x64xf32, #tpu.memory_space<vmem>> -> memref<128x64xf32, #tpu.memory_space<vmem>>
        %get3A_1213 = arith.index_cast %add3A_1151 : i32 to index
        %get3A_1214 = arith.constant 48 : index
        %get3A_1215 = tpu.vector_load %get3A_1212[%get3A_1213, %get3A_1214] {strides = array<i32>} : memref<128x64xf32, #tpu.memory_space<vmem>>, vector<16xf32>,
        %mul3A_1216 = arith.mulf %get3A_1215, %exp3A_897 : vector<16xf32>
        %swap3A_1217 = arith.constant 0 : i32
        %swap3A_1218 = arith.constant 0 : i32
        %swap3A_1219 = tpu.memref_slice %arg15[%scan3A_175, %swap3A_1217, %swap3A_1218] : memref<2x128x64xf32, #tpu.memory_space<vmem>> -> memref<1x128x64xf32, #tpu.memory_space<vmem>>
        %swap3A_1220 = tpu.memref_squeeze %swap3A_1219 : memref<1x128x64xf32, #tpu.memory_space<vmem>> -> memref<128x64xf32, #tpu.memory_space<vmem>>
        %swap3A_1221 = arith.index_cast %add3A_1151 : i32 to index
        %swap3A_1222 = arith.constant 48 : index
        %swap3A_1223 = tpu.vector_load %swap3A_1220[%swap3A_1221, %swap3A_1222] {strides = array<i32>} : memref<128x64xf32, #tpu.memory_space<vmem>>, vector<16xf32>,
        tpu.vector_store %swap3A_1220[%swap3A_1221, %swap3A_1222], %mul3A_1216 {strides = array<i32>} : memref<128x64xf32, #tpu.memory_space<vmem>>, vector<16xf32>,
        %eq3A_1224 = arith.constant 3 : i32
        %eq3A_1225 = vector.broadcast %eq3A_1224 : i32 to vector<16xi32>
        %eq3A_1226 = arith.cmpi eq, %iota3A, %eq3A_1225 : vector<16xi32>
        %select_n3A_1227 = arith.select %eq3A_1226, %exp3A_897, %select_n3A_1208 : vector<16xi1>, vector<16xf32>
        %swap3A_1228 = arith.constant 0 : i32
        %swap3A_1229 = arith.constant 0 : i32
        %swap3A_1230 = tpu.memref_slice %arg16[%scan3A_176, %swap3A_1228, %swap3A_1229] : memref<2x128x16xf32, #tpu.memory_space<vmem>> -> memref<1x128x16xf32, #tpu.memory_space<vmem>>
        %swap3A_1231 = tpu.memref_squeeze %swap3A_1230 : memref<1x128x16xf32, #tpu.memory_space<vmem>> -> memref<128x16xf32, #tpu.memory_space<vmem>>
        %swap3A_1232 = arith.index_cast %add3A_1151 : i32 to index
        %swap3A_1233 = arith.constant 0 : index
        %swap3A_1234 = tpu.vector_load %swap3A_1231[%swap3A_1232, %swap3A_1233] {strides = array<i32>} : memref<128x16xf32, #tpu.memory_space<vmem>>, vector<16xf32>,
        tpu.vector_store %swap3A_1231[%swap3A_1232, %swap3A_1233], %select_n3A_1227 {strides = array<i32>} : memref<128x16xf32, #tpu.memory_space<vmem>>, vector<16xf32>,
      }
      %scan3A_181 = arith.constant 32 : i32
      %dma_start3A_182 = arith.constant 0 : i32
      %dma_start3A_183 = arith.constant 0 : i32
      %dma_start3A_184 = arith.constant 0 : i32
      %dma_start3A_185 = arith.constant 0 : i32
      %dma_start3A_186 = tpu.memref_slice %arg16[%dma_start3A_182, %dma_start3A_184, %dma_start3A_185] : memref<2x128x16xf32, #tpu.memory_space<vmem>> -> memref<1x128x16xf32, #tpu.memory_space<vmem>>
      %dma_start3A_187 = tpu.memref_squeeze %dma_start3A_186 : memref<1x128x16xf32, #tpu.memory_space<vmem>> -> memref<128x16xf32, #tpu.memory_space<vmem>>
      %dma_start3A_188 = arith.constant 0 : i32
      %dma_start3A_189 = tpu.memref_slice %arg11[%dma_start3A_183, %dma_start3A_188] : memref<4x128xi32, #tpu.memory_space<vmem>> -> memref<1x128xi32, #tpu.memory_space<vmem>>
      %dma_start3A_190 = tpu.memref_squeeze %dma_start3A_189 : memref<1x128xi32, #tpu.memory_space<vmem>> -> memref<128xi32, #tpu.memory_space<vmem>>
      %dma_start3A_191 = arith.constant 0 : i32
      %dma_start3A_192 = arith.constant 0 : i32
      %dma_start3A_193 = tpu.memref_slice %arg19[%dma_start3A_191, %dma_start3A_192] : memref<10240x16xf32, #tpu.memory_space<vmem_shared>> -> memref<10240x16xf32, #tpu.memory_space<vmem_shared>>
      tpu.enqueue_indirect_dma source(%dma_start3A_187 : memref<128x16xf32, #tpu.memory_space<vmem>>) target(%dma_start3A_193 : memref<10240x16xf32, #tpu.memory_space<vmem_shared>>) offsets(%dma_start3A_190 : memref<128xi32, #tpu.memory_space<vmem>>) semaphore(%arg26 : memref<!tpu.dma_semaphore, #tpu.memory_space<semaphore_mem>>) {add = true}
      %dma_start3A_194 = arith.constant 0 : i32
      %dma_start3A_195 = arith.constant 0 : i32
      %dma_start3A_196 = arith.constant 0 : i32
      %dma_start3A_197 = arith.constant 0 : i32
      %dma_start3A_198 = tpu.memref_slice %arg15[%dma_start3A_194, %dma_start3A_196, %dma_start3A_197] : memref<2x128x64xf32, #tpu.memory_space<vmem>> -> memref<1x128x64xf32, #tpu.memory_space<vmem>>
      %dma_start3A_199 = tpu.memref_squeeze %dma_start3A_198 : memref<1x128x64xf32, #tpu.memory_space<vmem>> -> memref<128x64xf32, #tpu.memory_space<vmem>>
      %dma_start3A_200 = arith.constant 0 : i32
      %dma_start3A_201 = tpu.memref_slice %arg11[%dma_start3A_195, %dma_start3A_200] : memref<4x128xi32, #tpu.memory_space<vmem>> -> memref<1x128xi32, #tpu.memory_space<vmem>>
      %dma_start3A_202 = tpu.memref_squeeze %dma_start3A_201 : memref<1x128xi32, #tpu.memory_space<vmem>> -> memref<128xi32, #tpu.memory_space<vmem>>
      %dma_start3A_203 = arith.constant 0 : i32
      %dma_start3A_204 = arith.constant 0 : i32
      %dma_start3A_205 = tpu.memref_slice %arg18[%dma_start3A_203, %dma_start3A_204] : memref<10240x64xf32, #tpu.memory_space<vmem_shared>> -> memref<10240x64xf32, #tpu.memory_space<vmem_shared>>
      tpu.enqueue_indirect_dma source(%dma_start3A_199 : memref<128x64xf32, #tpu.memory_space<vmem>>) target(%dma_start3A_205 : memref<10240x64xf32, #tpu.memory_space<vmem_shared>>) offsets(%dma_start3A_202 : memref<128xi32, #tpu.memory_space<vmem>>) semaphore(%arg26 : memref<!tpu.dma_semaphore, #tpu.memory_space<semaphore_mem>>) {add = true}
      %mul3A_206 = arith.constant 4 : i32
      %mul3A_207 = arith.muli %mul3A_206, %scan3A_95 : i32
      %add3A_208 = arith.constant 1 : i32
      %add3A_209 = arith.addi %mul3A_207, %add3A_208 : i32
      %dma_wait3A_210 = arith.constant 1 : i32
      %dma_wait3A_211 = arith.constant 1 : i32
      %dma_wait3A_212 = arith.constant 0 : i32
      %dma_wait3A_213 = arith.constant 0 : i32
      %dma_wait3A_214 = tpu.memref_slice %arg13[%dma_wait3A_211, %dma_wait3A_212, %dma_wait3A_213] : memref<2x128x64xf32, #tpu.memory_space<vmem>> -> memref<1x128x64xf32, #tpu.memory_space<vmem>>
      %dma_wait3A_215 = tpu.memref_squeeze %dma_wait3A_214 : memref<1x128x64xf32, #tpu.memory_space<vmem>> -> memref<128x64xf32, #tpu.memory_space<vmem>>
      %dma_wait3A_216 = arith.constant 0 : i32
      %dma_wait3A_217 = tpu.memref_slice %arg11[%dma_wait3A_210, %dma_wait3A_216] : memref<4x128xi32, #tpu.memory_space<vmem>> -> memref<1x128xi32, #tpu.memory_space<vmem>>
      %dma_wait3A_218 = tpu.memref_squeeze %dma_wait3A_217 : memref<1x128xi32, #tpu.memory_space<vmem>> -> memref<128xi32, #tpu.memory_space<vmem>>
      %dma_wait3A_219 = arith.constant 0 : i32
      %dma_wait3A_220 = arith.constant 0 : i32
      %dma_wait3A_221 = tpu.memref_slice %arg2[%arg0, %dma_wait3A_219, %dma_wait3A_220] : memref<2x10240x64xf32, #tpu.memory_space<hbm>> -> memref<1x10240x64xf32, #tpu.memory_space<hbm>>
      %dma_wait3A_222 = tpu.memref_squeeze %dma_wait3A_221 : memref<1x10240x64xf32, #tpu.memory_space<hbm>> -> memref<10240x64xf32, #tpu.memory_space<hbm>>
      %dma_wait3A_223 = arith.constant 0 : i32
      %dma_wait3A_224 = arith.constant 0 : i32
      %dma_wait3A_225 = tpu.memref_slice %dma_wait3A_222[%dma_wait3A_223, %dma_wait3A_224] : memref<10240x64xf32, #tpu.memory_space<hbm>> -> memref<10240x64xf32, #tpu.memory_space<hbm>>
      tpu.wait_indirect_dma semaphore(%arg21 : memref<!tpu.dma_semaphore, #tpu.memory_space<semaphore_mem>>) src(%dma_wait3A_225 : memref<10240x64xf32, #tpu.memory_space<hbm>>) dst(%dma_wait3A_215 : memref<128x64xf32, #tpu.memory_space<vmem>>)
      %dma_wait3A_226 = arith.constant 1 : i32
      %dma_wait3A_227 = arith.constant 1 : i32
      %dma_wait3A_228 = arith.constant 0 : i32
      %dma_wait3A_229 = arith.constant 0 : i32
      %dma_wait3A_230 = tpu.memref_slice %arg14[%dma_wait3A_227, %dma_wait3A_228, %dma_wait3A_229] : memref<2x128x64xf32, #tpu.memory_space<vmem>> -> memref<1x128x64xf32, #tpu.memory_space<vmem>>
      %dma_wait3A_231 = tpu.memref_squeeze %dma_wait3A_230 : memref<1x128x64xf32, #tpu.memory_space<vmem>> -> memref<128x64xf32, #tpu.memory_space<vmem>>
      %dma_wait3A_232 = arith.constant 0 : i32
      %dma_wait3A_233 = tpu.memref_slice %arg12[%dma_wait3A_226, %dma_wait3A_232] : memref<4x128xi32, #tpu.memory_space<vmem>> -> memref<1x128xi32, #tpu.memory_space<vmem>>
      %dma_wait3A_234 = tpu.memref_squeeze %dma_wait3A_233 : memref<1x128xi32, #tpu.memory_space<vmem>> -> memref<128xi32, #tpu.memory_space<vmem>>
      %dma_wait3A_235 = arith.constant 0 : i32
      %dma_wait3A_236 = arith.constant 0 : i32
      %dma_wait3A_237 = tpu.memref_slice %arg3[%arg0, %dma_wait3A_235, %dma_wait3A_236] : memref<2x10240x64xf32, #tpu.memory_space<hbm>> -> memref<1x10240x64xf32, #tpu.memory_space<hbm>>
      %dma_wait3A_238 = tpu.memref_squeeze %dma_wait3A_237 : memref<1x10240x64xf32, #tpu.memory_space<hbm>> -> memref<10240x64xf32, #tpu.memory_space<hbm>>
      %dma_wait3A_239 = arith.constant 0 : i32
      %dma_wait3A_240 = arith.constant 0 : i32
      %dma_wait3A_241 = tpu.memref_slice %dma_wait3A_238[%dma_wait3A_239, %dma_wait3A_240] : memref<10240x64xf32, #tpu.memory_space<hbm>> -> memref<10240x64xf32, #tpu.memory_space<hbm>>
      tpu.wait_indirect_dma semaphore(%arg21 : memref<!tpu.dma_semaphore, #tpu.memory_space<semaphore_mem>>) src(%dma_wait3A_241 : memref<10240x64xf32, #tpu.memory_space<hbm>>) dst(%dma_wait3A_231 : memref<128x64xf32, #tpu.memory_space<vmem>>)
      %dma_wait3A_242 = arith.constant 1 : i32
      %dma_wait3A_243 = arith.constant 1 : i32
      %dma_wait3A_244 = arith.constant 0 : i32
      %dma_wait3A_245 = arith.constant 0 : i32
      %dma_wait3A_246 = tpu.memref_slice %arg15[%dma_wait3A_243, %dma_wait3A_244, %dma_wait3A_245] : memref<2x128x64xf32, #tpu.memory_space<vmem>> -> memref<1x128x64xf32, #tpu.memory_space<vmem>>
      %dma_wait3A_247 = tpu.memref_squeeze %dma_wait3A_246 : memref<1x128x64xf32, #tpu.memory_space<vmem>> -> memref<128x64xf32, #tpu.memory_space<vmem>>
      %dma_wait3A_248 = arith.constant 0 : i32
      %dma_wait3A_249 = tpu.memref_slice %arg12[%dma_wait3A_242, %dma_wait3A_248] : memref<4x128xi32, #tpu.memory_space<vmem>> -> memref<1x128xi32, #tpu.memory_space<vmem>>
      %dma_wait3A_250 = tpu.memref_squeeze %dma_wait3A_249 : memref<1x128xi32, #tpu.memory_space<vmem>> -> memref<128xi32, #tpu.memory_space<vmem>>
      %dma_wait3A_251 = arith.constant 0 : i32
      %dma_wait3A_252 = arith.constant 0 : i32
      %dma_wait3A_253 = tpu.memref_slice %arg4[%arg0, %dma_wait3A_251, %dma_wait3A_252] : memref<2x10240x64xf32, #tpu.memory_space<hbm>> -> memref<1x10240x64xf32, #tpu.memory_space<hbm>>
      %dma_wait3A_254 = tpu.memref_squeeze %dma_wait3A_253 : memref<1x10240x64xf32, #tpu.memory_space<hbm>> -> memref<10240x64xf32, #tpu.memory_space<hbm>>
      %dma_wait3A_255 = arith.constant 0 : i32
      %dma_wait3A_256 = arith.constant 0 : i32
      %dma_wait3A_257 = tpu.memref_slice %dma_wait3A_254[%dma_wait3A_255, %dma_wait3A_256] : memref<10240x64xf32, #tpu.memory_space<hbm>> -> memref<10240x64xf32, #tpu.memory_space<hbm>>
      tpu.wait_indirect_dma semaphore(%arg21 : memref<!tpu.dma_semaphore, #tpu.memory_space<semaphore_mem>>) src(%dma_wait3A_257 : memref<10240x64xf32, #tpu.memory_space<hbm>>) dst(%dma_wait3A_247 : memref<128x64xf32, #tpu.memory_space<vmem>>)
      %ge3A_258 = arith.constant 1 : i32
      %ge3A_259 = arith.cmpi sge, %add3A_209, %ge3A_258 : i32
      %convert_element_type3A_260 = arith.extui %ge3A_259 : i1 to i32
      %cond3A_261 = arith.constant 0 : i32
      %cond3A_262 = arith.cmpi ne, %convert_element_type3A_260, %cond3A_261 : i32
      scf.if %cond3A_262 {
        %dma_wait3A_554 = arith.constant 0 : i32
        %dma_wait3A_555 = arith.constant 0 : i32
        %dma_wait3A_556 = arith.constant 0 : i32
        %dma_wait3A_557 = arith.constant 0 : i32
        %dma_wait3A_558 = tpu.memref_slice %arg16[%dma_wait3A_554, %dma_wait3A_556, %dma_wait3A_557] : memref<2x128x16xf32, #tpu.memory_space<vmem>> -> memref<1x128x16xf32, #tpu.memory_space<vmem>>
        %dma_wait3A_559 = tpu.memref_squeeze %dma_wait3A_558 : memref<1x128x16xf32, #tpu.memory_space<vmem>> -> memref<128x16xf32, #tpu.memory_space<vmem>>
        %dma_wait3A_560 = arith.constant 0 : i32
        %dma_wait3A_561 = tpu.memref_slice %arg11[%dma_wait3A_555, %dma_wait3A_560] : memref<4x128xi32, #tpu.memory_space<vmem>> -> memref<1x128xi32, #tpu.memory_space<vmem>>
        %dma_wait3A_562 = tpu.memref_squeeze %dma_wait3A_561 : memref<1x128xi32, #tpu.memory_space<vmem>> -> memref<128xi32, #tpu.memory_space<vmem>>
        %dma_wait3A_563 = arith.constant 0 : i32
        %dma_wait3A_564 = arith.constant 0 : i32
        %dma_wait3A_565 = tpu.memref_slice %arg19[%dma_wait3A_563, %dma_wait3A_564] : memref<10240x16xf32, #tpu.memory_space<vmem_shared>> -> memref<10240x16xf32, #tpu.memory_space<vmem_shared>>
        tpu.wait_indirect_dma semaphore(%arg26 : memref<!tpu.dma_semaphore, #tpu.memory_space<semaphore_mem>>) src(%dma_wait3A_559 : memref<128x16xf32, #tpu.memory_space<vmem>>) dst(%dma_wait3A_565 : memref<10240x16xf32, #tpu.memory_space<vmem_shared>>)
        %dma_wait3A_566 = arith.constant 0 : i32
        %dma_wait3A_567 = arith.constant 0 : i32
        %dma_wait3A_568 = arith.constant 0 : i32
        %dma_wait3A_569 = arith.constant 0 : i32
        %dma_wait3A_570 = tpu.memref_slice %arg15[%dma_wait3A_566, %dma_wait3A_568, %dma_wait3A_569] : memref<2x128x64xf32, #tpu.memory_space<vmem>> -> memref<1x128x64xf32, #tpu.memory_space<vmem>>
        %dma_wait3A_571 = tpu.memref_squeeze %dma_wait3A_570 : memref<1x128x64xf32, #tpu.memory_space<vmem>> -> memref<128x64xf32, #tpu.memory_space<vmem>>
        %dma_wait3A_572 = arith.constant 0 : i32
        %dma_wait3A_573 = tpu.memref_slice %arg11[%dma_wait3A_567, %dma_wait3A_572] : memref<4x128xi32, #tpu.memory_space<vmem>> -> memref<1x128xi32, #tpu.memory_space<vmem>>
        %dma_wait3A_574 = tpu.memref_squeeze %dma_wait3A_573 : memref<1x128xi32, #tpu.memory_space<vmem>> -> memref<128xi32, #tpu.memory_space<vmem>>
        %dma_wait3A_575 = arith.constant 0 : i32
        %dma_wait3A_576 = arith.constant 0 : i32
        %dma_wait3A_577 = tpu.memref_slice %arg18[%dma_wait3A_575, %dma_wait3A_576] : memref<10240x64xf32, #tpu.memory_space<vmem_shared>> -> memref<10240x64xf32, #tpu.memory_space<vmem_shared>>
        tpu.wait_indirect_dma semaphore(%arg26 : memref<!tpu.dma_semaphore, #tpu.memory_space<semaphore_mem>>) src(%dma_wait3A_571 : memref<128x64xf32, #tpu.memory_space<vmem>>) dst(%dma_wait3A_577 : memref<10240x64xf32, #tpu.memory_space<vmem_shared>>)
      } else {
      }
      %ge3A_263 = arith.constant 1 : i32
      %ge3A_264 = arith.cmpi sge, %add3A_209, %ge3A_263 : i32
      %add3A_265 = arith.constant 3 : i32
      %add3A_266 = arith.addi %add3A_209, %add3A_265 : i32
      %lt3A_267 = arith.constant 164 : i32
      %lt3A_268 = arith.cmpi slt, %add3A_266, %lt3A_267 : i32
      %and3A_269 = arith.andi %ge3A_264, %lt3A_268 : i1
      %convert_element_type3A_270 = arith.extui %and3A_269 : i1 to i32
      %cond3A_271 = arith.constant 0 : i32
      %cond3A_272 = arith.cmpi ne, %convert_element_type3A_270, %cond3A_271 : i32
      scf.if %cond3A_272 {
        %add3A_554 = arith.constant 3 : i32
        %add3A_555 = arith.addi %add3A_209, %add3A_554 : i32
        %dma_start3A_556 = arith.constant 0 : i32
        %dma_start3A_557 = arith.constant 0 : i32
        %dma_start3A_558 = tpu.memref_slice %arg11[%dma_start3A_556, %dma_start3A_557] : memref<4x128xi32, #tpu.memory_space<vmem>> -> memref<1x128xi32, #tpu.memory_space<vmem>>
        %dma_start3A_559 = tpu.memref_squeeze %dma_start3A_558 : memref<1x128xi32, #tpu.memory_space<vmem>> -> memref<128xi32, #tpu.memory_space<vmem>>
        %dma_start3A_560 = arith.constant 0 : i32
        %dma_start3A_561 = tpu.memref_slice %arg5[%arg1, %add3A_555, %dma_start3A_560] : memref<16x164x128xi32, #tpu.memory_space<hbm>> -> memref<1x1x128xi32, #tpu.memory_space<hbm>>
        %dma_start3A_562 = tpu.memref_squeeze %dma_start3A_561 : memref<1x1x128xi32, #tpu.memory_space<hbm>> -> memref<128xi32, #tpu.memory_space<hbm>>
        %dma_start3A_563 = arith.constant 0 : i32
        %dma_start3A_564 = tpu.memref_slice %arg11[%dma_start3A_556, %dma_start3A_563] : memref<4x128xi32, #tpu.memory_space<vmem>> -> memref<1x128xi32, #tpu.memory_space<vmem>>
        %dma_start3A_565 = tpu.memref_squeeze %dma_start3A_564 : memref<1x128xi32, #tpu.memory_space<vmem>> -> memref<128xi32, #tpu.memory_space<vmem>>
        %dma_start3A_566 = arith.constant 0 : i32
        %dma_start3A_567 = tpu.memref_slice %arg5[%arg1, %add3A_555, %dma_start3A_566] : memref<16x164x128xi32, #tpu.memory_space<hbm>> -> memref<1x1x128xi32, #tpu.memory_space<hbm>>
        %dma_start3A_568 = tpu.memref_squeeze %dma_start3A_567 : memref<1x1x128xi32, #tpu.memory_space<hbm>> -> memref<128xi32, #tpu.memory_space<hbm>>
        tpu.enqueue_dma source(%dma_start3A_568 : memref<128xi32, #tpu.memory_space<hbm>>) target(%dma_start3A_565 : memref<128xi32, #tpu.memory_space<vmem>>) target_semaphore(%arg22 : memref<!tpu.dma_semaphore, #tpu.memory_space<semaphore_mem>>)
        %add3A_569 = arith.constant 3 : i32
        %add3A_570 = arith.addi %add3A_209, %add3A_569 : i32
        %dma_start3A_571 = arith.constant 0 : i32
        %dma_start3A_572 = arith.constant 0 : i32
        %dma_start3A_573 = tpu.memref_slice %arg12[%dma_start3A_571, %dma_start3A_572] : memref<4x128xi32, #tpu.memory_space<vmem>> -> memref<1x128xi32, #tpu.memory_space<vmem>>
        %dma_start3A_574 = tpu.memref_squeeze %dma_start3A_573 : memref<1x128xi32, #tpu.memory_space<vmem>> -> memref<128xi32, #tpu.memory_space<vmem>>
        %dma_start3A_575 = arith.constant 0 : i32
        %dma_start3A_576 = tpu.memref_slice %arg6[%arg1, %add3A_570, %dma_start3A_575] : memref<16x164x128xi32, #tpu.memory_space<hbm>> -> memref<1x1x128xi32, #tpu.memory_space<hbm>>
        %dma_start3A_577 = tpu.memref_squeeze %dma_start3A_576 : memref<1x1x128xi32, #tpu.memory_space<hbm>> -> memref<128xi32, #tpu.memory_space<hbm>>
        %dma_start3A_578 = arith.constant 0 : i32
        %dma_start3A_579 = tpu.memref_slice %arg12[%dma_start3A_571, %dma_start3A_578] : memref<4x128xi32, #tpu.memory_space<vmem>> -> memref<1x128xi32, #tpu.memory_space<vmem>>
        %dma_start3A_580 = tpu.memref_squeeze %dma_start3A_579 : memref<1x128xi32, #tpu.memory_space<vmem>> -> memref<128xi32, #tpu.memory_space<vmem>>
        %dma_start3A_581 = arith.constant 0 : i32
        %dma_start3A_582 = tpu.memref_slice %arg6[%arg1, %add3A_570, %dma_start3A_581] : memref<16x164x128xi32, #tpu.memory_space<hbm>> -> memref<1x1x128xi32, #tpu.memory_space<hbm>>
        %dma_start3A_583 = tpu.memref_squeeze %dma_start3A_582 : memref<1x1x128xi32, #tpu.memory_space<hbm>> -> memref<128xi32, #tpu.memory_space<hbm>>
        tpu.enqueue_dma source(%dma_start3A_583 : memref<128xi32, #tpu.memory_space<hbm>>) target(%dma_start3A_580 : memref<128xi32, #tpu.memory_space<vmem>>) target_semaphore(%arg22 : memref<!tpu.dma_semaphore, #tpu.memory_space<semaphore_mem>>)
      } else {
      }
      %add3A_273 = arith.constant 1 : i32
      %add3A_274 = arith.addi %add3A_209, %add3A_273 : i32
      %ge3A_275 = arith.constant 4 : i32
      %ge3A_276 = arith.cmpi sge, %add3A_274, %ge3A_275 : i32
      %lt3A_277 = arith.constant 164 : i32
      %lt3A_278 = arith.cmpi slt, %add3A_274, %lt3A_277 : i32
      %and3A_279 = arith.andi %ge3A_276, %lt3A_278 : i1
      %convert_element_type3A_280 = arith.extui %and3A_279 : i1 to i32
      %cond3A_281 = arith.constant 0 : i32
      %cond3A_282 = arith.cmpi ne, %convert_element_type3A_280, %cond3A_281 : i32
      scf.if %cond3A_282 {
        %dma_wait3A_554 = arith.constant 2 : i32
        %dma_wait3A_555 = arith.constant 0 : i32
        %dma_wait3A_556 = tpu.memref_slice %arg11[%dma_wait3A_554, %dma_wait3A_555] : memref<4x128xi32, #tpu.memory_space<vmem>> -> memref<1x128xi32, #tpu.memory_space<vmem>>
        %dma_wait3A_557 = tpu.memref_squeeze %dma_wait3A_556 : memref<1x128xi32, #tpu.memory_space<vmem>> -> memref<128xi32, #tpu.memory_space<vmem>>
        %dma_wait3A_558 = arith.constant 0 : i32
        %dma_wait3A_559 = tpu.memref_slice %arg5[%arg1, %add3A_274, %dma_wait3A_558] : memref<16x164x128xi32, #tpu.memory_space<hbm>> -> memref<1x1x128xi32, #tpu.memory_space<hbm>>
        %dma_wait3A_560 = tpu.memref_squeeze %dma_wait3A_559 : memref<1x1x128xi32, #tpu.memory_space<hbm>> -> memref<128xi32, #tpu.memory_space<hbm>>
        %dma_wait3A_561 = arith.constant 0 : i32
        %dma_wait3A_562 = tpu.memref_slice %arg11[%dma_wait3A_554, %dma_wait3A_561] : memref<4x128xi32, #tpu.memory_space<vmem>> -> memref<1x128xi32, #tpu.memory_space<vmem>>
        %dma_wait3A_563 = tpu.memref_squeeze %dma_wait3A_562 : memref<1x128xi32, #tpu.memory_space<vmem>> -> memref<128xi32, #tpu.memory_space<vmem>>
        %dma_wait3A_564 = arith.constant 0 : i32
        %dma_wait3A_565 = tpu.memref_slice %arg5[%arg1, %add3A_274, %dma_wait3A_564] : memref<16x164x128xi32, #tpu.memory_space<hbm>> -> memref<1x1x128xi32, #tpu.memory_space<hbm>>
        %dma_wait3A_566 = tpu.memref_squeeze %dma_wait3A_565 : memref<1x1x128xi32, #tpu.memory_space<hbm>> -> memref<128xi32, #tpu.memory_space<hbm>>
        tpu.wait_dma2 semaphore(%arg24 : memref<!tpu.dma_semaphore, #tpu.memory_space<semaphore_mem>>) src(%dma_wait3A_566 : memref<128xi32, #tpu.memory_space<hbm>>) dst(%dma_wait3A_563 : memref<128xi32, #tpu.memory_space<vmem>>)
        %dma_wait3A_567 = arith.constant 2 : i32
        %dma_wait3A_568 = arith.constant 0 : i32
        %dma_wait3A_569 = tpu.memref_slice %arg12[%dma_wait3A_567, %dma_wait3A_568] : memref<4x128xi32, #tpu.memory_space<vmem>> -> memref<1x128xi32, #tpu.memory_space<vmem>>
        %dma_wait3A_570 = tpu.memref_squeeze %dma_wait3A_569 : memref<1x128xi32, #tpu.memory_space<vmem>> -> memref<128xi32, #tpu.memory_space<vmem>>
        %dma_wait3A_571 = arith.constant 0 : i32
        %dma_wait3A_572 = tpu.memref_slice %arg6[%arg1, %add3A_274, %dma_wait3A_571] : memref<16x164x128xi32, #tpu.memory_space<hbm>> -> memref<1x1x128xi32, #tpu.memory_space<hbm>>
        %dma_wait3A_573 = tpu.memref_squeeze %dma_wait3A_572 : memref<1x1x128xi32, #tpu.memory_space<hbm>> -> memref<128xi32, #tpu.memory_space<hbm>>
        %dma_wait3A_574 = arith.constant 0 : i32
        %dma_wait3A_575 = tpu.memref_slice %arg12[%dma_wait3A_567, %dma_wait3A_574] : memref<4x128xi32, #tpu.memory_space<vmem>> -> memref<1x128xi32, #tpu.memory_space<vmem>>
        %dma_wait3A_576 = tpu.memref_squeeze %dma_wait3A_575 : memref<1x128xi32, #tpu.memory_space<vmem>> -> memref<128xi32, #tpu.memory_space<vmem>>
        %dma_wait3A_577 = arith.constant 0 : i32
        %dma_wait3A_578 = tpu.memref_slice %arg6[%arg1, %add3A_274, %dma_wait3A_577] : memref<16x164x128xi32, #tpu.memory_space<hbm>> -> memref<1x1x128xi32, #tpu.memory_space<hbm>>
        %dma_wait3A_579 = tpu.memref_squeeze %dma_wait3A_578 : memref<1x1x128xi32, #tpu.memory_space<hbm>> -> memref<128xi32, #tpu.memory_space<hbm>>
        tpu.wait_dma2 semaphore(%arg24 : memref<!tpu.dma_semaphore, #tpu.memory_space<semaphore_mem>>) src(%dma_wait3A_579 : memref<128xi32, #tpu.memory_space<hbm>>) dst(%dma_wait3A_576 : memref<128xi32, #tpu.memory_space<vmem>>)
      } else {
      }
      %lt3A_283 = arith.constant 164 : i32
      %lt3A_284 = arith.cmpi slt, %add3A_274, %lt3A_283 : i32
      %convert_element_type3A_285 = arith.extui %lt3A_284 : i1 to i32
      %cond3A_286 = arith.constant 0 : i32
      %cond3A_287 = arith.cmpi ne, %convert_element_type3A_285, %cond3A_286 : i32
      scf.if %cond3A_287 {
        %dma_start3A_554 = arith.constant 2 : i32
        %dma_start3A_555 = arith.constant 0 : i32
        %dma_start3A_556 = arith.constant 0 : i32
        %dma_start3A_557 = arith.constant 0 : i32
        %dma_start3A_558 = tpu.memref_slice %arg13[%dma_start3A_555, %dma_start3A_556, %dma_start3A_557] : memref<2x128x64xf32, #tpu.memory_space<vmem>> -> memref<1x128x64xf32, #tpu.memory_space<vmem>>
        %dma_start3A_559 = tpu.memref_squeeze %dma_start3A_558 : memref<1x128x64xf32, #tpu.memory_space<vmem>> -> memref<128x64xf32, #tpu.memory_space<vmem>>
        %dma_start3A_560 = arith.constant 0 : i32
        %dma_start3A_561 = tpu.memref_slice %arg11[%dma_start3A_554, %dma_start3A_560] : memref<4x128xi32, #tpu.memory_space<vmem>> -> memref<1x128xi32, #tpu.memory_space<vmem>>
        %dma_start3A_562 = tpu.memref_squeeze %dma_start3A_561 : memref<1x128xi32, #tpu.memory_space<vmem>> -> memref<128xi32, #tpu.memory_space<vmem>>
        %dma_start3A_563 = arith.constant 0 : i32
        %dma_start3A_564 = arith.constant 0 : i32
        %dma_start3A_565 = tpu.memref_slice %arg2[%arg0, %dma_start3A_563, %dma_start3A_564] : memref<2x10240x64xf32, #tpu.memory_space<hbm>> -> memref<1x10240x64xf32, #tpu.memory_space<hbm>>
        %dma_start3A_566 = tpu.memref_squeeze %dma_start3A_565 : memref<1x10240x64xf32, #tpu.memory_space<hbm>> -> memref<10240x64xf32, #tpu.memory_space<hbm>>
        %dma_start3A_567 = arith.constant 0 : i32
        %dma_start3A_568 = arith.constant 0 : i32
        %dma_start3A_569 = tpu.memref_slice %dma_start3A_566[%dma_start3A_567, %dma_start3A_568] : memref<10240x64xf32, #tpu.memory_space<hbm>> -> memref<10240x64xf32, #tpu.memory_space<hbm>>
        tpu.enqueue_indirect_dma source(%dma_start3A_569 : memref<10240x64xf32, #tpu.memory_space<hbm>>) target(%dma_start3A_559 : memref<128x64xf32, #tpu.memory_space<vmem>>) offsets(%dma_start3A_562 : memref<128xi32, #tpu.memory_space<vmem>>) semaphore(%arg20 : memref<!tpu.dma_semaphore, #tpu.memory_space<semaphore_mem>>)
        %dma_start3A_570 = arith.constant 2 : i32
        %dma_start3A_571 = arith.constant 0 : i32
        %dma_start3A_572 = arith.constant 0 : i32
        %dma_start3A_573 = arith.constant 0 : i32
        %dma_start3A_574 = tpu.memref_slice %arg14[%dma_start3A_571, %dma_start3A_572, %dma_start3A_573] : memref<2x128x64xf32, #tpu.memory_space<vmem>> -> memref<1x128x64xf32, #tpu.memory_space<vmem>>
        %dma_start3A_575 = tpu.memref_squeeze %dma_start3A_574 : memref<1x128x64xf32, #tpu.memory_space<vmem>> -> memref<128x64xf32, #tpu.memory_space<vmem>>
        %dma_start3A_576 = arith.constant 0 : i32
        %dma_start3A_577 = tpu.memref_slice %arg12[%dma_start3A_570, %dma_start3A_576] : memref<4x128xi32, #tpu.memory_space<vmem>> -> memref<1x128xi32, #tpu.memory_space<vmem>>
        %dma_start3A_578 = tpu.memref_squeeze %dma_start3A_577 : memref<1x128xi32, #tpu.memory_space<vmem>> -> memref<128xi32, #tpu.memory_space<vmem>>
        %dma_start3A_579 = arith.constant 0 : i32
        %dma_start3A_580 = arith.constant 0 : i32
        %dma_start3A_581 = tpu.memref_slice %arg3[%arg0, %dma_start3A_579, %dma_start3A_580] : memref<2x10240x64xf32, #tpu.memory_space<hbm>> -> memref<1x10240x64xf32, #tpu.memory_space<hbm>>
        %dma_start3A_582 = tpu.memref_squeeze %dma_start3A_581 : memref<1x10240x64xf32, #tpu.memory_space<hbm>> -> memref<10240x64xf32, #tpu.memory_space<hbm>>
        %dma_start3A_583 = arith.constant 0 : i32
        %dma_start3A_584 = arith.constant 0 : i32
        %dma_start3A_585 = tpu.memref_slice %dma_start3A_582[%dma_start3A_583, %dma_start3A_584] : memref<10240x64xf32, #tpu.memory_space<hbm>> -> memref<10240x64xf32, #tpu.memory_space<hbm>>
        tpu.enqueue_indirect_dma source(%dma_start3A_585 : memref<10240x64xf32, #tpu.memory_space<hbm>>) target(%dma_start3A_575 : memref<128x64xf32, #tpu.memory_space<vmem>>) offsets(%dma_start3A_578 : memref<128xi32, #tpu.memory_space<vmem>>) semaphore(%arg20 : memref<!tpu.dma_semaphore, #tpu.memory_space<semaphore_mem>>)
        %dma_start3A_586 = arith.constant 2 : i32
        %dma_start3A_587 = arith.constant 0 : i32
        %dma_start3A_588 = arith.constant 0 : i32
        %dma_start3A_589 = arith.constant 0 : i32
        %dma_start3A_590 = tpu.memref_slice %arg15[%dma_start3A_587, %dma_start3A_588, %dma_start3A_589] : memref<2x128x64xf32, #tpu.memory_space<vmem>> -> memref<1x128x64xf32, #tpu.memory_space<vmem>>
        %dma_start3A_591 = tpu.memref_squeeze %dma_start3A_590 : memref<1x128x64xf32, #tpu.memory_space<vmem>> -> memref<128x64xf32, #tpu.memory_space<vmem>>
        %dma_start3A_592 = arith.constant 0 : i32
        %dma_start3A_593 = tpu.memref_slice %arg12[%dma_start3A_586, %dma_start3A_592] : memref<4x128xi32, #tpu.memory_space<vmem>> -> memref<1x128xi32, #tpu.memory_space<vmem>>
        %dma_start3A_594 = tpu.memref_squeeze %dma_start3A_593 : memref<1x128xi32, #tpu.memory_space<vmem>> -> memref<128xi32, #tpu.memory_space<vmem>>
        %dma_start3A_595 = arith.constant 0 : i32
        %dma_start3A_596 = arith.constant 0 : i32
        %dma_start3A_597 = tpu.memref_slice %arg4[%arg0, %dma_start3A_595, %dma_start3A_596] : memref<2x10240x64xf32, #tpu.memory_space<hbm>> -> memref<1x10240x64xf32, #tpu.memory_space<hbm>>
        %dma_start3A_598 = tpu.memref_squeeze %dma_start3A_597 : memref<1x10240x64xf32, #tpu.memory_space<hbm>> -> memref<10240x64xf32, #tpu.memory_space<hbm>>
        %dma_start3A_599 = arith.constant 0 : i32
        %dma_start3A_600 = arith.constant 0 : i32
        %dma_start3A_601 = tpu.memref_slice %dma_start3A_598[%dma_start3A_599, %dma_start3A_600] : memref<10240x64xf32, #tpu.memory_space<hbm>> -> memref<10240x64xf32, #tpu.memory_space<hbm>>
        tpu.enqueue_indirect_dma source(%dma_start3A_601 : memref<10240x64xf32, #tpu.memory_space<hbm>>) target(%dma_start3A_591 : memref<128x64xf32, #tpu.memory_space<vmem>>) offsets(%dma_start3A_594 : memref<128xi32, #tpu.memory_space<vmem>>) semaphore(%arg20 : memref<!tpu.dma_semaphore, #tpu.memory_space<semaphore_mem>>)
      } else {
      }
      %scan3A_288 = arith.constant 0 : i32
      %scan3A_289 = arith.constant 1 : i32
      %scan3A_290 = arith.constant 1 : i32
      %scan3A_291 = arith.constant 1 : i32
      %scan3A_292 = arith.constant 1 : i32
      %scan3A_293 = arith.constant 0 : i32
      %scan3A_294 = arith.constant 32 : i32
      %scan3A_295 = arith.addi %scan3A_293, %scan3A_294 : i32
      %scan3A_296 = arith.constant 1 : i32
      scf.for %scan3A_554 = %scan3A_293 to %scan3A_295 step %scan3A_296  : i32 {
        %mul3A_555 = arith.constant 4 : i32
        %mul3A_556 = arith.muli %scan3A_554, %mul3A_555 : i32
        %add3A_557 = arith.constant 0 : i32
        %add3A_558 = arith.addi %mul3A_556, %add3A_557 : i32
        %get3A_559 = arith.constant 0 : i32
        %get3A_560 = arith.constant 0 : i32
        %get3A_561 = tpu.memref_slice %arg13[%scan3A_289, %get3A_559, %get3A_560] : memref<2x128x64xf32, #tpu.memory_space<vmem>> -> memref<1x128x64xf32, #tpu.memory_space<vmem>>
        %get3A_562 = tpu.memref_squeeze %get3A_561 : memref<1x128x64xf32, #tpu.memory_space<vmem>> -> memref<128x64xf32, #tpu.memory_space<vmem>>
        %get3A_563 = arith.index_cast %add3A_558 : i32 to index
        %get3A_564 = arith.constant 0 : index
        %get3A_565 = tpu.vector_load %get3A_562[%get3A_563, %get3A_564] {strides = array<i32>} : memref<128x64xf32, #tpu.memory_space<vmem>>, vector<16xf32>,
        %get3A_566 = arith.constant 0 : i32
        %get3A_567 = arith.constant 0 : i32
        %get3A_568 = tpu.memref_slice %arg14[%scan3A_290, %get3A_566, %get3A_567] : memref<2x128x64xf32, #tpu.memory_space<vmem>> -> memref<1x128x64xf32, #tpu.memory_space<vmem>>
        %get3A_569 = tpu.memref_squeeze %get3A_568 : memref<1x128x64xf32, #tpu.memory_space<vmem>> -> memref<128x64xf32, #tpu.memory_space<vmem>>
        %get3A_570 = arith.index_cast %add3A_558 : i32 to index
        %get3A_571 = arith.constant 0 : index
        %get3A_572 = tpu.vector_load %get3A_569[%get3A_570, %get3A_571] {strides = array<i32>} : memref<128x64xf32, #tpu.memory_space<vmem>>, vector<16xf32>,
        %mul3A_573 = arith.mulf %get3A_565, %get3A_572 : vector<16xf32>
        %get3A_574 = arith.constant 0 : i32
        %get3A_575 = arith.constant 0 : i32
        %get3A_576 = tpu.memref_slice %arg13[%scan3A_289, %get3A_574, %get3A_575] : memref<2x128x64xf32, #tpu.memory_space<vmem>> -> memref<1x128x64xf32, #tpu.memory_space<vmem>>
        %get3A_577 = tpu.memref_squeeze %get3A_576 : memref<1x128x64xf32, #tpu.memory_space<vmem>> -> memref<128x64xf32, #tpu.memory_space<vmem>>
        %get3A_578 = arith.index_cast %add3A_558 : i32 to index
        %get3A_579 = arith.constant 16 : index
        %get3A_580 = tpu.vector_load %get3A_577[%get3A_578, %get3A_579] {strides = array<i32>} : memref<128x64xf32, #tpu.memory_space<vmem>>, vector<16xf32>,
        %get3A_581 = arith.constant 0 : i32
        %get3A_582 = arith.constant 0 : i32
        %get3A_583 = tpu.memref_slice %arg14[%scan3A_290, %get3A_581, %get3A_582] : memref<2x128x64xf32, #tpu.memory_space<vmem>> -> memref<1x128x64xf32, #tpu.memory_space<vmem>>
        %get3A_584 = tpu.memref_squeeze %get3A_583 : memref<1x128x64xf32, #tpu.memory_space<vmem>> -> memref<128x64xf32, #tpu.memory_space<vmem>>
        %get3A_585 = arith.index_cast %add3A_558 : i32 to index
        %get3A_586 = arith.constant 16 : index
        %get3A_587 = tpu.vector_load %get3A_584[%get3A_585, %get3A_586] {strides = array<i32>} : memref<128x64xf32, #tpu.memory_space<vmem>>, vector<16xf32>,
        %mul3A_588 = arith.mulf %get3A_580, %get3A_587 : vector<16xf32>
        %get3A_589 = arith.constant 0 : i32
        %get3A_590 = arith.constant 0 : i32
        %get3A_591 = tpu.memref_slice %arg13[%scan3A_289, %get3A_589, %get3A_590] : memref<2x128x64xf32, #tpu.memory_space<vmem>> -> memref<1x128x64xf32, #tpu.memory_space<vmem>>
        %get3A_592 = tpu.memref_squeeze %get3A_591 : memref<1x128x64xf32, #tpu.memory_space<vmem>> -> memref<128x64xf32, #tpu.memory_space<vmem>>
        %get3A_593 = arith.index_cast %add3A_558 : i32 to index
        %get3A_594 = arith.constant 32 : index
        %get3A_595 = tpu.vector_load %get3A_592[%get3A_593, %get3A_594] {strides = array<i32>} : memref<128x64xf32, #tpu.memory_space<vmem>>, vector<16xf32>,
        %get3A_596 = arith.constant 0 : i32
        %get3A_597 = arith.constant 0 : i32
        %get3A_598 = tpu.memref_slice %arg14[%scan3A_290, %get3A_596, %get3A_597] : memref<2x128x64xf32, #tpu.memory_space<vmem>> -> memref<1x128x64xf32, #tpu.memory_space<vmem>>
        %get3A_599 = tpu.memref_squeeze %get3A_598 : memref<1x128x64xf32, #tpu.memory_space<vmem>> -> memref<128x64xf32, #tpu.memory_space<vmem>>
        %get3A_600 = arith.index_cast %add3A_558 : i32 to index
        %get3A_601 = arith.constant 32 : index
        %get3A_602 = tpu.vector_load %get3A_599[%get3A_600, %get3A_601] {strides = array<i32>} : memref<128x64xf32, #tpu.memory_space<vmem>>, vector<16xf32>,
        %mul3A_603 = arith.mulf %get3A_595, %get3A_602 : vector<16xf32>
        %get3A_604 = arith.constant 0 : i32
        %get3A_605 = arith.constant 0 : i32
        %get3A_606 = tpu.memref_slice %arg13[%scan3A_289, %get3A_604, %get3A_605] : memref<2x128x64xf32, #tpu.memory_space<vmem>> -> memref<1x128x64xf32, #tpu.memory_space<vmem>>
        %get3A_607 = tpu.memref_squeeze %get3A_606 : memref<1x128x64xf32, #tpu.memory_space<vmem>> -> memref<128x64xf32, #tpu.memory_space<vmem>>
        %get3A_608 = arith.index_cast %add3A_558 : i32 to index
        %get3A_609 = arith.constant 48 : index
        %get3A_610 = tpu.vector_load %get3A_607[%get3A_608, %get3A_609] {strides = array<i32>} : memref<128x64xf32, #tpu.memory_space<vmem>>, vector<16xf32>,
        %get3A_611 = arith.constant 0 : i32
        %get3A_612 = arith.constant 0 : i32
        %get3A_613 = tpu.memref_slice %arg14[%scan3A_290, %get3A_611, %get3A_612] : memref<2x128x64xf32, #tpu.memory_space<vmem>> -> memref<1x128x64xf32, #tpu.memory_space<vmem>>
        %get3A_614 = tpu.memref_squeeze %get3A_613 : memref<1x128x64xf32, #tpu.memory_space<vmem>> -> memref<128x64xf32, #tpu.memory_space<vmem>>
        %get3A_615 = arith.index_cast %add3A_558 : i32 to index
        %get3A_616 = arith.constant 48 : index
        %get3A_617 = tpu.vector_load %get3A_614[%get3A_615, %get3A_616] {strides = array<i32>} : memref<128x64xf32, #tpu.memory_space<vmem>>, vector<16xf32>,
        %mul3A_618 = arith.mulf %get3A_610, %get3A_617 : vector<16xf32>
        %add3A_619 = arith.constant 1 : i32
        %add3A_620 = arith.addi %mul3A_556, %add3A_619 : i32
        %get3A_621 = arith.constant 0 : i32
        %get3A_622 = arith.constant 0 : i32
        %get3A_623 = tpu.memref_slice %arg13[%scan3A_289, %get3A_621, %get3A_622] : memref<2x128x64xf32, #tpu.memory_space<vmem>> -> memref<1x128x64xf32, #tpu.memory_space<vmem>>
        %get3A_624 = tpu.memref_squeeze %get3A_623 : memref<1x128x64xf32, #tpu.memory_space<vmem>> -> memref<128x64xf32, #tpu.memory_space<vmem>>
        %get3A_625 = arith.index_cast %add3A_620 : i32 to index
        %get3A_626 = arith.constant 0 : index
        %get3A_627 = tpu.vector_load %get3A_624[%get3A_625, %get3A_626] {strides = array<i32>} : memref<128x64xf32, #tpu.memory_space<vmem>>, vector<16xf32>,
        %get3A_628 = arith.constant 0 : i32
        %get3A_629 = arith.constant 0 : i32
        %get3A_630 = tpu.memref_slice %arg14[%scan3A_290, %get3A_628, %get3A_629] : memref<2x128x64xf32, #tpu.memory_space<vmem>> -> memref<1x128x64xf32, #tpu.memory_space<vmem>>
        %get3A_631 = tpu.memref_squeeze %get3A_630 : memref<1x128x64xf32, #tpu.memory_space<vmem>> -> memref<128x64xf32, #tpu.memory_space<vmem>>
        %get3A_632 = arith.index_cast %add3A_620 : i32 to index
        %get3A_633 = arith.constant 0 : index
        %get3A_634 = tpu.vector_load %get3A_631[%get3A_632, %get3A_633] {strides = array<i32>} : memref<128x64xf32, #tpu.memory_space<vmem>>, vector<16xf32>,
        %mul3A_635 = arith.mulf %get3A_627, %get3A_634 : vector<16xf32>
        %get3A_636 = arith.constant 0 : i32
        %get3A_637 = arith.constant 0 : i32
        %get3A_638 = tpu.memref_slice %arg13[%scan3A_289, %get3A_636, %get3A_637] : memref<2x128x64xf32, #tpu.memory_space<vmem>> -> memref<1x128x64xf32, #tpu.memory_space<vmem>>
        %get3A_639 = tpu.memref_squeeze %get3A_638 : memref<1x128x64xf32, #tpu.memory_space<vmem>> -> memref<128x64xf32, #tpu.memory_space<vmem>>
        %get3A_640 = arith.index_cast %add3A_620 : i32 to index
        %get3A_641 = arith.constant 16 : index
        %get3A_642 = tpu.vector_load %get3A_639[%get3A_640, %get3A_641] {strides = array<i32>} : memref<128x64xf32, #tpu.memory_space<vmem>>, vector<16xf32>,
        %get3A_643 = arith.constant 0 : i32
        %get3A_644 = arith.constant 0 : i32
        %get3A_645 = tpu.memref_slice %arg14[%scan3A_290, %get3A_643, %get3A_644] : memref<2x128x64xf32, #tpu.memory_space<vmem>> -> memref<1x128x64xf32, #tpu.memory_space<vmem>>
        %get3A_646 = tpu.memref_squeeze %get3A_645 : memref<1x128x64xf32, #tpu.memory_space<vmem>> -> memref<128x64xf32, #tpu.memory_space<vmem>>
        %get3A_647 = arith.index_cast %add3A_620 : i32 to index
        %get3A_648 = arith.constant 16 : index
        %get3A_649 = tpu.vector_load %get3A_646[%get3A_647, %get3A_648] {strides = array<i32>} : memref<128x64xf32, #tpu.memory_space<vmem>>, vector<16xf32>,
        %mul3A_650 = arith.mulf %get3A_642, %get3A_649 : vector<16xf32>
        %get3A_651 = arith.constant 0 : i32
        %get3A_652 = arith.constant 0 : i32
        %get3A_653 = tpu.memref_slice %arg13[%scan3A_289, %get3A_651, %get3A_652] : memref<2x128x64xf32, #tpu.memory_space<vmem>> -> memref<1x128x64xf32, #tpu.memory_space<vmem>>
        %get3A_654 = tpu.memref_squeeze %get3A_653 : memref<1x128x64xf32, #tpu.memory_space<vmem>> -> memref<128x64xf32, #tpu.memory_space<vmem>>
        %get3A_655 = arith.index_cast %add3A_620 : i32 to index
        %get3A_656 = arith.constant 32 : index
        %get3A_657 = tpu.vector_load %get3A_654[%get3A_655, %get3A_656] {strides = array<i32>} : memref<128x64xf32, #tpu.memory_space<vmem>>, vector<16xf32>,
        %get3A_658 = arith.constant 0 : i32
        %get3A_659 = arith.constant 0 : i32
        %get3A_660 = tpu.memref_slice %arg14[%scan3A_290, %get3A_658, %get3A_659] : memref<2x128x64xf32, #tpu.memory_space<vmem>> -> memref<1x128x64xf32, #tpu.memory_space<vmem>>
        %get3A_661 = tpu.memref_squeeze %get3A_660 : memref<1x128x64xf32, #tpu.memory_space<vmem>> -> memref<128x64xf32, #tpu.memory_space<vmem>>
        %get3A_662 = arith.index_cast %add3A_620 : i32 to index
        %get3A_663 = arith.constant 32 : index
        %get3A_664 = tpu.vector_load %get3A_661[%get3A_662, %get3A_663] {strides = array<i32>} : memref<128x64xf32, #tpu.memory_space<vmem>>, vector<16xf32>,
        %mul3A_665 = arith.mulf %get3A_657, %get3A_664 : vector<16xf32>
        %get3A_666 = arith.constant 0 : i32
        %get3A_667 = arith.constant 0 : i32
        %get3A_668 = tpu.memref_slice %arg13[%scan3A_289, %get3A_666, %get3A_667] : memref<2x128x64xf32, #tpu.memory_space<vmem>> -> memref<1x128x64xf32, #tpu.memory_space<vmem>>
        %get3A_669 = tpu.memref_squeeze %get3A_668 : memref<1x128x64xf32, #tpu.memory_space<vmem>> -> memref<128x64xf32, #tpu.memory_space<vmem>>
        %get3A_670 = arith.index_cast %add3A_620 : i32 to index
        %get3A_671 = arith.constant 48 : index
        %get3A_672 = tpu.vector_load %get3A_669[%get3A_670, %get3A_671] {strides = array<i32>} : memref<128x64xf32, #tpu.memory_space<vmem>>, vector<16xf32>,
        %get3A_673 = arith.constant 0 : i32
        %get3A_674 = arith.constant 0 : i32
        %get3A_675 = tpu.memref_slice %arg14[%scan3A_290, %get3A_673, %get3A_674] : memref<2x128x64xf32, #tpu.memory_space<vmem>> -> memref<1x128x64xf32, #tpu.memory_space<vmem>>
        %get3A_676 = tpu.memref_squeeze %get3A_675 : memref<1x128x64xf32, #tpu.memory_space<vmem>> -> memref<128x64xf32, #tpu.memory_space<vmem>>
        %get3A_677 = arith.index_cast %add3A_620 : i32 to index
        %get3A_678 = arith.constant 48 : index
        %get3A_679 = tpu.vector_load %get3A_676[%get3A_677, %get3A_678] {strides = array<i32>} : memref<128x64xf32, #tpu.memory_space<vmem>>, vector<16xf32>,
        %mul3A_680 = arith.mulf %get3A_672, %get3A_679 : vector<16xf32>
        %add3A_681 = arith.constant 2 : i32
        %add3A_682 = arith.addi %mul3A_556, %add3A_681 : i32
        %get3A_683 = arith.constant 0 : i32
        %get3A_684 = arith.constant 0 : i32
        %get3A_685 = tpu.memref_slice %arg13[%scan3A_289, %get3A_683, %get3A_684] : memref<2x128x64xf32, #tpu.memory_space<vmem>> -> memref<1x128x64xf32, #tpu.memory_space<vmem>>
        %get3A_686 = tpu.memref_squeeze %get3A_685 : memref<1x128x64xf32, #tpu.memory_space<vmem>> -> memref<128x64xf32, #tpu.memory_space<vmem>>
        %get3A_687 = arith.index_cast %add3A_682 : i32 to index
        %get3A_688 = arith.constant 0 : index
        %get3A_689 = tpu.vector_load %get3A_686[%get3A_687, %get3A_688] {strides = array<i32>} : memref<128x64xf32, #tpu.memory_space<vmem>>, vector<16xf32>,
        %get3A_690 = arith.constant 0 : i32
        %get3A_691 = arith.constant 0 : i32
        %get3A_692 = tpu.memref_slice %arg14[%scan3A_290, %get3A_690, %get3A_691] : memref<2x128x64xf32, #tpu.memory_space<vmem>> -> memref<1x128x64xf32, #tpu.memory_space<vmem>>
        %get3A_693 = tpu.memref_squeeze %get3A_692 : memref<1x128x64xf32, #tpu.memory_space<vmem>> -> memref<128x64xf32, #tpu.memory_space<vmem>>
        %get3A_694 = arith.index_cast %add3A_682 : i32 to index
        %get3A_695 = arith.constant 0 : index
        %get3A_696 = tpu.vector_load %get3A_693[%get3A_694, %get3A_695] {strides = array<i32>} : memref<128x64xf32, #tpu.memory_space<vmem>>, vector<16xf32>,
        %mul3A_697 = arith.mulf %get3A_689, %get3A_696 : vector<16xf32>
        %get3A_698 = arith.constant 0 : i32
        %get3A_699 = arith.constant 0 : i32
        %get3A_700 = tpu.memref_slice %arg13[%scan3A_289, %get3A_698, %get3A_699] : memref<2x128x64xf32, #tpu.memory_space<vmem>> -> memref<1x128x64xf32, #tpu.memory_space<vmem>>
        %get3A_701 = tpu.memref_squeeze %get3A_700 : memref<1x128x64xf32, #tpu.memory_space<vmem>> -> memref<128x64xf32, #tpu.memory_space<vmem>>
        %get3A_702 = arith.index_cast %add3A_682 : i32 to index
        %get3A_703 = arith.constant 16 : index
        %get3A_704 = tpu.vector_load %get3A_701[%get3A_702, %get3A_703] {strides = array<i32>} : memref<128x64xf32, #tpu.memory_space<vmem>>, vector<16xf32>,
        %get3A_705 = arith.constant 0 : i32
        %get3A_706 = arith.constant 0 : i32
        %get3A_707 = tpu.memref_slice %arg14[%scan3A_290, %get3A_705, %get3A_706] : memref<2x128x64xf32, #tpu.memory_space<vmem>> -> memref<1x128x64xf32, #tpu.memory_space<vmem>>
        %get3A_708 = tpu.memref_squeeze %get3A_707 : memref<1x128x64xf32, #tpu.memory_space<vmem>> -> memref<128x64xf32, #tpu.memory_space<vmem>>
        %get3A_709 = arith.index_cast %add3A_682 : i32 to index
        %get3A_710 = arith.constant 16 : index
        %get3A_711 = tpu.vector_load %get3A_708[%get3A_709, %get3A_710] {strides = array<i32>} : memref<128x64xf32, #tpu.memory_space<vmem>>, vector<16xf32>,
        %mul3A_712 = arith.mulf %get3A_704, %get3A_711 : vector<16xf32>
        %get3A_713 = arith.constant 0 : i32
        %get3A_714 = arith.constant 0 : i32
        %get3A_715 = tpu.memref_slice %arg13[%scan3A_289, %get3A_713, %get3A_714] : memref<2x128x64xf32, #tpu.memory_space<vmem>> -> memref<1x128x64xf32, #tpu.memory_space<vmem>>
        %get3A_716 = tpu.memref_squeeze %get3A_715 : memref<1x128x64xf32, #tpu.memory_space<vmem>> -> memref<128x64xf32, #tpu.memory_space<vmem>>
        %get3A_717 = arith.index_cast %add3A_682 : i32 to index
        %get3A_718 = arith.constant 32 : index
        %get3A_719 = tpu.vector_load %get3A_716[%get3A_717, %get3A_718] {strides = array<i32>} : memref<128x64xf32, #tpu.memory_space<vmem>>, vector<16xf32>,
        %get3A_720 = arith.constant 0 : i32
        %get3A_721 = arith.constant 0 : i32
        %get3A_722 = tpu.memref_slice %arg14[%scan3A_290, %get3A_720, %get3A_721] : memref<2x128x64xf32, #tpu.memory_space<vmem>> -> memref<1x128x64xf32, #tpu.memory_space<vmem>>
        %get3A_723 = tpu.memref_squeeze %get3A_722 : memref<1x128x64xf32, #tpu.memory_space<vmem>> -> memref<128x64xf32, #tpu.memory_space<vmem>>
        %get3A_724 = arith.index_cast %add3A_682 : i32 to index
        %get3A_725 = arith.constant 32 : index
        %get3A_726 = tpu.vector_load %get3A_723[%get3A_724, %get3A_725] {strides = array<i32>} : memref<128x64xf32, #tpu.memory_space<vmem>>, vector<16xf32>,
        %mul3A_727 = arith.mulf %get3A_719, %get3A_726 : vector<16xf32>
        %get3A_728 = arith.constant 0 : i32
        %get3A_729 = arith.constant 0 : i32
        %get3A_730 = tpu.memref_slice %arg13[%scan3A_289, %get3A_728, %get3A_729] : memref<2x128x64xf32, #tpu.memory_space<vmem>> -> memref<1x128x64xf32, #tpu.memory_space<vmem>>
        %get3A_731 = tpu.memref_squeeze %get3A_730 : memref<1x128x64xf32, #tpu.memory_space<vmem>> -> memref<128x64xf32, #tpu.memory_space<vmem>>
        %get3A_732 = arith.index_cast %add3A_682 : i32 to index
        %get3A_733 = arith.constant 48 : index
        %get3A_734 = tpu.vector_load %get3A_731[%get3A_732, %get3A_733] {strides = array<i32>} : memref<128x64xf32, #tpu.memory_space<vmem>>, vector<16xf32>,
        %get3A_735 = arith.constant 0 : i32
        %get3A_736 = arith.constant 0 : i32
        %get3A_737 = tpu.memref_slice %arg14[%scan3A_290, %get3A_735, %get3A_736] : memref<2x128x64xf32, #tpu.memory_space<vmem>> -> memref<1x128x64xf32, #tpu.memory_space<vmem>>
        %get3A_738 = tpu.memref_squeeze %get3A_737 : memref<1x128x64xf32, #tpu.memory_space<vmem>> -> memref<128x64xf32, #tpu.memory_space<vmem>>
        %get3A_739 = arith.index_cast %add3A_682 : i32 to index
        %get3A_740 = arith.constant 48 : index
        %get3A_741 = tpu.vector_load %get3A_738[%get3A_739, %get3A_740] {strides = array<i32>} : memref<128x64xf32, #tpu.memory_space<vmem>>, vector<16xf32>,
        %mul3A_742 = arith.mulf %get3A_734, %get3A_741 : vector<16xf32>
        %add3A_743 = arith.constant 3 : i32
        %add3A_744 = arith.addi %mul3A_556, %add3A_743 : i32
        %get3A_745 = arith.constant 0 : i32
        %get3A_746 = arith.constant 0 : i32
        %get3A_747 = tpu.memref_slice %arg13[%scan3A_289, %get3A_745, %get3A_746] : memref<2x128x64xf32, #tpu.memory_space<vmem>> -> memref<1x128x64xf32, #tpu.memory_space<vmem>>
        %get3A_748 = tpu.memref_squeeze %get3A_747 : memref<1x128x64xf32, #tpu.memory_space<vmem>> -> memref<128x64xf32, #tpu.memory_space<vmem>>
        %get3A_749 = arith.index_cast %add3A_744 : i32 to index
        %get3A_750 = arith.constant 0 : index
        %get3A_751 = tpu.vector_load %get3A_748[%get3A_749, %get3A_750] {strides = array<i32>} : memref<128x64xf32, #tpu.memory_space<vmem>>, vector<16xf32>,
        %get3A_752 = arith.constant 0 : i32
        %get3A_753 = arith.constant 0 : i32
        %get3A_754 = tpu.memref_slice %arg14[%scan3A_290, %get3A_752, %get3A_753] : memref<2x128x64xf32, #tpu.memory_space<vmem>> -> memref<1x128x64xf32, #tpu.memory_space<vmem>>
        %get3A_755 = tpu.memref_squeeze %get3A_754 : memref<1x128x64xf32, #tpu.memory_space<vmem>> -> memref<128x64xf32, #tpu.memory_space<vmem>>
        %get3A_756 = arith.index_cast %add3A_744 : i32 to index
        %get3A_757 = arith.constant 0 : index
        %get3A_758 = tpu.vector_load %get3A_755[%get3A_756, %get3A_757] {strides = array<i32>} : memref<128x64xf32, #tpu.memory_space<vmem>>, vector<16xf32>,
        %mul3A_759 = arith.mulf %get3A_751, %get3A_758 : vector<16xf32>
        %get3A_760 = arith.constant 0 : i32
        %get3A_761 = arith.constant 0 : i32
        %get3A_762 = tpu.memref_slice %arg13[%scan3A_289, %get3A_760, %get3A_761] : memref<2x128x64xf32, #tpu.memory_space<vmem>> -> memref<1x128x64xf32, #tpu.memory_space<vmem>>
        %get3A_763 = tpu.memref_squeeze %get3A_762 : memref<1x128x64xf32, #tpu.memory_space<vmem>> -> memref<128x64xf32, #tpu.memory_space<vmem>>
        %get3A_764 = arith.index_cast %add3A_744 : i32 to index
        %get3A_765 = arith.constant 16 : index
        %get3A_766 = tpu.vector_load %get3A_763[%get3A_764, %get3A_765] {strides = array<i32>} : memref<128x64xf32, #tpu.memory_space<vmem>>, vector<16xf32>,
        %get3A_767 = arith.constant 0 : i32
        %get3A_768 = arith.constant 0 : i32
        %get3A_769 = tpu.memref_slice %arg14[%scan3A_290, %get3A_767, %get3A_768] : memref<2x128x64xf32, #tpu.memory_space<vmem>> -> memref<1x128x64xf32, #tpu.memory_space<vmem>>
        %get3A_770 = tpu.memref_squeeze %get3A_769 : memref<1x128x64xf32, #tpu.memory_space<vmem>> -> memref<128x64xf32, #tpu.memory_space<vmem>>
        %get3A_771 = arith.index_cast %add3A_744 : i32 to index
        %get3A_772 = arith.constant 16 : index
        %get3A_773 = tpu.vector_load %get3A_770[%get3A_771, %get3A_772] {strides = array<i32>} : memref<128x64xf32, #tpu.memory_space<vmem>>, vector<16xf32>,
        %mul3A_774 = arith.mulf %get3A_766, %get3A_773 : vector<16xf32>
        %get3A_775 = arith.constant 0 : i32
        %get3A_776 = arith.constant 0 : i32
        %get3A_777 = tpu.memref_slice %arg13[%scan3A_289, %get3A_775, %get3A_776] : memref<2x128x64xf32, #tpu.memory_space<vmem>> -> memref<1x128x64xf32, #tpu.memory_space<vmem>>
        %get3A_778 = tpu.memref_squeeze %get3A_777 : memref<1x128x64xf32, #tpu.memory_space<vmem>> -> memref<128x64xf32, #tpu.memory_space<vmem>>
        %get3A_779 = arith.index_cast %add3A_744 : i32 to index
        %get3A_780 = arith.constant 32 : index
        %get3A_781 = tpu.vector_load %get3A_778[%get3A_779, %get3A_780] {strides = array<i32>} : memref<128x64xf32, #tpu.memory_space<vmem>>, vector<16xf32>,
        %get3A_782 = arith.constant 0 : i32
        %get3A_783 = arith.constant 0 : i32
        %get3A_784 = tpu.memref_slice %arg14[%scan3A_290, %get3A_782, %get3A_783] : memref<2x128x64xf32, #tpu.memory_space<vmem>> -> memref<1x128x64xf32, #tpu.memory_space<vmem>>
        %get3A_785 = tpu.memref_squeeze %get3A_784 : memref<1x128x64xf32, #tpu.memory_space<vmem>> -> memref<128x64xf32, #tpu.memory_space<vmem>>
        %get3A_786 = arith.index_cast %add3A_744 : i32 to index
        %get3A_787 = arith.constant 32 : index
        %get3A_788 = tpu.vector_load %get3A_785[%get3A_786, %get3A_787] {strides = array<i32>} : memref<128x64xf32, #tpu.memory_space<vmem>>, vector<16xf32>,
        %mul3A_789 = arith.mulf %get3A_781, %get3A_788 : vector<16xf32>
        %get3A_790 = arith.constant 0 : i32
        %get3A_791 = arith.constant 0 : i32
        %get3A_792 = tpu.memref_slice %arg13[%scan3A_289, %get3A_790, %get3A_791] : memref<2x128x64xf32, #tpu.memory_space<vmem>> -> memref<1x128x64xf32, #tpu.memory_space<vmem>>
        %get3A_793 = tpu.memref_squeeze %get3A_792 : memref<1x128x64xf32, #tpu.memory_space<vmem>> -> memref<128x64xf32, #tpu.memory_space<vmem>>
        %get3A_794 = arith.index_cast %add3A_744 : i32 to index
        %get3A_795 = arith.constant 48 : index
        %get3A_796 = tpu.vector_load %get3A_793[%get3A_794, %get3A_795] {strides = array<i32>} : memref<128x64xf32, #tpu.memory_space<vmem>>, vector<16xf32>,
        %get3A_797 = arith.constant 0 : i32
        %get3A_798 = arith.constant 0 : i32
        %get3A_799 = tpu.memref_slice %arg14[%scan3A_290, %get3A_797, %get3A_798] : memref<2x128x64xf32, #tpu.memory_space<vmem>> -> memref<1x128x64xf32, #tpu.memory_space<vmem>>
        %get3A_800 = tpu.memref_squeeze %get3A_799 : memref<1x128x64xf32, #tpu.memory_space<vmem>> -> memref<128x64xf32, #tpu.memory_space<vmem>>
        %get3A_801 = arith.index_cast %add3A_744 : i32 to index
        %get3A_802 = arith.constant 48 : index
        %get3A_803 = tpu.vector_load %get3A_800[%get3A_801, %get3A_802] {strides = array<i32>} : memref<128x64xf32, #tpu.memory_space<vmem>>, vector<16xf32>,
        %mul3A_804 = arith.mulf %get3A_796, %get3A_803 : vector<16xf32>
        %broadcast_in_dim3A_805 = arith.constant true
        %broadcast_in_dim3A_806 = vector.broadcast %broadcast_in_dim3A_805 : i1 to vector<16xi1>
        %masked_cumsum3A = tpu.scan <sum>, %mul3A_573 masked %broadcast_in_dim3A_806 : vector<16xf32>, vector<16xi1> -> vector<16xf32>
        %broadcast_in_dim3A_807 = arith.constant true
        %broadcast_in_dim3A_808 = vector.broadcast %broadcast_in_dim3A_807 : i1 to vector<16xi1>
        %masked_cumsum3A_809 = tpu.scan <sum>, %mul3A_588 masked %broadcast_in_dim3A_808 : vector<16xf32>, vector<16xi1> -> vector<16xf32>
        %broadcast_in_dim3A_810 = arith.constant true
        %broadcast_in_dim3A_811 = vector.broadcast %broadcast_in_dim3A_810 : i1 to vector<16xi1>
        %masked_cumsum3A_812 = tpu.scan <sum>, %mul3A_603 masked %broadcast_in_dim3A_811 : vector<16xf32>, vector<16xi1> -> vector<16xf32>
        %broadcast_in_dim3A_813 = arith.constant true
        %broadcast_in_dim3A_814 = vector.broadcast %broadcast_in_dim3A_813 : i1 to vector<16xi1>
        %masked_cumsum3A_815 = tpu.scan <sum>, %mul3A_618 masked %broadcast_in_dim3A_814 : vector<16xf32>, vector<16xi1> -> vector<16xf32>
        %broadcast_in_dim3A_816 = arith.constant true
        %broadcast_in_dim3A_817 = vector.broadcast %broadcast_in_dim3A_816 : i1 to vector<16xi1>
        %masked_cumsum3A_818 = tpu.scan <sum>, %mul3A_635 masked %broadcast_in_dim3A_817 : vector<16xf32>, vector<16xi1> -> vector<16xf32>
        %broadcast_in_dim3A_819 = arith.constant true
        %broadcast_in_dim3A_820 = vector.broadcast %broadcast_in_dim3A_819 : i1 to vector<16xi1>
        %masked_cumsum3A_821 = tpu.scan <sum>, %mul3A_650 masked %broadcast_in_dim3A_820 : vector<16xf32>, vector<16xi1> -> vector<16xf32>
        %broadcast_in_dim3A_822 = arith.constant true
        %broadcast_in_dim3A_823 = vector.broadcast %broadcast_in_dim3A_822 : i1 to vector<16xi1>
        %masked_cumsum3A_824 = tpu.scan <sum>, %mul3A_665 masked %broadcast_in_dim3A_823 : vector<16xf32>, vector<16xi1> -> vector<16xf32>
        %broadcast_in_dim3A_825 = arith.constant true
        %broadcast_in_dim3A_826 = vector.broadcast %broadcast_in_dim3A_825 : i1 to vector<16xi1>
        %masked_cumsum3A_827 = tpu.scan <sum>, %mul3A_680 masked %broadcast_in_dim3A_826 : vector<16xf32>, vector<16xi1> -> vector<16xf32>
        %broadcast_in_dim3A_828 = arith.constant true
        %broadcast_in_dim3A_829 = vector.broadcast %broadcast_in_dim3A_828 : i1 to vector<16xi1>
        %masked_cumsum3A_830 = tpu.scan <sum>, %mul3A_697 masked %broadcast_in_dim3A_829 : vector<16xf32>, vector<16xi1> -> vector<16xf32>
        %broadcast_in_dim3A_831 = arith.constant true
        %broadcast_in_dim3A_832 = vector.broadcast %broadcast_in_dim3A_831 : i1 to vector<16xi1>
        %masked_cumsum3A_833 = tpu.scan <sum>, %mul3A_712 masked %broadcast_in_dim3A_832 : vector<16xf32>, vector<16xi1> -> vector<16xf32>
        %broadcast_in_dim3A_834 = arith.constant true
        %broadcast_in_dim3A_835 = vector.broadcast %broadcast_in_dim3A_834 : i1 to vector<16xi1>
        %masked_cumsum3A_836 = tpu.scan <sum>, %mul3A_727 masked %broadcast_in_dim3A_835 : vector<16xf32>, vector<16xi1> -> vector<16xf32>
        %broadcast_in_dim3A_837 = arith.constant true
        %broadcast_in_dim3A_838 = vector.broadcast %broadcast_in_dim3A_837 : i1 to vector<16xi1>
        %masked_cumsum3A_839 = tpu.scan <sum>, %mul3A_742 masked %broadcast_in_dim3A_838 : vector<16xf32>, vector<16xi1> -> vector<16xf32>
        %broadcast_in_dim3A_840 = arith.constant true
        %broadcast_in_dim3A_841 = vector.broadcast %broadcast_in_dim3A_840 : i1 to vector<16xi1>
        %masked_cumsum3A_842 = tpu.scan <sum>, %mul3A_759 masked %broadcast_in_dim3A_841 : vector<16xf32>, vector<16xi1> -> vector<16xf32>
        %broadcast_in_dim3A_843 = arith.constant true
        %broadcast_in_dim3A_844 = vector.broadcast %broadcast_in_dim3A_843 : i1 to vector<16xi1>
        %masked_cumsum3A_845 = tpu.scan <sum>, %mul3A_774 masked %broadcast_in_dim3A_844 : vector<16xf32>, vector<16xi1> -> vector<16xf32>
        %broadcast_in_dim3A_846 = arith.constant true
        %broadcast_in_dim3A_847 = vector.broadcast %broadcast_in_dim3A_846 : i1 to vector<16xi1>
        %masked_cumsum3A_848 = tpu.scan <sum>, %mul3A_789 masked %broadcast_in_dim3A_847 : vector<16xf32>, vector<16xi1> -> vector<16xf32>
        %broadcast_in_dim3A_849 = arith.constant true
        %broadcast_in_dim3A_850 = vector.broadcast %broadcast_in_dim3A_849 : i1 to vector<16xi1>
        %masked_cumsum3A_851 = tpu.scan <sum>, %mul3A_804 masked %broadcast_in_dim3A_850 : vector<16xf32>, vector<16xi1> -> vector<16xf32>
        %gather3A = vector.shape_cast %broadcast_in_dim3A_5 : vector<16x1xi32> to vector<16xi32>
        %gather3A_852 = tpu.dynamic_gather %masked_cumsum3A[%gather3A] in [0] : vector<16xf32>, vector<16xi32> -> vector<16xf32>
        %exp3A = math.exp %gather3A_852 : vector<16xf32>
        %gather3A_853 = vector.shape_cast %broadcast_in_dim3A_5 : vector<16x1xi32> to vector<16xi32>
        %gather3A_854 = tpu.dynamic_gather %masked_cumsum3A_809[%gather3A_853] in [0] : vector<16xf32>, vector<16xi32> -> vector<16xf32>
        %exp3A_855 = math.exp %gather3A_854 : vector<16xf32>
        %gather3A_856 = vector.shape_cast %broadcast_in_dim3A_5 : vector<16x1xi32> to vector<16xi32>
        %gather3A_857 = tpu.dynamic_gather %masked_cumsum3A_812[%gather3A_856] in [0] : vector<16xf32>, vector<16xi32> -> vector<16xf32>
        %exp3A_858 = math.exp %gather3A_857 : vector<16xf32>
        %gather3A_859 = vector.shape_cast %broadcast_in_dim3A_5 : vector<16x1xi32> to vector<16xi32>
        %gather3A_860 = tpu.dynamic_gather %masked_cumsum3A_815[%gather3A_859] in [0] : vector<16xf32>, vector<16xi32> -> vector<16xf32>
        %exp3A_861 = math.exp %gather3A_860 : vector<16xf32>
        %gather3A_862 = vector.shape_cast %broadcast_in_dim3A_5 : vector<16x1xi32> to vector<16xi32>
        %gather3A_863 = tpu.dynamic_gather %masked_cumsum3A_818[%gather3A_862] in [0] : vector<16xf32>, vector<16xi32> -> vector<16xf32>
        %exp3A_864 = math.exp %gather3A_863 : vector<16xf32>
        %gather3A_865 = vector.shape_cast %broadcast_in_dim3A_5 : vector<16x1xi32> to vector<16xi32>
        %gather3A_866 = tpu.dynamic_gather %masked_cumsum3A_821[%gather3A_865] in [0] : vector<16xf32>, vector<16xi32> -> vector<16xf32>
        %exp3A_867 = math.exp %gather3A_866 : vector<16xf32>
        %gather3A_868 = vector.shape_cast %broadcast_in_dim3A_5 : vector<16x1xi32> to vector<16xi32>
        %gather3A_869 = tpu.dynamic_gather %masked_cumsum3A_824[%gather3A_868] in [0] : vector<16xf32>, vector<16xi32> -> vector<16xf32>
        %exp3A_870 = math.exp %gather3A_869 : vector<16xf32>
        %gather3A_871 = vector.shape_cast %broadcast_in_dim3A_5 : vector<16x1xi32> to vector<16xi32>
        %gather3A_872 = tpu.dynamic_gather %masked_cumsum3A_827[%gather3A_871] in [0] : vector<16xf32>, vector<16xi32> -> vector<16xf32>
        %exp3A_873 = math.exp %gather3A_872 : vector<16xf32>
        %gather3A_874 = vector.shape_cast %broadcast_in_dim3A_5 : vector<16x1xi32> to vector<16xi32>
        %gather3A_875 = tpu.dynamic_gather %masked_cumsum3A_830[%gather3A_874] in [0] : vector<16xf32>, vector<16xi32> -> vector<16xf32>
        %exp3A_876 = math.exp %gather3A_875 : vector<16xf32>
        %gather3A_877 = vector.shape_cast %broadcast_in_dim3A_5 : vector<16x1xi32> to vector<16xi32>
        %gather3A_878 = tpu.dynamic_gather %masked_cumsum3A_833[%gather3A_877] in [0] : vector<16xf32>, vector<16xi32> -> vector<16xf32>
        %exp3A_879 = math.exp %gather3A_878 : vector<16xf32>
        %gather3A_880 = vector.shape_cast %broadcast_in_dim3A_5 : vector<16x1xi32> to vector<16xi32>
        %gather3A_881 = tpu.dynamic_gather %masked_cumsum3A_836[%gather3A_880] in [0] : vector<16xf32>, vector<16xi32> -> vector<16xf32>
        %exp3A_882 = math.exp %gather3A_881 : vector<16xf32>
        %gather3A_883 = vector.shape_cast %broadcast_in_dim3A_5 : vector<16x1xi32> to vector<16xi32>
        %gather3A_884 = tpu.dynamic_gather %masked_cumsum3A_839[%gather3A_883] in [0] : vector<16xf32>, vector<16xi32> -> vector<16xf32>
        %exp3A_885 = math.exp %gather3A_884 : vector<16xf32>
        %gather3A_886 = vector.shape_cast %broadcast_in_dim3A_5 : vector<16x1xi32> to vector<16xi32>
        %gather3A_887 = tpu.dynamic_gather %masked_cumsum3A_842[%gather3A_886] in [0] : vector<16xf32>, vector<16xi32> -> vector<16xf32>
        %exp3A_888 = math.exp %gather3A_887 : vector<16xf32>
        %gather3A_889 = vector.shape_cast %broadcast_in_dim3A_5 : vector<16x1xi32> to vector<16xi32>
        %gather3A_890 = tpu.dynamic_gather %masked_cumsum3A_845[%gather3A_889] in [0] : vector<16xf32>, vector<16xi32> -> vector<16xf32>
        %exp3A_891 = math.exp %gather3A_890 : vector<16xf32>
        %gather3A_892 = vector.shape_cast %broadcast_in_dim3A_5 : vector<16x1xi32> to vector<16xi32>
        %gather3A_893 = tpu.dynamic_gather %masked_cumsum3A_848[%gather3A_892] in [0] : vector<16xf32>, vector<16xi32> -> vector<16xf32>
        %exp3A_894 = math.exp %gather3A_893 : vector<16xf32>
        %gather3A_895 = vector.shape_cast %broadcast_in_dim3A_5 : vector<16x1xi32> to vector<16xi32>
        %gather3A_896 = tpu.dynamic_gather %masked_cumsum3A_851[%gather3A_895] in [0] : vector<16xf32>, vector<16xi32> -> vector<16xf32>
        %exp3A_897 = math.exp %gather3A_896 : vector<16xf32>
        %add3A_898 = arith.constant 0 : i32
        %add3A_899 = arith.addi %mul3A_556, %add3A_898 : i32
        %get3A_900 = arith.constant 0 : i32
        %get3A_901 = arith.constant 0 : i32
        %get3A_902 = tpu.memref_slice %arg15[%scan3A_291, %get3A_900, %get3A_901] : memref<2x128x64xf32, #tpu.memory_space<vmem>> -> memref<1x128x64xf32, #tpu.memory_space<vmem>>
        %get3A_903 = tpu.memref_squeeze %get3A_902 : memref<1x128x64xf32, #tpu.memory_space<vmem>> -> memref<128x64xf32, #tpu.memory_space<vmem>>
        %get3A_904 = arith.index_cast %add3A_899 : i32 to index
        %get3A_905 = arith.constant 0 : index
        %get3A_906 = tpu.vector_load %get3A_903[%get3A_904, %get3A_905] {strides = array<i32>} : memref<128x64xf32, #tpu.memory_space<vmem>>, vector<16xf32>,
        %mul3A_907 = arith.mulf %get3A_906, %exp3A : vector<16xf32>
        %swap3A = arith.constant 0 : i32
        %swap3A_908 = arith.constant 0 : i32
        %swap3A_909 = tpu.memref_slice %arg15[%scan3A_291, %swap3A, %swap3A_908] : memref<2x128x64xf32, #tpu.memory_space<vmem>> -> memref<1x128x64xf32, #tpu.memory_space<vmem>>
        %swap3A_910 = tpu.memref_squeeze %swap3A_909 : memref<1x128x64xf32, #tpu.memory_space<vmem>> -> memref<128x64xf32, #tpu.memory_space<vmem>>
        %swap3A_911 = arith.index_cast %add3A_899 : i32 to index
        %swap3A_912 = arith.constant 0 : index
        %swap3A_913 = tpu.vector_load %swap3A_910[%swap3A_911, %swap3A_912] {strides = array<i32>} : memref<128x64xf32, #tpu.memory_space<vmem>>, vector<16xf32>,
        tpu.vector_store %swap3A_910[%swap3A_911, %swap3A_912], %mul3A_907 {strides = array<i32>} : memref<128x64xf32, #tpu.memory_space<vmem>>, vector<16xf32>,
        %eq3A = arith.constant 0 : i32
        %eq3A_914 = vector.broadcast %eq3A : i32 to vector<16xi32>
        %eq3A_915 = arith.cmpi eq, %iota3A, %eq3A_914 : vector<16xi32>
        %select_n3A = arith.select %eq3A_915, %exp3A, %broadcast_in_dim3A_0 : vector<16xi1>, vector<16xf32>
        %get3A_916 = arith.constant 0 : i32
        %get3A_917 = arith.constant 0 : i32
        %get3A_918 = tpu.memref_slice %arg15[%scan3A_291, %get3A_916, %get3A_917] : memref<2x128x64xf32, #tpu.memory_space<vmem>> -> memref<1x128x64xf32, #tpu.memory_space<vmem>>
        %get3A_919 = tpu.memref_squeeze %get3A_918 : memref<1x128x64xf32, #tpu.memory_space<vmem>> -> memref<128x64xf32, #tpu.memory_space<vmem>>
        %get3A_920 = arith.index_cast %add3A_899 : i32 to index
        %get3A_921 = arith.constant 16 : index
        %get3A_922 = tpu.vector_load %get3A_919[%get3A_920, %get3A_921] {strides = array<i32>} : memref<128x64xf32, #tpu.memory_space<vmem>>, vector<16xf32>,
        %mul3A_923 = arith.mulf %get3A_922, %exp3A_855 : vector<16xf32>
        %swap3A_924 = arith.constant 0 : i32
        %swap3A_925 = arith.constant 0 : i32
        %swap3A_926 = tpu.memref_slice %arg15[%scan3A_291, %swap3A_924, %swap3A_925] : memref<2x128x64xf32, #tpu.memory_space<vmem>> -> memref<1x128x64xf32, #tpu.memory_space<vmem>>
        %swap3A_927 = tpu.memref_squeeze %swap3A_926 : memref<1x128x64xf32, #tpu.memory_space<vmem>> -> memref<128x64xf32, #tpu.memory_space<vmem>>
        %swap3A_928 = arith.index_cast %add3A_899 : i32 to index
        %swap3A_929 = arith.constant 16 : index
        %swap3A_930 = tpu.vector_load %swap3A_927[%swap3A_928, %swap3A_929] {strides = array<i32>} : memref<128x64xf32, #tpu.memory_space<vmem>>, vector<16xf32>,
        tpu.vector_store %swap3A_927[%swap3A_928, %swap3A_929], %mul3A_923 {strides = array<i32>} : memref<128x64xf32, #tpu.memory_space<vmem>>, vector<16xf32>,
        %eq3A_931 = arith.constant 1 : i32
        %eq3A_932 = vector.broadcast %eq3A_931 : i32 to vector<16xi32>
        %eq3A_933 = arith.cmpi eq, %iota3A, %eq3A_932 : vector<16xi32>
        %select_n3A_934 = arith.select %eq3A_933, %exp3A_855, %select_n3A : vector<16xi1>, vector<16xf32>
        %get3A_935 = arith.constant 0 : i32
        %get3A_936 = arith.constant 0 : i32
        %get3A_937 = tpu.memref_slice %arg15[%scan3A_291, %get3A_935, %get3A_936] : memref<2x128x64xf32, #tpu.memory_space<vmem>> -> memref<1x128x64xf32, #tpu.memory_space<vmem>>
        %get3A_938 = tpu.memref_squeeze %get3A_937 : memref<1x128x64xf32, #tpu.memory_space<vmem>> -> memref<128x64xf32, #tpu.memory_space<vmem>>
        %get3A_939 = arith.index_cast %add3A_899 : i32 to index
        %get3A_940 = arith.constant 32 : index
        %get3A_941 = tpu.vector_load %get3A_938[%get3A_939, %get3A_940] {strides = array<i32>} : memref<128x64xf32, #tpu.memory_space<vmem>>, vector<16xf32>,
        %mul3A_942 = arith.mulf %get3A_941, %exp3A_858 : vector<16xf32>
        %swap3A_943 = arith.constant 0 : i32
        %swap3A_944 = arith.constant 0 : i32
        %swap3A_945 = tpu.memref_slice %arg15[%scan3A_291, %swap3A_943, %swap3A_944] : memref<2x128x64xf32, #tpu.memory_space<vmem>> -> memref<1x128x64xf32, #tpu.memory_space<vmem>>
        %swap3A_946 = tpu.memref_squeeze %swap3A_945 : memref<1x128x64xf32, #tpu.memory_space<vmem>> -> memref<128x64xf32, #tpu.memory_space<vmem>>
        %swap3A_947 = arith.index_cast %add3A_899 : i32 to index
        %swap3A_948 = arith.constant 32 : index
        %swap3A_949 = tpu.vector_load %swap3A_946[%swap3A_947, %swap3A_948] {strides = array<i32>} : memref<128x64xf32, #tpu.memory_space<vmem>>, vector<16xf32>,
        tpu.vector_store %swap3A_946[%swap3A_947, %swap3A_948], %mul3A_942 {strides = array<i32>} : memref<128x64xf32, #tpu.memory_space<vmem>>, vector<16xf32>,
        %eq3A_950 = arith.constant 2 : i32
        %eq3A_951 = vector.broadcast %eq3A_950 : i32 to vector<16xi32>
        %eq3A_952 = arith.cmpi eq, %iota3A, %eq3A_951 : vector<16xi32>
        %select_n3A_953 = arith.select %eq3A_952, %exp3A_858, %select_n3A_934 : vector<16xi1>, vector<16xf32>
        %get3A_954 = arith.constant 0 : i32
        %get3A_955 = arith.constant 0 : i32
        %get3A_956 = tpu.memref_slice %arg15[%scan3A_291, %get3A_954, %get3A_955] : memref<2x128x64xf32, #tpu.memory_space<vmem>> -> memref<1x128x64xf32, #tpu.memory_space<vmem>>
        %get3A_957 = tpu.memref_squeeze %get3A_956 : memref<1x128x64xf32, #tpu.memory_space<vmem>> -> memref<128x64xf32, #tpu.memory_space<vmem>>
        %get3A_958 = arith.index_cast %add3A_899 : i32 to index
        %get3A_959 = arith.constant 48 : index
        %get3A_960 = tpu.vector_load %get3A_957[%get3A_958, %get3A_959] {strides = array<i32>} : memref<128x64xf32, #tpu.memory_space<vmem>>, vector<16xf32>,
        %mul3A_961 = arith.mulf %get3A_960, %exp3A_861 : vector<16xf32>
        %swap3A_962 = arith.constant 0 : i32
        %swap3A_963 = arith.constant 0 : i32
        %swap3A_964 = tpu.memref_slice %arg15[%scan3A_291, %swap3A_962, %swap3A_963] : memref<2x128x64xf32, #tpu.memory_space<vmem>> -> memref<1x128x64xf32, #tpu.memory_space<vmem>>
        %swap3A_965 = tpu.memref_squeeze %swap3A_964 : memref<1x128x64xf32, #tpu.memory_space<vmem>> -> memref<128x64xf32, #tpu.memory_space<vmem>>
        %swap3A_966 = arith.index_cast %add3A_899 : i32 to index
        %swap3A_967 = arith.constant 48 : index
        %swap3A_968 = tpu.vector_load %swap3A_965[%swap3A_966, %swap3A_967] {strides = array<i32>} : memref<128x64xf32, #tpu.memory_space<vmem>>, vector<16xf32>,
        tpu.vector_store %swap3A_965[%swap3A_966, %swap3A_967], %mul3A_961 {strides = array<i32>} : memref<128x64xf32, #tpu.memory_space<vmem>>, vector<16xf32>,
        %eq3A_969 = arith.constant 3 : i32
        %eq3A_970 = vector.broadcast %eq3A_969 : i32 to vector<16xi32>
        %eq3A_971 = arith.cmpi eq, %iota3A, %eq3A_970 : vector<16xi32>
        %select_n3A_972 = arith.select %eq3A_971, %exp3A_861, %select_n3A_953 : vector<16xi1>, vector<16xf32>
        %swap3A_973 = arith.constant 0 : i32
        %swap3A_974 = arith.constant 0 : i32
        %swap3A_975 = tpu.memref_slice %arg16[%scan3A_292, %swap3A_973, %swap3A_974] : memref<2x128x16xf32, #tpu.memory_space<vmem>> -> memref<1x128x16xf32, #tpu.memory_space<vmem>>
        %swap3A_976 = tpu.memref_squeeze %swap3A_975 : memref<1x128x16xf32, #tpu.memory_space<vmem>> -> memref<128x16xf32, #tpu.memory_space<vmem>>
        %swap3A_977 = arith.index_cast %add3A_899 : i32 to index
        %swap3A_978 = arith.constant 0 : index
        %swap3A_979 = tpu.vector_load %swap3A_976[%swap3A_977, %swap3A_978] {strides = array<i32>} : memref<128x16xf32, #tpu.memory_space<vmem>>, vector<16xf32>,
        tpu.vector_store %swap3A_976[%swap3A_977, %swap3A_978], %select_n3A_972 {strides = array<i32>} : memref<128x16xf32, #tpu.memory_space<vmem>>, vector<16xf32>,
        %add3A_980 = arith.constant 1 : i32
        %add3A_981 = arith.addi %mul3A_556, %add3A_980 : i32
        %get3A_982 = arith.constant 0 : i32
        %get3A_983 = arith.constant 0 : i32
        %get3A_984 = tpu.memref_slice %arg15[%scan3A_291, %get3A_982, %get3A_983] : memref<2x128x64xf32, #tpu.memory_space<vmem>> -> memref<1x128x64xf32, #tpu.memory_space<vmem>>
        %get3A_985 = tpu.memref_squeeze %get3A_984 : memref<1x128x64xf32, #tpu.memory_space<vmem>> -> memref<128x64xf32, #tpu.memory_space<vmem>>
        %get3A_986 = arith.index_cast %add3A_981 : i32 to index
        %get3A_987 = arith.constant 0 : index
        %get3A_988 = tpu.vector_load %get3A_985[%get3A_986, %get3A_987] {strides = array<i32>} : memref<128x64xf32, #tpu.memory_space<vmem>>, vector<16xf32>,
        %mul3A_989 = arith.mulf %get3A_988, %exp3A_864 : vector<16xf32>
        %swap3A_990 = arith.constant 0 : i32
        %swap3A_991 = arith.constant 0 : i32
        %swap3A_992 = tpu.memref_slice %arg15[%scan3A_291, %swap3A_990, %swap3A_991] : memref<2x128x64xf32, #tpu.memory_space<vmem>> -> memref<1x128x64xf32, #tpu.memory_space<vmem>>
        %swap3A_993 = tpu.memref_squeeze %swap3A_992 : memref<1x128x64xf32, #tpu.memory_space<vmem>> -> memref<128x64xf32, #tpu.memory_space<vmem>>
        %swap3A_994 = arith.index_cast %add3A_981 : i32 to index
        %swap3A_995 = arith.constant 0 : index
        %swap3A_996 = tpu.vector_load %swap3A_993[%swap3A_994, %swap3A_995] {strides = array<i32>} : memref<128x64xf32, #tpu.memory_space<vmem>>, vector<16xf32>,
        tpu.vector_store %swap3A_993[%swap3A_994, %swap3A_995], %mul3A_989 {strides = array<i32>} : memref<128x64xf32, #tpu.memory_space<vmem>>, vector<16xf32>,
        %eq3A_997 = arith.constant 0 : i32
        %eq3A_998 = vector.broadcast %eq3A_997 : i32 to vector<16xi32>
        %eq3A_999 = arith.cmpi eq, %iota3A, %eq3A_998 : vector<16xi32>
        %select_n3A_1000 = arith.select %eq3A_999, %exp3A_864, %broadcast_in_dim3A_0 : vector<16xi1>, vector<16xf32>
        %get3A_1001 = arith.constant 0 : i32
        %get3A_1002 = arith.constant 0 : i32
        %get3A_1003 = tpu.memref_slice %arg15[%scan3A_291, %get3A_1001, %get3A_1002] : memref<2x128x64xf32, #tpu.memory_space<vmem>> -> memref<1x128x64xf32, #tpu.memory_space<vmem>>
        %get3A_1004 = tpu.memref_squeeze %get3A_1003 : memref<1x128x64xf32, #tpu.memory_space<vmem>> -> memref<128x64xf32, #tpu.memory_space<vmem>>
        %get3A_1005 = arith.index_cast %add3A_981 : i32 to index
        %get3A_1006 = arith.constant 16 : index
        %get3A_1007 = tpu.vector_load %get3A_1004[%get3A_1005, %get3A_1006] {strides = array<i32>} : memref<128x64xf32, #tpu.memory_space<vmem>>, vector<16xf32>,
        %mul3A_1008 = arith.mulf %get3A_1007, %exp3A_867 : vector<16xf32>
        %swap3A_1009 = arith.constant 0 : i32
        %swap3A_1010 = arith.constant 0 : i32
        %swap3A_1011 = tpu.memref_slice %arg15[%scan3A_291, %swap3A_1009, %swap3A_1010] : memref<2x128x64xf32, #tpu.memory_space<vmem>> -> memref<1x128x64xf32, #tpu.memory_space<vmem>>
        %swap3A_1012 = tpu.memref_squeeze %swap3A_1011 : memref<1x128x64xf32, #tpu.memory_space<vmem>> -> memref<128x64xf32, #tpu.memory_space<vmem>>
        %swap3A_1013 = arith.index_cast %add3A_981 : i32 to index
        %swap3A_1014 = arith.constant 16 : index
        %swap3A_1015 = tpu.vector_load %swap3A_1012[%swap3A_1013, %swap3A_1014] {strides = array<i32>} : memref<128x64xf32, #tpu.memory_space<vmem>>, vector<16xf32>,
        tpu.vector_store %swap3A_1012[%swap3A_1013, %swap3A_1014], %mul3A_1008 {strides = array<i32>} : memref<128x64xf32, #tpu.memory_space<vmem>>, vector<16xf32>,
        %eq3A_1016 = arith.constant 1 : i32
        %eq3A_1017 = vector.broadcast %eq3A_1016 : i32 to vector<16xi32>
        %eq3A_1018 = arith.cmpi eq, %iota3A, %eq3A_1017 : vector<16xi32>
        %select_n3A_1019 = arith.select %eq3A_1018, %exp3A_867, %select_n3A_1000 : vector<16xi1>, vector<16xf32>
        %get3A_1020 = arith.constant 0 : i32
        %get3A_1021 = arith.constant 0 : i32
        %get3A_1022 = tpu.memref_slice %arg15[%scan3A_291, %get3A_1020, %get3A_1021] : memref<2x128x64xf32, #tpu.memory_space<vmem>> -> memref<1x128x64xf32, #tpu.memory_space<vmem>>
        %get3A_1023 = tpu.memref_squeeze %get3A_1022 : memref<1x128x64xf32, #tpu.memory_space<vmem>> -> memref<128x64xf32, #tpu.memory_space<vmem>>
        %get3A_1024 = arith.index_cast %add3A_981 : i32 to index
        %get3A_1025 = arith.constant 32 : index
        %get3A_1026 = tpu.vector_load %get3A_1023[%get3A_1024, %get3A_1025] {strides = array<i32>} : memref<128x64xf32, #tpu.memory_space<vmem>>, vector<16xf32>,
        %mul3A_1027 = arith.mulf %get3A_1026, %exp3A_870 : vector<16xf32>
        %swap3A_1028 = arith.constant 0 : i32
        %swap3A_1029 = arith.constant 0 : i32
        %swap3A_1030 = tpu.memref_slice %arg15[%scan3A_291, %swap3A_1028, %swap3A_1029] : memref<2x128x64xf32, #tpu.memory_space<vmem>> -> memref<1x128x64xf32, #tpu.memory_space<vmem>>
        %swap3A_1031 = tpu.memref_squeeze %swap3A_1030 : memref<1x128x64xf32, #tpu.memory_space<vmem>> -> memref<128x64xf32, #tpu.memory_space<vmem>>
        %swap3A_1032 = arith.index_cast %add3A_981 : i32 to index
        %swap3A_1033 = arith.constant 32 : index
        %swap3A_1034 = tpu.vector_load %swap3A_1031[%swap3A_1032, %swap3A_1033] {strides = array<i32>} : memref<128x64xf32, #tpu.memory_space<vmem>>, vector<16xf32>,
        tpu.vector_store %swap3A_1031[%swap3A_1032, %swap3A_1033], %mul3A_1027 {strides = array<i32>} : memref<128x64xf32, #tpu.memory_space<vmem>>, vector<16xf32>,
        %eq3A_1035 = arith.constant 2 : i32
        %eq3A_1036 = vector.broadcast %eq3A_1035 : i32 to vector<16xi32>
        %eq3A_1037 = arith.cmpi eq, %iota3A, %eq3A_1036 : vector<16xi32>
        %select_n3A_1038 = arith.select %eq3A_1037, %exp3A_870, %select_n3A_1019 : vector<16xi1>, vector<16xf32>
        %get3A_1039 = arith.constant 0 : i32
        %get3A_1040 = arith.constant 0 : i32
        %get3A_1041 = tpu.memref_slice %arg15[%scan3A_291, %get3A_1039, %get3A_1040] : memref<2x128x64xf32, #tpu.memory_space<vmem>> -> memref<1x128x64xf32, #tpu.memory_space<vmem>>
        %get3A_1042 = tpu.memref_squeeze %get3A_1041 : memref<1x128x64xf32, #tpu.memory_space<vmem>> -> memref<128x64xf32, #tpu.memory_space<vmem>>
        %get3A_1043 = arith.index_cast %add3A_981 : i32 to index
        %get3A_1044 = arith.constant 48 : index
        %get3A_1045 = tpu.vector_load %get3A_1042[%get3A_1043, %get3A_1044] {strides = array<i32>} : memref<128x64xf32, #tpu.memory_space<vmem>>, vector<16xf32>,
        %mul3A_1046 = arith.mulf %get3A_1045, %exp3A_873 : vector<16xf32>
        %swap3A_1047 = arith.constant 0 : i32
        %swap3A_1048 = arith.constant 0 : i32
        %swap3A_1049 = tpu.memref_slice %arg15[%scan3A_291, %swap3A_1047, %swap3A_1048] : memref<2x128x64xf32, #tpu.memory_space<vmem>> -> memref<1x128x64xf32, #tpu.memory_space<vmem>>
        %swap3A_1050 = tpu.memref_squeeze %swap3A_1049 : memref<1x128x64xf32, #tpu.memory_space<vmem>> -> memref<128x64xf32, #tpu.memory_space<vmem>>
        %swap3A_1051 = arith.index_cast %add3A_981 : i32 to index
        %swap3A_1052 = arith.constant 48 : index
        %swap3A_1053 = tpu.vector_load %swap3A_1050[%swap3A_1051, %swap3A_1052] {strides = array<i32>} : memref<128x64xf32, #tpu.memory_space<vmem>>, vector<16xf32>,
        tpu.vector_store %swap3A_1050[%swap3A_1051, %swap3A_1052], %mul3A_1046 {strides = array<i32>} : memref<128x64xf32, #tpu.memory_space<vmem>>, vector<16xf32>,
        %eq3A_1054 = arith.constant 3 : i32
        %eq3A_1055 = vector.broadcast %eq3A_1054 : i32 to vector<16xi32>
        %eq3A_1056 = arith.cmpi eq, %iota3A, %eq3A_1055 : vector<16xi32>
        %select_n3A_1057 = arith.select %eq3A_1056, %exp3A_873, %select_n3A_1038 : vector<16xi1>, vector<16xf32>
        %swap3A_1058 = arith.constant 0 : i32
        %swap3A_1059 = arith.constant 0 : i32
        %swap3A_1060 = tpu.memref_slice %arg16[%scan3A_292, %swap3A_1058, %swap3A_1059] : memref<2x128x16xf32, #tpu.memory_space<vmem>> -> memref<1x128x16xf32, #tpu.memory_space<vmem>>
        %swap3A_1061 = tpu.memref_squeeze %swap3A_1060 : memref<1x128x16xf32, #tpu.memory_space<vmem>> -> memref<128x16xf32, #tpu.memory_space<vmem>>
        %swap3A_1062 = arith.index_cast %add3A_981 : i32 to index
        %swap3A_1063 = arith.constant 0 : index
        %swap3A_1064 = tpu.vector_load %swap3A_1061[%swap3A_1062, %swap3A_1063] {strides = array<i32>} : memref<128x16xf32, #tpu.memory_space<vmem>>, vector<16xf32>,
        tpu.vector_store %swap3A_1061[%swap3A_1062, %swap3A_1063], %select_n3A_1057 {strides = array<i32>} : memref<128x16xf32, #tpu.memory_space<vmem>>, vector<16xf32>,
        %add3A_1065 = arith.constant 2 : i32
        %add3A_1066 = arith.addi %mul3A_556, %add3A_1065 : i32
        %get3A_1067 = arith.constant 0 : i32
        %get3A_1068 = arith.constant 0 : i32
        %get3A_1069 = tpu.memref_slice %arg15[%scan3A_291, %get3A_1067, %get3A_1068] : memref<2x128x64xf32, #tpu.memory_space<vmem>> -> memref<1x128x64xf32, #tpu.memory_space<vmem>>
        %get3A_1070 = tpu.memref_squeeze %get3A_1069 : memref<1x128x64xf32, #tpu.memory_space<vmem>> -> memref<128x64xf32, #tpu.memory_space<vmem>>
        %get3A_1071 = arith.index_cast %add3A_1066 : i32 to index
        %get3A_1072 = arith.constant 0 : index
        %get3A_1073 = tpu.vector_load %get3A_1070[%get3A_1071, %get3A_1072] {strides = array<i32>} : memref<128x64xf32, #tpu.memory_space<vmem>>, vector<16xf32>,
        %mul3A_1074 = arith.mulf %get3A_1073, %exp3A_876 : vector<16xf32>
        %swap3A_1075 = arith.constant 0 : i32
        %swap3A_1076 = arith.constant 0 : i32
        %swap3A_1077 = tpu.memref_slice %arg15[%scan3A_291, %swap3A_1075, %swap3A_1076] : memref<2x128x64xf32, #tpu.memory_space<vmem>> -> memref<1x128x64xf32, #tpu.memory_space<vmem>>
        %swap3A_1078 = tpu.memref_squeeze %swap3A_1077 : memref<1x128x64xf32, #tpu.memory_space<vmem>> -> memref<128x64xf32, #tpu.memory_space<vmem>>
        %swap3A_1079 = arith.index_cast %add3A_1066 : i32 to index
        %swap3A_1080 = arith.constant 0 : index
        %swap3A_1081 = tpu.vector_load %swap3A_1078[%swap3A_1079, %swap3A_1080] {strides = array<i32>} : memref<128x64xf32, #tpu.memory_space<vmem>>, vector<16xf32>,
        tpu.vector_store %swap3A_1078[%swap3A_1079, %swap3A_1080], %mul3A_1074 {strides = array<i32>} : memref<128x64xf32, #tpu.memory_space<vmem>>, vector<16xf32>,
        %eq3A_1082 = arith.constant 0 : i32
        %eq3A_1083 = vector.broadcast %eq3A_1082 : i32 to vector<16xi32>
        %eq3A_1084 = arith.cmpi eq, %iota3A, %eq3A_1083 : vector<16xi32>
        %select_n3A_1085 = arith.select %eq3A_1084, %exp3A_876, %broadcast_in_dim3A_0 : vector<16xi1>, vector<16xf32>
        %get3A_1086 = arith.constant 0 : i32
        %get3A_1087 = arith.constant 0 : i32
        %get3A_1088 = tpu.memref_slice %arg15[%scan3A_291, %get3A_1086, %get3A_1087] : memref<2x128x64xf32, #tpu.memory_space<vmem>> -> memref<1x128x64xf32, #tpu.memory_space<vmem>>
        %get3A_1089 = tpu.memref_squeeze %get3A_1088 : memref<1x128x64xf32, #tpu.memory_space<vmem>> -> memref<128x64xf32, #tpu.memory_space<vmem>>
        %get3A_1090 = arith.index_cast %add3A_1066 : i32 to index
        %get3A_1091 = arith.constant 16 : index
        %get3A_1092 = tpu.vector_load %get3A_1089[%get3A_1090, %get3A_1091] {strides = array<i32>} : memref<128x64xf32, #tpu.memory_space<vmem>>, vector<16xf32>,
        %mul3A_1093 = arith.mulf %get3A_1092, %exp3A_879 : vector<16xf32>
        %swap3A_1094 = arith.constant 0 : i32
        %swap3A_1095 = arith.constant 0 : i32
        %swap3A_1096 = tpu.memref_slice %arg15[%scan3A_291, %swap3A_1094, %swap3A_1095] : memref<2x128x64xf32, #tpu.memory_space<vmem>> -> memref<1x128x64xf32, #tpu.memory_space<vmem>>
        %swap3A_1097 = tpu.memref_squeeze %swap3A_1096 : memref<1x128x64xf32, #tpu.memory_space<vmem>> -> memref<128x64xf32, #tpu.memory_space<vmem>>
        %swap3A_1098 = arith.index_cast %add3A_1066 : i32 to index
        %swap3A_1099 = arith.constant 16 : index
        %swap3A_1100 = tpu.vector_load %swap3A_1097[%swap3A_1098, %swap3A_1099] {strides = array<i32>} : memref<128x64xf32, #tpu.memory_space<vmem>>, vector<16xf32>,
        tpu.vector_store %swap3A_1097[%swap3A_1098, %swap3A_1099], %mul3A_1093 {strides = array<i32>} : memref<128x64xf32, #tpu.memory_space<vmem>>, vector<16xf32>,
        %eq3A_1101 = arith.constant 1 : i32
        %eq3A_1102 = vector.broadcast %eq3A_1101 : i32 to vector<16xi32>
        %eq3A_1103 = arith.cmpi eq, %iota3A, %eq3A_1102 : vector<16xi32>
        %select_n3A_1104 = arith.select %eq3A_1103, %exp3A_879, %select_n3A_1085 : vector<16xi1>, vector<16xf32>
        %get3A_1105 = arith.constant 0 : i32
        %get3A_1106 = arith.constant 0 : i32
        %get3A_1107 = tpu.memref_slice %arg15[%scan3A_291, %get3A_1105, %get3A_1106] : memref<2x128x64xf32, #tpu.memory_space<vmem>> -> memref<1x128x64xf32, #tpu.memory_space<vmem>>
        %get3A_1108 = tpu.memref_squeeze %get3A_1107 : memref<1x128x64xf32, #tpu.memory_space<vmem>> -> memref<128x64xf32, #tpu.memory_space<vmem>>
        %get3A_1109 = arith.index_cast %add3A_1066 : i32 to index
        %get3A_1110 = arith.constant 32 : index
        %get3A_1111 = tpu.vector_load %get3A_1108[%get3A_1109, %get3A_1110] {strides = array<i32>} : memref<128x64xf32, #tpu.memory_space<vmem>>, vector<16xf32>,
        %mul3A_1112 = arith.mulf %get3A_1111, %exp3A_882 : vector<16xf32>
        %swap3A_1113 = arith.constant 0 : i32
        %swap3A_1114 = arith.constant 0 : i32
        %swap3A_1115 = tpu.memref_slice %arg15[%scan3A_291, %swap3A_1113, %swap3A_1114] : memref<2x128x64xf32, #tpu.memory_space<vmem>> -> memref<1x128x64xf32, #tpu.memory_space<vmem>>
        %swap3A_1116 = tpu.memref_squeeze %swap3A_1115 : memref<1x128x64xf32, #tpu.memory_space<vmem>> -> memref<128x64xf32, #tpu.memory_space<vmem>>
        %swap3A_1117 = arith.index_cast %add3A_1066 : i32 to index
        %swap3A_1118 = arith.constant 32 : index
        %swap3A_1119 = tpu.vector_load %swap3A_1116[%swap3A_1117, %swap3A_1118] {strides = array<i32>} : memref<128x64xf32, #tpu.memory_space<vmem>>, vector<16xf32>,
        tpu.vector_store %swap3A_1116[%swap3A_1117, %swap3A_1118], %mul3A_1112 {strides = array<i32>} : memref<128x64xf32, #tpu.memory_space<vmem>>, vector<16xf32>,
        %eq3A_1120 = arith.constant 2 : i32
        %eq3A_1121 = vector.broadcast %eq3A_1120 : i32 to vector<16xi32>
        %eq3A_1122 = arith.cmpi eq, %iota3A, %eq3A_1121 : vector<16xi32>
        %select_n3A_1123 = arith.select %eq3A_1122, %exp3A_882, %select_n3A_1104 : vector<16xi1>, vector<16xf32>
        %get3A_1124 = arith.constant 0 : i32
        %get3A_1125 = arith.constant 0 : i32
        %get3A_1126 = tpu.memref_slice %arg15[%scan3A_291, %get3A_1124, %get3A_1125] : memref<2x128x64xf32, #tpu.memory_space<vmem>> -> memref<1x128x64xf32, #tpu.memory_space<vmem>>
        %get3A_1127 = tpu.memref_squeeze %get3A_1126 : memref<1x128x64xf32, #tpu.memory_space<vmem>> -> memref<128x64xf32, #tpu.memory_space<vmem>>
        %get3A_1128 = arith.index_cast %add3A_1066 : i32 to index
        %get3A_1129 = arith.constant 48 : index
        %get3A_1130 = tpu.vector_load %get3A_1127[%get3A_1128, %get3A_1129] {strides = array<i32>} : memref<128x64xf32, #tpu.memory_space<vmem>>, vector<16xf32>,
        %mul3A_1131 = arith.mulf %get3A_1130, %exp3A_885 : vector<16xf32>
        %swap3A_1132 = arith.constant 0 : i32
        %swap3A_1133 = arith.constant 0 : i32
        %swap3A_1134 = tpu.memref_slice %arg15[%scan3A_291, %swap3A_1132, %swap3A_1133] : memref<2x128x64xf32, #tpu.memory_space<vmem>> -> memref<1x128x64xf32, #tpu.memory_space<vmem>>
        %swap3A_1135 = tpu.memref_squeeze %swap3A_1134 : memref<1x128x64xf32, #tpu.memory_space<vmem>> -> memref<128x64xf32, #tpu.memory_space<vmem>>
        %swap3A_1136 = arith.index_cast %add3A_1066 : i32 to index
        %swap3A_1137 = arith.constant 48 : index
        %swap3A_1138 = tpu.vector_load %swap3A_1135[%swap3A_1136, %swap3A_1137] {strides = array<i32>} : memref<128x64xf32, #tpu.memory_space<vmem>>, vector<16xf32>,
        tpu.vector_store %swap3A_1135[%swap3A_1136, %swap3A_1137], %mul3A_1131 {strides = array<i32>} : memref<128x64xf32, #tpu.memory_space<vmem>>, vector<16xf32>,
        %eq3A_1139 = arith.constant 3 : i32
        %eq3A_1140 = vector.broadcast %eq3A_1139 : i32 to vector<16xi32>
        %eq3A_1141 = arith.cmpi eq, %iota3A, %eq3A_1140 : vector<16xi32>
        %select_n3A_1142 = arith.select %eq3A_1141, %exp3A_885, %select_n3A_1123 : vector<16xi1>, vector<16xf32>
        %swap3A_1143 = arith.constant 0 : i32
        %swap3A_1144 = arith.constant 0 : i32
        %swap3A_1145 = tpu.memref_slice %arg16[%scan3A_292, %swap3A_1143, %swap3A_1144] : memref<2x128x16xf32, #tpu.memory_space<vmem>> -> memref<1x128x16xf32, #tpu.memory_space<vmem>>
        %swap3A_1146 = tpu.memref_squeeze %swap3A_1145 : memref<1x128x16xf32, #tpu.memory_space<vmem>> -> memref<128x16xf32, #tpu.memory_space<vmem>>
        %swap3A_1147 = arith.index_cast %add3A_1066 : i32 to index
        %swap3A_1148 = arith.constant 0 : index
        %swap3A_1149 = tpu.vector_load %swap3A_1146[%swap3A_1147, %swap3A_1148] {strides = array<i32>} : memref<128x16xf32, #tpu.memory_space<vmem>>, vector<16xf32>,
        tpu.vector_store %swap3A_1146[%swap3A_1147, %swap3A_1148], %select_n3A_1142 {strides = array<i32>} : memref<128x16xf32, #tpu.memory_space<vmem>>, vector<16xf32>,
        %add3A_1150 = arith.constant 3 : i32
        %add3A_1151 = arith.addi %mul3A_556, %add3A_1150 : i32
        %get3A_1152 = arith.constant 0 : i32
        %get3A_1153 = arith.constant 0 : i32
        %get3A_1154 = tpu.memref_slice %arg15[%scan3A_291, %get3A_1152, %get3A_1153] : memref<2x128x64xf32, #tpu.memory_space<vmem>> -> memref<1x128x64xf32, #tpu.memory_space<vmem>>
        %get3A_1155 = tpu.memref_squeeze %get3A_1154 : memref<1x128x64xf32, #tpu.memory_space<vmem>> -> memref<128x64xf32, #tpu.memory_space<vmem>>
        %get3A_1156 = arith.index_cast %add3A_1151 : i32 to index
        %get3A_1157 = arith.constant 0 : index
        %get3A_1158 = tpu.vector_load %get3A_1155[%get3A_1156, %get3A_1157] {strides = array<i32>} : memref<128x64xf32, #tpu.memory_space<vmem>>, vector<16xf32>,
        %mul3A_1159 = arith.mulf %get3A_1158, %exp3A_888 : vector<16xf32>
        %swap3A_1160 = arith.constant 0 : i32
        %swap3A_1161 = arith.constant 0 : i32
        %swap3A_1162 = tpu.memref_slice %arg15[%scan3A_291, %swap3A_1160, %swap3A_1161] : memref<2x128x64xf32, #tpu.memory_space<vmem>> -> memref<1x128x64xf32, #tpu.memory_space<vmem>>
        %swap3A_1163 = tpu.memref_squeeze %swap3A_1162 : memref<1x128x64xf32, #tpu.memory_space<vmem>> -> memref<128x64xf32, #tpu.memory_space<vmem>>
        %swap3A_1164 = arith.index_cast %add3A_1151 : i32 to index
        %swap3A_1165 = arith.constant 0 : index
        %swap3A_1166 = tpu.vector_load %swap3A_1163[%swap3A_1164, %swap3A_1165] {strides = array<i32>} : memref<128x64xf32, #tpu.memory_space<vmem>>, vector<16xf32>,
        tpu.vector_store %swap3A_1163[%swap3A_1164, %swap3A_1165], %mul3A_1159 {strides = array<i32>} : memref<128x64xf32, #tpu.memory_space<vmem>>, vector<16xf32>,
        %eq3A_1167 = arith.constant 0 : i32
        %eq3A_1168 = vector.broadcast %eq3A_1167 : i32 to vector<16xi32>
        %eq3A_1169 = arith.cmpi eq, %iota3A, %eq3A_1168 : vector<16xi32>
        %select_n3A_1170 = arith.select %eq3A_1169, %exp3A_888, %broadcast_in_dim3A_0 : vector<16xi1>, vector<16xf32>
        %get3A_1171 = arith.constant 0 : i32
        %get3A_1172 = arith.constant 0 : i32
        %get3A_1173 = tpu.memref_slice %arg15[%scan3A_291, %get3A_1171, %get3A_1172] : memref<2x128x64xf32, #tpu.memory_space<vmem>> -> memref<1x128x64xf32, #tpu.memory_space<vmem>>
        %get3A_1174 = tpu.memref_squeeze %get3A_1173 : memref<1x128x64xf32, #tpu.memory_space<vmem>> -> memref<128x64xf32, #tpu.memory_space<vmem>>
        %get3A_1175 = arith.index_cast %add3A_1151 : i32 to index
        %get3A_1176 = arith.constant 16 : index
        %get3A_1177 = tpu.vector_load %get3A_1174[%get3A_1175, %get3A_1176] {strides = array<i32>} : memref<128x64xf32, #tpu.memory_space<vmem>>, vector<16xf32>,
        %mul3A_1178 = arith.mulf %get3A_1177, %exp3A_891 : vector<16xf32>
        %swap3A_1179 = arith.constant 0 : i32
        %swap3A_1180 = arith.constant 0 : i32
        %swap3A_1181 = tpu.memref_slice %arg15[%scan3A_291, %swap3A_1179, %swap3A_1180] : memref<2x128x64xf32, #tpu.memory_space<vmem>> -> memref<1x128x64xf32, #tpu.memory_space<vmem>>
        %swap3A_1182 = tpu.memref_squeeze %swap3A_1181 : memref<1x128x64xf32, #tpu.memory_space<vmem>> -> memref<128x64xf32, #tpu.memory_space<vmem>>
        %swap3A_1183 = arith.index_cast %add3A_1151 : i32 to index
        %swap3A_1184 = arith.constant 16 : index
        %swap3A_1185 = tpu.vector_load %swap3A_1182[%swap3A_1183, %swap3A_1184] {strides = array<i32>} : memref<128x64xf32, #tpu.memory_space<vmem>>, vector<16xf32>,
        tpu.vector_store %swap3A_1182[%swap3A_1183, %swap3A_1184], %mul3A_1178 {strides = array<i32>} : memref<128x64xf32, #tpu.memory_space<vmem>>, vector<16xf32>,
        %eq3A_1186 = arith.constant 1 : i32
        %eq3A_1187 = vector.broadcast %eq3A_1186 : i32 to vector<16xi32>
        %eq3A_1188 = arith.cmpi eq, %iota3A, %eq3A_1187 : vector<16xi32>
        %select_n3A_1189 = arith.select %eq3A_1188, %exp3A_891, %select_n3A_1170 : vector<16xi1>, vector<16xf32>
        %get3A_1190 = arith.constant 0 : i32
        %get3A_1191 = arith.constant 0 : i32
        %get3A_1192 = tpu.memref_slice %arg15[%scan3A_291, %get3A_1190, %get3A_1191] : memref<2x128x64xf32, #tpu.memory_space<vmem>> -> memref<1x128x64xf32, #tpu.memory_space<vmem>>
        %get3A_1193 = tpu.memref_squeeze %get3A_1192 : memref<1x128x64xf32, #tpu.memory_space<vmem>> -> memref<128x64xf32, #tpu.memory_space<vmem>>
        %get3A_1194 = arith.index_cast %add3A_1151 : i32 to index
        %get3A_1195 = arith.constant 32 : index
        %get3A_1196 = tpu.vector_load %get3A_1193[%get3A_1194, %get3A_1195] {strides = array<i32>} : memref<128x64xf32, #tpu.memory_space<vmem>>, vector<16xf32>,
        %mul3A_1197 = arith.mulf %get3A_1196, %exp3A_894 : vector<16xf32>
        %swap3A_1198 = arith.constant 0 : i32
        %swap3A_1199 = arith.constant 0 : i32
        %swap3A_1200 = tpu.memref_slice %arg15[%scan3A_291, %swap3A_1198, %swap3A_1199] : memref<2x128x64xf32, #tpu.memory_space<vmem>> -> memref<1x128x64xf32, #tpu.memory_space<vmem>>
        %swap3A_1201 = tpu.memref_squeeze %swap3A_1200 : memref<1x128x64xf32, #tpu.memory_space<vmem>> -> memref<128x64xf32, #tpu.memory_space<vmem>>
        %swap3A_1202 = arith.index_cast %add3A_1151 : i32 to index
        %swap3A_1203 = arith.constant 32 : index
        %swap3A_1204 = tpu.vector_load %swap3A_1201[%swap3A_1202, %swap3A_1203] {strides = array<i32>} : memref<128x64xf32, #tpu.memory_space<vmem>>, vector<16xf32>,
        tpu.vector_store %swap3A_1201[%swap3A_1202, %swap3A_1203], %mul3A_1197 {strides = array<i32>} : memref<128x64xf32, #tpu.memory_space<vmem>>, vector<16xf32>,
        %eq3A_1205 = arith.constant 2 : i32
        %eq3A_1206 = vector.broadcast %eq3A_1205 : i32 to vector<16xi32>
        %eq3A_1207 = arith.cmpi eq, %iota3A, %eq3A_1206 : vector<16xi32>
        %select_n3A_1208 = arith.select %eq3A_1207, %exp3A_894, %select_n3A_1189 : vector<16xi1>, vector<16xf32>
        %get3A_1209 = arith.constant 0 : i32
        %get3A_1210 = arith.constant 0 : i32
        %get3A_1211 = tpu.memref_slice %arg15[%scan3A_291, %get3A_1209, %get3A_1210] : memref<2x128x64xf32, #tpu.memory_space<vmem>> -> memref<1x128x64xf32, #tpu.memory_space<vmem>>
        %get3A_1212 = tpu.memref_squeeze %get3A_1211 : memref<1x128x64xf32, #tpu.memory_space<vmem>> -> memref<128x64xf32, #tpu.memory_space<vmem>>
        %get3A_1213 = arith.index_cast %add3A_1151 : i32 to index
        %get3A_1214 = arith.constant 48 : index
        %get3A_1215 = tpu.vector_load %get3A_1212[%get3A_1213, %get3A_1214] {strides = array<i32>} : memref<128x64xf32, #tpu.memory_space<vmem>>, vector<16xf32>,
        %mul3A_1216 = arith.mulf %get3A_1215, %exp3A_897 : vector<16xf32>
        %swap3A_1217 = arith.constant 0 : i32
        %swap3A_1218 = arith.constant 0 : i32
        %swap3A_1219 = tpu.memref_slice %arg15[%scan3A_291, %swap3A_1217, %swap3A_1218] : memref<2x128x64xf32, #tpu.memory_space<vmem>> -> memref<1x128x64xf32, #tpu.memory_space<vmem>>
        %swap3A_1220 = tpu.memref_squeeze %swap3A_1219 : memref<1x128x64xf32, #tpu.memory_space<vmem>> -> memref<128x64xf32, #tpu.memory_space<vmem>>
        %swap3A_1221 = arith.index_cast %add3A_1151 : i32 to index
        %swap3A_1222 = arith.constant 48 : index
        %swap3A_1223 = tpu.vector_load %swap3A_1220[%swap3A_1221, %swap3A_1222] {strides = array<i32>} : memref<128x64xf32, #tpu.memory_space<vmem>>, vector<16xf32>,
        tpu.vector_store %swap3A_1220[%swap3A_1221, %swap3A_1222], %mul3A_1216 {strides = array<i32>} : memref<128x64xf32, #tpu.memory_space<vmem>>, vector<16xf32>,
        %eq3A_1224 = arith.constant 3 : i32
        %eq3A_1225 = vector.broadcast %eq3A_1224 : i32 to vector<16xi32>
        %eq3A_1226 = arith.cmpi eq, %iota3A, %eq3A_1225 : vector<16xi32>
        %select_n3A_1227 = arith.select %eq3A_1226, %exp3A_897, %select_n3A_1208 : vector<16xi1>, vector<16xf32>
        %swap3A_1228 = arith.constant 0 : i32
        %swap3A_1229 = arith.constant 0 : i32
        %swap3A_1230 = tpu.memref_slice %arg16[%scan3A_292, %swap3A_1228, %swap3A_1229] : memref<2x128x16xf32, #tpu.memory_space<vmem>> -> memref<1x128x16xf32, #tpu.memory_space<vmem>>
        %swap3A_1231 = tpu.memref_squeeze %swap3A_1230 : memref<1x128x16xf32, #tpu.memory_space<vmem>> -> memref<128x16xf32, #tpu.memory_space<vmem>>
        %swap3A_1232 = arith.index_cast %add3A_1151 : i32 to index
        %swap3A_1233 = arith.constant 0 : index
        %swap3A_1234 = tpu.vector_load %swap3A_1231[%swap3A_1232, %swap3A_1233] {strides = array<i32>} : memref<128x16xf32, #tpu.memory_space<vmem>>, vector<16xf32>,
        tpu.vector_store %swap3A_1231[%swap3A_1232, %swap3A_1233], %select_n3A_1227 {strides = array<i32>} : memref<128x16xf32, #tpu.memory_space<vmem>>, vector<16xf32>,
      }
      %scan3A_297 = arith.constant 32 : i32
      %dma_start3A_298 = arith.constant 1 : i32
      %dma_start3A_299 = arith.constant 1 : i32
      %dma_start3A_300 = arith.constant 0 : i32
      %dma_start3A_301 = arith.constant 0 : i32
      %dma_start3A_302 = tpu.memref_slice %arg16[%dma_start3A_298, %dma_start3A_300, %dma_start3A_301] : memref<2x128x16xf32, #tpu.memory_space<vmem>> -> memref<1x128x16xf32, #tpu.memory_space<vmem>>
      %dma_start3A_303 = tpu.memref_squeeze %dma_start3A_302 : memref<1x128x16xf32, #tpu.memory_space<vmem>> -> memref<128x16xf32, #tpu.memory_space<vmem>>
      %dma_start3A_304 = arith.constant 0 : i32
      %dma_start3A_305 = tpu.memref_slice %arg11[%dma_start3A_299, %dma_start3A_304] : memref<4x128xi32, #tpu.memory_space<vmem>> -> memref<1x128xi32, #tpu.memory_space<vmem>>
      %dma_start3A_306 = tpu.memref_squeeze %dma_start3A_305 : memref<1x128xi32, #tpu.memory_space<vmem>> -> memref<128xi32, #tpu.memory_space<vmem>>
      %dma_start3A_307 = arith.constant 0 : i32
      %dma_start3A_308 = arith.constant 0 : i32
      %dma_start3A_309 = tpu.memref_slice %arg19[%dma_start3A_307, %dma_start3A_308] : memref<10240x16xf32, #tpu.memory_space<vmem_shared>> -> memref<10240x16xf32, #tpu.memory_space<vmem_shared>>
      tpu.enqueue_indirect_dma source(%dma_start3A_303 : memref<128x16xf32, #tpu.memory_space<vmem>>) target(%dma_start3A_309 : memref<10240x16xf32, #tpu.memory_space<vmem_shared>>) offsets(%dma_start3A_306 : memref<128xi32, #tpu.memory_space<vmem>>) semaphore(%arg27 : memref<!tpu.dma_semaphore, #tpu.memory_space<semaphore_mem>>) {add = true}
      %dma_start3A_310 = arith.constant 1 : i32
      %dma_start3A_311 = arith.constant 1 : i32
      %dma_start3A_312 = arith.constant 0 : i32
      %dma_start3A_313 = arith.constant 0 : i32
      %dma_start3A_314 = tpu.memref_slice %arg15[%dma_start3A_310, %dma_start3A_312, %dma_start3A_313] : memref<2x128x64xf32, #tpu.memory_space<vmem>> -> memref<1x128x64xf32, #tpu.memory_space<vmem>>
      %dma_start3A_315 = tpu.memref_squeeze %dma_start3A_314 : memref<1x128x64xf32, #tpu.memory_space<vmem>> -> memref<128x64xf32, #tpu.memory_space<vmem>>
      %dma_start3A_316 = arith.constant 0 : i32
      %dma_start3A_317 = tpu.memref_slice %arg11[%dma_start3A_311, %dma_start3A_316] : memref<4x128xi32, #tpu.memory_space<vmem>> -> memref<1x128xi32, #tpu.memory_space<vmem>>
      %dma_start3A_318 = tpu.memref_squeeze %dma_start3A_317 : memref<1x128xi32, #tpu.memory_space<vmem>> -> memref<128xi32, #tpu.memory_space<vmem>>
      %dma_start3A_319 = arith.constant 0 : i32
      %dma_start3A_320 = arith.constant 0 : i32
      %dma_start3A_321 = tpu.memref_slice %arg18[%dma_start3A_319, %dma_start3A_320] : memref<10240x64xf32, #tpu.memory_space<vmem_shared>> -> memref<10240x64xf32, #tpu.memory_space<vmem_shared>>
      tpu.enqueue_indirect_dma source(%dma_start3A_315 : memref<128x64xf32, #tpu.memory_space<vmem>>) target(%dma_start3A_321 : memref<10240x64xf32, #tpu.memory_space<vmem_shared>>) offsets(%dma_start3A_318 : memref<128xi32, #tpu.memory_space<vmem>>) semaphore(%arg27 : memref<!tpu.dma_semaphore, #tpu.memory_space<semaphore_mem>>) {add = true}
      %mul3A_322 = arith.constant 4 : i32
      %mul3A_323 = arith.muli %mul3A_322, %scan3A_95 : i32
      %add3A_324 = arith.constant 2 : i32
      %add3A_325 = arith.addi %mul3A_323, %add3A_324 : i32
      %dma_wait3A_326 = arith.constant 2 : i32
      %dma_wait3A_327 = arith.constant 0 : i32
      %dma_wait3A_328 = arith.constant 0 : i32
      %dma_wait3A_329 = arith.constant 0 : i32
      %dma_wait3A_330 = tpu.memref_slice %arg13[%dma_wait3A_327, %dma_wait3A_328, %dma_wait3A_329] : memref<2x128x64xf32, #tpu.memory_space<vmem>> -> memref<1x128x64xf32, #tpu.memory_space<vmem>>
      %dma_wait3A_331 = tpu.memref_squeeze %dma_wait3A_330 : memref<1x128x64xf32, #tpu.memory_space<vmem>> -> memref<128x64xf32, #tpu.memory_space<vmem>>
      %dma_wait3A_332 = arith.constant 0 : i32
      %dma_wait3A_333 = tpu.memref_slice %arg11[%dma_wait3A_326, %dma_wait3A_332] : memref<4x128xi32, #tpu.memory_space<vmem>> -> memref<1x128xi32, #tpu.memory_space<vmem>>
      %dma_wait3A_334 = tpu.memref_squeeze %dma_wait3A_333 : memref<1x128xi32, #tpu.memory_space<vmem>> -> memref<128xi32, #tpu.memory_space<vmem>>
      %dma_wait3A_335 = arith.constant 0 : i32
      %dma_wait3A_336 = arith.constant 0 : i32
      %dma_wait3A_337 = tpu.memref_slice %arg2[%arg0, %dma_wait3A_335, %dma_wait3A_336] : memref<2x10240x64xf32, #tpu.memory_space<hbm>> -> memref<1x10240x64xf32, #tpu.memory_space<hbm>>
      %dma_wait3A_338 = tpu.memref_squeeze %dma_wait3A_337 : memref<1x10240x64xf32, #tpu.memory_space<hbm>> -> memref<10240x64xf32, #tpu.memory_space<hbm>>
      %dma_wait3A_339 = arith.constant 0 : i32
      %dma_wait3A_340 = arith.constant 0 : i32
      %dma_wait3A_341 = tpu.memref_slice %dma_wait3A_338[%dma_wait3A_339, %dma_wait3A_340] : memref<10240x64xf32, #tpu.memory_space<hbm>> -> memref<10240x64xf32, #tpu.memory_space<hbm>>
      tpu.wait_indirect_dma semaphore(%arg20 : memref<!tpu.dma_semaphore, #tpu.memory_space<semaphore_mem>>) src(%dma_wait3A_341 : memref<10240x64xf32, #tpu.memory_space<hbm>>) dst(%dma_wait3A_331 : memref<128x64xf32, #tpu.memory_space<vmem>>)
      %dma_wait3A_342 = arith.constant 2 : i32
      %dma_wait3A_343 = arith.constant 0 : i32
      %dma_wait3A_344 = arith.constant 0 : i32
      %dma_wait3A_345 = arith.constant 0 : i32
      %dma_wait3A_346 = tpu.memref_slice %arg14[%dma_wait3A_343, %dma_wait3A_344, %dma_wait3A_345] : memref<2x128x64xf32, #tpu.memory_space<vmem>> -> memref<1x128x64xf32, #tpu.memory_space<vmem>>
      %dma_wait3A_347 = tpu.memref_squeeze %dma_wait3A_346 : memref<1x128x64xf32, #tpu.memory_space<vmem>> -> memref<128x64xf32, #tpu.memory_space<vmem>>
      %dma_wait3A_348 = arith.constant 0 : i32
      %dma_wait3A_349 = tpu.memref_slice %arg12[%dma_wait3A_342, %dma_wait3A_348] : memref<4x128xi32, #tpu.memory_space<vmem>> -> memref<1x128xi32, #tpu.memory_space<vmem>>
      %dma_wait3A_350 = tpu.memref_squeeze %dma_wait3A_349 : memref<1x128xi32, #tpu.memory_space<vmem>> -> memref<128xi32, #tpu.memory_space<vmem>>
      %dma_wait3A_351 = arith.constant 0 : i32
      %dma_wait3A_352 = arith.constant 0 : i32
      %dma_wait3A_353 = tpu.memref_slice %arg3[%arg0, %dma_wait3A_351, %dma_wait3A_352] : memref<2x10240x64xf32, #tpu.memory_space<hbm>> -> memref<1x10240x64xf32, #tpu.memory_space<hbm>>
      %dma_wait3A_354 = tpu.memref_squeeze %dma_wait3A_353 : memref<1x10240x64xf32, #tpu.memory_space<hbm>> -> memref<10240x64xf32, #tpu.memory_space<hbm>>
      %dma_wait3A_355 = arith.constant 0 : i32
      %dma_wait3A_356 = arith.constant 0 : i32
      %dma_wait3A_357 = tpu.memref_slice %dma_wait3A_354[%dma_wait3A_355, %dma_wait3A_356] : memref<10240x64xf32, #tpu.memory_space<hbm>> -> memref<10240x64xf32, #tpu.memory_space<hbm>>
      tpu.wait_indirect_dma semaphore(%arg20 : memref<!tpu.dma_semaphore, #tpu.memory_space<semaphore_mem>>) src(%dma_wait3A_357 : memref<10240x64xf32, #tpu.memory_space<hbm>>) dst(%dma_wait3A_347 : memref<128x64xf32, #tpu.memory_space<vmem>>)
      %dma_wait3A_358 = arith.constant 2 : i32
      %dma_wait3A_359 = arith.constant 0 : i32
      %dma_wait3A_360 = arith.constant 0 : i32
      %dma_wait3A_361 = arith.constant 0 : i32
      %dma_wait3A_362 = tpu.memref_slice %arg15[%dma_wait3A_359, %dma_wait3A_360, %dma_wait3A_361] : memref<2x128x64xf32, #tpu.memory_space<vmem>> -> memref<1x128x64xf32, #tpu.memory_space<vmem>>
      %dma_wait3A_363 = tpu.memref_squeeze %dma_wait3A_362 : memref<1x128x64xf32, #tpu.memory_space<vmem>> -> memref<128x64xf32, #tpu.memory_space<vmem>>
      %dma_wait3A_364 = arith.constant 0 : i32
      %dma_wait3A_365 = tpu.memref_slice %arg12[%dma_wait3A_358, %dma_wait3A_364] : memref<4x128xi32, #tpu.memory_space<vmem>> -> memref<1x128xi32, #tpu.memory_space<vmem>>
      %dma_wait3A_366 = tpu.memref_squeeze %dma_wait3A_365 : memref<1x128xi32, #tpu.memory_space<vmem>> -> memref<128xi32, #tpu.memory_space<vmem>>
      %dma_wait3A_367 = arith.constant 0 : i32
      %dma_wait3A_368 = arith.constant 0 : i32
      %dma_wait3A_369 = tpu.memref_slice %arg4[%arg0, %dma_wait3A_367, %dma_wait3A_368] : memref<2x10240x64xf32, #tpu.memory_space<hbm>> -> memref<1x10240x64xf32, #tpu.memory_space<hbm>>
      %dma_wait3A_370 = tpu.memref_squeeze %dma_wait3A_369 : memref<1x10240x64xf32, #tpu.memory_space<hbm>> -> memref<10240x64xf32, #tpu.memory_space<hbm>>
      %dma_wait3A_371 = arith.constant 0 : i32
      %dma_wait3A_372 = arith.constant 0 : i32
      %dma_wait3A_373 = tpu.memref_slice %dma_wait3A_370[%dma_wait3A_371, %dma_wait3A_372] : memref<10240x64xf32, #tpu.memory_space<hbm>> -> memref<10240x64xf32, #tpu.memory_space<hbm>>
      tpu.wait_indirect_dma semaphore(%arg20 : memref<!tpu.dma_semaphore, #tpu.memory_space<semaphore_mem>>) src(%dma_wait3A_373 : memref<10240x64xf32, #tpu.memory_space<hbm>>) dst(%dma_wait3A_363 : memref<128x64xf32, #tpu.memory_space<vmem>>)
      %ge3A_374 = arith.constant 1 : i32
      %ge3A_375 = arith.cmpi sge, %add3A_325, %ge3A_374 : i32
      %convert_element_type3A_376 = arith.extui %ge3A_375 : i1 to i32
      %cond3A_377 = arith.constant 0 : i32
      %cond3A_378 = arith.cmpi ne, %convert_element_type3A_376, %cond3A_377 : i32
      scf.if %cond3A_378 {
        %dma_wait3A_554 = arith.constant 1 : i32
        %dma_wait3A_555 = arith.constant 1 : i32
        %dma_wait3A_556 = arith.constant 0 : i32
        %dma_wait3A_557 = arith.constant 0 : i32
        %dma_wait3A_558 = tpu.memref_slice %arg16[%dma_wait3A_554, %dma_wait3A_556, %dma_wait3A_557] : memref<2x128x16xf32, #tpu.memory_space<vmem>> -> memref<1x128x16xf32, #tpu.memory_space<vmem>>
        %dma_wait3A_559 = tpu.memref_squeeze %dma_wait3A_558 : memref<1x128x16xf32, #tpu.memory_space<vmem>> -> memref<128x16xf32, #tpu.memory_space<vmem>>
        %dma_wait3A_560 = arith.constant 0 : i32
        %dma_wait3A_561 = tpu.memref_slice %arg11[%dma_wait3A_555, %dma_wait3A_560] : memref<4x128xi32, #tpu.memory_space<vmem>> -> memref<1x128xi32, #tpu.memory_space<vmem>>
        %dma_wait3A_562 = tpu.memref_squeeze %dma_wait3A_561 : memref<1x128xi32, #tpu.memory_space<vmem>> -> memref<128xi32, #tpu.memory_space<vmem>>
        %dma_wait3A_563 = arith.constant 0 : i32
        %dma_wait3A_564 = arith.constant 0 : i32
        %dma_wait3A_565 = tpu.memref_slice %arg19[%dma_wait3A_563, %dma_wait3A_564] : memref<10240x16xf32, #tpu.memory_space<vmem_shared>> -> memref<10240x16xf32, #tpu.memory_space<vmem_shared>>
        tpu.wait_indirect_dma semaphore(%arg27 : memref<!tpu.dma_semaphore, #tpu.memory_space<semaphore_mem>>) src(%dma_wait3A_559 : memref<128x16xf32, #tpu.memory_space<vmem>>) dst(%dma_wait3A_565 : memref<10240x16xf32, #tpu.memory_space<vmem_shared>>)
        %dma_wait3A_566 = arith.constant 1 : i32
        %dma_wait3A_567 = arith.constant 1 : i32
        %dma_wait3A_568 = arith.constant 0 : i32
        %dma_wait3A_569 = arith.constant 0 : i32
        %dma_wait3A_570 = tpu.memref_slice %arg15[%dma_wait3A_566, %dma_wait3A_568, %dma_wait3A_569] : memref<2x128x64xf32, #tpu.memory_space<vmem>> -> memref<1x128x64xf32, #tpu.memory_space<vmem>>
        %dma_wait3A_571 = tpu.memref_squeeze %dma_wait3A_570 : memref<1x128x64xf32, #tpu.memory_space<vmem>> -> memref<128x64xf32, #tpu.memory_space<vmem>>
        %dma_wait3A_572 = arith.constant 0 : i32
        %dma_wait3A_573 = tpu.memref_slice %arg11[%dma_wait3A_567, %dma_wait3A_572] : memref<4x128xi32, #tpu.memory_space<vmem>> -> memref<1x128xi32, #tpu.memory_space<vmem>>
        %dma_wait3A_574 = tpu.memref_squeeze %dma_wait3A_573 : memref<1x128xi32, #tpu.memory_space<vmem>> -> memref<128xi32, #tpu.memory_space<vmem>>
        %dma_wait3A_575 = arith.constant 0 : i32
        %dma_wait3A_576 = arith.constant 0 : i32
        %dma_wait3A_577 = tpu.memref_slice %arg18[%dma_wait3A_575, %dma_wait3A_576] : memref<10240x64xf32, #tpu.memory_space<vmem_shared>> -> memref<10240x64xf32, #tpu.memory_space<vmem_shared>>
        tpu.wait_indirect_dma semaphore(%arg27 : memref<!tpu.dma_semaphore, #tpu.memory_space<semaphore_mem>>) src(%dma_wait3A_571 : memref<128x64xf32, #tpu.memory_space<vmem>>) dst(%dma_wait3A_577 : memref<10240x64xf32, #tpu.memory_space<vmem_shared>>)
      } else {
      }
      %ge3A_379 = arith.constant 1 : i32
      %ge3A_380 = arith.cmpi sge, %add3A_325, %ge3A_379 : i32
      %add3A_381 = arith.constant 3 : i32
      %add3A_382 = arith.addi %add3A_325, %add3A_381 : i32
      %lt3A_383 = arith.constant 164 : i32
      %lt3A_384 = arith.cmpi slt, %add3A_382, %lt3A_383 : i32
      %and3A_385 = arith.andi %ge3A_380, %lt3A_384 : i1
      %convert_element_type3A_386 = arith.extui %and3A_385 : i1 to i32
      %cond3A_387 = arith.constant 0 : i32
      %cond3A_388 = arith.cmpi ne, %convert_element_type3A_386, %cond3A_387 : i32
      scf.if %cond3A_388 {
        %add3A_554 = arith.constant 3 : i32
        %add3A_555 = arith.addi %add3A_325, %add3A_554 : i32
        %dma_start3A_556 = arith.constant 1 : i32
        %dma_start3A_557 = arith.constant 0 : i32
        %dma_start3A_558 = tpu.memref_slice %arg11[%dma_start3A_556, %dma_start3A_557] : memref<4x128xi32, #tpu.memory_space<vmem>> -> memref<1x128xi32, #tpu.memory_space<vmem>>
        %dma_start3A_559 = tpu.memref_squeeze %dma_start3A_558 : memref<1x128xi32, #tpu.memory_space<vmem>> -> memref<128xi32, #tpu.memory_space<vmem>>
        %dma_start3A_560 = arith.constant 0 : i32
        %dma_start3A_561 = tpu.memref_slice %arg5[%arg1, %add3A_555, %dma_start3A_560] : memref<16x164x128xi32, #tpu.memory_space<hbm>> -> memref<1x1x128xi32, #tpu.memory_space<hbm>>
        %dma_start3A_562 = tpu.memref_squeeze %dma_start3A_561 : memref<1x1x128xi32, #tpu.memory_space<hbm>> -> memref<128xi32, #tpu.memory_space<hbm>>
        %dma_start3A_563 = arith.constant 0 : i32
        %dma_start3A_564 = tpu.memref_slice %arg11[%dma_start3A_556, %dma_start3A_563] : memref<4x128xi32, #tpu.memory_space<vmem>> -> memref<1x128xi32, #tpu.memory_space<vmem>>
        %dma_start3A_565 = tpu.memref_squeeze %dma_start3A_564 : memref<1x128xi32, #tpu.memory_space<vmem>> -> memref<128xi32, #tpu.memory_space<vmem>>
        %dma_start3A_566 = arith.constant 0 : i32
        %dma_start3A_567 = tpu.memref_slice %arg5[%arg1, %add3A_555, %dma_start3A_566] : memref<16x164x128xi32, #tpu.memory_space<hbm>> -> memref<1x1x128xi32, #tpu.memory_space<hbm>>
        %dma_start3A_568 = tpu.memref_squeeze %dma_start3A_567 : memref<1x1x128xi32, #tpu.memory_space<hbm>> -> memref<128xi32, #tpu.memory_space<hbm>>
        tpu.enqueue_dma source(%dma_start3A_568 : memref<128xi32, #tpu.memory_space<hbm>>) target(%dma_start3A_565 : memref<128xi32, #tpu.memory_space<vmem>>) target_semaphore(%arg23 : memref<!tpu.dma_semaphore, #tpu.memory_space<semaphore_mem>>)
        %add3A_569 = arith.constant 3 : i32
        %add3A_570 = arith.addi %add3A_325, %add3A_569 : i32
        %dma_start3A_571 = arith.constant 1 : i32
        %dma_start3A_572 = arith.constant 0 : i32
        %dma_start3A_573 = tpu.memref_slice %arg12[%dma_start3A_571, %dma_start3A_572] : memref<4x128xi32, #tpu.memory_space<vmem>> -> memref<1x128xi32, #tpu.memory_space<vmem>>
        %dma_start3A_574 = tpu.memref_squeeze %dma_start3A_573 : memref<1x128xi32, #tpu.memory_space<vmem>> -> memref<128xi32, #tpu.memory_space<vmem>>
        %dma_start3A_575 = arith.constant 0 : i32
        %dma_start3A_576 = tpu.memref_slice %arg6[%arg1, %add3A_570, %dma_start3A_575] : memref<16x164x128xi32, #tpu.memory_space<hbm>> -> memref<1x1x128xi32, #tpu.memory_space<hbm>>
        %dma_start3A_577 = tpu.memref_squeeze %dma_start3A_576 : memref<1x1x128xi32, #tpu.memory_space<hbm>> -> memref<128xi32, #tpu.memory_space<hbm>>
        %dma_start3A_578 = arith.constant 0 : i32
        %dma_start3A_579 = tpu.memref_slice %arg12[%dma_start3A_571, %dma_start3A_578] : memref<4x128xi32, #tpu.memory_space<vmem>> -> memref<1x128xi32, #tpu.memory_space<vmem>>
        %dma_start3A_580 = tpu.memref_squeeze %dma_start3A_579 : memref<1x128xi32, #tpu.memory_space<vmem>> -> memref<128xi32, #tpu.memory_space<vmem>>
        %dma_start3A_581 = arith.constant 0 : i32
        %dma_start3A_582 = tpu.memref_slice %arg6[%arg1, %add3A_570, %dma_start3A_581] : memref<16x164x128xi32, #tpu.memory_space<hbm>> -> memref<1x1x128xi32, #tpu.memory_space<hbm>>
        %dma_start3A_583 = tpu.memref_squeeze %dma_start3A_582 : memref<1x1x128xi32, #tpu.memory_space<hbm>> -> memref<128xi32, #tpu.memory_space<hbm>>
        tpu.enqueue_dma source(%dma_start3A_583 : memref<128xi32, #tpu.memory_space<hbm>>) target(%dma_start3A_580 : memref<128xi32, #tpu.memory_space<vmem>>) target_semaphore(%arg23 : memref<!tpu.dma_semaphore, #tpu.memory_space<semaphore_mem>>)
      } else {
      }
      %add3A_389 = arith.constant 1 : i32
      %add3A_390 = arith.addi %add3A_325, %add3A_389 : i32
      %ge3A_391 = arith.constant 4 : i32
      %ge3A_392 = arith.cmpi sge, %add3A_390, %ge3A_391 : i32
      %lt3A_393 = arith.constant 164 : i32
      %lt3A_394 = arith.cmpi slt, %add3A_390, %lt3A_393 : i32
      %and3A_395 = arith.andi %ge3A_392, %lt3A_394 : i1
      %convert_element_type3A_396 = arith.extui %and3A_395 : i1 to i32
      %cond3A_397 = arith.constant 0 : i32
      %cond3A_398 = arith.cmpi ne, %convert_element_type3A_396, %cond3A_397 : i32
      scf.if %cond3A_398 {
        %dma_wait3A_554 = arith.constant 3 : i32
        %dma_wait3A_555 = arith.constant 0 : i32
        %dma_wait3A_556 = tpu.memref_slice %arg11[%dma_wait3A_554, %dma_wait3A_555] : memref<4x128xi32, #tpu.memory_space<vmem>> -> memref<1x128xi32, #tpu.memory_space<vmem>>
        %dma_wait3A_557 = tpu.memref_squeeze %dma_wait3A_556 : memref<1x128xi32, #tpu.memory_space<vmem>> -> memref<128xi32, #tpu.memory_space<vmem>>
        %dma_wait3A_558 = arith.constant 0 : i32
        %dma_wait3A_559 = tpu.memref_slice %arg5[%arg1, %add3A_390, %dma_wait3A_558] : memref<16x164x128xi32, #tpu.memory_space<hbm>> -> memref<1x1x128xi32, #tpu.memory_space<hbm>>
        %dma_wait3A_560 = tpu.memref_squeeze %dma_wait3A_559 : memref<1x1x128xi32, #tpu.memory_space<hbm>> -> memref<128xi32, #tpu.memory_space<hbm>>
        %dma_wait3A_561 = arith.constant 0 : i32
        %dma_wait3A_562 = tpu.memref_slice %arg11[%dma_wait3A_554, %dma_wait3A_561] : memref<4x128xi32, #tpu.memory_space<vmem>> -> memref<1x128xi32, #tpu.memory_space<vmem>>
        %dma_wait3A_563 = tpu.memref_squeeze %dma_wait3A_562 : memref<1x128xi32, #tpu.memory_space<vmem>> -> memref<128xi32, #tpu.memory_space<vmem>>
        %dma_wait3A_564 = arith.constant 0 : i32
        %dma_wait3A_565 = tpu.memref_slice %arg5[%arg1, %add3A_390, %dma_wait3A_564] : memref<16x164x128xi32, #tpu.memory_space<hbm>> -> memref<1x1x128xi32, #tpu.memory_space<hbm>>
        %dma_wait3A_566 = tpu.memref_squeeze %dma_wait3A_565 : memref<1x1x128xi32, #tpu.memory_space<hbm>> -> memref<128xi32, #tpu.memory_space<hbm>>
        tpu.wait_dma2 semaphore(%arg25 : memref<!tpu.dma_semaphore, #tpu.memory_space<semaphore_mem>>) src(%dma_wait3A_566 : memref<128xi32, #tpu.memory_space<hbm>>) dst(%dma_wait3A_563 : memref<128xi32, #tpu.memory_space<vmem>>)
        %dma_wait3A_567 = arith.constant 3 : i32
        %dma_wait3A_568 = arith.constant 0 : i32
        %dma_wait3A_569 = tpu.memref_slice %arg12[%dma_wait3A_567, %dma_wait3A_568] : memref<4x128xi32, #tpu.memory_space<vmem>> -> memref<1x128xi32, #tpu.memory_space<vmem>>
        %dma_wait3A_570 = tpu.memref_squeeze %dma_wait3A_569 : memref<1x128xi32, #tpu.memory_space<vmem>> -> memref<128xi32, #tpu.memory_space<vmem>>
        %dma_wait3A_571 = arith.constant 0 : i32
        %dma_wait3A_572 = tpu.memref_slice %arg6[%arg1, %add3A_390, %dma_wait3A_571] : memref<16x164x128xi32, #tpu.memory_space<hbm>> -> memref<1x1x128xi32, #tpu.memory_space<hbm>>
        %dma_wait3A_573 = tpu.memref_squeeze %dma_wait3A_572 : memref<1x1x128xi32, #tpu.memory_space<hbm>> -> memref<128xi32, #tpu.memory_space<hbm>>
        %dma_wait3A_574 = arith.constant 0 : i32
        %dma_wait3A_575 = tpu.memref_slice %arg12[%dma_wait3A_567, %dma_wait3A_574] : memref<4x128xi32, #tpu.memory_space<vmem>> -> memref<1x128xi32, #tpu.memory_space<vmem>>
        %dma_wait3A_576 = tpu.memref_squeeze %dma_wait3A_575 : memref<1x128xi32, #tpu.memory_space<vmem>> -> memref<128xi32, #tpu.memory_space<vmem>>
        %dma_wait3A_577 = arith.constant 0 : i32
        %dma_wait3A_578 = tpu.memref_slice %arg6[%arg1, %add3A_390, %dma_wait3A_577] : memref<16x164x128xi32, #tpu.memory_space<hbm>> -> memref<1x1x128xi32, #tpu.memory_space<hbm>>
        %dma_wait3A_579 = tpu.memref_squeeze %dma_wait3A_578 : memref<1x1x128xi32, #tpu.memory_space<hbm>> -> memref<128xi32, #tpu.memory_space<hbm>>
        tpu.wait_dma2 semaphore(%arg25 : memref<!tpu.dma_semaphore, #tpu.memory_space<semaphore_mem>>) src(%dma_wait3A_579 : memref<128xi32, #tpu.memory_space<hbm>>) dst(%dma_wait3A_576 : memref<128xi32, #tpu.memory_space<vmem>>)
      } else {
      }
      %lt3A_399 = arith.constant 164 : i32
      %lt3A_400 = arith.cmpi slt, %add3A_390, %lt3A_399 : i32
      %convert_element_type3A_401 = arith.extui %lt3A_400 : i1 to i32
      %cond3A_402 = arith.constant 0 : i32
      %cond3A_403 = arith.cmpi ne, %convert_element_type3A_401, %cond3A_402 : i32
      scf.if %cond3A_403 {
        %dma_start3A_554 = arith.constant 3 : i32
        %dma_start3A_555 = arith.constant 1 : i32
        %dma_start3A_556 = arith.constant 0 : i32
        %dma_start3A_557 = arith.constant 0 : i32
        %dma_start3A_558 = tpu.memref_slice %arg13[%dma_start3A_555, %dma_start3A_556, %dma_start3A_557] : memref<2x128x64xf32, #tpu.memory_space<vmem>> -> memref<1x128x64xf32, #tpu.memory_space<vmem>>
        %dma_start3A_559 = tpu.memref_squeeze %dma_start3A_558 : memref<1x128x64xf32, #tpu.memory_space<vmem>> -> memref<128x64xf32, #tpu.memory_space<vmem>>
        %dma_start3A_560 = arith.constant 0 : i32
        %dma_start3A_561 = tpu.memref_slice %arg11[%dma_start3A_554, %dma_start3A_560] : memref<4x128xi32, #tpu.memory_space<vmem>> -> memref<1x128xi32, #tpu.memory_space<vmem>>
        %dma_start3A_562 = tpu.memref_squeeze %dma_start3A_561 : memref<1x128xi32, #tpu.memory_space<vmem>> -> memref<128xi32, #tpu.memory_space<vmem>>
        %dma_start3A_563 = arith.constant 0 : i32
        %dma_start3A_564 = arith.constant 0 : i32
        %dma_start3A_565 = tpu.memref_slice %arg2[%arg0, %dma_start3A_563, %dma_start3A_564] : memref<2x10240x64xf32, #tpu.memory_space<hbm>> -> memref<1x10240x64xf32, #tpu.memory_space<hbm>>
        %dma_start3A_566 = tpu.memref_squeeze %dma_start3A_565 : memref<1x10240x64xf32, #tpu.memory_space<hbm>> -> memref<10240x64xf32, #tpu.memory_space<hbm>>
        %dma_start3A_567 = arith.constant 0 : i32
        %dma_start3A_568 = arith.constant 0 : i32
        %dma_start3A_569 = tpu.memref_slice %dma_start3A_566[%dma_start3A_567, %dma_start3A_568] : memref<10240x64xf32, #tpu.memory_space<hbm>> -> memref<10240x64xf32, #tpu.memory_space<hbm>>
        tpu.enqueue_indirect_dma source(%dma_start3A_569 : memref<10240x64xf32, #tpu.memory_space<hbm>>) target(%dma_start3A_559 : memref<128x64xf32, #tpu.memory_space<vmem>>) offsets(%dma_start3A_562 : memref<128xi32, #tpu.memory_space<vmem>>) semaphore(%arg21 : memref<!tpu.dma_semaphore, #tpu.memory_space<semaphore_mem>>)
        %dma_start3A_570 = arith.constant 3 : i32
        %dma_start3A_571 = arith.constant 1 : i32
        %dma_start3A_572 = arith.constant 0 : i32
        %dma_start3A_573 = arith.constant 0 : i32
        %dma_start3A_574 = tpu.memref_slice %arg14[%dma_start3A_571, %dma_start3A_572, %dma_start3A_573] : memref<2x128x64xf32, #tpu.memory_space<vmem>> -> memref<1x128x64xf32, #tpu.memory_space<vmem>>
        %dma_start3A_575 = tpu.memref_squeeze %dma_start3A_574 : memref<1x128x64xf32, #tpu.memory_space<vmem>> -> memref<128x64xf32, #tpu.memory_space<vmem>>
        %dma_start3A_576 = arith.constant 0 : i32
        %dma_start3A_577 = tpu.memref_slice %arg12[%dma_start3A_570, %dma_start3A_576] : memref<4x128xi32, #tpu.memory_space<vmem>> -> memref<1x128xi32, #tpu.memory_space<vmem>>
        %dma_start3A_578 = tpu.memref_squeeze %dma_start3A_577 : memref<1x128xi32, #tpu.memory_space<vmem>> -> memref<128xi32, #tpu.memory_space<vmem>>
        %dma_start3A_579 = arith.constant 0 : i32
        %dma_start3A_580 = arith.constant 0 : i32
        %dma_start3A_581 = tpu.memref_slice %arg3[%arg0, %dma_start3A_579, %dma_start3A_580] : memref<2x10240x64xf32, #tpu.memory_space<hbm>> -> memref<1x10240x64xf32, #tpu.memory_space<hbm>>
        %dma_start3A_582 = tpu.memref_squeeze %dma_start3A_581 : memref<1x10240x64xf32, #tpu.memory_space<hbm>> -> memref<10240x64xf32, #tpu.memory_space<hbm>>
        %dma_start3A_583 = arith.constant 0 : i32
        %dma_start3A_584 = arith.constant 0 : i32
        %dma_start3A_585 = tpu.memref_slice %dma_start3A_582[%dma_start3A_583, %dma_start3A_584] : memref<10240x64xf32, #tpu.memory_space<hbm>> -> memref<10240x64xf32, #tpu.memory_space<hbm>>
        tpu.enqueue_indirect_dma source(%dma_start3A_585 : memref<10240x64xf32, #tpu.memory_space<hbm>>) target(%dma_start3A_575 : memref<128x64xf32, #tpu.memory_space<vmem>>) offsets(%dma_start3A_578 : memref<128xi32, #tpu.memory_space<vmem>>) semaphore(%arg21 : memref<!tpu.dma_semaphore, #tpu.memory_space<semaphore_mem>>)
        %dma_start3A_586 = arith.constant 3 : i32
        %dma_start3A_587 = arith.constant 1 : i32
        %dma_start3A_588 = arith.constant 0 : i32
        %dma_start3A_589 = arith.constant 0 : i32
        %dma_start3A_590 = tpu.memref_slice %arg15[%dma_start3A_587, %dma_start3A_588, %dma_start3A_589] : memref<2x128x64xf32, #tpu.memory_space<vmem>> -> memref<1x128x64xf32, #tpu.memory_space<vmem>>
        %dma_start3A_591 = tpu.memref_squeeze %dma_start3A_590 : memref<1x128x64xf32, #tpu.memory_space<vmem>> -> memref<128x64xf32, #tpu.memory_space<vmem>>
        %dma_start3A_592 = arith.constant 0 : i32
        %dma_start3A_593 = tpu.memref_slice %arg12[%dma_start3A_586, %dma_start3A_592] : memref<4x128xi32, #tpu.memory_space<vmem>> -> memref<1x128xi32, #tpu.memory_space<vmem>>
        %dma_start3A_594 = tpu.memref_squeeze %dma_start3A_593 : memref<1x128xi32, #tpu.memory_space<vmem>> -> memref<128xi32, #tpu.memory_space<vmem>>
        %dma_start3A_595 = arith.constant 0 : i32
        %dma_start3A_596 = arith.constant 0 : i32
        %dma_start3A_597 = tpu.memref_slice %arg4[%arg0, %dma_start3A_595, %dma_start3A_596] : memref<2x10240x64xf32, #tpu.memory_space<hbm>> -> memref<1x10240x64xf32, #tpu.memory_space<hbm>>
        %dma_start3A_598 = tpu.memref_squeeze %dma_start3A_597 : memref<1x10240x64xf32, #tpu.memory_space<hbm>> -> memref<10240x64xf32, #tpu.memory_space<hbm>>
        %dma_start3A_599 = arith.constant 0 : i32
        %dma_start3A_600 = arith.constant 0 : i32
        %dma_start3A_601 = tpu.memref_slice %dma_start3A_598[%dma_start3A_599, %dma_start3A_600] : memref<10240x64xf32, #tpu.memory_space<hbm>> -> memref<10240x64xf32, #tpu.memory_space<hbm>>
        tpu.enqueue_indirect_dma source(%dma_start3A_601 : memref<10240x64xf32, #tpu.memory_space<hbm>>) target(%dma_start3A_591 : memref<128x64xf32, #tpu.memory_space<vmem>>) offsets(%dma_start3A_594 : memref<128xi32, #tpu.memory_space<vmem>>) semaphore(%arg21 : memref<!tpu.dma_semaphore, #tpu.memory_space<semaphore_mem>>)
      } else {
      }
      %scan3A_404 = arith.constant 0 : i32
      %scan3A_405 = arith.constant 0 : i32
      %scan3A_406 = arith.constant 0 : i32
      %scan3A_407 = arith.constant 0 : i32
      %scan3A_408 = arith.constant 0 : i32
      %scan3A_409 = arith.constant 0 : i32
      %scan3A_410 = arith.constant 32 : i32
      %scan3A_411 = arith.addi %scan3A_409, %scan3A_410 : i32
      %scan3A_412 = arith.constant 1 : i32
      scf.for %scan3A_554 = %scan3A_409 to %scan3A_411 step %scan3A_412  : i32 {
        %mul3A_555 = arith.constant 4 : i32
        %mul3A_556 = arith.muli %scan3A_554, %mul3A_555 : i32
        %add3A_557 = arith.constant 0 : i32
        %add3A_558 = arith.addi %mul3A_556, %add3A_557 : i32
        %get3A_559 = arith.constant 0 : i32
        %get3A_560 = arith.constant 0 : i32
        %get3A_561 = tpu.memref_slice %arg13[%scan3A_405, %get3A_559, %get3A_560] : memref<2x128x64xf32, #tpu.memory_space<vmem>> -> memref<1x128x64xf32, #tpu.memory_space<vmem>>
        %get3A_562 = tpu.memref_squeeze %get3A_561 : memref<1x128x64xf32, #tpu.memory_space<vmem>> -> memref<128x64xf32, #tpu.memory_space<vmem>>
        %get3A_563 = arith.index_cast %add3A_558 : i32 to index
        %get3A_564 = arith.constant 0 : index
        %get3A_565 = tpu.vector_load %get3A_562[%get3A_563, %get3A_564] {strides = array<i32>} : memref<128x64xf32, #tpu.memory_space<vmem>>, vector<16xf32>,
        %get3A_566 = arith.constant 0 : i32
        %get3A_567 = arith.constant 0 : i32
        %get3A_568 = tpu.memref_slice %arg14[%scan3A_406, %get3A_566, %get3A_567] : memref<2x128x64xf32, #tpu.memory_space<vmem>> -> memref<1x128x64xf32, #tpu.memory_space<vmem>>
        %get3A_569 = tpu.memref_squeeze %get3A_568 : memref<1x128x64xf32, #tpu.memory_space<vmem>> -> memref<128x64xf32, #tpu.memory_space<vmem>>
        %get3A_570 = arith.index_cast %add3A_558 : i32 to index
        %get3A_571 = arith.constant 0 : index
        %get3A_572 = tpu.vector_load %get3A_569[%get3A_570, %get3A_571] {strides = array<i32>} : memref<128x64xf32, #tpu.memory_space<vmem>>, vector<16xf32>,
        %mul3A_573 = arith.mulf %get3A_565, %get3A_572 : vector<16xf32>
        %get3A_574 = arith.constant 0 : i32
        %get3A_575 = arith.constant 0 : i32
        %get3A_576 = tpu.memref_slice %arg13[%scan3A_405, %get3A_574, %get3A_575] : memref<2x128x64xf32, #tpu.memory_space<vmem>> -> memref<1x128x64xf32, #tpu.memory_space<vmem>>
        %get3A_577 = tpu.memref_squeeze %get3A_576 : memref<1x128x64xf32, #tpu.memory_space<vmem>> -> memref<128x64xf32, #tpu.memory_space<vmem>>
        %get3A_578 = arith.index_cast %add3A_558 : i32 to index
        %get3A_579 = arith.constant 16 : index
        %get3A_580 = tpu.vector_load %get3A_577[%get3A_578, %get3A_579] {strides = array<i32>} : memref<128x64xf32, #tpu.memory_space<vmem>>, vector<16xf32>,
        %get3A_581 = arith.constant 0 : i32
        %get3A_582 = arith.constant 0 : i32
        %get3A_583 = tpu.memref_slice %arg14[%scan3A_406, %get3A_581, %get3A_582] : memref<2x128x64xf32, #tpu.memory_space<vmem>> -> memref<1x128x64xf32, #tpu.memory_space<vmem>>
        %get3A_584 = tpu.memref_squeeze %get3A_583 : memref<1x128x64xf32, #tpu.memory_space<vmem>> -> memref<128x64xf32, #tpu.memory_space<vmem>>
        %get3A_585 = arith.index_cast %add3A_558 : i32 to index
        %get3A_586 = arith.constant 16 : index
        %get3A_587 = tpu.vector_load %get3A_584[%get3A_585, %get3A_586] {strides = array<i32>} : memref<128x64xf32, #tpu.memory_space<vmem>>, vector<16xf32>,
        %mul3A_588 = arith.mulf %get3A_580, %get3A_587 : vector<16xf32>
        %get3A_589 = arith.constant 0 : i32
        %get3A_590 = arith.constant 0 : i32
        %get3A_591 = tpu.memref_slice %arg13[%scan3A_405, %get3A_589, %get3A_590] : memref<2x128x64xf32, #tpu.memory_space<vmem>> -> memref<1x128x64xf32, #tpu.memory_space<vmem>>
        %get3A_592 = tpu.memref_squeeze %get3A_591 : memref<1x128x64xf32, #tpu.memory_space<vmem>> -> memref<128x64xf32, #tpu.memory_space<vmem>>
        %get3A_593 = arith.index_cast %add3A_558 : i32 to index
        %get3A_594 = arith.constant 32 : index
        %get3A_595 = tpu.vector_load %get3A_592[%get3A_593, %get3A_594] {strides = array<i32>} : memref<128x64xf32, #tpu.memory_space<vmem>>, vector<16xf32>,
        %get3A_596 = arith.constant 0 : i32
        %get3A_597 = arith.constant 0 : i32
        %get3A_598 = tpu.memref_slice %arg14[%scan3A_406, %get3A_596, %get3A_597] : memref<2x128x64xf32, #tpu.memory_space<vmem>> -> memref<1x128x64xf32, #tpu.memory_space<vmem>>
        %get3A_599 = tpu.memref_squeeze %get3A_598 : memref<1x128x64xf32, #tpu.memory_space<vmem>> -> memref<128x64xf32, #tpu.memory_space<vmem>>
        %get3A_600 = arith.index_cast %add3A_558 : i32 to index
        %get3A_601 = arith.constant 32 : index
        %get3A_602 = tpu.vector_load %get3A_599[%get3A_600, %get3A_601] {strides = array<i32>} : memref<128x64xf32, #tpu.memory_space<vmem>>, vector<16xf32>,
        %mul3A_603 = arith.mulf %get3A_595, %get3A_602 : vector<16xf32>
        %get3A_604 = arith.constant 0 : i32
        %get3A_605 = arith.constant 0 : i32
        %get3A_606 = tpu.memref_slice %arg13[%scan3A_405, %get3A_604, %get3A_605] : memref<2x128x64xf32, #tpu.memory_space<vmem>> -> memref<1x128x64xf32, #tpu.memory_space<vmem>>
        %get3A_607 = tpu.memref_squeeze %get3A_606 : memref<1x128x64xf32, #tpu.memory_space<vmem>> -> memref<128x64xf32, #tpu.memory_space<vmem>>
        %get3A_608 = arith.index_cast %add3A_558 : i32 to index
        %get3A_609 = arith.constant 48 : index
        %get3A_610 = tpu.vector_load %get3A_607[%get3A_608, %get3A_609] {strides = array<i32>} : memref<128x64xf32, #tpu.memory_space<vmem>>, vector<16xf32>,
        %get3A_611 = arith.constant 0 : i32
        %get3A_612 = arith.constant 0 : i32
        %get3A_613 = tpu.memref_slice %arg14[%scan3A_406, %get3A_611, %get3A_612] : memref<2x128x64xf32, #tpu.memory_space<vmem>> -> memref<1x128x64xf32, #tpu.memory_space<vmem>>
        %get3A_614 = tpu.memref_squeeze %get3A_613 : memref<1x128x64xf32, #tpu.memory_space<vmem>> -> memref<128x64xf32, #tpu.memory_space<vmem>>
        %get3A_615 = arith.index_cast %add3A_558 : i32 to index
        %get3A_616 = arith.constant 48 : index
        %get3A_617 = tpu.vector_load %get3A_614[%get3A_615, %get3A_616] {strides = array<i32>} : memref<128x64xf32, #tpu.memory_space<vmem>>, vector<16xf32>,
        %mul3A_618 = arith.mulf %get3A_610, %get3A_617 : vector<16xf32>
        %add3A_619 = arith.constant 1 : i32
        %add3A_620 = arith.addi %mul3A_556, %add3A_619 : i32
        %get3A_621 = arith.constant 0 : i32
        %get3A_622 = arith.constant 0 : i32
        %get3A_623 = tpu.memref_slice %arg13[%scan3A_405, %get3A_621, %get3A_622] : memref<2x128x64xf32, #tpu.memory_space<vmem>> -> memref<1x128x64xf32, #tpu.memory_space<vmem>>
        %get3A_624 = tpu.memref_squeeze %get3A_623 : memref<1x128x64xf32, #tpu.memory_space<vmem>> -> memref<128x64xf32, #tpu.memory_space<vmem>>
        %get3A_625 = arith.index_cast %add3A_620 : i32 to index
        %get3A_626 = arith.constant 0 : index
        %get3A_627 = tpu.vector_load %get3A_624[%get3A_625, %get3A_626] {strides = array<i32>} : memref<128x64xf32, #tpu.memory_space<vmem>>, vector<16xf32>,
        %get3A_628 = arith.constant 0 : i32
        %get3A_629 = arith.constant 0 : i32
        %get3A_630 = tpu.memref_slice %arg14[%scan3A_406, %get3A_628, %get3A_629] : memref<2x128x64xf32, #tpu.memory_space<vmem>> -> memref<1x128x64xf32, #tpu.memory_space<vmem>>
        %get3A_631 = tpu.memref_squeeze %get3A_630 : memref<1x128x64xf32, #tpu.memory_space<vmem>> -> memref<128x64xf32, #tpu.memory_space<vmem>>
        %get3A_632 = arith.index_cast %add3A_620 : i32 to index
        %get3A_633 = arith.constant 0 : index
        %get3A_634 = tpu.vector_load %get3A_631[%get3A_632, %get3A_633] {strides = array<i32>} : memref<128x64xf32, #tpu.memory_space<vmem>>, vector<16xf32>,
        %mul3A_635 = arith.mulf %get3A_627, %get3A_634 : vector<16xf32>
        %get3A_636 = arith.constant 0 : i32
        %get3A_637 = arith.constant 0 : i32
        %get3A_638 = tpu.memref_slice %arg13[%scan3A_405, %get3A_636, %get3A_637] : memref<2x128x64xf32, #tpu.memory_space<vmem>> -> memref<1x128x64xf32, #tpu.memory_space<vmem>>
        %get3A_639 = tpu.memref_squeeze %get3A_638 : memref<1x128x64xf32, #tpu.memory_space<vmem>> -> memref<128x64xf32, #tpu.memory_space<vmem>>
        %get3A_640 = arith.index_cast %add3A_620 : i32 to index
        %get3A_641 = arith.constant 16 : index
        %get3A_642 = tpu.vector_load %get3A_639[%get3A_640, %get3A_641] {strides = array<i32>} : memref<128x64xf32, #tpu.memory_space<vmem>>, vector<16xf32>,
        %get3A_643 = arith.constant 0 : i32
        %get3A_644 = arith.constant 0 : i32
        %get3A_645 = tpu.memref_slice %arg14[%scan3A_406, %get3A_643, %get3A_644] : memref<2x128x64xf32, #tpu.memory_space<vmem>> -> memref<1x128x64xf32, #tpu.memory_space<vmem>>
        %get3A_646 = tpu.memref_squeeze %get3A_645 : memref<1x128x64xf32, #tpu.memory_space<vmem>> -> memref<128x64xf32, #tpu.memory_space<vmem>>
        %get3A_647 = arith.index_cast %add3A_620 : i32 to index
        %get3A_648 = arith.constant 16 : index
        %get3A_649 = tpu.vector_load %get3A_646[%get3A_647, %get3A_648] {strides = array<i32>} : memref<128x64xf32, #tpu.memory_space<vmem>>, vector<16xf32>,
        %mul3A_650 = arith.mulf %get3A_642, %get3A_649 : vector<16xf32>
        %get3A_651 = arith.constant 0 : i32
        %get3A_652 = arith.constant 0 : i32
        %get3A_653 = tpu.memref_slice %arg13[%scan3A_405, %get3A_651, %get3A_652] : memref<2x128x64xf32, #tpu.memory_space<vmem>> -> memref<1x128x64xf32, #tpu.memory_space<vmem>>
        %get3A_654 = tpu.memref_squeeze %get3A_653 : memref<1x128x64xf32, #tpu.memory_space<vmem>> -> memref<128x64xf32, #tpu.memory_space<vmem>>
        %get3A_655 = arith.index_cast %add3A_620 : i32 to index
        %get3A_656 = arith.constant 32 : index
        %get3A_657 = tpu.vector_load %get3A_654[%get3A_655, %get3A_656] {strides = array<i32>} : memref<128x64xf32, #tpu.memory_space<vmem>>, vector<16xf32>,
        %get3A_658 = arith.constant 0 : i32
        %get3A_659 = arith.constant 0 : i32
        %get3A_660 = tpu.memref_slice %arg14[%scan3A_406, %get3A_658, %get3A_659] : memref<2x128x64xf32, #tpu.memory_space<vmem>> -> memref<1x128x64xf32, #tpu.memory_space<vmem>>
        %get3A_661 = tpu.memref_squeeze %get3A_660 : memref<1x128x64xf32, #tpu.memory_space<vmem>> -> memref<128x64xf32, #tpu.memory_space<vmem>>
        %get3A_662 = arith.index_cast %add3A_620 : i32 to index
        %get3A_663 = arith.constant 32 : index
        %get3A_664 = tpu.vector_load %get3A_661[%get3A_662, %get3A_663] {strides = array<i32>} : memref<128x64xf32, #tpu.memory_space<vmem>>, vector<16xf32>,
        %mul3A_665 = arith.mulf %get3A_657, %get3A_664 : vector<16xf32>
        %get3A_666 = arith.constant 0 : i32
        %get3A_667 = arith.constant 0 : i32
        %get3A_668 = tpu.memref_slice %arg13[%scan3A_405, %get3A_666, %get3A_667] : memref<2x128x64xf32, #tpu.memory_space<vmem>> -> memref<1x128x64xf32, #tpu.memory_space<vmem>>
        %get3A_669 = tpu.memref_squeeze %get3A_668 : memref<1x128x64xf32, #tpu.memory_space<vmem>> -> memref<128x64xf32, #tpu.memory_space<vmem>>
        %get3A_670 = arith.index_cast %add3A_620 : i32 to index
        %get3A_671 = arith.constant 48 : index
        %get3A_672 = tpu.vector_load %get3A_669[%get3A_670, %get3A_671] {strides = array<i32>} : memref<128x64xf32, #tpu.memory_space<vmem>>, vector<16xf32>,
        %get3A_673 = arith.constant 0 : i32
        %get3A_674 = arith.constant 0 : i32
        %get3A_675 = tpu.memref_slice %arg14[%scan3A_406, %get3A_673, %get3A_674] : memref<2x128x64xf32, #tpu.memory_space<vmem>> -> memref<1x128x64xf32, #tpu.memory_space<vmem>>
        %get3A_676 = tpu.memref_squeeze %get3A_675 : memref<1x128x64xf32, #tpu.memory_space<vmem>> -> memref<128x64xf32, #tpu.memory_space<vmem>>
        %get3A_677 = arith.index_cast %add3A_620 : i32 to index
        %get3A_678 = arith.constant 48 : index
        %get3A_679 = tpu.vector_load %get3A_676[%get3A_677, %get3A_678] {strides = array<i32>} : memref<128x64xf32, #tpu.memory_space<vmem>>, vector<16xf32>,
        %mul3A_680 = arith.mulf %get3A_672, %get3A_679 : vector<16xf32>
        %add3A_681 = arith.constant 2 : i32
        %add3A_682 = arith.addi %mul3A_556, %add3A_681 : i32
        %get3A_683 = arith.constant 0 : i32
        %get3A_684 = arith.constant 0 : i32
        %get3A_685 = tpu.memref_slice %arg13[%scan3A_405, %get3A_683, %get3A_684] : memref<2x128x64xf32, #tpu.memory_space<vmem>> -> memref<1x128x64xf32, #tpu.memory_space<vmem>>
        %get3A_686 = tpu.memref_squeeze %get3A_685 : memref<1x128x64xf32, #tpu.memory_space<vmem>> -> memref<128x64xf32, #tpu.memory_space<vmem>>
        %get3A_687 = arith.index_cast %add3A_682 : i32 to index
        %get3A_688 = arith.constant 0 : index
        %get3A_689 = tpu.vector_load %get3A_686[%get3A_687, %get3A_688] {strides = array<i32>} : memref<128x64xf32, #tpu.memory_space<vmem>>, vector<16xf32>,
        %get3A_690 = arith.constant 0 : i32
        %get3A_691 = arith.constant 0 : i32
        %get3A_692 = tpu.memref_slice %arg14[%scan3A_406, %get3A_690, %get3A_691] : memref<2x128x64xf32, #tpu.memory_space<vmem>> -> memref<1x128x64xf32, #tpu.memory_space<vmem>>
        %get3A_693 = tpu.memref_squeeze %get3A_692 : memref<1x128x64xf32, #tpu.memory_space<vmem>> -> memref<128x64xf32, #tpu.memory_space<vmem>>
        %get3A_694 = arith.index_cast %add3A_682 : i32 to index
        %get3A_695 = arith.constant 0 : index
        %get3A_696 = tpu.vector_load %get3A_693[%get3A_694, %get3A_695] {strides = array<i32>} : memref<128x64xf32, #tpu.memory_space<vmem>>, vector<16xf32>,
        %mul3A_697 = arith.mulf %get3A_689, %get3A_696 : vector<16xf32>
        %get3A_698 = arith.constant 0 : i32
        %get3A_699 = arith.constant 0 : i32
        %get3A_700 = tpu.memref_slice %arg13[%scan3A_405, %get3A_698, %get3A_699] : memref<2x128x64xf32, #tpu.memory_space<vmem>> -> memref<1x128x64xf32, #tpu.memory_space<vmem>>
        %get3A_701 = tpu.memref_squeeze %get3A_700 : memref<1x128x64xf32, #tpu.memory_space<vmem>> -> memref<128x64xf32, #tpu.memory_space<vmem>>
        %get3A_702 = arith.index_cast %add3A_682 : i32 to index
        %get3A_703 = arith.constant 16 : index
        %get3A_704 = tpu.vector_load %get3A_701[%get3A_702, %get3A_703] {strides = array<i32>} : memref<128x64xf32, #tpu.memory_space<vmem>>, vector<16xf32>,
        %get3A_705 = arith.constant 0 : i32
        %get3A_706 = arith.constant 0 : i32
        %get3A_707 = tpu.memref_slice %arg14[%scan3A_406, %get3A_705, %get3A_706] : memref<2x128x64xf32, #tpu.memory_space<vmem>> -> memref<1x128x64xf32, #tpu.memory_space<vmem>>
        %get3A_708 = tpu.memref_squeeze %get3A_707 : memref<1x128x64xf32, #tpu.memory_space<vmem>> -> memref<128x64xf32, #tpu.memory_space<vmem>>
        %get3A_709 = arith.index_cast %add3A_682 : i32 to index
        %get3A_710 = arith.constant 16 : index
        %get3A_711 = tpu.vector_load %get3A_708[%get3A_709, %get3A_710] {strides = array<i32>} : memref<128x64xf32, #tpu.memory_space<vmem>>, vector<16xf32>,
        %mul3A_712 = arith.mulf %get3A_704, %get3A_711 : vector<16xf32>
        %get3A_713 = arith.constant 0 : i32
        %get3A_714 = arith.constant 0 : i32
        %get3A_715 = tpu.memref_slice %arg13[%scan3A_405, %get3A_713, %get3A_714] : memref<2x128x64xf32, #tpu.memory_space<vmem>> -> memref<1x128x64xf32, #tpu.memory_space<vmem>>
        %get3A_716 = tpu.memref_squeeze %get3A_715 : memref<1x128x64xf32, #tpu.memory_space<vmem>> -> memref<128x64xf32, #tpu.memory_space<vmem>>
        %get3A_717 = arith.index_cast %add3A_682 : i32 to index
        %get3A_718 = arith.constant 32 : index
        %get3A_719 = tpu.vector_load %get3A_716[%get3A_717, %get3A_718] {strides = array<i32>} : memref<128x64xf32, #tpu.memory_space<vmem>>, vector<16xf32>,
        %get3A_720 = arith.constant 0 : i32
        %get3A_721 = arith.constant 0 : i32
        %get3A_722 = tpu.memref_slice %arg14[%scan3A_406, %get3A_720, %get3A_721] : memref<2x128x64xf32, #tpu.memory_space<vmem>> -> memref<1x128x64xf32, #tpu.memory_space<vmem>>
        %get3A_723 = tpu.memref_squeeze %get3A_722 : memref<1x128x64xf32, #tpu.memory_space<vmem>> -> memref<128x64xf32, #tpu.memory_space<vmem>>
        %get3A_724 = arith.index_cast %add3A_682 : i32 to index
        %get3A_725 = arith.constant 32 : index
        %get3A_726 = tpu.vector_load %get3A_723[%get3A_724, %get3A_725] {strides = array<i32>} : memref<128x64xf32, #tpu.memory_space<vmem>>, vector<16xf32>,
        %mul3A_727 = arith.mulf %get3A_719, %get3A_726 : vector<16xf32>
        %get3A_728 = arith.constant 0 : i32
        %get3A_729 = arith.constant 0 : i32
        %get3A_730 = tpu.memref_slice %arg13[%scan3A_405, %get3A_728, %get3A_729] : memref<2x128x64xf32, #tpu.memory_space<vmem>> -> memref<1x128x64xf32, #tpu.memory_space<vmem>>
        %get3A_731 = tpu.memref_squeeze %get3A_730 : memref<1x128x64xf32, #tpu.memory_space<vmem>> -> memref<128x64xf32, #tpu.memory_space<vmem>>
        %get3A_732 = arith.index_cast %add3A_682 : i32 to index
        %get3A_733 = arith.constant 48 : index
        %get3A_734 = tpu.vector_load %get3A_731[%get3A_732, %get3A_733] {strides = array<i32>} : memref<128x64xf32, #tpu.memory_space<vmem>>, vector<16xf32>,
        %get3A_735 = arith.constant 0 : i32
        %get3A_736 = arith.constant 0 : i32
        %get3A_737 = tpu.memref_slice %arg14[%scan3A_406, %get3A_735, %get3A_736] : memref<2x128x64xf32, #tpu.memory_space<vmem>> -> memref<1x128x64xf32, #tpu.memory_space<vmem>>
        %get3A_738 = tpu.memref_squeeze %get3A_737 : memref<1x128x64xf32, #tpu.memory_space<vmem>> -> memref<128x64xf32, #tpu.memory_space<vmem>>
        %get3A_739 = arith.index_cast %add3A_682 : i32 to index
        %get3A_740 = arith.constant 48 : index
        %get3A_741 = tpu.vector_load %get3A_738[%get3A_739, %get3A_740] {strides = array<i32>} : memref<128x64xf32, #tpu.memory_space<vmem>>, vector<16xf32>,
        %mul3A_742 = arith.mulf %get3A_734, %get3A_741 : vector<16xf32>
        %add3A_743 = arith.constant 3 : i32
        %add3A_744 = arith.addi %mul3A_556, %add3A_743 : i32
        %get3A_745 = arith.constant 0 : i32
        %get3A_746 = arith.constant 0 : i32
        %get3A_747 = tpu.memref_slice %arg13[%scan3A_405, %get3A_745, %get3A_746] : memref<2x128x64xf32, #tpu.memory_space<vmem>> -> memref<1x128x64xf32, #tpu.memory_space<vmem>>
        %get3A_748 = tpu.memref_squeeze %get3A_747 : memref<1x128x64xf32, #tpu.memory_space<vmem>> -> memref<128x64xf32, #tpu.memory_space<vmem>>
        %get3A_749 = arith.index_cast %add3A_744 : i32 to index
        %get3A_750 = arith.constant 0 : index
        %get3A_751 = tpu.vector_load %get3A_748[%get3A_749, %get3A_750] {strides = array<i32>} : memref<128x64xf32, #tpu.memory_space<vmem>>, vector<16xf32>,
        %get3A_752 = arith.constant 0 : i32
        %get3A_753 = arith.constant 0 : i32
        %get3A_754 = tpu.memref_slice %arg14[%scan3A_406, %get3A_752, %get3A_753] : memref<2x128x64xf32, #tpu.memory_space<vmem>> -> memref<1x128x64xf32, #tpu.memory_space<vmem>>
        %get3A_755 = tpu.memref_squeeze %get3A_754 : memref<1x128x64xf32, #tpu.memory_space<vmem>> -> memref<128x64xf32, #tpu.memory_space<vmem>>
        %get3A_756 = arith.index_cast %add3A_744 : i32 to index
        %get3A_757 = arith.constant 0 : index
        %get3A_758 = tpu.vector_load %get3A_755[%get3A_756, %get3A_757] {strides = array<i32>} : memref<128x64xf32, #tpu.memory_space<vmem>>, vector<16xf32>,
        %mul3A_759 = arith.mulf %get3A_751, %get3A_758 : vector<16xf32>
        %get3A_760 = arith.constant 0 : i32
        %get3A_761 = arith.constant 0 : i32
        %get3A_762 = tpu.memref_slice %arg13[%scan3A_405, %get3A_760, %get3A_761] : memref<2x128x64xf32, #tpu.memory_space<vmem>> -> memref<1x128x64xf32, #tpu.memory_space<vmem>>
        %get3A_763 = tpu.memref_squeeze %get3A_762 : memref<1x128x64xf32, #tpu.memory_space<vmem>> -> memref<128x64xf32, #tpu.memory_space<vmem>>
        %get3A_764 = arith.index_cast %add3A_744 : i32 to index
        %get3A_765 = arith.constant 16 : index
        %get3A_766 = tpu.vector_load %get3A_763[%get3A_764, %get3A_765] {strides = array<i32>} : memref<128x64xf32, #tpu.memory_space<vmem>>, vector<16xf32>,
        %get3A_767 = arith.constant 0 : i32
        %get3A_768 = arith.constant 0 : i32
        %get3A_769 = tpu.memref_slice %arg14[%scan3A_406, %get3A_767, %get3A_768] : memref<2x128x64xf32, #tpu.memory_space<vmem>> -> memref<1x128x64xf32, #tpu.memory_space<vmem>>
        %get3A_770 = tpu.memref_squeeze %get3A_769 : memref<1x128x64xf32, #tpu.memory_space<vmem>> -> memref<128x64xf32, #tpu.memory_space<vmem>>
        %get3A_771 = arith.index_cast %add3A_744 : i32 to index
        %get3A_772 = arith.constant 16 : index
        %get3A_773 = tpu.vector_load %get3A_770[%get3A_771, %get3A_772] {strides = array<i32>} : memref<128x64xf32, #tpu.memory_space<vmem>>, vector<16xf32>,
        %mul3A_774 = arith.mulf %get3A_766, %get3A_773 : vector<16xf32>
        %get3A_775 = arith.constant 0 : i32
        %get3A_776 = arith.constant 0 : i32
        %get3A_777 = tpu.memref_slice %arg13[%scan3A_405, %get3A_775, %get3A_776] : memref<2x128x64xf32, #tpu.memory_space<vmem>> -> memref<1x128x64xf32, #tpu.memory_space<vmem>>
        %get3A_778 = tpu.memref_squeeze %get3A_777 : memref<1x128x64xf32, #tpu.memory_space<vmem>> -> memref<128x64xf32, #tpu.memory_space<vmem>>
        %get3A_779 = arith.index_cast %add3A_744 : i32 to index
        %get3A_780 = arith.constant 32 : index
        %get3A_781 = tpu.vector_load %get3A_778[%get3A_779, %get3A_780] {strides = array<i32>} : memref<128x64xf32, #tpu.memory_space<vmem>>, vector<16xf32>,
        %get3A_782 = arith.constant 0 : i32
        %get3A_783 = arith.constant 0 : i32
        %get3A_784 = tpu.memref_slice %arg14[%scan3A_406, %get3A_782, %get3A_783] : memref<2x128x64xf32, #tpu.memory_space<vmem>> -> memref<1x128x64xf32, #tpu.memory_space<vmem>>
        %get3A_785 = tpu.memref_squeeze %get3A_784 : memref<1x128x64xf32, #tpu.memory_space<vmem>> -> memref<128x64xf32, #tpu.memory_space<vmem>>
        %get3A_786 = arith.index_cast %add3A_744 : i32 to index
        %get3A_787 = arith.constant 32 : index
        %get3A_788 = tpu.vector_load %get3A_785[%get3A_786, %get3A_787] {strides = array<i32>} : memref<128x64xf32, #tpu.memory_space<vmem>>, vector<16xf32>,
        %mul3A_789 = arith.mulf %get3A_781, %get3A_788 : vector<16xf32>
        %get3A_790 = arith.constant 0 : i32
        %get3A_791 = arith.constant 0 : i32
        %get3A_792 = tpu.memref_slice %arg13[%scan3A_405, %get3A_790, %get3A_791] : memref<2x128x64xf32, #tpu.memory_space<vmem>> -> memref<1x128x64xf32, #tpu.memory_space<vmem>>
        %get3A_793 = tpu.memref_squeeze %get3A_792 : memref<1x128x64xf32, #tpu.memory_space<vmem>> -> memref<128x64xf32, #tpu.memory_space<vmem>>
        %get3A_794 = arith.index_cast %add3A_744 : i32 to index
        %get3A_795 = arith.constant 48 : index
        %get3A_796 = tpu.vector_load %get3A_793[%get3A_794, %get3A_795] {strides = array<i32>} : memref<128x64xf32, #tpu.memory_space<vmem>>, vector<16xf32>,
        %get3A_797 = arith.constant 0 : i32
        %get3A_798 = arith.constant 0 : i32
        %get3A_799 = tpu.memref_slice %arg14[%scan3A_406, %get3A_797, %get3A_798] : memref<2x128x64xf32, #tpu.memory_space<vmem>> -> memref<1x128x64xf32, #tpu.memory_space<vmem>>
        %get3A_800 = tpu.memref_squeeze %get3A_799 : memref<1x128x64xf32, #tpu.memory_space<vmem>> -> memref<128x64xf32, #tpu.memory_space<vmem>>
        %get3A_801 = arith.index_cast %add3A_744 : i32 to index
        %get3A_802 = arith.constant 48 : index
        %get3A_803 = tpu.vector_load %get3A_800[%get3A_801, %get3A_802] {strides = array<i32>} : memref<128x64xf32, #tpu.memory_space<vmem>>, vector<16xf32>,
        %mul3A_804 = arith.mulf %get3A_796, %get3A_803 : vector<16xf32>
        %broadcast_in_dim3A_805 = arith.constant true
        %broadcast_in_dim3A_806 = vector.broadcast %broadcast_in_dim3A_805 : i1 to vector<16xi1>
        %masked_cumsum3A = tpu.scan <sum>, %mul3A_573 masked %broadcast_in_dim3A_806 : vector<16xf32>, vector<16xi1> -> vector<16xf32>
        %broadcast_in_dim3A_807 = arith.constant true
        %broadcast_in_dim3A_808 = vector.broadcast %broadcast_in_dim3A_807 : i1 to vector<16xi1>
        %masked_cumsum3A_809 = tpu.scan <sum>, %mul3A_588 masked %broadcast_in_dim3A_808 : vector<16xf32>, vector<16xi1> -> vector<16xf32>
        %broadcast_in_dim3A_810 = arith.constant true
        %broadcast_in_dim3A_811 = vector.broadcast %broadcast_in_dim3A_810 : i1 to vector<16xi1>
        %masked_cumsum3A_812 = tpu.scan <sum>, %mul3A_603 masked %broadcast_in_dim3A_811 : vector<16xf32>, vector<16xi1> -> vector<16xf32>
        %broadcast_in_dim3A_813 = arith.constant true
        %broadcast_in_dim3A_814 = vector.broadcast %broadcast_in_dim3A_813 : i1 to vector<16xi1>
        %masked_cumsum3A_815 = tpu.scan <sum>, %mul3A_618 masked %broadcast_in_dim3A_814 : vector<16xf32>, vector<16xi1> -> vector<16xf32>
        %broadcast_in_dim3A_816 = arith.constant true
        %broadcast_in_dim3A_817 = vector.broadcast %broadcast_in_dim3A_816 : i1 to vector<16xi1>
        %masked_cumsum3A_818 = tpu.scan <sum>, %mul3A_635 masked %broadcast_in_dim3A_817 : vector<16xf32>, vector<16xi1> -> vector<16xf32>
        %broadcast_in_dim3A_819 = arith.constant true
        %broadcast_in_dim3A_820 = vector.broadcast %broadcast_in_dim3A_819 : i1 to vector<16xi1>
        %masked_cumsum3A_821 = tpu.scan <sum>, %mul3A_650 masked %broadcast_in_dim3A_820 : vector<16xf32>, vector<16xi1> -> vector<16xf32>
        %broadcast_in_dim3A_822 = arith.constant true
        %broadcast_in_dim3A_823 = vector.broadcast %broadcast_in_dim3A_822 : i1 to vector<16xi1>
        %masked_cumsum3A_824 = tpu.scan <sum>, %mul3A_665 masked %broadcast_in_dim3A_823 : vector<16xf32>, vector<16xi1> -> vector<16xf32>
        %broadcast_in_dim3A_825 = arith.constant true
        %broadcast_in_dim3A_826 = vector.broadcast %broadcast_in_dim3A_825 : i1 to vector<16xi1>
        %masked_cumsum3A_827 = tpu.scan <sum>, %mul3A_680 masked %broadcast_in_dim3A_826 : vector<16xf32>, vector<16xi1> -> vector<16xf32>
        %broadcast_in_dim3A_828 = arith.constant true
        %broadcast_in_dim3A_829 = vector.broadcast %broadcast_in_dim3A_828 : i1 to vector<16xi1>
        %masked_cumsum3A_830 = tpu.scan <sum>, %mul3A_697 masked %broadcast_in_dim3A_829 : vector<16xf32>, vector<16xi1> -> vector<16xf32>
        %broadcast_in_dim3A_831 = arith.constant true
        %broadcast_in_dim3A_832 = vector.broadcast %broadcast_in_dim3A_831 : i1 to vector<16xi1>
        %masked_cumsum3A_833 = tpu.scan <sum>, %mul3A_712 masked %broadcast_in_dim3A_832 : vector<16xf32>, vector<16xi1> -> vector<16xf32>
        %broadcast_in_dim3A_834 = arith.constant true
        %broadcast_in_dim3A_835 = vector.broadcast %broadcast_in_dim3A_834 : i1 to vector<16xi1>
        %masked_cumsum3A_836 = tpu.scan <sum>, %mul3A_727 masked %broadcast_in_dim3A_835 : vector<16xf32>, vector<16xi1> -> vector<16xf32>
        %broadcast_in_dim3A_837 = arith.constant true
        %broadcast_in_dim3A_838 = vector.broadcast %broadcast_in_dim3A_837 : i1 to vector<16xi1>
        %masked_cumsum3A_839 = tpu.scan <sum>, %mul3A_742 masked %broadcast_in_dim3A_838 : vector<16xf32>, vector<16xi1> -> vector<16xf32>
        %broadcast_in_dim3A_840 = arith.constant true
        %broadcast_in_dim3A_841 = vector.broadcast %broadcast_in_dim3A_840 : i1 to vector<16xi1>
        %masked_cumsum3A_842 = tpu.scan <sum>, %mul3A_759 masked %broadcast_in_dim3A_841 : vector<16xf32>, vector<16xi1> -> vector<16xf32>
        %broadcast_in_dim3A_843 = arith.constant true
        %broadcast_in_dim3A_844 = vector.broadcast %broadcast_in_dim3A_843 : i1 to vector<16xi1>
        %masked_cumsum3A_845 = tpu.scan <sum>, %mul3A_774 masked %broadcast_in_dim3A_844 : vector<16xf32>, vector<16xi1> -> vector<16xf32>
        %broadcast_in_dim3A_846 = arith.constant true
        %broadcast_in_dim3A_847 = vector.broadcast %broadcast_in_dim3A_846 : i1 to vector<16xi1>
        %masked_cumsum3A_848 = tpu.scan <sum>, %mul3A_789 masked %broadcast_in_dim3A_847 : vector<16xf32>, vector<16xi1> -> vector<16xf32>
        %broadcast_in_dim3A_849 = arith.constant true
        %broadcast_in_dim3A_850 = vector.broadcast %broadcast_in_dim3A_849 : i1 to vector<16xi1>
        %masked_cumsum3A_851 = tpu.scan <sum>, %mul3A_804 masked %broadcast_in_dim3A_850 : vector<16xf32>, vector<16xi1> -> vector<16xf32>
        %gather3A = vector.shape_cast %broadcast_in_dim3A_5 : vector<16x1xi32> to vector<16xi32>
        %gather3A_852 = tpu.dynamic_gather %masked_cumsum3A[%gather3A] in [0] : vector<16xf32>, vector<16xi32> -> vector<16xf32>
        %exp3A = math.exp %gather3A_852 : vector<16xf32>
        %gather3A_853 = vector.shape_cast %broadcast_in_dim3A_5 : vector<16x1xi32> to vector<16xi32>
        %gather3A_854 = tpu.dynamic_gather %masked_cumsum3A_809[%gather3A_853] in [0] : vector<16xf32>, vector<16xi32> -> vector<16xf32>
        %exp3A_855 = math.exp %gather3A_854 : vector<16xf32>
        %gather3A_856 = vector.shape_cast %broadcast_in_dim3A_5 : vector<16x1xi32> to vector<16xi32>
        %gather3A_857 = tpu.dynamic_gather %masked_cumsum3A_812[%gather3A_856] in [0] : vector<16xf32>, vector<16xi32> -> vector<16xf32>
        %exp3A_858 = math.exp %gather3A_857 : vector<16xf32>
        %gather3A_859 = vector.shape_cast %broadcast_in_dim3A_5 : vector<16x1xi32> to vector<16xi32>
        %gather3A_860 = tpu.dynamic_gather %masked_cumsum3A_815[%gather3A_859] in [0] : vector<16xf32>, vector<16xi32> -> vector<16xf32>
        %exp3A_861 = math.exp %gather3A_860 : vector<16xf32>
        %gather3A_862 = vector.shape_cast %broadcast_in_dim3A_5 : vector<16x1xi32> to vector<16xi32>
        %gather3A_863 = tpu.dynamic_gather %masked_cumsum3A_818[%gather3A_862] in [0] : vector<16xf32>, vector<16xi32> -> vector<16xf32>
        %exp3A_864 = math.exp %gather3A_863 : vector<16xf32>
        %gather3A_865 = vector.shape_cast %broadcast_in_dim3A_5 : vector<16x1xi32> to vector<16xi32>
        %gather3A_866 = tpu.dynamic_gather %masked_cumsum3A_821[%gather3A_865] in [0] : vector<16xf32>, vector<16xi32> -> vector<16xf32>
        %exp3A_867 = math.exp %gather3A_866 : vector<16xf32>
        %gather3A_868 = vector.shape_cast %broadcast_in_dim3A_5 : vector<16x1xi32> to vector<16xi32>
        %gather3A_869 = tpu.dynamic_gather %masked_cumsum3A_824[%gather3A_868] in [0] : vector<16xf32>, vector<16xi32> -> vector<16xf32>
        %exp3A_870 = math.exp %gather3A_869 : vector<16xf32>
        %gather3A_871 = vector.shape_cast %broadcast_in_dim3A_5 : vector<16x1xi32> to vector<16xi32>
        %gather3A_872 = tpu.dynamic_gather %masked_cumsum3A_827[%gather3A_871] in [0] : vector<16xf32>, vector<16xi32> -> vector<16xf32>
        %exp3A_873 = math.exp %gather3A_872 : vector<16xf32>
        %gather3A_874 = vector.shape_cast %broadcast_in_dim3A_5 : vector<16x1xi32> to vector<16xi32>
        %gather3A_875 = tpu.dynamic_gather %masked_cumsum3A_830[%gather3A_874] in [0] : vector<16xf32>, vector<16xi32> -> vector<16xf32>
        %exp3A_876 = math.exp %gather3A_875 : vector<16xf32>
        %gather3A_877 = vector.shape_cast %broadcast_in_dim3A_5 : vector<16x1xi32> to vector<16xi32>
        %gather3A_878 = tpu.dynamic_gather %masked_cumsum3A_833[%gather3A_877] in [0] : vector<16xf32>, vector<16xi32> -> vector<16xf32>
        %exp3A_879 = math.exp %gather3A_878 : vector<16xf32>
        %gather3A_880 = vector.shape_cast %broadcast_in_dim3A_5 : vector<16x1xi32> to vector<16xi32>
        %gather3A_881 = tpu.dynamic_gather %masked_cumsum3A_836[%gather3A_880] in [0] : vector<16xf32>, vector<16xi32> -> vector<16xf32>
        %exp3A_882 = math.exp %gather3A_881 : vector<16xf32>
        %gather3A_883 = vector.shape_cast %broadcast_in_dim3A_5 : vector<16x1xi32> to vector<16xi32>
        %gather3A_884 = tpu.dynamic_gather %masked_cumsum3A_839[%gather3A_883] in [0] : vector<16xf32>, vector<16xi32> -> vector<16xf32>
        %exp3A_885 = math.exp %gather3A_884 : vector<16xf32>
        %gather3A_886 = vector.shape_cast %broadcast_in_dim3A_5 : vector<16x1xi32> to vector<16xi32>
        %gather3A_887 = tpu.dynamic_gather %masked_cumsum3A_842[%gather3A_886] in [0] : vector<16xf32>, vector<16xi32> -> vector<16xf32>
        %exp3A_888 = math.exp %gather3A_887 : vector<16xf32>
        %gather3A_889 = vector.shape_cast %broadcast_in_dim3A_5 : vector<16x1xi32> to vector<16xi32>
        %gather3A_890 = tpu.dynamic_gather %masked_cumsum3A_845[%gather3A_889] in [0] : vector<16xf32>, vector<16xi32> -> vector<16xf32>
        %exp3A_891 = math.exp %gather3A_890 : vector<16xf32>
        %gather3A_892 = vector.shape_cast %broadcast_in_dim3A_5 : vector<16x1xi32> to vector<16xi32>
        %gather3A_893 = tpu.dynamic_gather %masked_cumsum3A_848[%gather3A_892] in [0] : vector<16xf32>, vector<16xi32> -> vector<16xf32>
        %exp3A_894 = math.exp %gather3A_893 : vector<16xf32>
        %gather3A_895 = vector.shape_cast %broadcast_in_dim3A_5 : vector<16x1xi32> to vector<16xi32>
        %gather3A_896 = tpu.dynamic_gather %masked_cumsum3A_851[%gather3A_895] in [0] : vector<16xf32>, vector<16xi32> -> vector<16xf32>
        %exp3A_897 = math.exp %gather3A_896 : vector<16xf32>
        %add3A_898 = arith.constant 0 : i32
        %add3A_899 = arith.addi %mul3A_556, %add3A_898 : i32
        %get3A_900 = arith.constant 0 : i32
        %get3A_901 = arith.constant 0 : i32
        %get3A_902 = tpu.memref_slice %arg15[%scan3A_407, %get3A_900, %get3A_901] : memref<2x128x64xf32, #tpu.memory_space<vmem>> -> memref<1x128x64xf32, #tpu.memory_space<vmem>>
        %get3A_903 = tpu.memref_squeeze %get3A_902 : memref<1x128x64xf32, #tpu.memory_space<vmem>> -> memref<128x64xf32, #tpu.memory_space<vmem>>
        %get3A_904 = arith.index_cast %add3A_899 : i32 to index
        %get3A_905 = arith.constant 0 : index
        %get3A_906 = tpu.vector_load %get3A_903[%get3A_904, %get3A_905] {strides = array<i32>} : memref<128x64xf32, #tpu.memory_space<vmem>>, vector<16xf32>,
        %mul3A_907 = arith.mulf %get3A_906, %exp3A : vector<16xf32>
        %swap3A = arith.constant 0 : i32
        %swap3A_908 = arith.constant 0 : i32
        %swap3A_909 = tpu.memref_slice %arg15[%scan3A_407, %swap3A, %swap3A_908] : memref<2x128x64xf32, #tpu.memory_space<vmem>> -> memref<1x128x64xf32, #tpu.memory_space<vmem>>
        %swap3A_910 = tpu.memref_squeeze %swap3A_909 : memref<1x128x64xf32, #tpu.memory_space<vmem>> -> memref<128x64xf32, #tpu.memory_space<vmem>>
        %swap3A_911 = arith.index_cast %add3A_899 : i32 to index
        %swap3A_912 = arith.constant 0 : index
        %swap3A_913 = tpu.vector_load %swap3A_910[%swap3A_911, %swap3A_912] {strides = array<i32>} : memref<128x64xf32, #tpu.memory_space<vmem>>, vector<16xf32>,
        tpu.vector_store %swap3A_910[%swap3A_911, %swap3A_912], %mul3A_907 {strides = array<i32>} : memref<128x64xf32, #tpu.memory_space<vmem>>, vector<16xf32>,
        %eq3A = arith.constant 0 : i32
        %eq3A_914 = vector.broadcast %eq3A : i32 to vector<16xi32>
        %eq3A_915 = arith.cmpi eq, %iota3A, %eq3A_914 : vector<16xi32>
        %select_n3A = arith.select %eq3A_915, %exp3A, %broadcast_in_dim3A_0 : vector<16xi1>, vector<16xf32>
        %get3A_916 = arith.constant 0 : i32
        %get3A_917 = arith.constant 0 : i32
        %get3A_918 = tpu.memref_slice %arg15[%scan3A_407, %get3A_916, %get3A_917] : memref<2x128x64xf32, #tpu.memory_space<vmem>> -> memref<1x128x64xf32, #tpu.memory_space<vmem>>
        %get3A_919 = tpu.memref_squeeze %get3A_918 : memref<1x128x64xf32, #tpu.memory_space<vmem>> -> memref<128x64xf32, #tpu.memory_space<vmem>>
        %get3A_920 = arith.index_cast %add3A_899 : i32 to index
        %get3A_921 = arith.constant 16 : index
        %get3A_922 = tpu.vector_load %get3A_919[%get3A_920, %get3A_921] {strides = array<i32>} : memref<128x64xf32, #tpu.memory_space<vmem>>, vector<16xf32>,
        %mul3A_923 = arith.mulf %get3A_922, %exp3A_855 : vector<16xf32>
        %swap3A_924 = arith.constant 0 : i32
        %swap3A_925 = arith.constant 0 : i32
        %swap3A_926 = tpu.memref_slice %arg15[%scan3A_407, %swap3A_924, %swap3A_925] : memref<2x128x64xf32, #tpu.memory_space<vmem>> -> memref<1x128x64xf32, #tpu.memory_space<vmem>>
        %swap3A_927 = tpu.memref_squeeze %swap3A_926 : memref<1x128x64xf32, #tpu.memory_space<vmem>> -> memref<128x64xf32, #tpu.memory_space<vmem>>
        %swap3A_928 = arith.index_cast %add3A_899 : i32 to index
        %swap3A_929 = arith.constant 16 : index
        %swap3A_930 = tpu.vector_load %swap3A_927[%swap3A_928, %swap3A_929] {strides = array<i32>} : memref<128x64xf32, #tpu.memory_space<vmem>>, vector<16xf32>,
        tpu.vector_store %swap3A_927[%swap3A_928, %swap3A_929], %mul3A_923 {strides = array<i32>} : memref<128x64xf32, #tpu.memory_space<vmem>>, vector<16xf32>,
        %eq3A_931 = arith.constant 1 : i32
        %eq3A_932 = vector.broadcast %eq3A_931 : i32 to vector<16xi32>
        %eq3A_933 = arith.cmpi eq, %iota3A, %eq3A_932 : vector<16xi32>
        %select_n3A_934 = arith.select %eq3A_933, %exp3A_855, %select_n3A : vector<16xi1>, vector<16xf32>
        %get3A_935 = arith.constant 0 : i32
        %get3A_936 = arith.constant 0 : i32
        %get3A_937 = tpu.memref_slice %arg15[%scan3A_407, %get3A_935, %get3A_936] : memref<2x128x64xf32, #tpu.memory_space<vmem>> -> memref<1x128x64xf32, #tpu.memory_space<vmem>>
        %get3A_938 = tpu.memref_squeeze %get3A_937 : memref<1x128x64xf32, #tpu.memory_space<vmem>> -> memref<128x64xf32, #tpu.memory_space<vmem>>
        %get3A_939 = arith.index_cast %add3A_899 : i32 to index
        %get3A_940 = arith.constant 32 : index
        %get3A_941 = tpu.vector_load %get3A_938[%get3A_939, %get3A_940] {strides = array<i32>} : memref<128x64xf32, #tpu.memory_space<vmem>>, vector<16xf32>,
        %mul3A_942 = arith.mulf %get3A_941, %exp3A_858 : vector<16xf32>
        %swap3A_943 = arith.constant 0 : i32
        %swap3A_944 = arith.constant 0 : i32
        %swap3A_945 = tpu.memref_slice %arg15[%scan3A_407, %swap3A_943, %swap3A_944] : memref<2x128x64xf32, #tpu.memory_space<vmem>> -> memref<1x128x64xf32, #tpu.memory_space<vmem>>
        %swap3A_946 = tpu.memref_squeeze %swap3A_945 : memref<1x128x64xf32, #tpu.memory_space<vmem>> -> memref<128x64xf32, #tpu.memory_space<vmem>>
        %swap3A_947 = arith.index_cast %add3A_899 : i32 to index
        %swap3A_948 = arith.constant 32 : index
        %swap3A_949 = tpu.vector_load %swap3A_946[%swap3A_947, %swap3A_948] {strides = array<i32>} : memref<128x64xf32, #tpu.memory_space<vmem>>, vector<16xf32>,
        tpu.vector_store %swap3A_946[%swap3A_947, %swap3A_948], %mul3A_942 {strides = array<i32>} : memref<128x64xf32, #tpu.memory_space<vmem>>, vector<16xf32>,
        %eq3A_950 = arith.constant 2 : i32
        %eq3A_951 = vector.broadcast %eq3A_950 : i32 to vector<16xi32>
        %eq3A_952 = arith.cmpi eq, %iota3A, %eq3A_951 : vector<16xi32>
        %select_n3A_953 = arith.select %eq3A_952, %exp3A_858, %select_n3A_934 : vector<16xi1>, vector<16xf32>
        %get3A_954 = arith.constant 0 : i32
        %get3A_955 = arith.constant 0 : i32
        %get3A_956 = tpu.memref_slice %arg15[%scan3A_407, %get3A_954, %get3A_955] : memref<2x128x64xf32, #tpu.memory_space<vmem>> -> memref<1x128x64xf32, #tpu.memory_space<vmem>>
        %get3A_957 = tpu.memref_squeeze %get3A_956 : memref<1x128x64xf32, #tpu.memory_space<vmem>> -> memref<128x64xf32, #tpu.memory_space<vmem>>
        %get3A_958 = arith.index_cast %add3A_899 : i32 to index
        %get3A_959 = arith.constant 48 : index
        %get3A_960 = tpu.vector_load %get3A_957[%get3A_958, %get3A_959] {strides = array<i32>} : memref<128x64xf32, #tpu.memory_space<vmem>>, vector<16xf32>,
        %mul3A_961 = arith.mulf %get3A_960, %exp3A_861 : vector<16xf32>
        %swap3A_962 = arith.constant 0 : i32
        %swap3A_963 = arith.constant 0 : i32
        %swap3A_964 = tpu.memref_slice %arg15[%scan3A_407, %swap3A_962, %swap3A_963] : memref<2x128x64xf32, #tpu.memory_space<vmem>> -> memref<1x128x64xf32, #tpu.memory_space<vmem>>
        %swap3A_965 = tpu.memref_squeeze %swap3A_964 : memref<1x128x64xf32, #tpu.memory_space<vmem>> -> memref<128x64xf32, #tpu.memory_space<vmem>>
        %swap3A_966 = arith.index_cast %add3A_899 : i32 to index
        %swap3A_967 = arith.constant 48 : index
        %swap3A_968 = tpu.vector_load %swap3A_965[%swap3A_966, %swap3A_967] {strides = array<i32>} : memref<128x64xf32, #tpu.memory_space<vmem>>, vector<16xf32>,
        tpu.vector_store %swap3A_965[%swap3A_966, %swap3A_967], %mul3A_961 {strides = array<i32>} : memref<128x64xf32, #tpu.memory_space<vmem>>, vector<16xf32>,
        %eq3A_969 = arith.constant 3 : i32
        %eq3A_970 = vector.broadcast %eq3A_969 : i32 to vector<16xi32>
        %eq3A_971 = arith.cmpi eq, %iota3A, %eq3A_970 : vector<16xi32>
        %select_n3A_972 = arith.select %eq3A_971, %exp3A_861, %select_n3A_953 : vector<16xi1>, vector<16xf32>
        %swap3A_973 = arith.constant 0 : i32
        %swap3A_974 = arith.constant 0 : i32
        %swap3A_975 = tpu.memref_slice %arg16[%scan3A_408, %swap3A_973, %swap3A_974] : memref<2x128x16xf32, #tpu.memory_space<vmem>> -> memref<1x128x16xf32, #tpu.memory_space<vmem>>
        %swap3A_976 = tpu.memref_squeeze %swap3A_975 : memref<1x128x16xf32, #tpu.memory_space<vmem>> -> memref<128x16xf32, #tpu.memory_space<vmem>>
        %swap3A_977 = arith.index_cast %add3A_899 : i32 to index
        %swap3A_978 = arith.constant 0 : index
        %swap3A_979 = tpu.vector_load %swap3A_976[%swap3A_977, %swap3A_978] {strides = array<i32>} : memref<128x16xf32, #tpu.memory_space<vmem>>, vector<16xf32>,
        tpu.vector_store %swap3A_976[%swap3A_977, %swap3A_978], %select_n3A_972 {strides = array<i32>} : memref<128x16xf32, #tpu.memory_space<vmem>>, vector<16xf32>,
        %add3A_980 = arith.constant 1 : i32
        %add3A_981 = arith.addi %mul3A_556, %add3A_980 : i32
        %get3A_982 = arith.constant 0 : i32
        %get3A_983 = arith.constant 0 : i32
        %get3A_984 = tpu.memref_slice %arg15[%scan3A_407, %get3A_982, %get3A_983] : memref<2x128x64xf32, #tpu.memory_space<vmem>> -> memref<1x128x64xf32, #tpu.memory_space<vmem>>
        %get3A_985 = tpu.memref_squeeze %get3A_984 : memref<1x128x64xf32, #tpu.memory_space<vmem>> -> memref<128x64xf32, #tpu.memory_space<vmem>>
        %get3A_986 = arith.index_cast %add3A_981 : i32 to index
        %get3A_987 = arith.constant 0 : index
        %get3A_988 = tpu.vector_load %get3A_985[%get3A_986, %get3A_987] {strides = array<i32>} : memref<128x64xf32, #tpu.memory_space<vmem>>, vector<16xf32>,
        %mul3A_989 = arith.mulf %get3A_988, %exp3A_864 : vector<16xf32>
        %swap3A_990 = arith.constant 0 : i32
        %swap3A_991 = arith.constant 0 : i32
        %swap3A_992 = tpu.memref_slice %arg15[%scan3A_407, %swap3A_990, %swap3A_991] : memref<2x128x64xf32, #tpu.memory_space<vmem>> -> memref<1x128x64xf32, #tpu.memory_space<vmem>>
        %swap3A_993 = tpu.memref_squeeze %swap3A_992 : memref<1x128x64xf32, #tpu.memory_space<vmem>> -> memref<128x64xf32, #tpu.memory_space<vmem>>
        %swap3A_994 = arith.index_cast %add3A_981 : i32 to index
        %swap3A_995 = arith.constant 0 : index
        %swap3A_996 = tpu.vector_load %swap3A_993[%swap3A_994, %swap3A_995] {strides = array<i32>} : memref<128x64xf32, #tpu.memory_space<vmem>>, vector<16xf32>,
        tpu.vector_store %swap3A_993[%swap3A_994, %swap3A_995], %mul3A_989 {strides = array<i32>} : memref<128x64xf32, #tpu.memory_space<vmem>>, vector<16xf32>,
        %eq3A_997 = arith.constant 0 : i32
        %eq3A_998 = vector.broadcast %eq3A_997 : i32 to vector<16xi32>
        %eq3A_999 = arith.cmpi eq, %iota3A, %eq3A_998 : vector<16xi32>
        %select_n3A_1000 = arith.select %eq3A_999, %exp3A_864, %broadcast_in_dim3A_0 : vector<16xi1>, vector<16xf32>
        %get3A_1001 = arith.constant 0 : i32
        %get3A_1002 = arith.constant 0 : i32
        %get3A_1003 = tpu.memref_slice %arg15[%scan3A_407, %get3A_1001, %get3A_1002] : memref<2x128x64xf32, #tpu.memory_space<vmem>> -> memref<1x128x64xf32, #tpu.memory_space<vmem>>
        %get3A_1004 = tpu.memref_squeeze %get3A_1003 : memref<1x128x64xf32, #tpu.memory_space<vmem>> -> memref<128x64xf32, #tpu.memory_space<vmem>>
        %get3A_1005 = arith.index_cast %add3A_981 : i32 to index
        %get3A_1006 = arith.constant 16 : index
        %get3A_1007 = tpu.vector_load %get3A_1004[%get3A_1005, %get3A_1006] {strides = array<i32>} : memref<128x64xf32, #tpu.memory_space<vmem>>, vector<16xf32>,
        %mul3A_1008 = arith.mulf %get3A_1007, %exp3A_867 : vector<16xf32>
        %swap3A_1009 = arith.constant 0 : i32
        %swap3A_1010 = arith.constant 0 : i32
        %swap3A_1011 = tpu.memref_slice %arg15[%scan3A_407, %swap3A_1009, %swap3A_1010] : memref<2x128x64xf32, #tpu.memory_space<vmem>> -> memref<1x128x64xf32, #tpu.memory_space<vmem>>
        %swap3A_1012 = tpu.memref_squeeze %swap3A_1011 : memref<1x128x64xf32, #tpu.memory_space<vmem>> -> memref<128x64xf32, #tpu.memory_space<vmem>>
        %swap3A_1013 = arith.index_cast %add3A_981 : i32 to index
        %swap3A_1014 = arith.constant 16 : index
        %swap3A_1015 = tpu.vector_load %swap3A_1012[%swap3A_1013, %swap3A_1014] {strides = array<i32>} : memref<128x64xf32, #tpu.memory_space<vmem>>, vector<16xf32>,
        tpu.vector_store %swap3A_1012[%swap3A_1013, %swap3A_1014], %mul3A_1008 {strides = array<i32>} : memref<128x64xf32, #tpu.memory_space<vmem>>, vector<16xf32>,
        %eq3A_1016 = arith.constant 1 : i32
        %eq3A_1017 = vector.broadcast %eq3A_1016 : i32 to vector<16xi32>
        %eq3A_1018 = arith.cmpi eq, %iota3A, %eq3A_1017 : vector<16xi32>
        %select_n3A_1019 = arith.select %eq3A_1018, %exp3A_867, %select_n3A_1000 : vector<16xi1>, vector<16xf32>
        %get3A_1020 = arith.constant 0 : i32
        %get3A_1021 = arith.constant 0 : i32
        %get3A_1022 = tpu.memref_slice %arg15[%scan3A_407, %get3A_1020, %get3A_1021] : memref<2x128x64xf32, #tpu.memory_space<vmem>> -> memref<1x128x64xf32, #tpu.memory_space<vmem>>
        %get3A_1023 = tpu.memref_squeeze %get3A_1022 : memref<1x128x64xf32, #tpu.memory_space<vmem>> -> memref<128x64xf32, #tpu.memory_space<vmem>>
        %get3A_1024 = arith.index_cast %add3A_981 : i32 to index
        %get3A_1025 = arith.constant 32 : index
        %get3A_1026 = tpu.vector_load %get3A_1023[%get3A_1024, %get3A_1025] {strides = array<i32>} : memref<128x64xf32, #tpu.memory_space<vmem>>, vector<16xf32>,
        %mul3A_1027 = arith.mulf %get3A_1026, %exp3A_870 : vector<16xf32>
        %swap3A_1028 = arith.constant 0 : i32
        %swap3A_1029 = arith.constant 0 : i32
        %swap3A_1030 = tpu.memref_slice %arg15[%scan3A_407, %swap3A_1028, %swap3A_1029] : memref<2x128x64xf32, #tpu.memory_space<vmem>> -> memref<1x128x64xf32, #tpu.memory_space<vmem>>
        %swap3A_1031 = tpu.memref_squeeze %swap3A_1030 : memref<1x128x64xf32, #tpu.memory_space<vmem>> -> memref<128x64xf32, #tpu.memory_space<vmem>>
        %swap3A_1032 = arith.index_cast %add3A_981 : i32 to index
        %swap3A_1033 = arith.constant 32 : index
        %swap3A_1034 = tpu.vector_load %swap3A_1031[%swap3A_1032, %swap3A_1033] {strides = array<i32>} : memref<128x64xf32, #tpu.memory_space<vmem>>, vector<16xf32>,
        tpu.vector_store %swap3A_1031[%swap3A_1032, %swap3A_1033], %mul3A_1027 {strides = array<i32>} : memref<128x64xf32, #tpu.memory_space<vmem>>, vector<16xf32>,
        %eq3A_1035 = arith.constant 2 : i32
        %eq3A_1036 = vector.broadcast %eq3A_1035 : i32 to vector<16xi32>
        %eq3A_1037 = arith.cmpi eq, %iota3A, %eq3A_1036 : vector<16xi32>
        %select_n3A_1038 = arith.select %eq3A_1037, %exp3A_870, %select_n3A_1019 : vector<16xi1>, vector<16xf32>
        %get3A_1039 = arith.constant 0 : i32
        %get3A_1040 = arith.constant 0 : i32
        %get3A_1041 = tpu.memref_slice %arg15[%scan3A_407, %get3A_1039, %get3A_1040] : memref<2x128x64xf32, #tpu.memory_space<vmem>> -> memref<1x128x64xf32, #tpu.memory_space<vmem>>
        %get3A_1042 = tpu.memref_squeeze %get3A_1041 : memref<1x128x64xf32, #tpu.memory_space<vmem>> -> memref<128x64xf32, #tpu.memory_space<vmem>>
        %get3A_1043 = arith.index_cast %add3A_981 : i32 to index
        %get3A_1044 = arith.constant 48 : index
        %get3A_1045 = tpu.vector_load %get3A_1042[%get3A_1043, %get3A_1044] {strides = array<i32>} : memref<128x64xf32, #tpu.memory_space<vmem>>, vector<16xf32>,
        %mul3A_1046 = arith.mulf %get3A_1045, %exp3A_873 : vector<16xf32>
        %swap3A_1047 = arith.constant 0 : i32
        %swap3A_1048 = arith.constant 0 : i32
        %swap3A_1049 = tpu.memref_slice %arg15[%scan3A_407, %swap3A_1047, %swap3A_1048] : memref<2x128x64xf32, #tpu.memory_space<vmem>> -> memref<1x128x64xf32, #tpu.memory_space<vmem>>
        %swap3A_1050 = tpu.memref_squeeze %swap3A_1049 : memref<1x128x64xf32, #tpu.memory_space<vmem>> -> memref<128x64xf32, #tpu.memory_space<vmem>>
        %swap3A_1051 = arith.index_cast %add3A_981 : i32 to index
        %swap3A_1052 = arith.constant 48 : index
        %swap3A_1053 = tpu.vector_load %swap3A_1050[%swap3A_1051, %swap3A_1052] {strides = array<i32>} : memref<128x64xf32, #tpu.memory_space<vmem>>, vector<16xf32>,
        tpu.vector_store %swap3A_1050[%swap3A_1051, %swap3A_1052], %mul3A_1046 {strides = array<i32>} : memref<128x64xf32, #tpu.memory_space<vmem>>, vector<16xf32>,
        %eq3A_1054 = arith.constant 3 : i32
        %eq3A_1055 = vector.broadcast %eq3A_1054 : i32 to vector<16xi32>
        %eq3A_1056 = arith.cmpi eq, %iota3A, %eq3A_1055 : vector<16xi32>
        %select_n3A_1057 = arith.select %eq3A_1056, %exp3A_873, %select_n3A_1038 : vector<16xi1>, vector<16xf32>
        %swap3A_1058 = arith.constant 0 : i32
        %swap3A_1059 = arith.constant 0 : i32
        %swap3A_1060 = tpu.memref_slice %arg16[%scan3A_408, %swap3A_1058, %swap3A_1059] : memref<2x128x16xf32, #tpu.memory_space<vmem>> -> memref<1x128x16xf32, #tpu.memory_space<vmem>>
        %swap3A_1061 = tpu.memref_squeeze %swap3A_1060 : memref<1x128x16xf32, #tpu.memory_space<vmem>> -> memref<128x16xf32, #tpu.memory_space<vmem>>
        %swap3A_1062 = arith.index_cast %add3A_981 : i32 to index
        %swap3A_1063 = arith.constant 0 : index
        %swap3A_1064 = tpu.vector_load %swap3A_1061[%swap3A_1062, %swap3A_1063] {strides = array<i32>} : memref<128x16xf32, #tpu.memory_space<vmem>>, vector<16xf32>,
        tpu.vector_store %swap3A_1061[%swap3A_1062, %swap3A_1063], %select_n3A_1057 {strides = array<i32>} : memref<128x16xf32, #tpu.memory_space<vmem>>, vector<16xf32>,
        %add3A_1065 = arith.constant 2 : i32
        %add3A_1066 = arith.addi %mul3A_556, %add3A_1065 : i32
        %get3A_1067 = arith.constant 0 : i32
        %get3A_1068 = arith.constant 0 : i32
        %get3A_1069 = tpu.memref_slice %arg15[%scan3A_407, %get3A_1067, %get3A_1068] : memref<2x128x64xf32, #tpu.memory_space<vmem>> -> memref<1x128x64xf32, #tpu.memory_space<vmem>>
        %get3A_1070 = tpu.memref_squeeze %get3A_1069 : memref<1x128x64xf32, #tpu.memory_space<vmem>> -> memref<128x64xf32, #tpu.memory_space<vmem>>
        %get3A_1071 = arith.index_cast %add3A_1066 : i32 to index
        %get3A_1072 = arith.constant 0 : index
        %get3A_1073 = tpu.vector_load %get3A_1070[%get3A_1071, %get3A_1072] {strides = array<i32>} : memref<128x64xf32, #tpu.memory_space<vmem>>, vector<16xf32>,
        %mul3A_1074 = arith.mulf %get3A_1073, %exp3A_876 : vector<16xf32>
        %swap3A_1075 = arith.constant 0 : i32
        %swap3A_1076 = arith.constant 0 : i32
        %swap3A_1077 = tpu.memref_slice %arg15[%scan3A_407, %swap3A_1075, %swap3A_1076] : memref<2x128x64xf32, #tpu.memory_space<vmem>> -> memref<1x128x64xf32, #tpu.memory_space<vmem>>
        %swap3A_1078 = tpu.memref_squeeze %swap3A_1077 : memref<1x128x64xf32, #tpu.memory_space<vmem>> -> memref<128x64xf32, #tpu.memory_space<vmem>>
        %swap3A_1079 = arith.index_cast %add3A_1066 : i32 to index
        %swap3A_1080 = arith.constant 0 : index
        %swap3A_1081 = tpu.vector_load %swap3A_1078[%swap3A_1079, %swap3A_1080] {strides = array<i32>} : memref<128x64xf32, #tpu.memory_space<vmem>>, vector<16xf32>,
        tpu.vector_store %swap3A_1078[%swap3A_1079, %swap3A_1080], %mul3A_1074 {strides = array<i32>} : memref<128x64xf32, #tpu.memory_space<vmem>>, vector<16xf32>,
        %eq3A_1082 = arith.constant 0 : i32
        %eq3A_1083 = vector.broadcast %eq3A_1082 : i32 to vector<16xi32>
        %eq3A_1084 = arith.cmpi eq, %iota3A, %eq3A_1083 : vector<16xi32>
        %select_n3A_1085 = arith.select %eq3A_1084, %exp3A_876, %broadcast_in_dim3A_0 : vector<16xi1>, vector<16xf32>
        %get3A_1086 = arith.constant 0 : i32
        %get3A_1087 = arith.constant 0 : i32
        %get3A_1088 = tpu.memref_slice %arg15[%scan3A_407, %get3A_1086, %get3A_1087] : memref<2x128x64xf32, #tpu.memory_space<vmem>> -> memref<1x128x64xf32, #tpu.memory_space<vmem>>
        %get3A_1089 = tpu.memref_squeeze %get3A_1088 : memref<1x128x64xf32, #tpu.memory_space<vmem>> -> memref<128x64xf32, #tpu.memory_space<vmem>>
        %get3A_1090 = arith.index_cast %add3A_1066 : i32 to index
        %get3A_1091 = arith.constant 16 : index
        %get3A_1092 = tpu.vector_load %get3A_1089[%get3A_1090, %get3A_1091] {strides = array<i32>} : memref<128x64xf32, #tpu.memory_space<vmem>>, vector<16xf32>,
        %mul3A_1093 = arith.mulf %get3A_1092, %exp3A_879 : vector<16xf32>
        %swap3A_1094 = arith.constant 0 : i32
        %swap3A_1095 = arith.constant 0 : i32
        %swap3A_1096 = tpu.memref_slice %arg15[%scan3A_407, %swap3A_1094, %swap3A_1095] : memref<2x128x64xf32, #tpu.memory_space<vmem>> -> memref<1x128x64xf32, #tpu.memory_space<vmem>>
        %swap3A_1097 = tpu.memref_squeeze %swap3A_1096 : memref<1x128x64xf32, #tpu.memory_space<vmem>> -> memref<128x64xf32, #tpu.memory_space<vmem>>
        %swap3A_1098 = arith.index_cast %add3A_1066 : i32 to index
        %swap3A_1099 = arith.constant 16 : index
        %swap3A_1100 = tpu.vector_load %swap3A_1097[%swap3A_1098, %swap3A_1099] {strides = array<i32>} : memref<128x64xf32, #tpu.memory_space<vmem>>, vector<16xf32>,
        tpu.vector_store %swap3A_1097[%swap3A_1098, %swap3A_1099], %mul3A_1093 {strides = array<i32>} : memref<128x64xf32, #tpu.memory_space<vmem>>, vector<16xf32>,
        %eq3A_1101 = arith.constant 1 : i32
        %eq3A_1102 = vector.broadcast %eq3A_1101 : i32 to vector<16xi32>
        %eq3A_1103 = arith.cmpi eq, %iota3A, %eq3A_1102 : vector<16xi32>
        %select_n3A_1104 = arith.select %eq3A_1103, %exp3A_879, %select_n3A_1085 : vector<16xi1>, vector<16xf32>
        %get3A_1105 = arith.constant 0 : i32
        %get3A_1106 = arith.constant 0 : i32
        %get3A_1107 = tpu.memref_slice %arg15[%scan3A_407, %get3A_1105, %get3A_1106] : memref<2x128x64xf32, #tpu.memory_space<vmem>> -> memref<1x128x64xf32, #tpu.memory_space<vmem>>
        %get3A_1108 = tpu.memref_squeeze %get3A_1107 : memref<1x128x64xf32, #tpu.memory_space<vmem>> -> memref<128x64xf32, #tpu.memory_space<vmem>>
        %get3A_1109 = arith.index_cast %add3A_1066 : i32 to index
        %get3A_1110 = arith.constant 32 : index
        %get3A_1111 = tpu.vector_load %get3A_1108[%get3A_1109, %get3A_1110] {strides = array<i32>} : memref<128x64xf32, #tpu.memory_space<vmem>>, vector<16xf32>,
        %mul3A_1112 = arith.mulf %get3A_1111, %exp3A_882 : vector<16xf32>
        %swap3A_1113 = arith.constant 0 : i32
        %swap3A_1114 = arith.constant 0 : i32
        %swap3A_1115 = tpu.memref_slice %arg15[%scan3A_407, %swap3A_1113, %swap3A_1114] : memref<2x128x64xf32, #tpu.memory_space<vmem>> -> memref<1x128x64xf32, #tpu.memory_space<vmem>>
        %swap3A_1116 = tpu.memref_squeeze %swap3A_1115 : memref<1x128x64xf32, #tpu.memory_space<vmem>> -> memref<128x64xf32, #tpu.memory_space<vmem>>
        %swap3A_1117 = arith.index_cast %add3A_1066 : i32 to index
        %swap3A_1118 = arith.constant 32 : index
        %swap3A_1119 = tpu.vector_load %swap3A_1116[%swap3A_1117, %swap3A_1118] {strides = array<i32>} : memref<128x64xf32, #tpu.memory_space<vmem>>, vector<16xf32>,
        tpu.vector_store %swap3A_1116[%swap3A_1117, %swap3A_1118], %mul3A_1112 {strides = array<i32>} : memref<128x64xf32, #tpu.memory_space<vmem>>, vector<16xf32>,
        %eq3A_1120 = arith.constant 2 : i32
        %eq3A_1121 = vector.broadcast %eq3A_1120 : i32 to vector<16xi32>
        %eq3A_1122 = arith.cmpi eq, %iota3A, %eq3A_1121 : vector<16xi32>
        %select_n3A_1123 = arith.select %eq3A_1122, %exp3A_882, %select_n3A_1104 : vector<16xi1>, vector<16xf32>
        %get3A_1124 = arith.constant 0 : i32
        %get3A_1125 = arith.constant 0 : i32
        %get3A_1126 = tpu.memref_slice %arg15[%scan3A_407, %get3A_1124, %get3A_1125] : memref<2x128x64xf32, #tpu.memory_space<vmem>> -> memref<1x128x64xf32, #tpu.memory_space<vmem>>
        %get3A_1127 = tpu.memref_squeeze %get3A_1126 : memref<1x128x64xf32, #tpu.memory_space<vmem>> -> memref<128x64xf32, #tpu.memory_space<vmem>>
        %get3A_1128 = arith.index_cast %add3A_1066 : i32 to index
        %get3A_1129 = arith.constant 48 : index
        %get3A_1130 = tpu.vector_load %get3A_1127[%get3A_1128, %get3A_1129] {strides = array<i32>} : memref<128x64xf32, #tpu.memory_space<vmem>>, vector<16xf32>,
        %mul3A_1131 = arith.mulf %get3A_1130, %exp3A_885 : vector<16xf32>
        %swap3A_1132 = arith.constant 0 : i32
        %swap3A_1133 = arith.constant 0 : i32
        %swap3A_1134 = tpu.memref_slice %arg15[%scan3A_407, %swap3A_1132, %swap3A_1133] : memref<2x128x64xf32, #tpu.memory_space<vmem>> -> memref<1x128x64xf32, #tpu.memory_space<vmem>>
        %swap3A_1135 = tpu.memref_squeeze %swap3A_1134 : memref<1x128x64xf32, #tpu.memory_space<vmem>> -> memref<128x64xf32, #tpu.memory_space<vmem>>
        %swap3A_1136 = arith.index_cast %add3A_1066 : i32 to index
        %swap3A_1137 = arith.constant 48 : index
        %swap3A_1138 = tpu.vector_load %swap3A_1135[%swap3A_1136, %swap3A_1137] {strides = array<i32>} : memref<128x64xf32, #tpu.memory_space<vmem>>, vector<16xf32>,
        tpu.vector_store %swap3A_1135[%swap3A_1136, %swap3A_1137], %mul3A_1131 {strides = array<i32>} : memref<128x64xf32, #tpu.memory_space<vmem>>, vector<16xf32>,
        %eq3A_1139 = arith.constant 3 : i32
        %eq3A_1140 = vector.broadcast %eq3A_1139 : i32 to vector<16xi32>
        %eq3A_1141 = arith.cmpi eq, %iota3A, %eq3A_1140 : vector<16xi32>
        %select_n3A_1142 = arith.select %eq3A_1141, %exp3A_885, %select_n3A_1123 : vector<16xi1>, vector<16xf32>
        %swap3A_1143 = arith.constant 0 : i32
        %swap3A_1144 = arith.constant 0 : i32
        %swap3A_1145 = tpu.memref_slice %arg16[%scan3A_408, %swap3A_1143, %swap3A_1144] : memref<2x128x16xf32, #tpu.memory_space<vmem>> -> memref<1x128x16xf32, #tpu.memory_space<vmem>>
        %swap3A_1146 = tpu.memref_squeeze %swap3A_1145 : memref<1x128x16xf32, #tpu.memory_space<vmem>> -> memref<128x16xf32, #tpu.memory_space<vmem>>
        %swap3A_1147 = arith.index_cast %add3A_1066 : i32 to index
        %swap3A_1148 = arith.constant 0 : index
        %swap3A_1149 = tpu.vector_load %swap3A_1146[%swap3A_1147, %swap3A_1148] {strides = array<i32>} : memref<128x16xf32, #tpu.memory_space<vmem>>, vector<16xf32>,
        tpu.vector_store %swap3A_1146[%swap3A_1147, %swap3A_1148], %select_n3A_1142 {strides = array<i32>} : memref<128x16xf32, #tpu.memory_space<vmem>>, vector<16xf32>,
        %add3A_1150 = arith.constant 3 : i32
        %add3A_1151 = arith.addi %mul3A_556, %add3A_1150 : i32
        %get3A_1152 = arith.constant 0 : i32
        %get3A_1153 = arith.constant 0 : i32
        %get3A_1154 = tpu.memref_slice %arg15[%scan3A_407, %get3A_1152, %get3A_1153] : memref<2x128x64xf32, #tpu.memory_space<vmem>> -> memref<1x128x64xf32, #tpu.memory_space<vmem>>
        %get3A_1155 = tpu.memref_squeeze %get3A_1154 : memref<1x128x64xf32, #tpu.memory_space<vmem>> -> memref<128x64xf32, #tpu.memory_space<vmem>>
        %get3A_1156 = arith.index_cast %add3A_1151 : i32 to index
        %get3A_1157 = arith.constant 0 : index
        %get3A_1158 = tpu.vector_load %get3A_1155[%get3A_1156, %get3A_1157] {strides = array<i32>} : memref<128x64xf32, #tpu.memory_space<vmem>>, vector<16xf32>,
        %mul3A_1159 = arith.mulf %get3A_1158, %exp3A_888 : vector<16xf32>
        %swap3A_1160 = arith.constant 0 : i32
        %swap3A_1161 = arith.constant 0 : i32
        %swap3A_1162 = tpu.memref_slice %arg15[%scan3A_407, %swap3A_1160, %swap3A_1161] : memref<2x128x64xf32, #tpu.memory_space<vmem>> -> memref<1x128x64xf32, #tpu.memory_space<vmem>>
        %swap3A_1163 = tpu.memref_squeeze %swap3A_1162 : memref<1x128x64xf32, #tpu.memory_space<vmem>> -> memref<128x64xf32, #tpu.memory_space<vmem>>
        %swap3A_1164 = arith.index_cast %add3A_1151 : i32 to index
        %swap3A_1165 = arith.constant 0 : index
        %swap3A_1166 = tpu.vector_load %swap3A_1163[%swap3A_1164, %swap3A_1165] {strides = array<i32>} : memref<128x64xf32, #tpu.memory_space<vmem>>, vector<16xf32>,
        tpu.vector_store %swap3A_1163[%swap3A_1164, %swap3A_1165], %mul3A_1159 {strides = array<i32>} : memref<128x64xf32, #tpu.memory_space<vmem>>, vector<16xf32>,
        %eq3A_1167 = arith.constant 0 : i32
        %eq3A_1168 = vector.broadcast %eq3A_1167 : i32 to vector<16xi32>
        %eq3A_1169 = arith.cmpi eq, %iota3A, %eq3A_1168 : vector<16xi32>
        %select_n3A_1170 = arith.select %eq3A_1169, %exp3A_888, %broadcast_in_dim3A_0 : vector<16xi1>, vector<16xf32>
        %get3A_1171 = arith.constant 0 : i32
        %get3A_1172 = arith.constant 0 : i32
        %get3A_1173 = tpu.memref_slice %arg15[%scan3A_407, %get3A_1171, %get3A_1172] : memref<2x128x64xf32, #tpu.memory_space<vmem>> -> memref<1x128x64xf32, #tpu.memory_space<vmem>>
        %get3A_1174 = tpu.memref_squeeze %get3A_1173 : memref<1x128x64xf32, #tpu.memory_space<vmem>> -> memref<128x64xf32, #tpu.memory_space<vmem>>
        %get3A_1175 = arith.index_cast %add3A_1151 : i32 to index
        %get3A_1176 = arith.constant 16 : index
        %get3A_1177 = tpu.vector_load %get3A_1174[%get3A_1175, %get3A_1176] {strides = array<i32>} : memref<128x64xf32, #tpu.memory_space<vmem>>, vector<16xf32>,
        %mul3A_1178 = arith.mulf %get3A_1177, %exp3A_891 : vector<16xf32>
        %swap3A_1179 = arith.constant 0 : i32
        %swap3A_1180 = arith.constant 0 : i32
        %swap3A_1181 = tpu.memref_slice %arg15[%scan3A_407, %swap3A_1179, %swap3A_1180] : memref<2x128x64xf32, #tpu.memory_space<vmem>> -> memref<1x128x64xf32, #tpu.memory_space<vmem>>
        %swap3A_1182 = tpu.memref_squeeze %swap3A_1181 : memref<1x128x64xf32, #tpu.memory_space<vmem>> -> memref<128x64xf32, #tpu.memory_space<vmem>>
        %swap3A_1183 = arith.index_cast %add3A_1151 : i32 to index
        %swap3A_1184 = arith.constant 16 : index
        %swap3A_1185 = tpu.vector_load %swap3A_1182[%swap3A_1183, %swap3A_1184] {strides = array<i32>} : memref<128x64xf32, #tpu.memory_space<vmem>>, vector<16xf32>,
        tpu.vector_store %swap3A_1182[%swap3A_1183, %swap3A_1184], %mul3A_1178 {strides = array<i32>} : memref<128x64xf32, #tpu.memory_space<vmem>>, vector<16xf32>,
        %eq3A_1186 = arith.constant 1 : i32
        %eq3A_1187 = vector.broadcast %eq3A_1186 : i32 to vector<16xi32>
        %eq3A_1188 = arith.cmpi eq, %iota3A, %eq3A_1187 : vector<16xi32>
        %select_n3A_1189 = arith.select %eq3A_1188, %exp3A_891, %select_n3A_1170 : vector<16xi1>, vector<16xf32>
        %get3A_1190 = arith.constant 0 : i32
        %get3A_1191 = arith.constant 0 : i32
        %get3A_1192 = tpu.memref_slice %arg15[%scan3A_407, %get3A_1190, %get3A_1191] : memref<2x128x64xf32, #tpu.memory_space<vmem>> -> memref<1x128x64xf32, #tpu.memory_space<vmem>>
        %get3A_1193 = tpu.memref_squeeze %get3A_1192 : memref<1x128x64xf32, #tpu.memory_space<vmem>> -> memref<128x64xf32, #tpu.memory_space<vmem>>
        %get3A_1194 = arith.index_cast %add3A_1151 : i32 to index
        %get3A_1195 = arith.constant 32 : index
        %get3A_1196 = tpu.vector_load %get3A_1193[%get3A_1194, %get3A_1195] {strides = array<i32>} : memref<128x64xf32, #tpu.memory_space<vmem>>, vector<16xf32>,
        %mul3A_1197 = arith.mulf %get3A_1196, %exp3A_894 : vector<16xf32>
        %swap3A_1198 = arith.constant 0 : i32
        %swap3A_1199 = arith.constant 0 : i32
        %swap3A_1200 = tpu.memref_slice %arg15[%scan3A_407, %swap3A_1198, %swap3A_1199] : memref<2x128x64xf32, #tpu.memory_space<vmem>> -> memref<1x128x64xf32, #tpu.memory_space<vmem>>
        %swap3A_1201 = tpu.memref_squeeze %swap3A_1200 : memref<1x128x64xf32, #tpu.memory_space<vmem>> -> memref<128x64xf32, #tpu.memory_space<vmem>>
        %swap3A_1202 = arith.index_cast %add3A_1151 : i32 to index
        %swap3A_1203 = arith.constant 32 : index
        %swap3A_1204 = tpu.vector_load %swap3A_1201[%swap3A_1202, %swap3A_1203] {strides = array<i32>} : memref<128x64xf32, #tpu.memory_space<vmem>>, vector<16xf32>,
        tpu.vector_store %swap3A_1201[%swap3A_1202, %swap3A_1203], %mul3A_1197 {strides = array<i32>} : memref<128x64xf32, #tpu.memory_space<vmem>>, vector<16xf32>,
        %eq3A_1205 = arith.constant 2 : i32
        %eq3A_1206 = vector.broadcast %eq3A_1205 : i32 to vector<16xi32>
        %eq3A_1207 = arith.cmpi eq, %iota3A, %eq3A_1206 : vector<16xi32>
        %select_n3A_1208 = arith.select %eq3A_1207, %exp3A_894, %select_n3A_1189 : vector<16xi1>, vector<16xf32>
        %get3A_1209 = arith.constant 0 : i32
        %get3A_1210 = arith.constant 0 : i32
        %get3A_1211 = tpu.memref_slice %arg15[%scan3A_407, %get3A_1209, %get3A_1210] : memref<2x128x64xf32, #tpu.memory_space<vmem>> -> memref<1x128x64xf32, #tpu.memory_space<vmem>>
        %get3A_1212 = tpu.memref_squeeze %get3A_1211 : memref<1x128x64xf32, #tpu.memory_space<vmem>> -> memref<128x64xf32, #tpu.memory_space<vmem>>
        %get3A_1213 = arith.index_cast %add3A_1151 : i32 to index
        %get3A_1214 = arith.constant 48 : index
        %get3A_1215 = tpu.vector_load %get3A_1212[%get3A_1213, %get3A_1214] {strides = array<i32>} : memref<128x64xf32, #tpu.memory_space<vmem>>, vector<16xf32>,
        %mul3A_1216 = arith.mulf %get3A_1215, %exp3A_897 : vector<16xf32>
        %swap3A_1217 = arith.constant 0 : i32
        %swap3A_1218 = arith.constant 0 : i32
        %swap3A_1219 = tpu.memref_slice %arg15[%scan3A_407, %swap3A_1217, %swap3A_1218] : memref<2x128x64xf32, #tpu.memory_space<vmem>> -> memref<1x128x64xf32, #tpu.memory_space<vmem>>
        %swap3A_1220 = tpu.memref_squeeze %swap3A_1219 : memref<1x128x64xf32, #tpu.memory_space<vmem>> -> memref<128x64xf32, #tpu.memory_space<vmem>>
        %swap3A_1221 = arith.index_cast %add3A_1151 : i32 to index
        %swap3A_1222 = arith.constant 48 : index
        %swap3A_1223 = tpu.vector_load %swap3A_1220[%swap3A_1221, %swap3A_1222] {strides = array<i32>} : memref<128x64xf32, #tpu.memory_space<vmem>>, vector<16xf32>,
        tpu.vector_store %swap3A_1220[%swap3A_1221, %swap3A_1222], %mul3A_1216 {strides = array<i32>} : memref<128x64xf32, #tpu.memory_space<vmem>>, vector<16xf32>,
        %eq3A_1224 = arith.constant 3 : i32
        %eq3A_1225 = vector.broadcast %eq3A_1224 : i32 to vector<16xi32>
        %eq3A_1226 = arith.cmpi eq, %iota3A, %eq3A_1225 : vector<16xi32>
        %select_n3A_1227 = arith.select %eq3A_1226, %exp3A_897, %select_n3A_1208 : vector<16xi1>, vector<16xf32>
        %swap3A_1228 = arith.constant 0 : i32
        %swap3A_1229 = arith.constant 0 : i32
        %swap3A_1230 = tpu.memref_slice %arg16[%scan3A_408, %swap3A_1228, %swap3A_1229] : memref<2x128x16xf32, #tpu.memory_space<vmem>> -> memref<1x128x16xf32, #tpu.memory_space<vmem>>
        %swap3A_1231 = tpu.memref_squeeze %swap3A_1230 : memref<1x128x16xf32, #tpu.memory_space<vmem>> -> memref<128x16xf32, #tpu.memory_space<vmem>>
        %swap3A_1232 = arith.index_cast %add3A_1151 : i32 to index
        %swap3A_1233 = arith.constant 0 : index
        %swap3A_1234 = tpu.vector_load %swap3A_1231[%swap3A_1232, %swap3A_1233] {strides = array<i32>} : memref<128x16xf32, #tpu.memory_space<vmem>>, vector<16xf32>,
        tpu.vector_store %swap3A_1231[%swap3A_1232, %swap3A_1233], %select_n3A_1227 {strides = array<i32>} : memref<128x16xf32, #tpu.memory_space<vmem>>, vector<16xf32>,
      }
      %scan3A_413 = arith.constant 32 : i32
      %dma_start3A_414 = arith.constant 0 : i32
      %dma_start3A_415 = arith.constant 2 : i32
      %dma_start3A_416 = arith.constant 0 : i32
      %dma_start3A_417 = arith.constant 0 : i32
      %dma_start3A_418 = tpu.memref_slice %arg16[%dma_start3A_414, %dma_start3A_416, %dma_start3A_417] : memref<2x128x16xf32, #tpu.memory_space<vmem>> -> memref<1x128x16xf32, #tpu.memory_space<vmem>>
      %dma_start3A_419 = tpu.memref_squeeze %dma_start3A_418 : memref<1x128x16xf32, #tpu.memory_space<vmem>> -> memref<128x16xf32, #tpu.memory_space<vmem>>
      %dma_start3A_420 = arith.constant 0 : i32
      %dma_start3A_421 = tpu.memref_slice %arg11[%dma_start3A_415, %dma_start3A_420] : memref<4x128xi32, #tpu.memory_space<vmem>> -> memref<1x128xi32, #tpu.memory_space<vmem>>
      %dma_start3A_422 = tpu.memref_squeeze %dma_start3A_421 : memref<1x128xi32, #tpu.memory_space<vmem>> -> memref<128xi32, #tpu.memory_space<vmem>>
      %dma_start3A_423 = arith.constant 0 : i32
      %dma_start3A_424 = arith.constant 0 : i32
      %dma_start3A_425 = tpu.memref_slice %arg19[%dma_start3A_423, %dma_start3A_424] : memref<10240x16xf32, #tpu.memory_space<vmem_shared>> -> memref<10240x16xf32, #tpu.memory_space<vmem_shared>>
      tpu.enqueue_indirect_dma source(%dma_start3A_419 : memref<128x16xf32, #tpu.memory_space<vmem>>) target(%dma_start3A_425 : memref<10240x16xf32, #tpu.memory_space<vmem_shared>>) offsets(%dma_start3A_422 : memref<128xi32, #tpu.memory_space<vmem>>) semaphore(%arg26 : memref<!tpu.dma_semaphore, #tpu.memory_space<semaphore_mem>>) {add = true}
      %dma_start3A_426 = arith.constant 0 : i32
      %dma_start3A_427 = arith.constant 2 : i32
      %dma_start3A_428 = arith.constant 0 : i32
      %dma_start3A_429 = arith.constant 0 : i32
      %dma_start3A_430 = tpu.memref_slice %arg15[%dma_start3A_426, %dma_start3A_428, %dma_start3A_429] : memref<2x128x64xf32, #tpu.memory_space<vmem>> -> memref<1x128x64xf32, #tpu.memory_space<vmem>>
      %dma_start3A_431 = tpu.memref_squeeze %dma_start3A_430 : memref<1x128x64xf32, #tpu.memory_space<vmem>> -> memref<128x64xf32, #tpu.memory_space<vmem>>
      %dma_start3A_432 = arith.constant 0 : i32
      %dma_start3A_433 = tpu.memref_slice %arg11[%dma_start3A_427, %dma_start3A_432] : memref<4x128xi32, #tpu.memory_space<vmem>> -> memref<1x128xi32, #tpu.memory_space<vmem>>
      %dma_start3A_434 = tpu.memref_squeeze %dma_start3A_433 : memref<1x128xi32, #tpu.memory_space<vmem>> -> memref<128xi32, #tpu.memory_space<vmem>>
      %dma_start3A_435 = arith.constant 0 : i32
      %dma_start3A_436 = arith.constant 0 : i32
      %dma_start3A_437 = tpu.memref_slice %arg18[%dma_start3A_435, %dma_start3A_436] : memref<10240x64xf32, #tpu.memory_space<vmem_shared>> -> memref<10240x64xf32, #tpu.memory_space<vmem_shared>>
      tpu.enqueue_indirect_dma source(%dma_start3A_431 : memref<128x64xf32, #tpu.memory_space<vmem>>) target(%dma_start3A_437 : memref<10240x64xf32, #tpu.memory_space<vmem_shared>>) offsets(%dma_start3A_434 : memref<128xi32, #tpu.memory_space<vmem>>) semaphore(%arg26 : memref<!tpu.dma_semaphore, #tpu.memory_space<semaphore_mem>>) {add = true}
      %mul3A_438 = arith.constant 4 : i32
      %mul3A_439 = arith.muli %mul3A_438, %scan3A_95 : i32
      %add3A_440 = arith.constant 3 : i32
      %add3A_441 = arith.addi %mul3A_439, %add3A_440 : i32
      %dma_wait3A_442 = arith.constant 3 : i32
      %dma_wait3A_443 = arith.constant 1 : i32
      %dma_wait3A_444 = arith.constant 0 : i32
      %dma_wait3A_445 = arith.constant 0 : i32
      %dma_wait3A_446 = tpu.memref_slice %arg13[%dma_wait3A_443, %dma_wait3A_444, %dma_wait3A_445] : memref<2x128x64xf32, #tpu.memory_space<vmem>> -> memref<1x128x64xf32, #tpu.memory_space<vmem>>
      %dma_wait3A_447 = tpu.memref_squeeze %dma_wait3A_446 : memref<1x128x64xf32, #tpu.memory_space<vmem>> -> memref<128x64xf32, #tpu.memory_space<vmem>>
      %dma_wait3A_448 = arith.constant 0 : i32
      %dma_wait3A_449 = tpu.memref_slice %arg11[%dma_wait3A_442, %dma_wait3A_448] : memref<4x128xi32, #tpu.memory_space<vmem>> -> memref<1x128xi32, #tpu.memory_space<vmem>>
      %dma_wait3A_450 = tpu.memref_squeeze %dma_wait3A_449 : memref<1x128xi32, #tpu.memory_space<vmem>> -> memref<128xi32, #tpu.memory_space<vmem>>
      %dma_wait3A_451 = arith.constant 0 : i32
      %dma_wait3A_452 = arith.constant 0 : i32
      %dma_wait3A_453 = tpu.memref_slice %arg2[%arg0, %dma_wait3A_451, %dma_wait3A_452] : memref<2x10240x64xf32, #tpu.memory_space<hbm>> -> memref<1x10240x64xf32, #tpu.memory_space<hbm>>
      %dma_wait3A_454 = tpu.memref_squeeze %dma_wait3A_453 : memref<1x10240x64xf32, #tpu.memory_space<hbm>> -> memref<10240x64xf32, #tpu.memory_space<hbm>>
      %dma_wait3A_455 = arith.constant 0 : i32
      %dma_wait3A_456 = arith.constant 0 : i32
      %dma_wait3A_457 = tpu.memref_slice %dma_wait3A_454[%dma_wait3A_455, %dma_wait3A_456] : memref<10240x64xf32, #tpu.memory_space<hbm>> -> memref<10240x64xf32, #tpu.memory_space<hbm>>
      tpu.wait_indirect_dma semaphore(%arg21 : memref<!tpu.dma_semaphore, #tpu.memory_space<semaphore_mem>>) src(%dma_wait3A_457 : memref<10240x64xf32, #tpu.memory_space<hbm>>) dst(%dma_wait3A_447 : memref<128x64xf32, #tpu.memory_space<vmem>>)
      %dma_wait3A_458 = arith.constant 3 : i32
      %dma_wait3A_459 = arith.constant 1 : i32
      %dma_wait3A_460 = arith.constant 0 : i32
      %dma_wait3A_461 = arith.constant 0 : i32
      %dma_wait3A_462 = tpu.memref_slice %arg14[%dma_wait3A_459, %dma_wait3A_460, %dma_wait3A_461] : memref<2x128x64xf32, #tpu.memory_space<vmem>> -> memref<1x128x64xf32, #tpu.memory_space<vmem>>
      %dma_wait3A_463 = tpu.memref_squeeze %dma_wait3A_462 : memref<1x128x64xf32, #tpu.memory_space<vmem>> -> memref<128x64xf32, #tpu.memory_space<vmem>>
      %dma_wait3A_464 = arith.constant 0 : i32
      %dma_wait3A_465 = tpu.memref_slice %arg12[%dma_wait3A_458, %dma_wait3A_464] : memref<4x128xi32, #tpu.memory_space<vmem>> -> memref<1x128xi32, #tpu.memory_space<vmem>>
      %dma_wait3A_466 = tpu.memref_squeeze %dma_wait3A_465 : memref<1x128xi32, #tpu.memory_space<vmem>> -> memref<128xi32, #tpu.memory_space<vmem>>
      %dma_wait3A_467 = arith.constant 0 : i32
      %dma_wait3A_468 = arith.constant 0 : i32
      %dma_wait3A_469 = tpu.memref_slice %arg3[%arg0, %dma_wait3A_467, %dma_wait3A_468] : memref<2x10240x64xf32, #tpu.memory_space<hbm>> -> memref<1x10240x64xf32, #tpu.memory_space<hbm>>
      %dma_wait3A_470 = tpu.memref_squeeze %dma_wait3A_469 : memref<1x10240x64xf32, #tpu.memory_space<hbm>> -> memref<10240x64xf32, #tpu.memory_space<hbm>>
      %dma_wait3A_471 = arith.constant 0 : i32
      %dma_wait3A_472 = arith.constant 0 : i32
      %dma_wait3A_473 = tpu.memref_slice %dma_wait3A_470[%dma_wait3A_471, %dma_wait3A_472] : memref<10240x64xf32, #tpu.memory_space<hbm>> -> memref<10240x64xf32, #tpu.memory_space<hbm>>
      tpu.wait_indirect_dma semaphore(%arg21 : memref<!tpu.dma_semaphore, #tpu.memory_space<semaphore_mem>>) src(%dma_wait3A_473 : memref<10240x64xf32, #tpu.memory_space<hbm>>) dst(%dma_wait3A_463 : memref<128x64xf32, #tpu.memory_space<vmem>>)
      %dma_wait3A_474 = arith.constant 3 : i32
      %dma_wait3A_475 = arith.constant 1 : i32
      %dma_wait3A_476 = arith.constant 0 : i32
      %dma_wait3A_477 = arith.constant 0 : i32
      %dma_wait3A_478 = tpu.memref_slice %arg15[%dma_wait3A_475, %dma_wait3A_476, %dma_wait3A_477] : memref<2x128x64xf32, #tpu.memory_space<vmem>> -> memref<1x128x64xf32, #tpu.memory_space<vmem>>
      %dma_wait3A_479 = tpu.memref_squeeze %dma_wait3A_478 : memref<1x128x64xf32, #tpu.memory_space<vmem>> -> memref<128x64xf32, #tpu.memory_space<vmem>>
      %dma_wait3A_480 = arith.constant 0 : i32
      %dma_wait3A_481 = tpu.memref_slice %arg12[%dma_wait3A_474, %dma_wait3A_480] : memref<4x128xi32, #tpu.memory_space<vmem>> -> memref<1x128xi32, #tpu.memory_space<vmem>>
      %dma_wait3A_482 = tpu.memref_squeeze %dma_wait3A_481 : memref<1x128xi32, #tpu.memory_space<vmem>> -> memref<128xi32, #tpu.memory_space<vmem>>
      %dma_wait3A_483 = arith.constant 0 : i32
      %dma_wait3A_484 = arith.constant 0 : i32
      %dma_wait3A_485 = tpu.memref_slice %arg4[%arg0, %dma_wait3A_483, %dma_wait3A_484] : memref<2x10240x64xf32, #tpu.memory_space<hbm>> -> memref<1x10240x64xf32, #tpu.memory_space<hbm>>
      %dma_wait3A_486 = tpu.memref_squeeze %dma_wait3A_485 : memref<1x10240x64xf32, #tpu.memory_space<hbm>> -> memref<10240x64xf32, #tpu.memory_space<hbm>>
      %dma_wait3A_487 = arith.constant 0 : i32
      %dma_wait3A_488 = arith.constant 0 : i32
      %dma_wait3A_489 = tpu.memref_slice %dma_wait3A_486[%dma_wait3A_487, %dma_wait3A_488] : memref<10240x64xf32, #tpu.memory_space<hbm>> -> memref<10240x64xf32, #tpu.memory_space<hbm>>
      tpu.wait_indirect_dma semaphore(%arg21 : memref<!tpu.dma_semaphore, #tpu.memory_space<semaphore_mem>>) src(%dma_wait3A_489 : memref<10240x64xf32, #tpu.memory_space<hbm>>) dst(%dma_wait3A_479 : memref<128x64xf32, #tpu.memory_space<vmem>>)
      %ge3A_490 = arith.constant 1 : i32
      %ge3A_491 = arith.cmpi sge, %add3A_441, %ge3A_490 : i32
      %convert_element_type3A_492 = arith.extui %ge3A_491 : i1 to i32
      %cond3A_493 = arith.constant 0 : i32
      %cond3A_494 = arith.cmpi ne, %convert_element_type3A_492, %cond3A_493 : i32
      scf.if %cond3A_494 {
        %dma_wait3A_554 = arith.constant 0 : i32
        %dma_wait3A_555 = arith.constant 2 : i32
        %dma_wait3A_556 = arith.constant 0 : i32
        %dma_wait3A_557 = arith.constant 0 : i32
        %dma_wait3A_558 = tpu.memref_slice %arg16[%dma_wait3A_554, %dma_wait3A_556, %dma_wait3A_557] : memref<2x128x16xf32, #tpu.memory_space<vmem>> -> memref<1x128x16xf32, #tpu.memory_space<vmem>>
        %dma_wait3A_559 = tpu.memref_squeeze %dma_wait3A_558 : memref<1x128x16xf32, #tpu.memory_space<vmem>> -> memref<128x16xf32, #tpu.memory_space<vmem>>
        %dma_wait3A_560 = arith.constant 0 : i32
        %dma_wait3A_561 = tpu.memref_slice %arg11[%dma_wait3A_555, %dma_wait3A_560] : memref<4x128xi32, #tpu.memory_space<vmem>> -> memref<1x128xi32, #tpu.memory_space<vmem>>
        %dma_wait3A_562 = tpu.memref_squeeze %dma_wait3A_561 : memref<1x128xi32, #tpu.memory_space<vmem>> -> memref<128xi32, #tpu.memory_space<vmem>>
        %dma_wait3A_563 = arith.constant 0 : i32
        %dma_wait3A_564 = arith.constant 0 : i32
        %dma_wait3A_565 = tpu.memref_slice %arg19[%dma_wait3A_563, %dma_wait3A_564] : memref<10240x16xf32, #tpu.memory_space<vmem_shared>> -> memref<10240x16xf32, #tpu.memory_space<vmem_shared>>
        tpu.wait_indirect_dma semaphore(%arg26 : memref<!tpu.dma_semaphore, #tpu.memory_space<semaphore_mem>>) src(%dma_wait3A_559 : memref<128x16xf32, #tpu.memory_space<vmem>>) dst(%dma_wait3A_565 : memref<10240x16xf32, #tpu.memory_space<vmem_shared>>)
        %dma_wait3A_566 = arith.constant 0 : i32
        %dma_wait3A_567 = arith.constant 2 : i32
        %dma_wait3A_568 = arith.constant 0 : i32
        %dma_wait3A_569 = arith.constant 0 : i32
        %dma_wait3A_570 = tpu.memref_slice %arg15[%dma_wait3A_566, %dma_wait3A_568, %dma_wait3A_569] : memref<2x128x64xf32, #tpu.memory_space<vmem>> -> memref<1x128x64xf32, #tpu.memory_space<vmem>>
        %dma_wait3A_571 = tpu.memref_squeeze %dma_wait3A_570 : memref<1x128x64xf32, #tpu.memory_space<vmem>> -> memref<128x64xf32, #tpu.memory_space<vmem>>
        %dma_wait3A_572 = arith.constant 0 : i32
        %dma_wait3A_573 = tpu.memref_slice %arg11[%dma_wait3A_567, %dma_wait3A_572] : memref<4x128xi32, #tpu.memory_space<vmem>> -> memref<1x128xi32, #tpu.memory_space<vmem>>
        %dma_wait3A_574 = tpu.memref_squeeze %dma_wait3A_573 : memref<1x128xi32, #tpu.memory_space<vmem>> -> memref<128xi32, #tpu.memory_space<vmem>>
        %dma_wait3A_575 = arith.constant 0 : i32
        %dma_wait3A_576 = arith.constant 0 : i32
        %dma_wait3A_577 = tpu.memref_slice %arg18[%dma_wait3A_575, %dma_wait3A_576] : memref<10240x64xf32, #tpu.memory_space<vmem_shared>> -> memref<10240x64xf32, #tpu.memory_space<vmem_shared>>
        tpu.wait_indirect_dma semaphore(%arg26 : memref<!tpu.dma_semaphore, #tpu.memory_space<semaphore_mem>>) src(%dma_wait3A_571 : memref<128x64xf32, #tpu.memory_space<vmem>>) dst(%dma_wait3A_577 : memref<10240x64xf32, #tpu.memory_space<vmem_shared>>)
      } else {
      }
      %ge3A_495 = arith.constant 1 : i32
      %ge3A_496 = arith.cmpi sge, %add3A_441, %ge3A_495 : i32
      %add3A_497 = arith.constant 3 : i32
      %add3A_498 = arith.addi %add3A_441, %add3A_497 : i32
      %lt3A_499 = arith.constant 164 : i32
      %lt3A_500 = arith.cmpi slt, %add3A_498, %lt3A_499 : i32
      %and3A_501 = arith.andi %ge3A_496, %lt3A_500 : i1
      %convert_element_type3A_502 = arith.extui %and3A_501 : i1 to i32
      %cond3A_503 = arith.constant 0 : i32
      %cond3A_504 = arith.cmpi ne, %convert_element_type3A_502, %cond3A_503 : i32
      scf.if %cond3A_504 {
        %add3A_554 = arith.constant 3 : i32
        %add3A_555 = arith.addi %add3A_441, %add3A_554 : i32
        %dma_start3A_556 = arith.constant 2 : i32
        %dma_start3A_557 = arith.constant 0 : i32
        %dma_start3A_558 = tpu.memref_slice %arg11[%dma_start3A_556, %dma_start3A_557] : memref<4x128xi32, #tpu.memory_space<vmem>> -> memref<1x128xi32, #tpu.memory_space<vmem>>
        %dma_start3A_559 = tpu.memref_squeeze %dma_start3A_558 : memref<1x128xi32, #tpu.memory_space<vmem>> -> memref<128xi32, #tpu.memory_space<vmem>>
        %dma_start3A_560 = arith.constant 0 : i32
        %dma_start3A_561 = tpu.memref_slice %arg5[%arg1, %add3A_555, %dma_start3A_560] : memref<16x164x128xi32, #tpu.memory_space<hbm>> -> memref<1x1x128xi32, #tpu.memory_space<hbm>>
        %dma_start3A_562 = tpu.memref_squeeze %dma_start3A_561 : memref<1x1x128xi32, #tpu.memory_space<hbm>> -> memref<128xi32, #tpu.memory_space<hbm>>
        %dma_start3A_563 = arith.constant 0 : i32
        %dma_start3A_564 = tpu.memref_slice %arg11[%dma_start3A_556, %dma_start3A_563] : memref<4x128xi32, #tpu.memory_space<vmem>> -> memref<1x128xi32, #tpu.memory_space<vmem>>
        %dma_start3A_565 = tpu.memref_squeeze %dma_start3A_564 : memref<1x128xi32, #tpu.memory_space<vmem>> -> memref<128xi32, #tpu.memory_space<vmem>>
        %dma_start3A_566 = arith.constant 0 : i32
        %dma_start3A_567 = tpu.memref_slice %arg5[%arg1, %add3A_555, %dma_start3A_566] : memref<16x164x128xi32, #tpu.memory_space<hbm>> -> memref<1x1x128xi32, #tpu.memory_space<hbm>>
        %dma_start3A_568 = tpu.memref_squeeze %dma_start3A_567 : memref<1x1x128xi32, #tpu.memory_space<hbm>> -> memref<128xi32, #tpu.memory_space<hbm>>
        tpu.enqueue_dma source(%dma_start3A_568 : memref<128xi32, #tpu.memory_space<hbm>>) target(%dma_start3A_565 : memref<128xi32, #tpu.memory_space<vmem>>) target_semaphore(%arg24 : memref<!tpu.dma_semaphore, #tpu.memory_space<semaphore_mem>>)
        %add3A_569 = arith.constant 3 : i32
        %add3A_570 = arith.addi %add3A_441, %add3A_569 : i32
        %dma_start3A_571 = arith.constant 2 : i32
        %dma_start3A_572 = arith.constant 0 : i32
        %dma_start3A_573 = tpu.memref_slice %arg12[%dma_start3A_571, %dma_start3A_572] : memref<4x128xi32, #tpu.memory_space<vmem>> -> memref<1x128xi32, #tpu.memory_space<vmem>>
        %dma_start3A_574 = tpu.memref_squeeze %dma_start3A_573 : memref<1x128xi32, #tpu.memory_space<vmem>> -> memref<128xi32, #tpu.memory_space<vmem>>
        %dma_start3A_575 = arith.constant 0 : i32
        %dma_start3A_576 = tpu.memref_slice %arg6[%arg1, %add3A_570, %dma_start3A_575] : memref<16x164x128xi32, #tpu.memory_space<hbm>> -> memref<1x1x128xi32, #tpu.memory_space<hbm>>
        %dma_start3A_577 = tpu.memref_squeeze %dma_start3A_576 : memref<1x1x128xi32, #tpu.memory_space<hbm>> -> memref<128xi32, #tpu.memory_space<hbm>>
        %dma_start3A_578 = arith.constant 0 : i32
        %dma_start3A_579 = tpu.memref_slice %arg12[%dma_start3A_571, %dma_start3A_578] : memref<4x128xi32, #tpu.memory_space<vmem>> -> memref<1x128xi32, #tpu.memory_space<vmem>>
        %dma_start3A_580 = tpu.memref_squeeze %dma_start3A_579 : memref<1x128xi32, #tpu.memory_space<vmem>> -> memref<128xi32, #tpu.memory_space<vmem>>
        %dma_start3A_581 = arith.constant 0 : i32
        %dma_start3A_582 = tpu.memref_slice %arg6[%arg1, %add3A_570, %dma_start3A_581] : memref<16x164x128xi32, #tpu.memory_space<hbm>> -> memref<1x1x128xi32, #tpu.memory_space<hbm>>
        %dma_start3A_583 = tpu.memref_squeeze %dma_start3A_582 : memref<1x1x128xi32, #tpu.memory_space<hbm>> -> memref<128xi32, #tpu.memory_space<hbm>>
        tpu.enqueue_dma source(%dma_start3A_583 : memref<128xi32, #tpu.memory_space<hbm>>) target(%dma_start3A_580 : memref<128xi32, #tpu.memory_space<vmem>>) target_semaphore(%arg24 : memref<!tpu.dma_semaphore, #tpu.memory_space<semaphore_mem>>)
      } else {
      }
      %add3A_505 = arith.constant 1 : i32
      %add3A_506 = arith.addi %add3A_441, %add3A_505 : i32
      %ge3A_507 = arith.constant 4 : i32
      %ge3A_508 = arith.cmpi sge, %add3A_506, %ge3A_507 : i32
      %lt3A_509 = arith.constant 164 : i32
      %lt3A_510 = arith.cmpi slt, %add3A_506, %lt3A_509 : i32
      %and3A_511 = arith.andi %ge3A_508, %lt3A_510 : i1
      %convert_element_type3A_512 = arith.extui %and3A_511 : i1 to i32
      %cond3A_513 = arith.constant 0 : i32
      %cond3A_514 = arith.cmpi ne, %convert_element_type3A_512, %cond3A_513 : i32
      scf.if %cond3A_514 {
        %dma_wait3A_554 = arith.constant 0 : i32
        %dma_wait3A_555 = arith.constant 0 : i32
        %dma_wait3A_556 = tpu.memref_slice %arg11[%dma_wait3A_554, %dma_wait3A_555] : memref<4x128xi32, #tpu.memory_space<vmem>> -> memref<1x128xi32, #tpu.memory_space<vmem>>
        %dma_wait3A_557 = tpu.memref_squeeze %dma_wait3A_556 : memref<1x128xi32, #tpu.memory_space<vmem>> -> memref<128xi32, #tpu.memory_space<vmem>>
        %dma_wait3A_558 = arith.constant 0 : i32
        %dma_wait3A_559 = tpu.memref_slice %arg5[%arg1, %add3A_506, %dma_wait3A_558] : memref<16x164x128xi32, #tpu.memory_space<hbm>> -> memref<1x1x128xi32, #tpu.memory_space<hbm>>
        %dma_wait3A_560 = tpu.memref_squeeze %dma_wait3A_559 : memref<1x1x128xi32, #tpu.memory_space<hbm>> -> memref<128xi32, #tpu.memory_space<hbm>>
        %dma_wait3A_561 = arith.constant 0 : i32
        %dma_wait3A_562 = tpu.memref_slice %arg11[%dma_wait3A_554, %dma_wait3A_561] : memref<4x128xi32, #tpu.memory_space<vmem>> -> memref<1x128xi32, #tpu.memory_space<vmem>>
        %dma_wait3A_563 = tpu.memref_squeeze %dma_wait3A_562 : memref<1x128xi32, #tpu.memory_space<vmem>> -> memref<128xi32, #tpu.memory_space<vmem>>
        %dma_wait3A_564 = arith.constant 0 : i32
        %dma_wait3A_565 = tpu.memref_slice %arg5[%arg1, %add3A_506, %dma_wait3A_564] : memref<16x164x128xi32, #tpu.memory_space<hbm>> -> memref<1x1x128xi32, #tpu.memory_space<hbm>>
        %dma_wait3A_566 = tpu.memref_squeeze %dma_wait3A_565 : memref<1x1x128xi32, #tpu.memory_space<hbm>> -> memref<128xi32, #tpu.memory_space<hbm>>
        tpu.wait_dma2 semaphore(%arg22 : memref<!tpu.dma_semaphore, #tpu.memory_space<semaphore_mem>>) src(%dma_wait3A_566 : memref<128xi32, #tpu.memory_space<hbm>>) dst(%dma_wait3A_563 : memref<128xi32, #tpu.memory_space<vmem>>)
        %dma_wait3A_567 = arith.constant 0 : i32
        %dma_wait3A_568 = arith.constant 0 : i32
        %dma_wait3A_569 = tpu.memref_slice %arg12[%dma_wait3A_567, %dma_wait3A_568] : memref<4x128xi32, #tpu.memory_space<vmem>> -> memref<1x128xi32, #tpu.memory_space<vmem>>
        %dma_wait3A_570 = tpu.memref_squeeze %dma_wait3A_569 : memref<1x128xi32, #tpu.memory_space<vmem>> -> memref<128xi32, #tpu.memory_space<vmem>>
        %dma_wait3A_571 = arith.constant 0 : i32
        %dma_wait3A_572 = tpu.memref_slice %arg6[%arg1, %add3A_506, %dma_wait3A_571] : memref<16x164x128xi32, #tpu.memory_space<hbm>> -> memref<1x1x128xi32, #tpu.memory_space<hbm>>
        %dma_wait3A_573 = tpu.memref_squeeze %dma_wait3A_572 : memref<1x1x128xi32, #tpu.memory_space<hbm>> -> memref<128xi32, #tpu.memory_space<hbm>>
        %dma_wait3A_574 = arith.constant 0 : i32
        %dma_wait3A_575 = tpu.memref_slice %arg12[%dma_wait3A_567, %dma_wait3A_574] : memref<4x128xi32, #tpu.memory_space<vmem>> -> memref<1x128xi32, #tpu.memory_space<vmem>>
        %dma_wait3A_576 = tpu.memref_squeeze %dma_wait3A_575 : memref<1x128xi32, #tpu.memory_space<vmem>> -> memref<128xi32, #tpu.memory_space<vmem>>
        %dma_wait3A_577 = arith.constant 0 : i32
        %dma_wait3A_578 = tpu.memref_slice %arg6[%arg1, %add3A_506, %dma_wait3A_577] : memref<16x164x128xi32, #tpu.memory_space<hbm>> -> memref<1x1x128xi32, #tpu.memory_space<hbm>>
        %dma_wait3A_579 = tpu.memref_squeeze %dma_wait3A_578 : memref<1x1x128xi32, #tpu.memory_space<hbm>> -> memref<128xi32, #tpu.memory_space<hbm>>
        tpu.wait_dma2 semaphore(%arg22 : memref<!tpu.dma_semaphore, #tpu.memory_space<semaphore_mem>>) src(%dma_wait3A_579 : memref<128xi32, #tpu.memory_space<hbm>>) dst(%dma_wait3A_576 : memref<128xi32, #tpu.memory_space<vmem>>)
      } else {
      }
      %lt3A_515 = arith.constant 164 : i32
      %lt3A_516 = arith.cmpi slt, %add3A_506, %lt3A_515 : i32
      %convert_element_type3A_517 = arith.extui %lt3A_516 : i1 to i32
      %cond3A_518 = arith.constant 0 : i32
      %cond3A_519 = arith.cmpi ne, %convert_element_type3A_517, %cond3A_518 : i32
      scf.if %cond3A_519 {
        %dma_start3A_554 = arith.constant 0 : i32
        %dma_start3A_555 = arith.constant 0 : i32
        %dma_start3A_556 = arith.constant 0 : i32
        %dma_start3A_557 = arith.constant 0 : i32
        %dma_start3A_558 = tpu.memref_slice %arg13[%dma_start3A_555, %dma_start3A_556, %dma_start3A_557] : memref<2x128x64xf32, #tpu.memory_space<vmem>> -> memref<1x128x64xf32, #tpu.memory_space<vmem>>
        %dma_start3A_559 = tpu.memref_squeeze %dma_start3A_558 : memref<1x128x64xf32, #tpu.memory_space<vmem>> -> memref<128x64xf32, #tpu.memory_space<vmem>>
        %dma_start3A_560 = arith.constant 0 : i32
        %dma_start3A_561 = tpu.memref_slice %arg11[%dma_start3A_554, %dma_start3A_560] : memref<4x128xi32, #tpu.memory_space<vmem>> -> memref<1x128xi32, #tpu.memory_space<vmem>>
        %dma_start3A_562 = tpu.memref_squeeze %dma_start3A_561 : memref<1x128xi32, #tpu.memory_space<vmem>> -> memref<128xi32, #tpu.memory_space<vmem>>
        %dma_start3A_563 = arith.constant 0 : i32
        %dma_start3A_564 = arith.constant 0 : i32
        %dma_start3A_565 = tpu.memref_slice %arg2[%arg0, %dma_start3A_563, %dma_start3A_564] : memref<2x10240x64xf32, #tpu.memory_space<hbm>> -> memref<1x10240x64xf32, #tpu.memory_space<hbm>>
        %dma_start3A_566 = tpu.memref_squeeze %dma_start3A_565 : memref<1x10240x64xf32, #tpu.memory_space<hbm>> -> memref<10240x64xf32, #tpu.memory_space<hbm>>
        %dma_start3A_567 = arith.constant 0 : i32
        %dma_start3A_568 = arith.constant 0 : i32
        %dma_start3A_569 = tpu.memref_slice %dma_start3A_566[%dma_start3A_567, %dma_start3A_568] : memref<10240x64xf32, #tpu.memory_space<hbm>> -> memref<10240x64xf32, #tpu.memory_space<hbm>>
        tpu.enqueue_indirect_dma source(%dma_start3A_569 : memref<10240x64xf32, #tpu.memory_space<hbm>>) target(%dma_start3A_559 : memref<128x64xf32, #tpu.memory_space<vmem>>) offsets(%dma_start3A_562 : memref<128xi32, #tpu.memory_space<vmem>>) semaphore(%arg20 : memref<!tpu.dma_semaphore, #tpu.memory_space<semaphore_mem>>)
        %dma_start3A_570 = arith.constant 0 : i32
        %dma_start3A_571 = arith.constant 0 : i32
        %dma_start3A_572 = arith.constant 0 : i32
        %dma_start3A_573 = arith.constant 0 : i32
        %dma_start3A_574 = tpu.memref_slice %arg14[%dma_start3A_571, %dma_start3A_572, %dma_start3A_573] : memref<2x128x64xf32, #tpu.memory_space<vmem>> -> memref<1x128x64xf32, #tpu.memory_space<vmem>>
        %dma_start3A_575 = tpu.memref_squeeze %dma_start3A_574 : memref<1x128x64xf32, #tpu.memory_space<vmem>> -> memref<128x64xf32, #tpu.memory_space<vmem>>
        %dma_start3A_576 = arith.constant 0 : i32
        %dma_start3A_577 = tpu.memref_slice %arg12[%dma_start3A_570, %dma_start3A_576] : memref<4x128xi32, #tpu.memory_space<vmem>> -> memref<1x128xi32, #tpu.memory_space<vmem>>
        %dma_start3A_578 = tpu.memref_squeeze %dma_start3A_577 : memref<1x128xi32, #tpu.memory_space<vmem>> -> memref<128xi32, #tpu.memory_space<vmem>>
        %dma_start3A_579 = arith.constant 0 : i32
        %dma_start3A_580 = arith.constant 0 : i32
        %dma_start3A_581 = tpu.memref_slice %arg3[%arg0, %dma_start3A_579, %dma_start3A_580] : memref<2x10240x64xf32, #tpu.memory_space<hbm>> -> memref<1x10240x64xf32, #tpu.memory_space<hbm>>
        %dma_start3A_582 = tpu.memref_squeeze %dma_start3A_581 : memref<1x10240x64xf32, #tpu.memory_space<hbm>> -> memref<10240x64xf32, #tpu.memory_space<hbm>>
        %dma_start3A_583 = arith.constant 0 : i32
        %dma_start3A_584 = arith.constant 0 : i32
        %dma_start3A_585 = tpu.memref_slice %dma_start3A_582[%dma_start3A_583, %dma_start3A_584] : memref<10240x64xf32, #tpu.memory_space<hbm>> -> memref<10240x64xf32, #tpu.memory_space<hbm>>
        tpu.enqueue_indirect_dma source(%dma_start3A_585 : memref<10240x64xf32, #tpu.memory_space<hbm>>) target(%dma_start3A_575 : memref<128x64xf32, #tpu.memory_space<vmem>>) offsets(%dma_start3A_578 : memref<128xi32, #tpu.memory_space<vmem>>) semaphore(%arg20 : memref<!tpu.dma_semaphore, #tpu.memory_space<semaphore_mem>>)
        %dma_start3A_586 = arith.constant 0 : i32
        %dma_start3A_587 = arith.constant 0 : i32
        %dma_start3A_588 = arith.constant 0 : i32
        %dma_start3A_589 = arith.constant 0 : i32
        %dma_start3A_590 = tpu.memref_slice %arg15[%dma_start3A_587, %dma_start3A_588, %dma_start3A_589] : memref<2x128x64xf32, #tpu.memory_space<vmem>> -> memref<1x128x64xf32, #tpu.memory_space<vmem>>
        %dma_start3A_591 = tpu.memref_squeeze %dma_start3A_590 : memref<1x128x64xf32, #tpu.memory_space<vmem>> -> memref<128x64xf32, #tpu.memory_space<vmem>>
        %dma_start3A_592 = arith.constant 0 : i32
        %dma_start3A_593 = tpu.memref_slice %arg12[%dma_start3A_586, %dma_start3A_592] : memref<4x128xi32, #tpu.memory_space<vmem>> -> memref<1x128xi32, #tpu.memory_space<vmem>>
        %dma_start3A_594 = tpu.memref_squeeze %dma_start3A_593 : memref<1x128xi32, #tpu.memory_space<vmem>> -> memref<128xi32, #tpu.memory_space<vmem>>
        %dma_start3A_595 = arith.constant 0 : i32
        %dma_start3A_596 = arith.constant 0 : i32
        %dma_start3A_597 = tpu.memref_slice %arg4[%arg0, %dma_start3A_595, %dma_start3A_596] : memref<2x10240x64xf32, #tpu.memory_space<hbm>> -> memref<1x10240x64xf32, #tpu.memory_space<hbm>>
        %dma_start3A_598 = tpu.memref_squeeze %dma_start3A_597 : memref<1x10240x64xf32, #tpu.memory_space<hbm>> -> memref<10240x64xf32, #tpu.memory_space<hbm>>
        %dma_start3A_599 = arith.constant 0 : i32
        %dma_start3A_600 = arith.constant 0 : i32
        %dma_start3A_601 = tpu.memref_slice %dma_start3A_598[%dma_start3A_599, %dma_start3A_600] : memref<10240x64xf32, #tpu.memory_space<hbm>> -> memref<10240x64xf32, #tpu.memory_space<hbm>>
        tpu.enqueue_indirect_dma source(%dma_start3A_601 : memref<10240x64xf32, #tpu.memory_space<hbm>>) target(%dma_start3A_591 : memref<128x64xf32, #tpu.memory_space<vmem>>) offsets(%dma_start3A_594 : memref<128xi32, #tpu.memory_space<vmem>>) semaphore(%arg20 : memref<!tpu.dma_semaphore, #tpu.memory_space<semaphore_mem>>)
      } else {
      }
      %scan3A_520 = arith.constant 0 : i32
      %scan3A_521 = arith.constant 1 : i32
      %scan3A_522 = arith.constant 1 : i32
      %scan3A_523 = arith.constant 1 : i32
      %scan3A_524 = arith.constant 1 : i32
      %scan3A_525 = arith.constant 0 : i32
      %scan3A_526 = arith.constant 32 : i32
      %scan3A_527 = arith.addi %scan3A_525, %scan3A_526 : i32
      %scan3A_528 = arith.constant 1 : i32
      scf.for %scan3A_554 = %scan3A_525 to %scan3A_527 step %scan3A_528  : i32 {
        %mul3A_555 = arith.constant 4 : i32
        %mul3A_556 = arith.muli %scan3A_554, %mul3A_555 : i32
        %add3A_557 = arith.constant 0 : i32
        %add3A_558 = arith.addi %mul3A_556, %add3A_557 : i32
        %get3A_559 = arith.constant 0 : i32
        %get3A_560 = arith.constant 0 : i32
        %get3A_561 = tpu.memref_slice %arg13[%scan3A_521, %get3A_559, %get3A_560] : memref<2x128x64xf32, #tpu.memory_space<vmem>> -> memref<1x128x64xf32, #tpu.memory_space<vmem>>
        %get3A_562 = tpu.memref_squeeze %get3A_561 : memref<1x128x64xf32, #tpu.memory_space<vmem>> -> memref<128x64xf32, #tpu.memory_space<vmem>>
        %get3A_563 = arith.index_cast %add3A_558 : i32 to index
        %get3A_564 = arith.constant 0 : index
        %get3A_565 = tpu.vector_load %get3A_562[%get3A_563, %get3A_564] {strides = array<i32>} : memref<128x64xf32, #tpu.memory_space<vmem>>, vector<16xf32>,
        %get3A_566 = arith.constant 0 : i32
        %get3A_567 = arith.constant 0 : i32
        %get3A_568 = tpu.memref_slice %arg14[%scan3A_522, %get3A_566, %get3A_567] : memref<2x128x64xf32, #tpu.memory_space<vmem>> -> memref<1x128x64xf32, #tpu.memory_space<vmem>>
        %get3A_569 = tpu.memref_squeeze %get3A_568 : memref<1x128x64xf32, #tpu.memory_space<vmem>> -> memref<128x64xf32, #tpu.memory_space<vmem>>
        %get3A_570 = arith.index_cast %add3A_558 : i32 to index
        %get3A_571 = arith.constant 0 : index
        %get3A_572 = tpu.vector_load %get3A_569[%get3A_570, %get3A_571] {strides = array<i32>} : memref<128x64xf32, #tpu.memory_space<vmem>>, vector<16xf32>,
        %mul3A_573 = arith.mulf %get3A_565, %get3A_572 : vector<16xf32>
        %get3A_574 = arith.constant 0 : i32
        %get3A_575 = arith.constant 0 : i32
        %get3A_576 = tpu.memref_slice %arg13[%scan3A_521, %get3A_574, %get3A_575] : memref<2x128x64xf32, #tpu.memory_space<vmem>> -> memref<1x128x64xf32, #tpu.memory_space<vmem>>
        %get3A_577 = tpu.memref_squeeze %get3A_576 : memref<1x128x64xf32, #tpu.memory_space<vmem>> -> memref<128x64xf32, #tpu.memory_space<vmem>>
        %get3A_578 = arith.index_cast %add3A_558 : i32 to index
        %get3A_579 = arith.constant 16 : index
        %get3A_580 = tpu.vector_load %get3A_577[%get3A_578, %get3A_579] {strides = array<i32>} : memref<128x64xf32, #tpu.memory_space<vmem>>, vector<16xf32>,
        %get3A_581 = arith.constant 0 : i32
        %get3A_582 = arith.constant 0 : i32
        %get3A_583 = tpu.memref_slice %arg14[%scan3A_522, %get3A_581, %get3A_582] : memref<2x128x64xf32, #tpu.memory_space<vmem>> -> memref<1x128x64xf32, #tpu.memory_space<vmem>>
        %get3A_584 = tpu.memref_squeeze %get3A_583 : memref<1x128x64xf32, #tpu.memory_space<vmem>> -> memref<128x64xf32, #tpu.memory_space<vmem>>
        %get3A_585 = arith.index_cast %add3A_558 : i32 to index
        %get3A_586 = arith.constant 16 : index
        %get3A_587 = tpu.vector_load %get3A_584[%get3A_585, %get3A_586] {strides = array<i32>} : memref<128x64xf32, #tpu.memory_space<vmem>>, vector<16xf32>,
        %mul3A_588 = arith.mulf %get3A_580, %get3A_587 : vector<16xf32>
        %get3A_589 = arith.constant 0 : i32
        %get3A_590 = arith.constant 0 : i32
        %get3A_591 = tpu.memref_slice %arg13[%scan3A_521, %get3A_589, %get3A_590] : memref<2x128x64xf32, #tpu.memory_space<vmem>> -> memref<1x128x64xf32, #tpu.memory_space<vmem>>
        %get3A_592 = tpu.memref_squeeze %get3A_591 : memref<1x128x64xf32, #tpu.memory_space<vmem>> -> memref<128x64xf32, #tpu.memory_space<vmem>>
        %get3A_593 = arith.index_cast %add3A_558 : i32 to index
        %get3A_594 = arith.constant 32 : index
        %get3A_595 = tpu.vector_load %get3A_592[%get3A_593, %get3A_594] {strides = array<i32>} : memref<128x64xf32, #tpu.memory_space<vmem>>, vector<16xf32>,
        %get3A_596 = arith.constant 0 : i32
        %get3A_597 = arith.constant 0 : i32
        %get3A_598 = tpu.memref_slice %arg14[%scan3A_522, %get3A_596, %get3A_597] : memref<2x128x64xf32, #tpu.memory_space<vmem>> -> memref<1x128x64xf32, #tpu.memory_space<vmem>>
        %get3A_599 = tpu.memref_squeeze %get3A_598 : memref<1x128x64xf32, #tpu.memory_space<vmem>> -> memref<128x64xf32, #tpu.memory_space<vmem>>
        %get3A_600 = arith.index_cast %add3A_558 : i32 to index
        %get3A_601 = arith.constant 32 : index
        %get3A_602 = tpu.vector_load %get3A_599[%get3A_600, %get3A_601] {strides = array<i32>} : memref<128x64xf32, #tpu.memory_space<vmem>>, vector<16xf32>,
        %mul3A_603 = arith.mulf %get3A_595, %get3A_602 : vector<16xf32>
        %get3A_604 = arith.constant 0 : i32
        %get3A_605 = arith.constant 0 : i32
        %get3A_606 = tpu.memref_slice %arg13[%scan3A_521, %get3A_604, %get3A_605] : memref<2x128x64xf32, #tpu.memory_space<vmem>> -> memref<1x128x64xf32, #tpu.memory_space<vmem>>
        %get3A_607 = tpu.memref_squeeze %get3A_606 : memref<1x128x64xf32, #tpu.memory_space<vmem>> -> memref<128x64xf32, #tpu.memory_space<vmem>>
        %get3A_608 = arith.index_cast %add3A_558 : i32 to index
        %get3A_609 = arith.constant 48 : index
        %get3A_610 = tpu.vector_load %get3A_607[%get3A_608, %get3A_609] {strides = array<i32>} : memref<128x64xf32, #tpu.memory_space<vmem>>, vector<16xf32>,
        %get3A_611 = arith.constant 0 : i32
        %get3A_612 = arith.constant 0 : i32
        %get3A_613 = tpu.memref_slice %arg14[%scan3A_522, %get3A_611, %get3A_612] : memref<2x128x64xf32, #tpu.memory_space<vmem>> -> memref<1x128x64xf32, #tpu.memory_space<vmem>>
        %get3A_614 = tpu.memref_squeeze %get3A_613 : memref<1x128x64xf32, #tpu.memory_space<vmem>> -> memref<128x64xf32, #tpu.memory_space<vmem>>
        %get3A_615 = arith.index_cast %add3A_558 : i32 to index
        %get3A_616 = arith.constant 48 : index
        %get3A_617 = tpu.vector_load %get3A_614[%get3A_615, %get3A_616] {strides = array<i32>} : memref<128x64xf32, #tpu.memory_space<vmem>>, vector<16xf32>,
        %mul3A_618 = arith.mulf %get3A_610, %get3A_617 : vector<16xf32>
        %add3A_619 = arith.constant 1 : i32
        %add3A_620 = arith.addi %mul3A_556, %add3A_619 : i32
        %get3A_621 = arith.constant 0 : i32
        %get3A_622 = arith.constant 0 : i32
        %get3A_623 = tpu.memref_slice %arg13[%scan3A_521, %get3A_621, %get3A_622] : memref<2x128x64xf32, #tpu.memory_space<vmem>> -> memref<1x128x64xf32, #tpu.memory_space<vmem>>
        %get3A_624 = tpu.memref_squeeze %get3A_623 : memref<1x128x64xf32, #tpu.memory_space<vmem>> -> memref<128x64xf32, #tpu.memory_space<vmem>>
        %get3A_625 = arith.index_cast %add3A_620 : i32 to index
        %get3A_626 = arith.constant 0 : index
        %get3A_627 = tpu.vector_load %get3A_624[%get3A_625, %get3A_626] {strides = array<i32>} : memref<128x64xf32, #tpu.memory_space<vmem>>, vector<16xf32>,
        %get3A_628 = arith.constant 0 : i32
        %get3A_629 = arith.constant 0 : i32
        %get3A_630 = tpu.memref_slice %arg14[%scan3A_522, %get3A_628, %get3A_629] : memref<2x128x64xf32, #tpu.memory_space<vmem>> -> memref<1x128x64xf32, #tpu.memory_space<vmem>>
        %get3A_631 = tpu.memref_squeeze %get3A_630 : memref<1x128x64xf32, #tpu.memory_space<vmem>> -> memref<128x64xf32, #tpu.memory_space<vmem>>
        %get3A_632 = arith.index_cast %add3A_620 : i32 to index
        %get3A_633 = arith.constant 0 : index
        %get3A_634 = tpu.vector_load %get3A_631[%get3A_632, %get3A_633] {strides = array<i32>} : memref<128x64xf32, #tpu.memory_space<vmem>>, vector<16xf32>,
        %mul3A_635 = arith.mulf %get3A_627, %get3A_634 : vector<16xf32>
        %get3A_636 = arith.constant 0 : i32
        %get3A_637 = arith.constant 0 : i32
        %get3A_638 = tpu.memref_slice %arg13[%scan3A_521, %get3A_636, %get3A_637] : memref<2x128x64xf32, #tpu.memory_space<vmem>> -> memref<1x128x64xf32, #tpu.memory_space<vmem>>
        %get3A_639 = tpu.memref_squeeze %get3A_638 : memref<1x128x64xf32, #tpu.memory_space<vmem>> -> memref<128x64xf32, #tpu.memory_space<vmem>>
        %get3A_640 = arith.index_cast %add3A_620 : i32 to index
        %get3A_641 = arith.constant 16 : index
        %get3A_642 = tpu.vector_load %get3A_639[%get3A_640, %get3A_641] {strides = array<i32>} : memref<128x64xf32, #tpu.memory_space<vmem>>, vector<16xf32>,
        %get3A_643 = arith.constant 0 : i32
        %get3A_644 = arith.constant 0 : i32
        %get3A_645 = tpu.memref_slice %arg14[%scan3A_522, %get3A_643, %get3A_644] : memref<2x128x64xf32, #tpu.memory_space<vmem>> -> memref<1x128x64xf32, #tpu.memory_space<vmem>>
        %get3A_646 = tpu.memref_squeeze %get3A_645 : memref<1x128x64xf32, #tpu.memory_space<vmem>> -> memref<128x64xf32, #tpu.memory_space<vmem>>
        %get3A_647 = arith.index_cast %add3A_620 : i32 to index
        %get3A_648 = arith.constant 16 : index
        %get3A_649 = tpu.vector_load %get3A_646[%get3A_647, %get3A_648] {strides = array<i32>} : memref<128x64xf32, #tpu.memory_space<vmem>>, vector<16xf32>,
        %mul3A_650 = arith.mulf %get3A_642, %get3A_649 : vector<16xf32>
        %get3A_651 = arith.constant 0 : i32
        %get3A_652 = arith.constant 0 : i32
        %get3A_653 = tpu.memref_slice %arg13[%scan3A_521, %get3A_651, %get3A_652] : memref<2x128x64xf32, #tpu.memory_space<vmem>> -> memref<1x128x64xf32, #tpu.memory_space<vmem>>
        %get3A_654 = tpu.memref_squeeze %get3A_653 : memref<1x128x64xf32, #tpu.memory_space<vmem>> -> memref<128x64xf32, #tpu.memory_space<vmem>>
        %get3A_655 = arith.index_cast %add3A_620 : i32 to index
        %get3A_656 = arith.constant 32 : index
        %get3A_657 = tpu.vector_load %get3A_654[%get3A_655, %get3A_656] {strides = array<i32>} : memref<128x64xf32, #tpu.memory_space<vmem>>, vector<16xf32>,
        %get3A_658 = arith.constant 0 : i32
        %get3A_659 = arith.constant 0 : i32
        %get3A_660 = tpu.memref_slice %arg14[%scan3A_522, %get3A_658, %get3A_659] : memref<2x128x64xf32, #tpu.memory_space<vmem>> -> memref<1x128x64xf32, #tpu.memory_space<vmem>>
        %get3A_661 = tpu.memref_squeeze %get3A_660 : memref<1x128x64xf32, #tpu.memory_space<vmem>> -> memref<128x64xf32, #tpu.memory_space<vmem>>
        %get3A_662 = arith.index_cast %add3A_620 : i32 to index
        %get3A_663 = arith.constant 32 : index
        %get3A_664 = tpu.vector_load %get3A_661[%get3A_662, %get3A_663] {strides = array<i32>} : memref<128x64xf32, #tpu.memory_space<vmem>>, vector<16xf32>,
        %mul3A_665 = arith.mulf %get3A_657, %get3A_664 : vector<16xf32>
        %get3A_666 = arith.constant 0 : i32
        %get3A_667 = arith.constant 0 : i32
        %get3A_668 = tpu.memref_slice %arg13[%scan3A_521, %get3A_666, %get3A_667] : memref<2x128x64xf32, #tpu.memory_space<vmem>> -> memref<1x128x64xf32, #tpu.memory_space<vmem>>
        %get3A_669 = tpu.memref_squeeze %get3A_668 : memref<1x128x64xf32, #tpu.memory_space<vmem>> -> memref<128x64xf32, #tpu.memory_space<vmem>>
        %get3A_670 = arith.index_cast %add3A_620 : i32 to index
        %get3A_671 = arith.constant 48 : index
        %get3A_672 = tpu.vector_load %get3A_669[%get3A_670, %get3A_671] {strides = array<i32>} : memref<128x64xf32, #tpu.memory_space<vmem>>, vector<16xf32>,
        %get3A_673 = arith.constant 0 : i32
        %get3A_674 = arith.constant 0 : i32
        %get3A_675 = tpu.memref_slice %arg14[%scan3A_522, %get3A_673, %get3A_674] : memref<2x128x64xf32, #tpu.memory_space<vmem>> -> memref<1x128x64xf32, #tpu.memory_space<vmem>>
        %get3A_676 = tpu.memref_squeeze %get3A_675 : memref<1x128x64xf32, #tpu.memory_space<vmem>> -> memref<128x64xf32, #tpu.memory_space<vmem>>
        %get3A_677 = arith.index_cast %add3A_620 : i32 to index
        %get3A_678 = arith.constant 48 : index
        %get3A_679 = tpu.vector_load %get3A_676[%get3A_677, %get3A_678] {strides = array<i32>} : memref<128x64xf32, #tpu.memory_space<vmem>>, vector<16xf32>,
        %mul3A_680 = arith.mulf %get3A_672, %get3A_679 : vector<16xf32>
        %add3A_681 = arith.constant 2 : i32
        %add3A_682 = arith.addi %mul3A_556, %add3A_681 : i32
        %get3A_683 = arith.constant 0 : i32
        %get3A_684 = arith.constant 0 : i32
        %get3A_685 = tpu.memref_slice %arg13[%scan3A_521, %get3A_683, %get3A_684] : memref<2x128x64xf32, #tpu.memory_space<vmem>> -> memref<1x128x64xf32, #tpu.memory_space<vmem>>
        %get3A_686 = tpu.memref_squeeze %get3A_685 : memref<1x128x64xf32, #tpu.memory_space<vmem>> -> memref<128x64xf32, #tpu.memory_space<vmem>>
        %get3A_687 = arith.index_cast %add3A_682 : i32 to index
        %get3A_688 = arith.constant 0 : index
        %get3A_689 = tpu.vector_load %get3A_686[%get3A_687, %get3A_688] {strides = array<i32>} : memref<128x64xf32, #tpu.memory_space<vmem>>, vector<16xf32>,
        %get3A_690 = arith.constant 0 : i32
        %get3A_691 = arith.constant 0 : i32
        %get3A_692 = tpu.memref_slice %arg14[%scan3A_522, %get3A_690, %get3A_691] : memref<2x128x64xf32, #tpu.memory_space<vmem>> -> memref<1x128x64xf32, #tpu.memory_space<vmem>>
        %get3A_693 = tpu.memref_squeeze %get3A_692 : memref<1x128x64xf32, #tpu.memory_space<vmem>> -> memref<128x64xf32, #tpu.memory_space<vmem>>
        %get3A_694 = arith.index_cast %add3A_682 : i32 to index
        %get3A_695 = arith.constant 0 : index
        %get3A_696 = tpu.vector_load %get3A_693[%get3A_694, %get3A_695] {strides = array<i32>} : memref<128x64xf32, #tpu.memory_space<vmem>>, vector<16xf32>,
        %mul3A_697 = arith.mulf %get3A_689, %get3A_696 : vector<16xf32>
        %get3A_698 = arith.constant 0 : i32
        %get3A_699 = arith.constant 0 : i32
        %get3A_700 = tpu.memref_slice %arg13[%scan3A_521, %get3A_698, %get3A_699] : memref<2x128x64xf32, #tpu.memory_space<vmem>> -> memref<1x128x64xf32, #tpu.memory_space<vmem>>
        %get3A_701 = tpu.memref_squeeze %get3A_700 : memref<1x128x64xf32, #tpu.memory_space<vmem>> -> memref<128x64xf32, #tpu.memory_space<vmem>>
        %get3A_702 = arith.index_cast %add3A_682 : i32 to index
        %get3A_703 = arith.constant 16 : index
        %get3A_704 = tpu.vector_load %get3A_701[%get3A_702, %get3A_703] {strides = array<i32>} : memref<128x64xf32, #tpu.memory_space<vmem>>, vector<16xf32>,
        %get3A_705 = arith.constant 0 : i32
        %get3A_706 = arith.constant 0 : i32
        %get3A_707 = tpu.memref_slice %arg14[%scan3A_522, %get3A_705, %get3A_706] : memref<2x128x64xf32, #tpu.memory_space<vmem>> -> memref<1x128x64xf32, #tpu.memory_space<vmem>>
        %get3A_708 = tpu.memref_squeeze %get3A_707 : memref<1x128x64xf32, #tpu.memory_space<vmem>> -> memref<128x64xf32, #tpu.memory_space<vmem>>
        %get3A_709 = arith.index_cast %add3A_682 : i32 to index
        %get3A_710 = arith.constant 16 : index
        %get3A_711 = tpu.vector_load %get3A_708[%get3A_709, %get3A_710] {strides = array<i32>} : memref<128x64xf32, #tpu.memory_space<vmem>>, vector<16xf32>,
        %mul3A_712 = arith.mulf %get3A_704, %get3A_711 : vector<16xf32>
        %get3A_713 = arith.constant 0 : i32
        %get3A_714 = arith.constant 0 : i32
        %get3A_715 = tpu.memref_slice %arg13[%scan3A_521, %get3A_713, %get3A_714] : memref<2x128x64xf32, #tpu.memory_space<vmem>> -> memref<1x128x64xf32, #tpu.memory_space<vmem>>
        %get3A_716 = tpu.memref_squeeze %get3A_715 : memref<1x128x64xf32, #tpu.memory_space<vmem>> -> memref<128x64xf32, #tpu.memory_space<vmem>>
        %get3A_717 = arith.index_cast %add3A_682 : i32 to index
        %get3A_718 = arith.constant 32 : index
        %get3A_719 = tpu.vector_load %get3A_716[%get3A_717, %get3A_718] {strides = array<i32>} : memref<128x64xf32, #tpu.memory_space<vmem>>, vector<16xf32>,
        %get3A_720 = arith.constant 0 : i32
        %get3A_721 = arith.constant 0 : i32
        %get3A_722 = tpu.memref_slice %arg14[%scan3A_522, %get3A_720, %get3A_721] : memref<2x128x64xf32, #tpu.memory_space<vmem>> -> memref<1x128x64xf32, #tpu.memory_space<vmem>>
        %get3A_723 = tpu.memref_squeeze %get3A_722 : memref<1x128x64xf32, #tpu.memory_space<vmem>> -> memref<128x64xf32, #tpu.memory_space<vmem>>
        %get3A_724 = arith.index_cast %add3A_682 : i32 to index
        %get3A_725 = arith.constant 32 : index
        %get3A_726 = tpu.vector_load %get3A_723[%get3A_724, %get3A_725] {strides = array<i32>} : memref<128x64xf32, #tpu.memory_space<vmem>>, vector<16xf32>,
        %mul3A_727 = arith.mulf %get3A_719, %get3A_726 : vector<16xf32>
        %get3A_728 = arith.constant 0 : i32
        %get3A_729 = arith.constant 0 : i32
        %get3A_730 = tpu.memref_slice %arg13[%scan3A_521, %get3A_728, %get3A_729] : memref<2x128x64xf32, #tpu.memory_space<vmem>> -> memref<1x128x64xf32, #tpu.memory_space<vmem>>
        %get3A_731 = tpu.memref_squeeze %get3A_730 : memref<1x128x64xf32, #tpu.memory_space<vmem>> -> memref<128x64xf32, #tpu.memory_space<vmem>>
        %get3A_732 = arith.index_cast %add3A_682 : i32 to index
        %get3A_733 = arith.constant 48 : index
        %get3A_734 = tpu.vector_load %get3A_731[%get3A_732, %get3A_733] {strides = array<i32>} : memref<128x64xf32, #tpu.memory_space<vmem>>, vector<16xf32>,
        %get3A_735 = arith.constant 0 : i32
        %get3A_736 = arith.constant 0 : i32
        %get3A_737 = tpu.memref_slice %arg14[%scan3A_522, %get3A_735, %get3A_736] : memref<2x128x64xf32, #tpu.memory_space<vmem>> -> memref<1x128x64xf32, #tpu.memory_space<vmem>>
        %get3A_738 = tpu.memref_squeeze %get3A_737 : memref<1x128x64xf32, #tpu.memory_space<vmem>> -> memref<128x64xf32, #tpu.memory_space<vmem>>
        %get3A_739 = arith.index_cast %add3A_682 : i32 to index
        %get3A_740 = arith.constant 48 : index
        %get3A_741 = tpu.vector_load %get3A_738[%get3A_739, %get3A_740] {strides = array<i32>} : memref<128x64xf32, #tpu.memory_space<vmem>>, vector<16xf32>,
        %mul3A_742 = arith.mulf %get3A_734, %get3A_741 : vector<16xf32>
        %add3A_743 = arith.constant 3 : i32
        %add3A_744 = arith.addi %mul3A_556, %add3A_743 : i32
        %get3A_745 = arith.constant 0 : i32
        %get3A_746 = arith.constant 0 : i32
        %get3A_747 = tpu.memref_slice %arg13[%scan3A_521, %get3A_745, %get3A_746] : memref<2x128x64xf32, #tpu.memory_space<vmem>> -> memref<1x128x64xf32, #tpu.memory_space<vmem>>
        %get3A_748 = tpu.memref_squeeze %get3A_747 : memref<1x128x64xf32, #tpu.memory_space<vmem>> -> memref<128x64xf32, #tpu.memory_space<vmem>>
        %get3A_749 = arith.index_cast %add3A_744 : i32 to index
        %get3A_750 = arith.constant 0 : index
        %get3A_751 = tpu.vector_load %get3A_748[%get3A_749, %get3A_750] {strides = array<i32>} : memref<128x64xf32, #tpu.memory_space<vmem>>, vector<16xf32>,
        %get3A_752 = arith.constant 0 : i32
        %get3A_753 = arith.constant 0 : i32
        %get3A_754 = tpu.memref_slice %arg14[%scan3A_522, %get3A_752, %get3A_753] : memref<2x128x64xf32, #tpu.memory_space<vmem>> -> memref<1x128x64xf32, #tpu.memory_space<vmem>>
        %get3A_755 = tpu.memref_squeeze %get3A_754 : memref<1x128x64xf32, #tpu.memory_space<vmem>> -> memref<128x64xf32, #tpu.memory_space<vmem>>
        %get3A_756 = arith.index_cast %add3A_744 : i32 to index
        %get3A_757 = arith.constant 0 : index
        %get3A_758 = tpu.vector_load %get3A_755[%get3A_756, %get3A_757] {strides = array<i32>} : memref<128x64xf32, #tpu.memory_space<vmem>>, vector<16xf32>,
        %mul3A_759 = arith.mulf %get3A_751, %get3A_758 : vector<16xf32>
        %get3A_760 = arith.constant 0 : i32
        %get3A_761 = arith.constant 0 : i32
        %get3A_762 = tpu.memref_slice %arg13[%scan3A_521, %get3A_760, %get3A_761] : memref<2x128x64xf32, #tpu.memory_space<vmem>> -> memref<1x128x64xf32, #tpu.memory_space<vmem>>
        %get3A_763 = tpu.memref_squeeze %get3A_762 : memref<1x128x64xf32, #tpu.memory_space<vmem>> -> memref<128x64xf32, #tpu.memory_space<vmem>>
        %get3A_764 = arith.index_cast %add3A_744 : i32 to index
        %get3A_765 = arith.constant 16 : index
        %get3A_766 = tpu.vector_load %get3A_763[%get3A_764, %get3A_765] {strides = array<i32>} : memref<128x64xf32, #tpu.memory_space<vmem>>, vector<16xf32>,
        %get3A_767 = arith.constant 0 : i32
        %get3A_768 = arith.constant 0 : i32
        %get3A_769 = tpu.memref_slice %arg14[%scan3A_522, %get3A_767, %get3A_768] : memref<2x128x64xf32, #tpu.memory_space<vmem>> -> memref<1x128x64xf32, #tpu.memory_space<vmem>>
        %get3A_770 = tpu.memref_squeeze %get3A_769 : memref<1x128x64xf32, #tpu.memory_space<vmem>> -> memref<128x64xf32, #tpu.memory_space<vmem>>
        %get3A_771 = arith.index_cast %add3A_744 : i32 to index
        %get3A_772 = arith.constant 16 : index
        %get3A_773 = tpu.vector_load %get3A_770[%get3A_771, %get3A_772] {strides = array<i32>} : memref<128x64xf32, #tpu.memory_space<vmem>>, vector<16xf32>,
        %mul3A_774 = arith.mulf %get3A_766, %get3A_773 : vector<16xf32>
        %get3A_775 = arith.constant 0 : i32
        %get3A_776 = arith.constant 0 : i32
        %get3A_777 = tpu.memref_slice %arg13[%scan3A_521, %get3A_775, %get3A_776] : memref<2x128x64xf32, #tpu.memory_space<vmem>> -> memref<1x128x64xf32, #tpu.memory_space<vmem>>
        %get3A_778 = tpu.memref_squeeze %get3A_777 : memref<1x128x64xf32, #tpu.memory_space<vmem>> -> memref<128x64xf32, #tpu.memory_space<vmem>>
        %get3A_779 = arith.index_cast %add3A_744 : i32 to index
        %get3A_780 = arith.constant 32 : index
        %get3A_781 = tpu.vector_load %get3A_778[%get3A_779, %get3A_780] {strides = array<i32>} : memref<128x64xf32, #tpu.memory_space<vmem>>, vector<16xf32>,
        %get3A_782 = arith.constant 0 : i32
        %get3A_783 = arith.constant 0 : i32
        %get3A_784 = tpu.memref_slice %arg14[%scan3A_522, %get3A_782, %get3A_783] : memref<2x128x64xf32, #tpu.memory_space<vmem>> -> memref<1x128x64xf32, #tpu.memory_space<vmem>>
        %get3A_785 = tpu.memref_squeeze %get3A_784 : memref<1x128x64xf32, #tpu.memory_space<vmem>> -> memref<128x64xf32, #tpu.memory_space<vmem>>
        %get3A_786 = arith.index_cast %add3A_744 : i32 to index
        %get3A_787 = arith.constant 32 : index
        %get3A_788 = tpu.vector_load %get3A_785[%get3A_786, %get3A_787] {strides = array<i32>} : memref<128x64xf32, #tpu.memory_space<vmem>>, vector<16xf32>,
        %mul3A_789 = arith.mulf %get3A_781, %get3A_788 : vector<16xf32>
        %get3A_790 = arith.constant 0 : i32
        %get3A_791 = arith.constant 0 : i32
        %get3A_792 = tpu.memref_slice %arg13[%scan3A_521, %get3A_790, %get3A_791] : memref<2x128x64xf32, #tpu.memory_space<vmem>> -> memref<1x128x64xf32, #tpu.memory_space<vmem>>
        %get3A_793 = tpu.memref_squeeze %get3A_792 : memref<1x128x64xf32, #tpu.memory_space<vmem>> -> memref<128x64xf32, #tpu.memory_space<vmem>>
        %get3A_794 = arith.index_cast %add3A_744 : i32 to index
        %get3A_795 = arith.constant 48 : index
        %get3A_796 = tpu.vector_load %get3A_793[%get3A_794, %get3A_795] {strides = array<i32>} : memref<128x64xf32, #tpu.memory_space<vmem>>, vector<16xf32>,
        %get3A_797 = arith.constant 0 : i32
        %get3A_798 = arith.constant 0 : i32
        %get3A_799 = tpu.memref_slice %arg14[%scan3A_522, %get3A_797, %get3A_798] : memref<2x128x64xf32, #tpu.memory_space<vmem>> -> memref<1x128x64xf32, #tpu.memory_space<vmem>>
        %get3A_800 = tpu.memref_squeeze %get3A_799 : memref<1x128x64xf32, #tpu.memory_space<vmem>> -> memref<128x64xf32, #tpu.memory_space<vmem>>
        %get3A_801 = arith.index_cast %add3A_744 : i32 to index
        %get3A_802 = arith.constant 48 : index
        %get3A_803 = tpu.vector_load %get3A_800[%get3A_801, %get3A_802] {strides = array<i32>} : memref<128x64xf32, #tpu.memory_space<vmem>>, vector<16xf32>,
        %mul3A_804 = arith.mulf %get3A_796, %get3A_803 : vector<16xf32>
        %broadcast_in_dim3A_805 = arith.constant true
        %broadcast_in_dim3A_806 = vector.broadcast %broadcast_in_dim3A_805 : i1 to vector<16xi1>
        %masked_cumsum3A = tpu.scan <sum>, %mul3A_573 masked %broadcast_in_dim3A_806 : vector<16xf32>, vector<16xi1> -> vector<16xf32>
        %broadcast_in_dim3A_807 = arith.constant true
        %broadcast_in_dim3A_808 = vector.broadcast %broadcast_in_dim3A_807 : i1 to vector<16xi1>
        %masked_cumsum3A_809 = tpu.scan <sum>, %mul3A_588 masked %broadcast_in_dim3A_808 : vector<16xf32>, vector<16xi1> -> vector<16xf32>
        %broadcast_in_dim3A_810 = arith.constant true
        %broadcast_in_dim3A_811 = vector.broadcast %broadcast_in_dim3A_810 : i1 to vector<16xi1>
        %masked_cumsum3A_812 = tpu.scan <sum>, %mul3A_603 masked %broadcast_in_dim3A_811 : vector<16xf32>, vector<16xi1> -> vector<16xf32>
        %broadcast_in_dim3A_813 = arith.constant true
        %broadcast_in_dim3A_814 = vector.broadcast %broadcast_in_dim3A_813 : i1 to vector<16xi1>
        %masked_cumsum3A_815 = tpu.scan <sum>, %mul3A_618 masked %broadcast_in_dim3A_814 : vector<16xf32>, vector<16xi1> -> vector<16xf32>
        %broadcast_in_dim3A_816 = arith.constant true
        %broadcast_in_dim3A_817 = vector.broadcast %broadcast_in_dim3A_816 : i1 to vector<16xi1>
        %masked_cumsum3A_818 = tpu.scan <sum>, %mul3A_635 masked %broadcast_in_dim3A_817 : vector<16xf32>, vector<16xi1> -> vector<16xf32>
        %broadcast_in_dim3A_819 = arith.constant true
        %broadcast_in_dim3A_820 = vector.broadcast %broadcast_in_dim3A_819 : i1 to vector<16xi1>
        %masked_cumsum3A_821 = tpu.scan <sum>, %mul3A_650 masked %broadcast_in_dim3A_820 : vector<16xf32>, vector<16xi1> -> vector<16xf32>
        %broadcast_in_dim3A_822 = arith.constant true
        %broadcast_in_dim3A_823 = vector.broadcast %broadcast_in_dim3A_822 : i1 to vector<16xi1>
        %masked_cumsum3A_824 = tpu.scan <sum>, %mul3A_665 masked %broadcast_in_dim3A_823 : vector<16xf32>, vector<16xi1> -> vector<16xf32>
        %broadcast_in_dim3A_825 = arith.constant true
        %broadcast_in_dim3A_826 = vector.broadcast %broadcast_in_dim3A_825 : i1 to vector<16xi1>
        %masked_cumsum3A_827 = tpu.scan <sum>, %mul3A_680 masked %broadcast_in_dim3A_826 : vector<16xf32>, vector<16xi1> -> vector<16xf32>
        %broadcast_in_dim3A_828 = arith.constant true
        %broadcast_in_dim3A_829 = vector.broadcast %broadcast_in_dim3A_828 : i1 to vector<16xi1>
        %masked_cumsum3A_830 = tpu.scan <sum>, %mul3A_697 masked %broadcast_in_dim3A_829 : vector<16xf32>, vector<16xi1> -> vector<16xf32>
        %broadcast_in_dim3A_831 = arith.constant true
        %broadcast_in_dim3A_832 = vector.broadcast %broadcast_in_dim3A_831 : i1 to vector<16xi1>
        %masked_cumsum3A_833 = tpu.scan <sum>, %mul3A_712 masked %broadcast_in_dim3A_832 : vector<16xf32>, vector<16xi1> -> vector<16xf32>
        %broadcast_in_dim3A_834 = arith.constant true
        %broadcast_in_dim3A_835 = vector.broadcast %broadcast_in_dim3A_834 : i1 to vector<16xi1>
        %masked_cumsum3A_836 = tpu.scan <sum>, %mul3A_727 masked %broadcast_in_dim3A_835 : vector<16xf32>, vector<16xi1> -> vector<16xf32>
        %broadcast_in_dim3A_837 = arith.constant true
        %broadcast_in_dim3A_838 = vector.broadcast %broadcast_in_dim3A_837 : i1 to vector<16xi1>
        %masked_cumsum3A_839 = tpu.scan <sum>, %mul3A_742 masked %broadcast_in_dim3A_838 : vector<16xf32>, vector<16xi1> -> vector<16xf32>
        %broadcast_in_dim3A_840 = arith.constant true
        %broadcast_in_dim3A_841 = vector.broadcast %broadcast_in_dim3A_840 : i1 to vector<16xi1>
        %masked_cumsum3A_842 = tpu.scan <sum>, %mul3A_759 masked %broadcast_in_dim3A_841 : vector<16xf32>, vector<16xi1> -> vector<16xf32>
        %broadcast_in_dim3A_843 = arith.constant true
        %broadcast_in_dim3A_844 = vector.broadcast %broadcast_in_dim3A_843 : i1 to vector<16xi1>
        %masked_cumsum3A_845 = tpu.scan <sum>, %mul3A_774 masked %broadcast_in_dim3A_844 : vector<16xf32>, vector<16xi1> -> vector<16xf32>
        %broadcast_in_dim3A_846 = arith.constant true
        %broadcast_in_dim3A_847 = vector.broadcast %broadcast_in_dim3A_846 : i1 to vector<16xi1>
        %masked_cumsum3A_848 = tpu.scan <sum>, %mul3A_789 masked %broadcast_in_dim3A_847 : vector<16xf32>, vector<16xi1> -> vector<16xf32>
        %broadcast_in_dim3A_849 = arith.constant true
        %broadcast_in_dim3A_850 = vector.broadcast %broadcast_in_dim3A_849 : i1 to vector<16xi1>
        %masked_cumsum3A_851 = tpu.scan <sum>, %mul3A_804 masked %broadcast_in_dim3A_850 : vector<16xf32>, vector<16xi1> -> vector<16xf32>
        %gather3A = vector.shape_cast %broadcast_in_dim3A_5 : vector<16x1xi32> to vector<16xi32>
        %gather3A_852 = tpu.dynamic_gather %masked_cumsum3A[%gather3A] in [0] : vector<16xf32>, vector<16xi32> -> vector<16xf32>
        %exp3A = math.exp %gather3A_852 : vector<16xf32>
        %gather3A_853 = vector.shape_cast %broadcast_in_dim3A_5 : vector<16x1xi32> to vector<16xi32>
        %gather3A_854 = tpu.dynamic_gather %masked_cumsum3A_809[%gather3A_853] in [0] : vector<16xf32>, vector<16xi32> -> vector<16xf32>
        %exp3A_855 = math.exp %gather3A_854 : vector<16xf32>
        %gather3A_856 = vector.shape_cast %broadcast_in_dim3A_5 : vector<16x1xi32> to vector<16xi32>
        %gather3A_857 = tpu.dynamic_gather %masked_cumsum3A_812[%gather3A_856] in [0] : vector<16xf32>, vector<16xi32> -> vector<16xf32>
        %exp3A_858 = math.exp %gather3A_857 : vector<16xf32>
        %gather3A_859 = vector.shape_cast %broadcast_in_dim3A_5 : vector<16x1xi32> to vector<16xi32>
        %gather3A_860 = tpu.dynamic_gather %masked_cumsum3A_815[%gather3A_859] in [0] : vector<16xf32>, vector<16xi32> -> vector<16xf32>
        %exp3A_861 = math.exp %gather3A_860 : vector<16xf32>
        %gather3A_862 = vector.shape_cast %broadcast_in_dim3A_5 : vector<16x1xi32> to vector<16xi32>
        %gather3A_863 = tpu.dynamic_gather %masked_cumsum3A_818[%gather3A_862] in [0] : vector<16xf32>, vector<16xi32> -> vector<16xf32>
        %exp3A_864 = math.exp %gather3A_863 : vector<16xf32>
        %gather3A_865 = vector.shape_cast %broadcast_in_dim3A_5 : vector<16x1xi32> to vector<16xi32>
        %gather3A_866 = tpu.dynamic_gather %masked_cumsum3A_821[%gather3A_865] in [0] : vector<16xf32>, vector<16xi32> -> vector<16xf32>
        %exp3A_867 = math.exp %gather3A_866 : vector<16xf32>
        %gather3A_868 = vector.shape_cast %broadcast_in_dim3A_5 : vector<16x1xi32> to vector<16xi32>
        %gather3A_869 = tpu.dynamic_gather %masked_cumsum3A_824[%gather3A_868] in [0] : vector<16xf32>, vector<16xi32> -> vector<16xf32>
        %exp3A_870 = math.exp %gather3A_869 : vector<16xf32>
        %gather3A_871 = vector.shape_cast %broadcast_in_dim3A_5 : vector<16x1xi32> to vector<16xi32>
        %gather3A_872 = tpu.dynamic_gather %masked_cumsum3A_827[%gather3A_871] in [0] : vector<16xf32>, vector<16xi32> -> vector<16xf32>
        %exp3A_873 = math.exp %gather3A_872 : vector<16xf32>
        %gather3A_874 = vector.shape_cast %broadcast_in_dim3A_5 : vector<16x1xi32> to vector<16xi32>
        %gather3A_875 = tpu.dynamic_gather %masked_cumsum3A_830[%gather3A_874] in [0] : vector<16xf32>, vector<16xi32> -> vector<16xf32>
        %exp3A_876 = math.exp %gather3A_875 : vector<16xf32>
        %gather3A_877 = vector.shape_cast %broadcast_in_dim3A_5 : vector<16x1xi32> to vector<16xi32>
        %gather3A_878 = tpu.dynamic_gather %masked_cumsum3A_833[%gather3A_877] in [0] : vector<16xf32>, vector<16xi32> -> vector<16xf32>
        %exp3A_879 = math.exp %gather3A_878 : vector<16xf32>
        %gather3A_880 = vector.shape_cast %broadcast_in_dim3A_5 : vector<16x1xi32> to vector<16xi32>
        %gather3A_881 = tpu.dynamic_gather %masked_cumsum3A_836[%gather3A_880] in [0] : vector<16xf32>, vector<16xi32> -> vector<16xf32>
        %exp3A_882 = math.exp %gather3A_881 : vector<16xf32>
        %gather3A_883 = vector.shape_cast %broadcast_in_dim3A_5 : vector<16x1xi32> to vector<16xi32>
        %gather3A_884 = tpu.dynamic_gather %masked_cumsum3A_839[%gather3A_883] in [0] : vector<16xf32>, vector<16xi32> -> vector<16xf32>
        %exp3A_885 = math.exp %gather3A_884 : vector<16xf32>
        %gather3A_886 = vector.shape_cast %broadcast_in_dim3A_5 : vector<16x1xi32> to vector<16xi32>
        %gather3A_887 = tpu.dynamic_gather %masked_cumsum3A_842[%gather3A_886] in [0] : vector<16xf32>, vector<16xi32> -> vector<16xf32>
        %exp3A_888 = math.exp %gather3A_887 : vector<16xf32>
        %gather3A_889 = vector.shape_cast %broadcast_in_dim3A_5 : vector<16x1xi32> to vector<16xi32>
        %gather3A_890 = tpu.dynamic_gather %masked_cumsum3A_845[%gather3A_889] in [0] : vector<16xf32>, vector<16xi32> -> vector<16xf32>
        %exp3A_891 = math.exp %gather3A_890 : vector<16xf32>
        %gather3A_892 = vector.shape_cast %broadcast_in_dim3A_5 : vector<16x1xi32> to vector<16xi32>
        %gather3A_893 = tpu.dynamic_gather %masked_cumsum3A_848[%gather3A_892] in [0] : vector<16xf32>, vector<16xi32> -> vector<16xf32>
        %exp3A_894 = math.exp %gather3A_893 : vector<16xf32>
        %gather3A_895 = vector.shape_cast %broadcast_in_dim3A_5 : vector<16x1xi32> to vector<16xi32>
        %gather3A_896 = tpu.dynamic_gather %masked_cumsum3A_851[%gather3A_895] in [0] : vector<16xf32>, vector<16xi32> -> vector<16xf32>
        %exp3A_897 = math.exp %gather3A_896 : vector<16xf32>
        %add3A_898 = arith.constant 0 : i32
        %add3A_899 = arith.addi %mul3A_556, %add3A_898 : i32
        %get3A_900 = arith.constant 0 : i32
        %get3A_901 = arith.constant 0 : i32
        %get3A_902 = tpu.memref_slice %arg15[%scan3A_523, %get3A_900, %get3A_901] : memref<2x128x64xf32, #tpu.memory_space<vmem>> -> memref<1x128x64xf32, #tpu.memory_space<vmem>>
        %get3A_903 = tpu.memref_squeeze %get3A_902 : memref<1x128x64xf32, #tpu.memory_space<vmem>> -> memref<128x64xf32, #tpu.memory_space<vmem>>
        %get3A_904 = arith.index_cast %add3A_899 : i32 to index
        %get3A_905 = arith.constant 0 : index
        %get3A_906 = tpu.vector_load %get3A_903[%get3A_904, %get3A_905] {strides = array<i32>} : memref<128x64xf32, #tpu.memory_space<vmem>>, vector<16xf32>,
        %mul3A_907 = arith.mulf %get3A_906, %exp3A : vector<16xf32>
        %swap3A = arith.constant 0 : i32
        %swap3A_908 = arith.constant 0 : i32
        %swap3A_909 = tpu.memref_slice %arg15[%scan3A_523, %swap3A, %swap3A_908] : memref<2x128x64xf32, #tpu.memory_space<vmem>> -> memref<1x128x64xf32, #tpu.memory_space<vmem>>
        %swap3A_910 = tpu.memref_squeeze %swap3A_909 : memref<1x128x64xf32, #tpu.memory_space<vmem>> -> memref<128x64xf32, #tpu.memory_space<vmem>>
        %swap3A_911 = arith.index_cast %add3A_899 : i32 to index
        %swap3A_912 = arith.constant 0 : index
        %swap3A_913 = tpu.vector_load %swap3A_910[%swap3A_911, %swap3A_912] {strides = array<i32>} : memref<128x64xf32, #tpu.memory_space<vmem>>, vector<16xf32>,
        tpu.vector_store %swap3A_910[%swap3A_911, %swap3A_912], %mul3A_907 {strides = array<i32>} : memref<128x64xf32, #tpu.memory_space<vmem>>, vector<16xf32>,
        %eq3A = arith.constant 0 : i32
        %eq3A_914 = vector.broadcast %eq3A : i32 to vector<16xi32>
        %eq3A_915 = arith.cmpi eq, %iota3A, %eq3A_914 : vector<16xi32>
        %select_n3A = arith.select %eq3A_915, %exp3A, %broadcast_in_dim3A_0 : vector<16xi1>, vector<16xf32>
        %get3A_916 = arith.constant 0 : i32
        %get3A_917 = arith.constant 0 : i32
        %get3A_918 = tpu.memref_slice %arg15[%scan3A_523, %get3A_916, %get3A_917] : memref<2x128x64xf32, #tpu.memory_space<vmem>> -> memref<1x128x64xf32, #tpu.memory_space<vmem>>
        %get3A_919 = tpu.memref_squeeze %get3A_918 : memref<1x128x64xf32, #tpu.memory_space<vmem>> -> memref<128x64xf32, #tpu.memory_space<vmem>>
        %get3A_920 = arith.index_cast %add3A_899 : i32 to index
        %get3A_921 = arith.constant 16 : index
        %get3A_922 = tpu.vector_load %get3A_919[%get3A_920, %get3A_921] {strides = array<i32>} : memref<128x64xf32, #tpu.memory_space<vmem>>, vector<16xf32>,
        %mul3A_923 = arith.mulf %get3A_922, %exp3A_855 : vector<16xf32>
        %swap3A_924 = arith.constant 0 : i32
        %swap3A_925 = arith.constant 0 : i32
        %swap3A_926 = tpu.memref_slice %arg15[%scan3A_523, %swap3A_924, %swap3A_925] : memref<2x128x64xf32, #tpu.memory_space<vmem>> -> memref<1x128x64xf32, #tpu.memory_space<vmem>>
        %swap3A_927 = tpu.memref_squeeze %swap3A_926 : memref<1x128x64xf32, #tpu.memory_space<vmem>> -> memref<128x64xf32, #tpu.memory_space<vmem>>
        %swap3A_928 = arith.index_cast %add3A_899 : i32 to index
        %swap3A_929 = arith.constant 16 : index
        %swap3A_930 = tpu.vector_load %swap3A_927[%swap3A_928, %swap3A_929] {strides = array<i32>} : memref<128x64xf32, #tpu.memory_space<vmem>>, vector<16xf32>,
        tpu.vector_store %swap3A_927[%swap3A_928, %swap3A_929], %mul3A_923 {strides = array<i32>} : memref<128x64xf32, #tpu.memory_space<vmem>>, vector<16xf32>,
        %eq3A_931 = arith.constant 1 : i32
        %eq3A_932 = vector.broadcast %eq3A_931 : i32 to vector<16xi32>
        %eq3A_933 = arith.cmpi eq, %iota3A, %eq3A_932 : vector<16xi32>
        %select_n3A_934 = arith.select %eq3A_933, %exp3A_855, %select_n3A : vector<16xi1>, vector<16xf32>
        %get3A_935 = arith.constant 0 : i32
        %get3A_936 = arith.constant 0 : i32
        %get3A_937 = tpu.memref_slice %arg15[%scan3A_523, %get3A_935, %get3A_936] : memref<2x128x64xf32, #tpu.memory_space<vmem>> -> memref<1x128x64xf32, #tpu.memory_space<vmem>>
        %get3A_938 = tpu.memref_squeeze %get3A_937 : memref<1x128x64xf32, #tpu.memory_space<vmem>> -> memref<128x64xf32, #tpu.memory_space<vmem>>
        %get3A_939 = arith.index_cast %add3A_899 : i32 to index
        %get3A_940 = arith.constant 32 : index
        %get3A_941 = tpu.vector_load %get3A_938[%get3A_939, %get3A_940] {strides = array<i32>} : memref<128x64xf32, #tpu.memory_space<vmem>>, vector<16xf32>,
        %mul3A_942 = arith.mulf %get3A_941, %exp3A_858 : vector<16xf32>
        %swap3A_943 = arith.constant 0 : i32
        %swap3A_944 = arith.constant 0 : i32
        %swap3A_945 = tpu.memref_slice %arg15[%scan3A_523, %swap3A_943, %swap3A_944] : memref<2x128x64xf32, #tpu.memory_space<vmem>> -> memref<1x128x64xf32, #tpu.memory_space<vmem>>
        %swap3A_946 = tpu.memref_squeeze %swap3A_945 : memref<1x128x64xf32, #tpu.memory_space<vmem>> -> memref<128x64xf32, #tpu.memory_space<vmem>>
        %swap3A_947 = arith.index_cast %add3A_899 : i32 to index
        %swap3A_948 = arith.constant 32 : index
        %swap3A_949 = tpu.vector_load %swap3A_946[%swap3A_947, %swap3A_948] {strides = array<i32>} : memref<128x64xf32, #tpu.memory_space<vmem>>, vector<16xf32>,
        tpu.vector_store %swap3A_946[%swap3A_947, %swap3A_948], %mul3A_942 {strides = array<i32>} : memref<128x64xf32, #tpu.memory_space<vmem>>, vector<16xf32>,
        %eq3A_950 = arith.constant 2 : i32
        %eq3A_951 = vector.broadcast %eq3A_950 : i32 to vector<16xi32>
        %eq3A_952 = arith.cmpi eq, %iota3A, %eq3A_951 : vector<16xi32>
        %select_n3A_953 = arith.select %eq3A_952, %exp3A_858, %select_n3A_934 : vector<16xi1>, vector<16xf32>
        %get3A_954 = arith.constant 0 : i32
        %get3A_955 = arith.constant 0 : i32
        %get3A_956 = tpu.memref_slice %arg15[%scan3A_523, %get3A_954, %get3A_955] : memref<2x128x64xf32, #tpu.memory_space<vmem>> -> memref<1x128x64xf32, #tpu.memory_space<vmem>>
        %get3A_957 = tpu.memref_squeeze %get3A_956 : memref<1x128x64xf32, #tpu.memory_space<vmem>> -> memref<128x64xf32, #tpu.memory_space<vmem>>
        %get3A_958 = arith.index_cast %add3A_899 : i32 to index
        %get3A_959 = arith.constant 48 : index
        %get3A_960 = tpu.vector_load %get3A_957[%get3A_958, %get3A_959] {strides = array<i32>} : memref<128x64xf32, #tpu.memory_space<vmem>>, vector<16xf32>,
        %mul3A_961 = arith.mulf %get3A_960, %exp3A_861 : vector<16xf32>
        %swap3A_962 = arith.constant 0 : i32
        %swap3A_963 = arith.constant 0 : i32
        %swap3A_964 = tpu.memref_slice %arg15[%scan3A_523, %swap3A_962, %swap3A_963] : memref<2x128x64xf32, #tpu.memory_space<vmem>> -> memref<1x128x64xf32, #tpu.memory_space<vmem>>
        %swap3A_965 = tpu.memref_squeeze %swap3A_964 : memref<1x128x64xf32, #tpu.memory_space<vmem>> -> memref<128x64xf32, #tpu.memory_space<vmem>>
        %swap3A_966 = arith.index_cast %add3A_899 : i32 to index
        %swap3A_967 = arith.constant 48 : index
        %swap3A_968 = tpu.vector_load %swap3A_965[%swap3A_966, %swap3A_967] {strides = array<i32>} : memref<128x64xf32, #tpu.memory_space<vmem>>, vector<16xf32>,
        tpu.vector_store %swap3A_965[%swap3A_966, %swap3A_967], %mul3A_961 {strides = array<i32>} : memref<128x64xf32, #tpu.memory_space<vmem>>, vector<16xf32>,
        %eq3A_969 = arith.constant 3 : i32
        %eq3A_970 = vector.broadcast %eq3A_969 : i32 to vector<16xi32>
        %eq3A_971 = arith.cmpi eq, %iota3A, %eq3A_970 : vector<16xi32>
        %select_n3A_972 = arith.select %eq3A_971, %exp3A_861, %select_n3A_953 : vector<16xi1>, vector<16xf32>
        %swap3A_973 = arith.constant 0 : i32
        %swap3A_974 = arith.constant 0 : i32
        %swap3A_975 = tpu.memref_slice %arg16[%scan3A_524, %swap3A_973, %swap3A_974] : memref<2x128x16xf32, #tpu.memory_space<vmem>> -> memref<1x128x16xf32, #tpu.memory_space<vmem>>
        %swap3A_976 = tpu.memref_squeeze %swap3A_975 : memref<1x128x16xf32, #tpu.memory_space<vmem>> -> memref<128x16xf32, #tpu.memory_space<vmem>>
        %swap3A_977 = arith.index_cast %add3A_899 : i32 to index
        %swap3A_978 = arith.constant 0 : index
        %swap3A_979 = tpu.vector_load %swap3A_976[%swap3A_977, %swap3A_978] {strides = array<i32>} : memref<128x16xf32, #tpu.memory_space<vmem>>, vector<16xf32>,
        tpu.vector_store %swap3A_976[%swap3A_977, %swap3A_978], %select_n3A_972 {strides = array<i32>} : memref<128x16xf32, #tpu.memory_space<vmem>>, vector<16xf32>,
        %add3A_980 = arith.constant 1 : i32
        %add3A_981 = arith.addi %mul3A_556, %add3A_980 : i32
        %get3A_982 = arith.constant 0 : i32
        %get3A_983 = arith.constant 0 : i32
        %get3A_984 = tpu.memref_slice %arg15[%scan3A_523, %get3A_982, %get3A_983] : memref<2x128x64xf32, #tpu.memory_space<vmem>> -> memref<1x128x64xf32, #tpu.memory_space<vmem>>
        %get3A_985 = tpu.memref_squeeze %get3A_984 : memref<1x128x64xf32, #tpu.memory_space<vmem>> -> memref<128x64xf32, #tpu.memory_space<vmem>>
        %get3A_986 = arith.index_cast %add3A_981 : i32 to index
        %get3A_987 = arith.constant 0 : index
        %get3A_988 = tpu.vector_load %get3A_985[%get3A_986, %get3A_987] {strides = array<i32>} : memref<128x64xf32, #tpu.memory_space<vmem>>, vector<16xf32>,
        %mul3A_989 = arith.mulf %get3A_988, %exp3A_864 : vector<16xf32>
        %swap3A_990 = arith.constant 0 : i32
        %swap3A_991 = arith.constant 0 : i32
        %swap3A_992 = tpu.memref_slice %arg15[%scan3A_523, %swap3A_990, %swap3A_991] : memref<2x128x64xf32, #tpu.memory_space<vmem>> -> memref<1x128x64xf32, #tpu.memory_space<vmem>>
        %swap3A_993 = tpu.memref_squeeze %swap3A_992 : memref<1x128x64xf32, #tpu.memory_space<vmem>> -> memref<128x64xf32, #tpu.memory_space<vmem>>
        %swap3A_994 = arith.index_cast %add3A_981 : i32 to index
        %swap3A_995 = arith.constant 0 : index
        %swap3A_996 = tpu.vector_load %swap3A_993[%swap3A_994, %swap3A_995] {strides = array<i32>} : memref<128x64xf32, #tpu.memory_space<vmem>>, vector<16xf32>,
        tpu.vector_store %swap3A_993[%swap3A_994, %swap3A_995], %mul3A_989 {strides = array<i32>} : memref<128x64xf32, #tpu.memory_space<vmem>>, vector<16xf32>,
        %eq3A_997 = arith.constant 0 : i32
        %eq3A_998 = vector.broadcast %eq3A_997 : i32 to vector<16xi32>
        %eq3A_999 = arith.cmpi eq, %iota3A, %eq3A_998 : vector<16xi32>
        %select_n3A_1000 = arith.select %eq3A_999, %exp3A_864, %broadcast_in_dim3A_0 : vector<16xi1>, vector<16xf32>
        %get3A_1001 = arith.constant 0 : i32
        %get3A_1002 = arith.constant 0 : i32
        %get3A_1003 = tpu.memref_slice %arg15[%scan3A_523, %get3A_1001, %get3A_1002] : memref<2x128x64xf32, #tpu.memory_space<vmem>> -> memref<1x128x64xf32, #tpu.memory_space<vmem>>
        %get3A_1004 = tpu.memref_squeeze %get3A_1003 : memref<1x128x64xf32, #tpu.memory_space<vmem>> -> memref<128x64xf32, #tpu.memory_space<vmem>>
        %get3A_1005 = arith.index_cast %add3A_981 : i32 to index
        %get3A_1006 = arith.constant 16 : index
        %get3A_1007 = tpu.vector_load %get3A_1004[%get3A_1005, %get3A_1006] {strides = array<i32>} : memref<128x64xf32, #tpu.memory_space<vmem>>, vector<16xf32>,
        %mul3A_1008 = arith.mulf %get3A_1007, %exp3A_867 : vector<16xf32>
        %swap3A_1009 = arith.constant 0 : i32
        %swap3A_1010 = arith.constant 0 : i32
        %swap3A_1011 = tpu.memref_slice %arg15[%scan3A_523, %swap3A_1009, %swap3A_1010] : memref<2x128x64xf32, #tpu.memory_space<vmem>> -> memref<1x128x64xf32, #tpu.memory_space<vmem>>
        %swap3A_1012 = tpu.memref_squeeze %swap3A_1011 : memref<1x128x64xf32, #tpu.memory_space<vmem>> -> memref<128x64xf32, #tpu.memory_space<vmem>>
        %swap3A_1013 = arith.index_cast %add3A_981 : i32 to index
        %swap3A_1014 = arith.constant 16 : index
        %swap3A_1015 = tpu.vector_load %swap3A_1012[%swap3A_1013, %swap3A_1014] {strides = array<i32>} : memref<128x64xf32, #tpu.memory_space<vmem>>, vector<16xf32>,
        tpu.vector_store %swap3A_1012[%swap3A_1013, %swap3A_1014], %mul3A_1008 {strides = array<i32>} : memref<128x64xf32, #tpu.memory_space<vmem>>, vector<16xf32>,
        %eq3A_1016 = arith.constant 1 : i32
        %eq3A_1017 = vector.broadcast %eq3A_1016 : i32 to vector<16xi32>
        %eq3A_1018 = arith.cmpi eq, %iota3A, %eq3A_1017 : vector<16xi32>
        %select_n3A_1019 = arith.select %eq3A_1018, %exp3A_867, %select_n3A_1000 : vector<16xi1>, vector<16xf32>
        %get3A_1020 = arith.constant 0 : i32
        %get3A_1021 = arith.constant 0 : i32
        %get3A_1022 = tpu.memref_slice %arg15[%scan3A_523, %get3A_1020, %get3A_1021] : memref<2x128x64xf32, #tpu.memory_space<vmem>> -> memref<1x128x64xf32, #tpu.memory_space<vmem>>
        %get3A_1023 = tpu.memref_squeeze %get3A_1022 : memref<1x128x64xf32, #tpu.memory_space<vmem>> -> memref<128x64xf32, #tpu.memory_space<vmem>>
        %get3A_1024 = arith.index_cast %add3A_981 : i32 to index
        %get3A_1025 = arith.constant 32 : index
        %get3A_1026 = tpu.vector_load %get3A_1023[%get3A_1024, %get3A_1025] {strides = array<i32>} : memref<128x64xf32, #tpu.memory_space<vmem>>, vector<16xf32>,
        %mul3A_1027 = arith.mulf %get3A_1026, %exp3A_870 : vector<16xf32>
        %swap3A_1028 = arith.constant 0 : i32
        %swap3A_1029 = arith.constant 0 : i32
        %swap3A_1030 = tpu.memref_slice %arg15[%scan3A_523, %swap3A_1028, %swap3A_1029] : memref<2x128x64xf32, #tpu.memory_space<vmem>> -> memref<1x128x64xf32, #tpu.memory_space<vmem>>
        %swap3A_1031 = tpu.memref_squeeze %swap3A_1030 : memref<1x128x64xf32, #tpu.memory_space<vmem>> -> memref<128x64xf32, #tpu.memory_space<vmem>>
        %swap3A_1032 = arith.index_cast %add3A_981 : i32 to index
        %swap3A_1033 = arith.constant 32 : index
        %swap3A_1034 = tpu.vector_load %swap3A_1031[%swap3A_1032, %swap3A_1033] {strides = array<i32>} : memref<128x64xf32, #tpu.memory_space<vmem>>, vector<16xf32>,
        tpu.vector_store %swap3A_1031[%swap3A_1032, %swap3A_1033], %mul3A_1027 {strides = array<i32>} : memref<128x64xf32, #tpu.memory_space<vmem>>, vector<16xf32>,
        %eq3A_1035 = arith.constant 2 : i32
        %eq3A_1036 = vector.broadcast %eq3A_1035 : i32 to vector<16xi32>
        %eq3A_1037 = arith.cmpi eq, %iota3A, %eq3A_1036 : vector<16xi32>
        %select_n3A_1038 = arith.select %eq3A_1037, %exp3A_870, %select_n3A_1019 : vector<16xi1>, vector<16xf32>
        %get3A_1039 = arith.constant 0 : i32
        %get3A_1040 = arith.constant 0 : i32
        %get3A_1041 = tpu.memref_slice %arg15[%scan3A_523, %get3A_1039, %get3A_1040] : memref<2x128x64xf32, #tpu.memory_space<vmem>> -> memref<1x128x64xf32, #tpu.memory_space<vmem>>
        %get3A_1042 = tpu.memref_squeeze %get3A_1041 : memref<1x128x64xf32, #tpu.memory_space<vmem>> -> memref<128x64xf32, #tpu.memory_space<vmem>>
        %get3A_1043 = arith.index_cast %add3A_981 : i32 to index
        %get3A_1044 = arith.constant 48 : index
        %get3A_1045 = tpu.vector_load %get3A_1042[%get3A_1043, %get3A_1044] {strides = array<i32>} : memref<128x64xf32, #tpu.memory_space<vmem>>, vector<16xf32>,
        %mul3A_1046 = arith.mulf %get3A_1045, %exp3A_873 : vector<16xf32>
        %swap3A_1047 = arith.constant 0 : i32
        %swap3A_1048 = arith.constant 0 : i32
        %swap3A_1049 = tpu.memref_slice %arg15[%scan3A_523, %swap3A_1047, %swap3A_1048] : memref<2x128x64xf32, #tpu.memory_space<vmem>> -> memref<1x128x64xf32, #tpu.memory_space<vmem>>
        %swap3A_1050 = tpu.memref_squeeze %swap3A_1049 : memref<1x128x64xf32, #tpu.memory_space<vmem>> -> memref<128x64xf32, #tpu.memory_space<vmem>>
        %swap3A_1051 = arith.index_cast %add3A_981 : i32 to index
        %swap3A_1052 = arith.constant 48 : index
        %swap3A_1053 = tpu.vector_load %swap3A_1050[%swap3A_1051, %swap3A_1052] {strides = array<i32>} : memref<128x64xf32, #tpu.memory_space<vmem>>, vector<16xf32>,
        tpu.vector_store %swap3A_1050[%swap3A_1051, %swap3A_1052], %mul3A_1046 {strides = array<i32>} : memref<128x64xf32, #tpu.memory_space<vmem>>, vector<16xf32>,
        %eq3A_1054 = arith.constant 3 : i32
        %eq3A_1055 = vector.broadcast %eq3A_1054 : i32 to vector<16xi32>
        %eq3A_1056 = arith.cmpi eq, %iota3A, %eq3A_1055 : vector<16xi32>
        %select_n3A_1057 = arith.select %eq3A_1056, %exp3A_873, %select_n3A_1038 : vector<16xi1>, vector<16xf32>
        %swap3A_1058 = arith.constant 0 : i32
        %swap3A_1059 = arith.constant 0 : i32
        %swap3A_1060 = tpu.memref_slice %arg16[%scan3A_524, %swap3A_1058, %swap3A_1059] : memref<2x128x16xf32, #tpu.memory_space<vmem>> -> memref<1x128x16xf32, #tpu.memory_space<vmem>>
        %swap3A_1061 = tpu.memref_squeeze %swap3A_1060 : memref<1x128x16xf32, #tpu.memory_space<vmem>> -> memref<128x16xf32, #tpu.memory_space<vmem>>
        %swap3A_1062 = arith.index_cast %add3A_981 : i32 to index
        %swap3A_1063 = arith.constant 0 : index
        %swap3A_1064 = tpu.vector_load %swap3A_1061[%swap3A_1062, %swap3A_1063] {strides = array<i32>} : memref<128x16xf32, #tpu.memory_space<vmem>>, vector<16xf32>,
        tpu.vector_store %swap3A_1061[%swap3A_1062, %swap3A_1063], %select_n3A_1057 {strides = array<i32>} : memref<128x16xf32, #tpu.memory_space<vmem>>, vector<16xf32>,
        %add3A_1065 = arith.constant 2 : i32
        %add3A_1066 = arith.addi %mul3A_556, %add3A_1065 : i32
        %get3A_1067 = arith.constant 0 : i32
        %get3A_1068 = arith.constant 0 : i32
        %get3A_1069 = tpu.memref_slice %arg15[%scan3A_523, %get3A_1067, %get3A_1068] : memref<2x128x64xf32, #tpu.memory_space<vmem>> -> memref<1x128x64xf32, #tpu.memory_space<vmem>>
        %get3A_1070 = tpu.memref_squeeze %get3A_1069 : memref<1x128x64xf32, #tpu.memory_space<vmem>> -> memref<128x64xf32, #tpu.memory_space<vmem>>
        %get3A_1071 = arith.index_cast %add3A_1066 : i32 to index
        %get3A_1072 = arith.constant 0 : index
        %get3A_1073 = tpu.vector_load %get3A_1070[%get3A_1071, %get3A_1072] {strides = array<i32>} : memref<128x64xf32, #tpu.memory_space<vmem>>, vector<16xf32>,
        %mul3A_1074 = arith.mulf %get3A_1073, %exp3A_876 : vector<16xf32>
        %swap3A_1075 = arith.constant 0 : i32
        %swap3A_1076 = arith.constant 0 : i32
        %swap3A_1077 = tpu.memref_slice %arg15[%scan3A_523, %swap3A_1075, %swap3A_1076] : memref<2x128x64xf32, #tpu.memory_space<vmem>> -> memref<1x128x64xf32, #tpu.memory_space<vmem>>
        %swap3A_1078 = tpu.memref_squeeze %swap3A_1077 : memref<1x128x64xf32, #tpu.memory_space<vmem>> -> memref<128x64xf32, #tpu.memory_space<vmem>>
        %swap3A_1079 = arith.index_cast %add3A_1066 : i32 to index
        %swap3A_1080 = arith.constant 0 : index
        %swap3A_1081 = tpu.vector_load %swap3A_1078[%swap3A_1079, %swap3A_1080] {strides = array<i32>} : memref<128x64xf32, #tpu.memory_space<vmem>>, vector<16xf32>,
        tpu.vector_store %swap3A_1078[%swap3A_1079, %swap3A_1080], %mul3A_1074 {strides = array<i32>} : memref<128x64xf32, #tpu.memory_space<vmem>>, vector<16xf32>,
        %eq3A_1082 = arith.constant 0 : i32
        %eq3A_1083 = vector.broadcast %eq3A_1082 : i32 to vector<16xi32>
        %eq3A_1084 = arith.cmpi eq, %iota3A, %eq3A_1083 : vector<16xi32>
        %select_n3A_1085 = arith.select %eq3A_1084, %exp3A_876, %broadcast_in_dim3A_0 : vector<16xi1>, vector<16xf32>
        %get3A_1086 = arith.constant 0 : i32
        %get3A_1087 = arith.constant 0 : i32
        %get3A_1088 = tpu.memref_slice %arg15[%scan3A_523, %get3A_1086, %get3A_1087] : memref<2x128x64xf32, #tpu.memory_space<vmem>> -> memref<1x128x64xf32, #tpu.memory_space<vmem>>
        %get3A_1089 = tpu.memref_squeeze %get3A_1088 : memref<1x128x64xf32, #tpu.memory_space<vmem>> -> memref<128x64xf32, #tpu.memory_space<vmem>>
        %get3A_1090 = arith.index_cast %add3A_1066 : i32 to index
        %get3A_1091 = arith.constant 16 : index
        %get3A_1092 = tpu.vector_load %get3A_1089[%get3A_1090, %get3A_1091] {strides = array<i32>} : memref<128x64xf32, #tpu.memory_space<vmem>>, vector<16xf32>,
        %mul3A_1093 = arith.mulf %get3A_1092, %exp3A_879 : vector<16xf32>
        %swap3A_1094 = arith.constant 0 : i32
        %swap3A_1095 = arith.constant 0 : i32
        %swap3A_1096 = tpu.memref_slice %arg15[%scan3A_523, %swap3A_1094, %swap3A_1095] : memref<2x128x64xf32, #tpu.memory_space<vmem>> -> memref<1x128x64xf32, #tpu.memory_space<vmem>>
        %swap3A_1097 = tpu.memref_squeeze %swap3A_1096 : memref<1x128x64xf32, #tpu.memory_space<vmem>> -> memref<128x64xf32, #tpu.memory_space<vmem>>
        %swap3A_1098 = arith.index_cast %add3A_1066 : i32 to index
        %swap3A_1099 = arith.constant 16 : index
        %swap3A_1100 = tpu.vector_load %swap3A_1097[%swap3A_1098, %swap3A_1099] {strides = array<i32>} : memref<128x64xf32, #tpu.memory_space<vmem>>, vector<16xf32>,
        tpu.vector_store %swap3A_1097[%swap3A_1098, %swap3A_1099], %mul3A_1093 {strides = array<i32>} : memref<128x64xf32, #tpu.memory_space<vmem>>, vector<16xf32>,
        %eq3A_1101 = arith.constant 1 : i32
        %eq3A_1102 = vector.broadcast %eq3A_1101 : i32 to vector<16xi32>
        %eq3A_1103 = arith.cmpi eq, %iota3A, %eq3A_1102 : vector<16xi32>
        %select_n3A_1104 = arith.select %eq3A_1103, %exp3A_879, %select_n3A_1085 : vector<16xi1>, vector<16xf32>
        %get3A_1105 = arith.constant 0 : i32
        %get3A_1106 = arith.constant 0 : i32
        %get3A_1107 = tpu.memref_slice %arg15[%scan3A_523, %get3A_1105, %get3A_1106] : memref<2x128x64xf32, #tpu.memory_space<vmem>> -> memref<1x128x64xf32, #tpu.memory_space<vmem>>
        %get3A_1108 = tpu.memref_squeeze %get3A_1107 : memref<1x128x64xf32, #tpu.memory_space<vmem>> -> memref<128x64xf32, #tpu.memory_space<vmem>>
        %get3A_1109 = arith.index_cast %add3A_1066 : i32 to index
        %get3A_1110 = arith.constant 32 : index
        %get3A_1111 = tpu.vector_load %get3A_1108[%get3A_1109, %get3A_1110] {strides = array<i32>} : memref<128x64xf32, #tpu.memory_space<vmem>>, vector<16xf32>,
        %mul3A_1112 = arith.mulf %get3A_1111, %exp3A_882 : vector<16xf32>
        %swap3A_1113 = arith.constant 0 : i32
        %swap3A_1114 = arith.constant 0 : i32
        %swap3A_1115 = tpu.memref_slice %arg15[%scan3A_523, %swap3A_1113, %swap3A_1114] : memref<2x128x64xf32, #tpu.memory_space<vmem>> -> memref<1x128x64xf32, #tpu.memory_space<vmem>>
        %swap3A_1116 = tpu.memref_squeeze %swap3A_1115 : memref<1x128x64xf32, #tpu.memory_space<vmem>> -> memref<128x64xf32, #tpu.memory_space<vmem>>
        %swap3A_1117 = arith.index_cast %add3A_1066 : i32 to index
        %swap3A_1118 = arith.constant 32 : index
        %swap3A_1119 = tpu.vector_load %swap3A_1116[%swap3A_1117, %swap3A_1118] {strides = array<i32>} : memref<128x64xf32, #tpu.memory_space<vmem>>, vector<16xf32>,
        tpu.vector_store %swap3A_1116[%swap3A_1117, %swap3A_1118], %mul3A_1112 {strides = array<i32>} : memref<128x64xf32, #tpu.memory_space<vmem>>, vector<16xf32>,
        %eq3A_1120 = arith.constant 2 : i32
        %eq3A_1121 = vector.broadcast %eq3A_1120 : i32 to vector<16xi32>
        %eq3A_1122 = arith.cmpi eq, %iota3A, %eq3A_1121 : vector<16xi32>
        %select_n3A_1123 = arith.select %eq3A_1122, %exp3A_882, %select_n3A_1104 : vector<16xi1>, vector<16xf32>
        %get3A_1124 = arith.constant 0 : i32
        %get3A_1125 = arith.constant 0 : i32
        %get3A_1126 = tpu.memref_slice %arg15[%scan3A_523, %get3A_1124, %get3A_1125] : memref<2x128x64xf32, #tpu.memory_space<vmem>> -> memref<1x128x64xf32, #tpu.memory_space<vmem>>
        %get3A_1127 = tpu.memref_squeeze %get3A_1126 : memref<1x128x64xf32, #tpu.memory_space<vmem>> -> memref<128x64xf32, #tpu.memory_space<vmem>>
        %get3A_1128 = arith.index_cast %add3A_1066 : i32 to index
        %get3A_1129 = arith.constant 48 : index
        %get3A_1130 = tpu.vector_load %get3A_1127[%get3A_1128, %get3A_1129] {strides = array<i32>} : memref<128x64xf32, #tpu.memory_space<vmem>>, vector<16xf32>,
        %mul3A_1131 = arith.mulf %get3A_1130, %exp3A_885 : vector<16xf32>
        %swap3A_1132 = arith.constant 0 : i32
        %swap3A_1133 = arith.constant 0 : i32
        %swap3A_1134 = tpu.memref_slice %arg15[%scan3A_523, %swap3A_1132, %swap3A_1133] : memref<2x128x64xf32, #tpu.memory_space<vmem>> -> memref<1x128x64xf32, #tpu.memory_space<vmem>>
        %swap3A_1135 = tpu.memref_squeeze %swap3A_1134 : memref<1x128x64xf32, #tpu.memory_space<vmem>> -> memref<128x64xf32, #tpu.memory_space<vmem>>
        %swap3A_1136 = arith.index_cast %add3A_1066 : i32 to index
        %swap3A_1137 = arith.constant 48 : index
        %swap3A_1138 = tpu.vector_load %swap3A_1135[%swap3A_1136, %swap3A_1137] {strides = array<i32>} : memref<128x64xf32, #tpu.memory_space<vmem>>, vector<16xf32>,
        tpu.vector_store %swap3A_1135[%swap3A_1136, %swap3A_1137], %mul3A_1131 {strides = array<i32>} : memref<128x64xf32, #tpu.memory_space<vmem>>, vector<16xf32>,
        %eq3A_1139 = arith.constant 3 : i32
        %eq3A_1140 = vector.broadcast %eq3A_1139 : i32 to vector<16xi32>
        %eq3A_1141 = arith.cmpi eq, %iota3A, %eq3A_1140 : vector<16xi32>
        %select_n3A_1142 = arith.select %eq3A_1141, %exp3A_885, %select_n3A_1123 : vector<16xi1>, vector<16xf32>
        %swap3A_1143 = arith.constant 0 : i32
        %swap3A_1144 = arith.constant 0 : i32
        %swap3A_1145 = tpu.memref_slice %arg16[%scan3A_524, %swap3A_1143, %swap3A_1144] : memref<2x128x16xf32, #tpu.memory_space<vmem>> -> memref<1x128x16xf32, #tpu.memory_space<vmem>>
        %swap3A_1146 = tpu.memref_squeeze %swap3A_1145 : memref<1x128x16xf32, #tpu.memory_space<vmem>> -> memref<128x16xf32, #tpu.memory_space<vmem>>
        %swap3A_1147 = arith.index_cast %add3A_1066 : i32 to index
        %swap3A_1148 = arith.constant 0 : index
        %swap3A_1149 = tpu.vector_load %swap3A_1146[%swap3A_1147, %swap3A_1148] {strides = array<i32>} : memref<128x16xf32, #tpu.memory_space<vmem>>, vector<16xf32>,
        tpu.vector_store %swap3A_1146[%swap3A_1147, %swap3A_1148], %select_n3A_1142 {strides = array<i32>} : memref<128x16xf32, #tpu.memory_space<vmem>>, vector<16xf32>,
        %add3A_1150 = arith.constant 3 : i32
        %add3A_1151 = arith.addi %mul3A_556, %add3A_1150 : i32
        %get3A_1152 = arith.constant 0 : i32
        %get3A_1153 = arith.constant 0 : i32
        %get3A_1154 = tpu.memref_slice %arg15[%scan3A_523, %get3A_1152, %get3A_1153] : memref<2x128x64xf32, #tpu.memory_space<vmem>> -> memref<1x128x64xf32, #tpu.memory_space<vmem>>
        %get3A_1155 = tpu.memref_squeeze %get3A_1154 : memref<1x128x64xf32, #tpu.memory_space<vmem>> -> memref<128x64xf32, #tpu.memory_space<vmem>>
        %get3A_1156 = arith.index_cast %add3A_1151 : i32 to index
        %get3A_1157 = arith.constant 0 : index
        %get3A_1158 = tpu.vector_load %get3A_1155[%get3A_1156, %get3A_1157] {strides = array<i32>} : memref<128x64xf32, #tpu.memory_space<vmem>>, vector<16xf32>,
        %mul3A_1159 = arith.mulf %get3A_1158, %exp3A_888 : vector<16xf32>
        %swap3A_1160 = arith.constant 0 : i32
        %swap3A_1161 = arith.constant 0 : i32
        %swap3A_1162 = tpu.memref_slice %arg15[%scan3A_523, %swap3A_1160, %swap3A_1161] : memref<2x128x64xf32, #tpu.memory_space<vmem>> -> memref<1x128x64xf32, #tpu.memory_space<vmem>>
        %swap3A_1163 = tpu.memref_squeeze %swap3A_1162 : memref<1x128x64xf32, #tpu.memory_space<vmem>> -> memref<128x64xf32, #tpu.memory_space<vmem>>
        %swap3A_1164 = arith.index_cast %add3A_1151 : i32 to index
        %swap3A_1165 = arith.constant 0 : index
        %swap3A_1166 = tpu.vector_load %swap3A_1163[%swap3A_1164, %swap3A_1165] {strides = array<i32>} : memref<128x64xf32, #tpu.memory_space<vmem>>, vector<16xf32>,
        tpu.vector_store %swap3A_1163[%swap3A_1164, %swap3A_1165], %mul3A_1159 {strides = array<i32>} : memref<128x64xf32, #tpu.memory_space<vmem>>, vector<16xf32>,
        %eq3A_1167 = arith.constant 0 : i32
        %eq3A_1168 = vector.broadcast %eq3A_1167 : i32 to vector<16xi32>
        %eq3A_1169 = arith.cmpi eq, %iota3A, %eq3A_1168 : vector<16xi32>
        %select_n3A_1170 = arith.select %eq3A_1169, %exp3A_888, %broadcast_in_dim3A_0 : vector<16xi1>, vector<16xf32>
        %get3A_1171 = arith.constant 0 : i32
        %get3A_1172 = arith.constant 0 : i32
        %get3A_1173 = tpu.memref_slice %arg15[%scan3A_523, %get3A_1171, %get3A_1172] : memref<2x128x64xf32, #tpu.memory_space<vmem>> -> memref<1x128x64xf32, #tpu.memory_space<vmem>>
        %get3A_1174 = tpu.memref_squeeze %get3A_1173 : memref<1x128x64xf32, #tpu.memory_space<vmem>> -> memref<128x64xf32, #tpu.memory_space<vmem>>
        %get3A_1175 = arith.index_cast %add3A_1151 : i32 to index
        %get3A_1176 = arith.constant 16 : index
        %get3A_1177 = tpu.vector_load %get3A_1174[%get3A_1175, %get3A_1176] {strides = array<i32>} : memref<128x64xf32, #tpu.memory_space<vmem>>, vector<16xf32>,
        %mul3A_1178 = arith.mulf %get3A_1177, %exp3A_891 : vector<16xf32>
        %swap3A_1179 = arith.constant 0 : i32
        %swap3A_1180 = arith.constant 0 : i32
        %swap3A_1181 = tpu.memref_slice %arg15[%scan3A_523, %swap3A_1179, %swap3A_1180] : memref<2x128x64xf32, #tpu.memory_space<vmem>> -> memref<1x128x64xf32, #tpu.memory_space<vmem>>
        %swap3A_1182 = tpu.memref_squeeze %swap3A_1181 : memref<1x128x64xf32, #tpu.memory_space<vmem>> -> memref<128x64xf32, #tpu.memory_space<vmem>>
        %swap3A_1183 = arith.index_cast %add3A_1151 : i32 to index
        %swap3A_1184 = arith.constant 16 : index
        %swap3A_1185 = tpu.vector_load %swap3A_1182[%swap3A_1183, %swap3A_1184] {strides = array<i32>} : memref<128x64xf32, #tpu.memory_space<vmem>>, vector<16xf32>,
        tpu.vector_store %swap3A_1182[%swap3A_1183, %swap3A_1184], %mul3A_1178 {strides = array<i32>} : memref<128x64xf32, #tpu.memory_space<vmem>>, vector<16xf32>,
        %eq3A_1186 = arith.constant 1 : i32
        %eq3A_1187 = vector.broadcast %eq3A_1186 : i32 to vector<16xi32>
        %eq3A_1188 = arith.cmpi eq, %iota3A, %eq3A_1187 : vector<16xi32>
        %select_n3A_1189 = arith.select %eq3A_1188, %exp3A_891, %select_n3A_1170 : vector<16xi1>, vector<16xf32>
        %get3A_1190 = arith.constant 0 : i32
        %get3A_1191 = arith.constant 0 : i32
        %get3A_1192 = tpu.memref_slice %arg15[%scan3A_523, %get3A_1190, %get3A_1191] : memref<2x128x64xf32, #tpu.memory_space<vmem>> -> memref<1x128x64xf32, #tpu.memory_space<vmem>>
        %get3A_1193 = tpu.memref_squeeze %get3A_1192 : memref<1x128x64xf32, #tpu.memory_space<vmem>> -> memref<128x64xf32, #tpu.memory_space<vmem>>
        %get3A_1194 = arith.index_cast %add3A_1151 : i32 to index
        %get3A_1195 = arith.constant 32 : index
        %get3A_1196 = tpu.vector_load %get3A_1193[%get3A_1194, %get3A_1195] {strides = array<i32>} : memref<128x64xf32, #tpu.memory_space<vmem>>, vector<16xf32>,
        %mul3A_1197 = arith.mulf %get3A_1196, %exp3A_894 : vector<16xf32>
        %swap3A_1198 = arith.constant 0 : i32
        %swap3A_1199 = arith.constant 0 : i32
        %swap3A_1200 = tpu.memref_slice %arg15[%scan3A_523, %swap3A_1198, %swap3A_1199] : memref<2x128x64xf32, #tpu.memory_space<vmem>> -> memref<1x128x64xf32, #tpu.memory_space<vmem>>
        %swap3A_1201 = tpu.memref_squeeze %swap3A_1200 : memref<1x128x64xf32, #tpu.memory_space<vmem>> -> memref<128x64xf32, #tpu.memory_space<vmem>>
        %swap3A_1202 = arith.index_cast %add3A_1151 : i32 to index
        %swap3A_1203 = arith.constant 32 : index
        %swap3A_1204 = tpu.vector_load %swap3A_1201[%swap3A_1202, %swap3A_1203] {strides = array<i32>} : memref<128x64xf32, #tpu.memory_space<vmem>>, vector<16xf32>,
        tpu.vector_store %swap3A_1201[%swap3A_1202, %swap3A_1203], %mul3A_1197 {strides = array<i32>} : memref<128x64xf32, #tpu.memory_space<vmem>>, vector<16xf32>,
        %eq3A_1205 = arith.constant 2 : i32
        %eq3A_1206 = vector.broadcast %eq3A_1205 : i32 to vector<16xi32>
        %eq3A_1207 = arith.cmpi eq, %iota3A, %eq3A_1206 : vector<16xi32>
        %select_n3A_1208 = arith.select %eq3A_1207, %exp3A_894, %select_n3A_1189 : vector<16xi1>, vector<16xf32>
        %get3A_1209 = arith.constant 0 : i32
        %get3A_1210 = arith.constant 0 : i32
        %get3A_1211 = tpu.memref_slice %arg15[%scan3A_523, %get3A_1209, %get3A_1210] : memref<2x128x64xf32, #tpu.memory_space<vmem>> -> memref<1x128x64xf32, #tpu.memory_space<vmem>>
        %get3A_1212 = tpu.memref_squeeze %get3A_1211 : memref<1x128x64xf32, #tpu.memory_space<vmem>> -> memref<128x64xf32, #tpu.memory_space<vmem>>
        %get3A_1213 = arith.index_cast %add3A_1151 : i32 to index
        %get3A_1214 = arith.constant 48 : index
        %get3A_1215 = tpu.vector_load %get3A_1212[%get3A_1213, %get3A_1214] {strides = array<i32>} : memref<128x64xf32, #tpu.memory_space<vmem>>, vector<16xf32>,
        %mul3A_1216 = arith.mulf %get3A_1215, %exp3A_897 : vector<16xf32>
        %swap3A_1217 = arith.constant 0 : i32
        %swap3A_1218 = arith.constant 0 : i32
        %swap3A_1219 = tpu.memref_slice %arg15[%scan3A_523, %swap3A_1217, %swap3A_1218] : memref<2x128x64xf32, #tpu.memory_space<vmem>> -> memref<1x128x64xf32, #tpu.memory_space<vmem>>
        %swap3A_1220 = tpu.memref_squeeze %swap3A_1219 : memref<1x128x64xf32, #tpu.memory_space<vmem>> -> memref<128x64xf32, #tpu.memory_space<vmem>>
        %swap3A_1221 = arith.index_cast %add3A_1151 : i32 to index
        %swap3A_1222 = arith.constant 48 : index
        %swap3A_1223 = tpu.vector_load %swap3A_1220[%swap3A_1221, %swap3A_1222] {strides = array<i32>} : memref<128x64xf32, #tpu.memory_space<vmem>>, vector<16xf32>,
        tpu.vector_store %swap3A_1220[%swap3A_1221, %swap3A_1222], %mul3A_1216 {strides = array<i32>} : memref<128x64xf32, #tpu.memory_space<vmem>>, vector<16xf32>,
        %eq3A_1224 = arith.constant 3 : i32
        %eq3A_1225 = vector.broadcast %eq3A_1224 : i32 to vector<16xi32>
        %eq3A_1226 = arith.cmpi eq, %iota3A, %eq3A_1225 : vector<16xi32>
        %select_n3A_1227 = arith.select %eq3A_1226, %exp3A_897, %select_n3A_1208 : vector<16xi1>, vector<16xf32>
        %swap3A_1228 = arith.constant 0 : i32
        %swap3A_1229 = arith.constant 0 : i32
        %swap3A_1230 = tpu.memref_slice %arg16[%scan3A_524, %swap3A_1228, %swap3A_1229] : memref<2x128x16xf32, #tpu.memory_space<vmem>> -> memref<1x128x16xf32, #tpu.memory_space<vmem>>
        %swap3A_1231 = tpu.memref_squeeze %swap3A_1230 : memref<1x128x16xf32, #tpu.memory_space<vmem>> -> memref<128x16xf32, #tpu.memory_space<vmem>>
        %swap3A_1232 = arith.index_cast %add3A_1151 : i32 to index
        %swap3A_1233 = arith.constant 0 : index
        %swap3A_1234 = tpu.vector_load %swap3A_1231[%swap3A_1232, %swap3A_1233] {strides = array<i32>} : memref<128x16xf32, #tpu.memory_space<vmem>>, vector<16xf32>,
        tpu.vector_store %swap3A_1231[%swap3A_1232, %swap3A_1233], %select_n3A_1227 {strides = array<i32>} : memref<128x16xf32, #tpu.memory_space<vmem>>, vector<16xf32>,
      }
      %scan3A_529 = arith.constant 32 : i32
      %dma_start3A_530 = arith.constant 1 : i32
      %dma_start3A_531 = arith.constant 3 : i32
      %dma_start3A_532 = arith.constant 0 : i32
      %dma_start3A_533 = arith.constant 0 : i32
      %dma_start3A_534 = tpu.memref_slice %arg16[%dma_start3A_530, %dma_start3A_532, %dma_start3A_533] : memref<2x128x16xf32, #tpu.memory_space<vmem>> -> memref<1x128x16xf32, #tpu.memory_space<vmem>>
      %dma_start3A_535 = tpu.memref_squeeze %dma_start3A_534 : memref<1x128x16xf32, #tpu.memory_space<vmem>> -> memref<128x16xf32, #tpu.memory_space<vmem>>
      %dma_start3A_536 = arith.constant 0 : i32
      %dma_start3A_537 = tpu.memref_slice %arg11[%dma_start3A_531, %dma_start3A_536] : memref<4x128xi32, #tpu.memory_space<vmem>> -> memref<1x128xi32, #tpu.memory_space<vmem>>
      %dma_start3A_538 = tpu.memref_squeeze %dma_start3A_537 : memref<1x128xi32, #tpu.memory_space<vmem>> -> memref<128xi32, #tpu.memory_space<vmem>>
      %dma_start3A_539 = arith.constant 0 : i32
      %dma_start3A_540 = arith.constant 0 : i32
      %dma_start3A_541 = tpu.memref_slice %arg19[%dma_start3A_539, %dma_start3A_540] : memref<10240x16xf32, #tpu.memory_space<vmem_shared>> -> memref<10240x16xf32, #tpu.memory_space<vmem_shared>>
      tpu.enqueue_indirect_dma source(%dma_start3A_535 : memref<128x16xf32, #tpu.memory_space<vmem>>) target(%dma_start3A_541 : memref<10240x16xf32, #tpu.memory_space<vmem_shared>>) offsets(%dma_start3A_538 : memref<128xi32, #tpu.memory_space<vmem>>) semaphore(%arg27 : memref<!tpu.dma_semaphore, #tpu.memory_space<semaphore_mem>>) {add = true}
      %dma_start3A_542 = arith.constant 1 : i32
      %dma_start3A_543 = arith.constant 3 : i32
      %dma_start3A_544 = arith.constant 0 : i32
      %dma_start3A_545 = arith.constant 0 : i32
      %dma_start3A_546 = tpu.memref_slice %arg15[%dma_start3A_542, %dma_start3A_544, %dma_start3A_545] : memref<2x128x64xf32, #tpu.memory_space<vmem>> -> memref<1x128x64xf32, #tpu.memory_space<vmem>>
      %dma_start3A_547 = tpu.memref_squeeze %dma_start3A_546 : memref<1x128x64xf32, #tpu.memory_space<vmem>> -> memref<128x64xf32, #tpu.memory_space<vmem>>
      %dma_start3A_548 = arith.constant 0 : i32
      %dma_start3A_549 = tpu.memref_slice %arg11[%dma_start3A_543, %dma_start3A_548] : memref<4x128xi32, #tpu.memory_space<vmem>> -> memref<1x128xi32, #tpu.memory_space<vmem>>
      %dma_start3A_550 = tpu.memref_squeeze %dma_start3A_549 : memref<1x128xi32, #tpu.memory_space<vmem>> -> memref<128xi32, #tpu.memory_space<vmem>>
      %dma_start3A_551 = arith.constant 0 : i32
      %dma_start3A_552 = arith.constant 0 : i32
      %dma_start3A_553 = tpu.memref_slice %arg18[%dma_start3A_551, %dma_start3A_552] : memref<10240x64xf32, #tpu.memory_space<vmem_shared>> -> memref<10240x64xf32, #tpu.memory_space<vmem_shared>>
      tpu.enqueue_indirect_dma source(%dma_start3A_547 : memref<128x64xf32, #tpu.memory_space<vmem>>) target(%dma_start3A_553 : memref<10240x64xf32, #tpu.memory_space<vmem_shared>>) offsets(%dma_start3A_550 : memref<128xi32, #tpu.memory_space<vmem>>) semaphore(%arg27 : memref<!tpu.dma_semaphore, #tpu.memory_space<semaphore_mem>>) {add = true}
    }
    %scan3A_57 = arith.constant 41 : i32
    %dma_wait3A = arith.constant 1 : i32
    %dma_wait3A_58 = arith.constant 3 : i32
    %dma_wait3A_59 = arith.constant 0 : i32
    %dma_wait3A_60 = arith.constant 0 : i32
    %dma_wait3A_61 = tpu.memref_slice %arg16[%dma_wait3A, %dma_wait3A_59, %dma_wait3A_60] : memref<2x128x16xf32, #tpu.memory_space<vmem>> -> memref<1x128x16xf32, #tpu.memory_space<vmem>>
    %dma_wait3A_62 = tpu.memref_squeeze %dma_wait3A_61 : memref<1x128x16xf32, #tpu.memory_space<vmem>> -> memref<128x16xf32, #tpu.memory_space<vmem>>
    %dma_wait3A_63 = arith.constant 0 : i32
    %dma_wait3A_64 = tpu.memref_slice %arg11[%dma_wait3A_58, %dma_wait3A_63] : memref<4x128xi32, #tpu.memory_space<vmem>> -> memref<1x128xi32, #tpu.memory_space<vmem>>
    %dma_wait3A_65 = tpu.memref_squeeze %dma_wait3A_64 : memref<1x128xi32, #tpu.memory_space<vmem>> -> memref<128xi32, #tpu.memory_space<vmem>>
    %dma_wait3A_66 = arith.constant 0 : i32
    %dma_wait3A_67 = arith.constant 0 : i32
    %dma_wait3A_68 = tpu.memref_slice %arg19[%dma_wait3A_66, %dma_wait3A_67] : memref<10240x16xf32, #tpu.memory_space<vmem_shared>> -> memref<10240x16xf32, #tpu.memory_space<vmem_shared>>
    tpu.wait_indirect_dma semaphore(%arg27 : memref<!tpu.dma_semaphore, #tpu.memory_space<semaphore_mem>>) src(%dma_wait3A_62 : memref<128x16xf32, #tpu.memory_space<vmem>>) dst(%dma_wait3A_68 : memref<10240x16xf32, #tpu.memory_space<vmem_shared>>)
    %dma_wait3A_69 = arith.constant 1 : i32
    %dma_wait3A_70 = arith.constant 3 : i32
    %dma_wait3A_71 = arith.constant 0 : i32
    %dma_wait3A_72 = arith.constant 0 : i32
    %dma_wait3A_73 = tpu.memref_slice %arg15[%dma_wait3A_69, %dma_wait3A_71, %dma_wait3A_72] : memref<2x128x64xf32, #tpu.memory_space<vmem>> -> memref<1x128x64xf32, #tpu.memory_space<vmem>>
    %dma_wait3A_74 = tpu.memref_squeeze %dma_wait3A_73 : memref<1x128x64xf32, #tpu.memory_space<vmem>> -> memref<128x64xf32, #tpu.memory_space<vmem>>
    %dma_wait3A_75 = arith.constant 0 : i32
    %dma_wait3A_76 = tpu.memref_slice %arg11[%dma_wait3A_70, %dma_wait3A_75] : memref<4x128xi32, #tpu.memory_space<vmem>> -> memref<1x128xi32, #tpu.memory_space<vmem>>
    %dma_wait3A_77 = tpu.memref_squeeze %dma_wait3A_76 : memref<1x128xi32, #tpu.memory_space<vmem>> -> memref<128xi32, #tpu.memory_space<vmem>>
    %dma_wait3A_78 = arith.constant 0 : i32
    %dma_wait3A_79 = arith.constant 0 : i32
    %dma_wait3A_80 = tpu.memref_slice %arg18[%dma_wait3A_78, %dma_wait3A_79] : memref<10240x64xf32, #tpu.memory_space<vmem_shared>> -> memref<10240x64xf32, #tpu.memory_space<vmem_shared>>
    tpu.wait_indirect_dma semaphore(%arg27 : memref<!tpu.dma_semaphore, #tpu.memory_space<semaphore_mem>>) src(%dma_wait3A_74 : memref<128x64xf32, #tpu.memory_space<vmem>>) dst(%dma_wait3A_80 : memref<10240x64xf32, #tpu.memory_space<vmem_shared>>)
    %barrier3A_81 = arith.constant 0 : index
    tpu.barrier barrier_id(%barrier3A_81)
    "tpu.region"() ({
      %run_scoped3A = tpu.sem_alloc : memref<!tpu.dma_semaphore, #tpu.memory_space<semaphore_mem>>
      %dma_start3A_95 = arith.constant 0 : i32
      %dma_start3A_96 = tpu.memref_slice %arg9[%arg0, %dma_start3A_95] : memref<2x64xf32, #tpu.memory_space<hbm>> -> memref<1x64xf32, #tpu.memory_space<hbm>>
      %dma_start3A_97 = tpu.memref_squeeze %dma_start3A_96 : memref<1x64xf32, #tpu.memory_space<hbm>> -> memref<64xf32, #tpu.memory_space<hbm>>
      %dma_start3A_98 = arith.constant 0 : i32
      %dma_start3A_99 = tpu.memref_slice %arg9[%arg0, %dma_start3A_98] : memref<2x64xf32, #tpu.memory_space<hbm>> -> memref<1x64xf32, #tpu.memory_space<hbm>>
      %dma_start3A_100 = tpu.memref_squeeze %dma_start3A_99 : memref<1x64xf32, #tpu.memory_space<hbm>> -> memref<64xf32, #tpu.memory_space<hbm>>
      tpu.enqueue_dma source(%dma_start3A_100 : memref<64xf32, #tpu.memory_space<hbm>>) target(%arg17 : memref<64xf32, #tpu.memory_space<vmem>>) target_semaphore(%run_scoped3A : memref<!tpu.dma_semaphore, #tpu.memory_space<semaphore_mem>>)
      %dma_wait3A_101 = arith.constant 0 : i32
      %dma_wait3A_102 = tpu.memref_slice %arg9[%arg0, %dma_wait3A_101] : memref<2x64xf32, #tpu.memory_space<hbm>> -> memref<1x64xf32, #tpu.memory_space<hbm>>
      %dma_wait3A_103 = tpu.memref_squeeze %dma_wait3A_102 : memref<1x64xf32, #tpu.memory_space<hbm>> -> memref<64xf32, #tpu.memory_space<hbm>>
      %dma_wait3A_104 = arith.constant 0 : i32
      %dma_wait3A_105 = tpu.memref_slice %arg9[%arg0, %dma_wait3A_104] : memref<2x64xf32, #tpu.memory_space<hbm>> -> memref<1x64xf32, #tpu.memory_space<hbm>>
      %dma_wait3A_106 = tpu.memref_squeeze %dma_wait3A_105 : memref<1x64xf32, #tpu.memory_space<hbm>> -> memref<64xf32, #tpu.memory_space<hbm>>
      tpu.wait_dma2 semaphore(%run_scoped3A : memref<!tpu.dma_semaphore, #tpu.memory_space<semaphore_mem>>) src(%dma_wait3A_106 : memref<64xf32, #tpu.memory_space<hbm>>) dst(%arg17 : memref<64xf32, #tpu.memory_space<vmem>>)
      tpu.yield
    }) : () -> ()
    %get3A = arith.constant 0 : index
    %get3A_82 = tpu.vector_load %arg17[%get3A] {strides = array<i32>} : memref<64xf32, #tpu.memory_space<vmem>>, vector<16xf32>,
    %get3A_83 = arith.constant 16 : index
    %get3A_84 = tpu.vector_load %arg17[%get3A_83] {strides = array<i32>} : memref<64xf32, #tpu.memory_space<vmem>>, vector<16xf32>,
    %get3A_85 = arith.constant 32 : index
    %get3A_86 = tpu.vector_load %arg17[%get3A_85] {strides = array<i32>} : memref<64xf32, #tpu.memory_space<vmem>>, vector<16xf32>,
    %get3A_87 = arith.constant 48 : index
    %get3A_88 = tpu.vector_load %arg17[%get3A_87] {strides = array<i32>} : memref<64xf32, #tpu.memory_space<vmem>>, vector<16xf32>,
    %scan3A_89 = arith.constant 0 : i32
    %scan3A_90 = arith.constant 0 : i32
    %scan3A_91 = arith.constant 5 : i32
    %scan3A_92 = arith.addi %scan3A_90, %scan3A_91 : i32
    %scan3A_93 = arith.constant 1 : i32
    scf.for %scan3A_95 = %scan3A_90 to %scan3A_92 step %scan3A_93  : i32 {
      %mul3A_96 = arith.constant 640 : i32
      %mul3A_97 = arith.muli %arg1, %mul3A_96 : i32
      %mul3A_98 = arith.constant 128 : i32
      %mul3A_99 = arith.muli %scan3A_95, %mul3A_98 : i32
      %add3A = arith.addi %mul3A_97, %mul3A_99 : i32
      %run_scoped3A = arith.constant 0 : i32
      "tpu.region"() ({
        %run_scoped3A_110 = tpu.sem_alloc : memref<!tpu.dma_semaphore, #tpu.memory_space<semaphore_mem>>
        %dma_start3A_111 = arith.constant 0 : i32
        %dma_start3A_112 = arith.constant 0 : i32
        %dma_start3A_113 = tpu.memref_slice %arg13[%run_scoped3A, %dma_start3A_111, %dma_start3A_112] : memref<2x128x64xf32, #tpu.memory_space<vmem>> -> memref<1x128x64xf32, #tpu.memory_space<vmem>>
        %dma_start3A_114 = tpu.memref_squeeze %dma_start3A_113 : memref<1x128x64xf32, #tpu.memory_space<vmem>> -> memref<128x64xf32, #tpu.memory_space<vmem>>
        %dma_start3A_115 = arith.constant 0 : i32
        %dma_start3A_116 = tpu.memref_slice %arg18[%add3A, %dma_start3A_115] : memref<10240x64xf32, #tpu.memory_space<vmem_shared>> -> memref<128x64xf32, #tpu.memory_space<vmem_shared>>
        %dma_start3A_117 = arith.constant 0 : i32
        %dma_start3A_118 = arith.constant 0 : i32
        %dma_start3A_119 = tpu.memref_slice %arg13[%run_scoped3A, %dma_start3A_117, %dma_start3A_118] : memref<2x128x64xf32, #tpu.memory_space<vmem>> -> memref<1x128x64xf32, #tpu.memory_space<vmem>>
        %dma_start3A_120 = tpu.memref_squeeze %dma_start3A_119 : memref<1x128x64xf32, #tpu.memory_space<vmem>> -> memref<128x64xf32, #tpu.memory_space<vmem>>
        %dma_start3A_121 = arith.constant 0 : i32
        %dma_start3A_122 = tpu.memref_slice %arg18[%add3A, %dma_start3A_121] : memref<10240x64xf32, #tpu.memory_space<vmem_shared>> -> memref<128x64xf32, #tpu.memory_space<vmem_shared>>
        tpu.enqueue_dma source(%dma_start3A_122 : memref<128x64xf32, #tpu.memory_space<vmem_shared>>) target(%dma_start3A_120 : memref<128x64xf32, #tpu.memory_space<vmem>>) target_semaphore(%run_scoped3A_110 : memref<!tpu.dma_semaphore, #tpu.memory_space<semaphore_mem>>)
        %dma_wait3A_123 = arith.constant 0 : i32
        %dma_wait3A_124 = arith.constant 0 : i32
        %dma_wait3A_125 = tpu.memref_slice %arg13[%run_scoped3A, %dma_wait3A_123, %dma_wait3A_124] : memref<2x128x64xf32, #tpu.memory_space<vmem>> -> memref<1x128x64xf32, #tpu.memory_space<vmem>>
        %dma_wait3A_126 = tpu.memref_squeeze %dma_wait3A_125 : memref<1x128x64xf32, #tpu.memory_space<vmem>> -> memref<128x64xf32, #tpu.memory_space<vmem>>
        %dma_wait3A_127 = arith.constant 0 : i32
        %dma_wait3A_128 = tpu.memref_slice %arg18[%add3A, %dma_wait3A_127] : memref<10240x64xf32, #tpu.memory_space<vmem_shared>> -> memref<128x64xf32, #tpu.memory_space<vmem_shared>>
        %dma_wait3A_129 = arith.constant 0 : i32
        %dma_wait3A_130 = arith.constant 0 : i32
        %dma_wait3A_131 = tpu.memref_slice %arg13[%run_scoped3A, %dma_wait3A_129, %dma_wait3A_130] : memref<2x128x64xf32, #tpu.memory_space<vmem>> -> memref<1x128x64xf32, #tpu.memory_space<vmem>>
        %dma_wait3A_132 = tpu.memref_squeeze %dma_wait3A_131 : memref<1x128x64xf32, #tpu.memory_space<vmem>> -> memref<128x64xf32, #tpu.memory_space<vmem>>
        %dma_wait3A_133 = arith.constant 0 : i32
        %dma_wait3A_134 = tpu.memref_slice %arg18[%add3A, %dma_wait3A_133] : memref<10240x64xf32, #tpu.memory_space<vmem_shared>> -> memref<128x64xf32, #tpu.memory_space<vmem_shared>>
        tpu.wait_dma2 semaphore(%run_scoped3A_110 : memref<!tpu.dma_semaphore, #tpu.memory_space<semaphore_mem>>) src(%dma_wait3A_134 : memref<128x64xf32, #tpu.memory_space<vmem_shared>>) dst(%dma_wait3A_132 : memref<128x64xf32, #tpu.memory_space<vmem>>)
        tpu.yield
      }) : () -> ()
      %run_scoped3A_100 = arith.constant 0 : i32
      "tpu.region"() ({
        %run_scoped3A_110 = tpu.sem_alloc : memref<!tpu.dma_semaphore, #tpu.memory_space<semaphore_mem>>
        %dma_start3A_111 = arith.constant 0 : i32
        %dma_start3A_112 = arith.constant 0 : i32
        %dma_start3A_113 = tpu.memref_slice %arg16[%run_scoped3A_100, %dma_start3A_111, %dma_start3A_112] : memref<2x128x16xf32, #tpu.memory_space<vmem>> -> memref<1x128x16xf32, #tpu.memory_space<vmem>>
        %dma_start3A_114 = tpu.memref_squeeze %dma_start3A_113 : memref<1x128x16xf32, #tpu.memory_space<vmem>> -> memref<128x16xf32, #tpu.memory_space<vmem>>
        %dma_start3A_115 = arith.constant 0 : i32
        %dma_start3A_116 = tpu.memref_slice %arg19[%add3A, %dma_start3A_115] : memref<10240x16xf32, #tpu.memory_space<vmem_shared>> -> memref<128x16xf32, #tpu.memory_space<vmem_shared>>
        %dma_start3A_117 = arith.constant 0 : i32
        %dma_start3A_118 = arith.constant 0 : i32
        %dma_start3A_119 = tpu.memref_slice %arg16[%run_scoped3A_100, %dma_start3A_117, %dma_start3A_118] : memref<2x128x16xf32, #tpu.memory_space<vmem>> -> memref<1x128x16xf32, #tpu.memory_space<vmem>>
        %dma_start3A_120 = tpu.memref_squeeze %dma_start3A_119 : memref<1x128x16xf32, #tpu.memory_space<vmem>> -> memref<128x16xf32, #tpu.memory_space<vmem>>
        %dma_start3A_121 = arith.constant 0 : i32
        %dma_start3A_122 = tpu.memref_slice %arg19[%add3A, %dma_start3A_121] : memref<10240x16xf32, #tpu.memory_space<vmem_shared>> -> memref<128x16xf32, #tpu.memory_space<vmem_shared>>
        tpu.enqueue_dma source(%dma_start3A_122 : memref<128x16xf32, #tpu.memory_space<vmem_shared>>) target(%dma_start3A_120 : memref<128x16xf32, #tpu.memory_space<vmem>>) target_semaphore(%run_scoped3A_110 : memref<!tpu.dma_semaphore, #tpu.memory_space<semaphore_mem>>)
        %dma_wait3A_123 = arith.constant 0 : i32
        %dma_wait3A_124 = arith.constant 0 : i32
        %dma_wait3A_125 = tpu.memref_slice %arg16[%run_scoped3A_100, %dma_wait3A_123, %dma_wait3A_124] : memref<2x128x16xf32, #tpu.memory_space<vmem>> -> memref<1x128x16xf32, #tpu.memory_space<vmem>>
        %dma_wait3A_126 = tpu.memref_squeeze %dma_wait3A_125 : memref<1x128x16xf32, #tpu.memory_space<vmem>> -> memref<128x16xf32, #tpu.memory_space<vmem>>
        %dma_wait3A_127 = arith.constant 0 : i32
        %dma_wait3A_128 = tpu.memref_slice %arg19[%add3A, %dma_wait3A_127] : memref<10240x16xf32, #tpu.memory_space<vmem_shared>> -> memref<128x16xf32, #tpu.memory_space<vmem_shared>>
        %dma_wait3A_129 = arith.constant 0 : i32
        %dma_wait3A_130 = arith.constant 0 : i32
        %dma_wait3A_131 = tpu.memref_slice %arg16[%run_scoped3A_100, %dma_wait3A_129, %dma_wait3A_130] : memref<2x128x16xf32, #tpu.memory_space<vmem>> -> memref<1x128x16xf32, #tpu.memory_space<vmem>>
        %dma_wait3A_132 = tpu.memref_squeeze %dma_wait3A_131 : memref<1x128x16xf32, #tpu.memory_space<vmem>> -> memref<128x16xf32, #tpu.memory_space<vmem>>
        %dma_wait3A_133 = arith.constant 0 : i32
        %dma_wait3A_134 = tpu.memref_slice %arg19[%add3A, %dma_wait3A_133] : memref<10240x16xf32, #tpu.memory_space<vmem_shared>> -> memref<128x16xf32, #tpu.memory_space<vmem_shared>>
        tpu.wait_dma2 semaphore(%run_scoped3A_110 : memref<!tpu.dma_semaphore, #tpu.memory_space<semaphore_mem>>) src(%dma_wait3A_134 : memref<128x16xf32, #tpu.memory_space<vmem_shared>>) dst(%dma_wait3A_132 : memref<128x16xf32, #tpu.memory_space<vmem>>)
        tpu.yield
      }) : () -> ()
      %scan3A_101 = arith.constant 0 : i32
      %scan3A_102 = arith.constant 0 : i32
      %scan3A_103 = arith.constant 128 : i32
      %scan3A_104 = arith.addi %scan3A_102, %scan3A_103 : i32
      %scan3A_105 = arith.constant 2 : i32
      scf.for %scan3A_110 = %scan3A_102 to %scan3A_104 step %scan3A_105  : i32 {
        %get3A_111 = arith.constant 0 : i32
        %get3A_112 = arith.index_cast %get3A_111 : i32 to index
        %get3A_113 = arith.index_cast %scan3A_110 : i32 to index
        %get3A_114 = arith.constant 0 : index
        %get3A_115 = tpu.vector_load %arg16[%get3A_112, %get3A_113, %get3A_114] {strides = array<i32>} : memref<2x128x16xf32, #tpu.memory_space<vmem>>, vector<16xf32>,
        %div3A = arith.constant 1.000000e+00 : f32
        %div3A_116 = vector.broadcast %div3A : f32 to vector<16xf32>
        %div3A_117 = arith.divf %div3A_116, %get3A_115 : vector<16xf32>
        %get3A_118 = arith.constant 0 : i32
        %get3A_119 = arith.index_cast %get3A_118 : i32 to index
        %get3A_120 = arith.index_cast %scan3A_110 : i32 to index
        %get3A_121 = arith.constant 0 : index
        %get3A_122 = tpu.vector_load %arg13[%get3A_119, %get3A_120, %get3A_121] {strides = array<i32>} : memref<2x128x64xf32, #tpu.memory_space<vmem>>, vector<16xf32>,
        %broadcast_in_dim3A_123 = arith.constant 0 : i32
        %broadcast_in_dim3A_124 = vector.broadcast %broadcast_in_dim3A_123 : i32 to vector<16x1xi32>
        %gather3A = vector.shape_cast %broadcast_in_dim3A_124 : vector<16x1xi32> to vector<16xi32>
        %gather3A_125 = tpu.dynamic_gather %div3A_117[%gather3A] in [0] : vector<16xf32>, vector<16xi32> -> vector<16xf32>
        %mul3A_126 = arith.mulf %get3A_122, %gather3A_125 : vector<16xf32>
        %add3A_127 = arith.addf %mul3A_126, %get3A_82 : vector<16xf32>
        %swap3A = arith.constant 0 : i32
        %swap3A_128 = arith.index_cast %swap3A : i32 to index
        %swap3A_129 = arith.index_cast %scan3A_110 : i32 to index
        %swap3A_130 = arith.constant 0 : index
        %swap3A_131 = tpu.vector_load %arg13[%swap3A_128, %swap3A_129, %swap3A_130] {strides = array<i32>} : memref<2x128x64xf32, #tpu.memory_space<vmem>>, vector<16xf32>,
        tpu.vector_store %arg13[%swap3A_128, %swap3A_129, %swap3A_130], %add3A_127 {strides = array<i32>} : memref<2x128x64xf32, #tpu.memory_space<vmem>>, vector<16xf32>,
        %get3A_132 = arith.constant 0 : i32
        %get3A_133 = arith.index_cast %get3A_132 : i32 to index
        %get3A_134 = arith.index_cast %scan3A_110 : i32 to index
        %get3A_135 = arith.constant 16 : index
        %get3A_136 = tpu.vector_load %arg13[%get3A_133, %get3A_134, %get3A_135] {strides = array<i32>} : memref<2x128x64xf32, #tpu.memory_space<vmem>>, vector<16xf32>,
        %broadcast_in_dim3A_137 = arith.constant 1 : i32
        %broadcast_in_dim3A_138 = vector.broadcast %broadcast_in_dim3A_137 : i32 to vector<16x1xi32>
        %gather3A_139 = vector.shape_cast %broadcast_in_dim3A_138 : vector<16x1xi32> to vector<16xi32>
        %gather3A_140 = tpu.dynamic_gather %div3A_117[%gather3A_139] in [0] : vector<16xf32>, vector<16xi32> -> vector<16xf32>
        %mul3A_141 = arith.mulf %get3A_136, %gather3A_140 : vector<16xf32>
        %add3A_142 = arith.addf %mul3A_141, %get3A_84 : vector<16xf32>
        %swap3A_143 = arith.constant 0 : i32
        %swap3A_144 = arith.index_cast %swap3A_143 : i32 to index
        %swap3A_145 = arith.index_cast %scan3A_110 : i32 to index
        %swap3A_146 = arith.constant 16 : index
        %swap3A_147 = tpu.vector_load %arg13[%swap3A_144, %swap3A_145, %swap3A_146] {strides = array<i32>} : memref<2x128x64xf32, #tpu.memory_space<vmem>>, vector<16xf32>,
        tpu.vector_store %arg13[%swap3A_144, %swap3A_145, %swap3A_146], %add3A_142 {strides = array<i32>} : memref<2x128x64xf32, #tpu.memory_space<vmem>>, vector<16xf32>,
        %get3A_148 = arith.constant 0 : i32
        %get3A_149 = arith.index_cast %get3A_148 : i32 to index
        %get3A_150 = arith.index_cast %scan3A_110 : i32 to index
        %get3A_151 = arith.constant 32 : index
        %get3A_152 = tpu.vector_load %arg13[%get3A_149, %get3A_150, %get3A_151] {strides = array<i32>} : memref<2x128x64xf32, #tpu.memory_space<vmem>>, vector<16xf32>,
        %broadcast_in_dim3A_153 = arith.constant 2 : i32
        %broadcast_in_dim3A_154 = vector.broadcast %broadcast_in_dim3A_153 : i32 to vector<16x1xi32>
        %gather3A_155 = vector.shape_cast %broadcast_in_dim3A_154 : vector<16x1xi32> to vector<16xi32>
        %gather3A_156 = tpu.dynamic_gather %div3A_117[%gather3A_155] in [0] : vector<16xf32>, vector<16xi32> -> vector<16xf32>
        %mul3A_157 = arith.mulf %get3A_152, %gather3A_156 : vector<16xf32>
        %add3A_158 = arith.addf %mul3A_157, %get3A_86 : vector<16xf32>
        %swap3A_159 = arith.constant 0 : i32
        %swap3A_160 = arith.index_cast %swap3A_159 : i32 to index
        %swap3A_161 = arith.index_cast %scan3A_110 : i32 to index
        %swap3A_162 = arith.constant 32 : index
        %swap3A_163 = tpu.vector_load %arg13[%swap3A_160, %swap3A_161, %swap3A_162] {strides = array<i32>} : memref<2x128x64xf32, #tpu.memory_space<vmem>>, vector<16xf32>,
        tpu.vector_store %arg13[%swap3A_160, %swap3A_161, %swap3A_162], %add3A_158 {strides = array<i32>} : memref<2x128x64xf32, #tpu.memory_space<vmem>>, vector<16xf32>,
        %get3A_164 = arith.constant 0 : i32
        %get3A_165 = arith.index_cast %get3A_164 : i32 to index
        %get3A_166 = arith.index_cast %scan3A_110 : i32 to index
        %get3A_167 = arith.constant 48 : index
        %get3A_168 = tpu.vector_load %arg13[%get3A_165, %get3A_166, %get3A_167] {strides = array<i32>} : memref<2x128x64xf32, #tpu.memory_space<vmem>>, vector<16xf32>,
        %broadcast_in_dim3A_169 = arith.constant 3 : i32
        %broadcast_in_dim3A_170 = vector.broadcast %broadcast_in_dim3A_169 : i32 to vector<16x1xi32>
        %gather3A_171 = vector.shape_cast %broadcast_in_dim3A_170 : vector<16x1xi32> to vector<16xi32>
        %gather3A_172 = tpu.dynamic_gather %div3A_117[%gather3A_171] in [0] : vector<16xf32>, vector<16xi32> -> vector<16xf32>
        %mul3A_173 = arith.mulf %get3A_168, %gather3A_172 : vector<16xf32>
        %add3A_174 = arith.addf %mul3A_173, %get3A_88 : vector<16xf32>
        %swap3A_175 = arith.constant 0 : i32
        %swap3A_176 = arith.index_cast %swap3A_175 : i32 to index
        %swap3A_177 = arith.index_cast %scan3A_110 : i32 to index
        %swap3A_178 = arith.constant 48 : index
        %swap3A_179 = tpu.vector_load %arg13[%swap3A_176, %swap3A_177, %swap3A_178] {strides = array<i32>} : memref<2x128x64xf32, #tpu.memory_space<vmem>>, vector<16xf32>,
        tpu.vector_store %arg13[%swap3A_176, %swap3A_177, %swap3A_178], %add3A_174 {strides = array<i32>} : memref<2x128x64xf32, #tpu.memory_space<vmem>>, vector<16xf32>,
        %scan3A_180 = arith.constant 1 : i32
        %scan3A_181 = arith.addi %scan3A_110, %scan3A_180 : i32
        %get3A_182 = arith.constant 0 : i32
        %get3A_183 = arith.index_cast %get3A_182 : i32 to index
        %get3A_184 = arith.index_cast %scan3A_181 : i32 to index
        %get3A_185 = arith.constant 0 : index
        %get3A_186 = tpu.vector_load %arg16[%get3A_183, %get3A_184, %get3A_185] {strides = array<i32>} : memref<2x128x16xf32, #tpu.memory_space<vmem>>, vector<16xf32>,
        %div3A_187 = arith.constant 1.000000e+00 : f32
        %div3A_188 = vector.broadcast %div3A_187 : f32 to vector<16xf32>
        %div3A_189 = arith.divf %div3A_188, %get3A_186 : vector<16xf32>
        %get3A_190 = arith.constant 0 : i32
        %get3A_191 = arith.index_cast %get3A_190 : i32 to index
        %get3A_192 = arith.index_cast %scan3A_181 : i32 to index
        %get3A_193 = arith.constant 0 : index
        %get3A_194 = tpu.vector_load %arg13[%get3A_191, %get3A_192, %get3A_193] {strides = array<i32>} : memref<2x128x64xf32, #tpu.memory_space<vmem>>, vector<16xf32>,
        %broadcast_in_dim3A_195 = arith.constant 0 : i32
        %broadcast_in_dim3A_196 = vector.broadcast %broadcast_in_dim3A_195 : i32 to vector<16x1xi32>
        %gather3A_197 = vector.shape_cast %broadcast_in_dim3A_196 : vector<16x1xi32> to vector<16xi32>
        %gather3A_198 = tpu.dynamic_gather %div3A_189[%gather3A_197] in [0] : vector<16xf32>, vector<16xi32> -> vector<16xf32>
        %mul3A_199 = arith.mulf %get3A_194, %gather3A_198 : vector<16xf32>
        %add3A_200 = arith.addf %mul3A_199, %get3A_82 : vector<16xf32>
        %swap3A_201 = arith.constant 0 : i32
        %swap3A_202 = arith.index_cast %swap3A_201 : i32 to index
        %swap3A_203 = arith.index_cast %scan3A_181 : i32 to index
        %swap3A_204 = arith.constant 0 : index
        %swap3A_205 = tpu.vector_load %arg13[%swap3A_202, %swap3A_203, %swap3A_204] {strides = array<i32>} : memref<2x128x64xf32, #tpu.memory_space<vmem>>, vector<16xf32>,
        tpu.vector_store %arg13[%swap3A_202, %swap3A_203, %swap3A_204], %add3A_200 {strides = array<i32>} : memref<2x128x64xf32, #tpu.memory_space<vmem>>, vector<16xf32>,
        %get3A_206 = arith.constant 0 : i32
        %get3A_207 = arith.index_cast %get3A_206 : i32 to index
        %get3A_208 = arith.index_cast %scan3A_181 : i32 to index
        %get3A_209 = arith.constant 16 : index
        %get3A_210 = tpu.vector_load %arg13[%get3A_207, %get3A_208, %get3A_209] {strides = array<i32>} : memref<2x128x64xf32, #tpu.memory_space<vmem>>, vector<16xf32>,
        %broadcast_in_dim3A_211 = arith.constant 1 : i32
        %broadcast_in_dim3A_212 = vector.broadcast %broadcast_in_dim3A_211 : i32 to vector<16x1xi32>
        %gather3A_213 = vector.shape_cast %broadcast_in_dim3A_212 : vector<16x1xi32> to vector<16xi32>
        %gather3A_214 = tpu.dynamic_gather %div3A_189[%gather3A_213] in [0] : vector<16xf32>, vector<16xi32> -> vector<16xf32>
        %mul3A_215 = arith.mulf %get3A_210, %gather3A_214 : vector<16xf32>
        %add3A_216 = arith.addf %mul3A_215, %get3A_84 : vector<16xf32>
        %swap3A_217 = arith.constant 0 : i32
        %swap3A_218 = arith.index_cast %swap3A_217 : i32 to index
        %swap3A_219 = arith.index_cast %scan3A_181 : i32 to index
        %swap3A_220 = arith.constant 16 : index
        %swap3A_221 = tpu.vector_load %arg13[%swap3A_218, %swap3A_219, %swap3A_220] {strides = array<i32>} : memref<2x128x64xf32, #tpu.memory_space<vmem>>, vector<16xf32>,
        tpu.vector_store %arg13[%swap3A_218, %swap3A_219, %swap3A_220], %add3A_216 {strides = array<i32>} : memref<2x128x64xf32, #tpu.memory_space<vmem>>, vector<16xf32>,
        %get3A_222 = arith.constant 0 : i32
        %get3A_223 = arith.index_cast %get3A_222 : i32 to index
        %get3A_224 = arith.index_cast %scan3A_181 : i32 to index
        %get3A_225 = arith.constant 32 : index
        %get3A_226 = tpu.vector_load %arg13[%get3A_223, %get3A_224, %get3A_225] {strides = array<i32>} : memref<2x128x64xf32, #tpu.memory_space<vmem>>, vector<16xf32>,
        %broadcast_in_dim3A_227 = arith.constant 2 : i32
        %broadcast_in_dim3A_228 = vector.broadcast %broadcast_in_dim3A_227 : i32 to vector<16x1xi32>
        %gather3A_229 = vector.shape_cast %broadcast_in_dim3A_228 : vector<16x1xi32> to vector<16xi32>
        %gather3A_230 = tpu.dynamic_gather %div3A_189[%gather3A_229] in [0] : vector<16xf32>, vector<16xi32> -> vector<16xf32>
        %mul3A_231 = arith.mulf %get3A_226, %gather3A_230 : vector<16xf32>
        %add3A_232 = arith.addf %mul3A_231, %get3A_86 : vector<16xf32>
        %swap3A_233 = arith.constant 0 : i32
        %swap3A_234 = arith.index_cast %swap3A_233 : i32 to index
        %swap3A_235 = arith.index_cast %scan3A_181 : i32 to index
        %swap3A_236 = arith.constant 32 : index
        %swap3A_237 = tpu.vector_load %arg13[%swap3A_234, %swap3A_235, %swap3A_236] {strides = array<i32>} : memref<2x128x64xf32, #tpu.memory_space<vmem>>, vector<16xf32>,
        tpu.vector_store %arg13[%swap3A_234, %swap3A_235, %swap3A_236], %add3A_232 {strides = array<i32>} : memref<2x128x64xf32, #tpu.memory_space<vmem>>, vector<16xf32>,
        %get3A_238 = arith.constant 0 : i32
        %get3A_239 = arith.index_cast %get3A_238 : i32 to index
        %get3A_240 = arith.index_cast %scan3A_181 : i32 to index
        %get3A_241 = arith.constant 48 : index
        %get3A_242 = tpu.vector_load %arg13[%get3A_239, %get3A_240, %get3A_241] {strides = array<i32>} : memref<2x128x64xf32, #tpu.memory_space<vmem>>, vector<16xf32>,
        %broadcast_in_dim3A_243 = arith.constant 3 : i32
        %broadcast_in_dim3A_244 = vector.broadcast %broadcast_in_dim3A_243 : i32 to vector<16x1xi32>
        %gather3A_245 = vector.shape_cast %broadcast_in_dim3A_244 : vector<16x1xi32> to vector<16xi32>
        %gather3A_246 = tpu.dynamic_gather %div3A_189[%gather3A_245] in [0] : vector<16xf32>, vector<16xi32> -> vector<16xf32>
        %mul3A_247 = arith.mulf %get3A_242, %gather3A_246 : vector<16xf32>
        %add3A_248 = arith.addf %mul3A_247, %get3A_88 : vector<16xf32>
        %swap3A_249 = arith.constant 0 : i32
        %swap3A_250 = arith.index_cast %swap3A_249 : i32 to index
        %swap3A_251 = arith.index_cast %scan3A_181 : i32 to index
        %swap3A_252 = arith.constant 48 : index
        %swap3A_253 = tpu.vector_load %arg13[%swap3A_250, %swap3A_251, %swap3A_252] {strides = array<i32>} : memref<2x128x64xf32, #tpu.memory_space<vmem>>, vector<16xf32>,
        tpu.vector_store %arg13[%swap3A_250, %swap3A_251, %swap3A_252], %add3A_248 {strides = array<i32>} : memref<2x128x64xf32, #tpu.memory_space<vmem>>, vector<16xf32>,
      }
      %scan3A_106 = arith.constant 128 : i32
      %mul3A_107 = arith.constant 64 : i32
      %mul3A_108 = arith.muli %arg0, %mul3A_107 : i32
      %run_scoped3A_109 = arith.constant 0 : i32
      "tpu.region"() ({
        %run_scoped3A_110 = tpu.sem_alloc : memref<!tpu.dma_semaphore, #tpu.memory_space<semaphore_mem>>
        %dma_start3A_111 = arith.constant 0 : i32
        %dma_start3A_112 = arith.constant 0 : i32
        %dma_start3A_113 = tpu.memref_slice %arg13[%run_scoped3A_109, %dma_start3A_111, %dma_start3A_112] : memref<2x128x64xf32, #tpu.memory_space<vmem>> -> memref<1x128x64xf32, #tpu.memory_space<vmem>>
        %dma_start3A_114 = tpu.memref_squeeze %dma_start3A_113 : memref<1x128x64xf32, #tpu.memory_space<vmem>> -> memref<128x64xf32, #tpu.memory_space<vmem>>
        %dma_start3A_115 = tpu.memref_slice %arg10[%add3A, %mul3A_108] : memref<10240x128xf32, #tpu.memory_space<hbm>> -> memref<128x64xf32, #tpu.memory_space<hbm>>
        %dma_start3A_116 = tpu.memref_slice %arg10[%add3A, %mul3A_108] : memref<10240x128xf32, #tpu.memory_space<hbm>> -> memref<128x64xf32, #tpu.memory_space<hbm>>
        %dma_start3A_117 = arith.constant 0 : i32
        %dma_start3A_118 = arith.constant 0 : i32
        %dma_start3A_119 = tpu.memref_slice %arg13[%run_scoped3A_109, %dma_start3A_117, %dma_start3A_118] : memref<2x128x64xf32, #tpu.memory_space<vmem>> -> memref<1x128x64xf32, #tpu.memory_space<vmem>>
        %dma_start3A_120 = tpu.memref_squeeze %dma_start3A_119 : memref<1x128x64xf32, #tpu.memory_space<vmem>> -> memref<128x64xf32, #tpu.memory_space<vmem>>
        tpu.enqueue_dma source(%dma_start3A_120 : memref<128x64xf32, #tpu.memory_space<vmem>>) target(%dma_start3A_116 : memref<128x64xf32, #tpu.memory_space<hbm>>) target_semaphore(%run_scoped3A_110 : memref<!tpu.dma_semaphore, #tpu.memory_space<semaphore_mem>>)
        %dma_wait3A_121 = arith.constant 0 : i32
        %dma_wait3A_122 = arith.constant 0 : i32
        %dma_wait3A_123 = tpu.memref_slice %arg13[%run_scoped3A_109, %dma_wait3A_121, %dma_wait3A_122] : memref<2x128x64xf32, #tpu.memory_space<vmem>> -> memref<1x128x64xf32, #tpu.memory_space<vmem>>
        %dma_wait3A_124 = tpu.memref_squeeze %dma_wait3A_123 : memref<1x128x64xf32, #tpu.memory_space<vmem>> -> memref<128x64xf32, #tpu.memory_space<vmem>>
        %dma_wait3A_125 = tpu.memref_slice %arg10[%add3A, %mul3A_108] : memref<10240x128xf32, #tpu.memory_space<hbm>> -> memref<128x64xf32, #tpu.memory_space<hbm>>
        %dma_wait3A_126 = tpu.memref_slice %arg10[%add3A, %mul3A_108] : memref<10240x128xf32, #tpu.memory_space<hbm>> -> memref<128x64xf32, #tpu.memory_space<hbm>>
        %dma_wait3A_127 = arith.constant 0 : i32
        %dma_wait3A_128 = arith.constant 0 : i32
        %dma_wait3A_129 = tpu.memref_slice %arg13[%run_scoped3A_109, %dma_wait3A_127, %dma_wait3A_128] : memref<2x128x64xf32, #tpu.memory_space<vmem>> -> memref<1x128x64xf32, #tpu.memory_space<vmem>>
        %dma_wait3A_130 = tpu.memref_squeeze %dma_wait3A_129 : memref<1x128x64xf32, #tpu.memory_space<vmem>> -> memref<128x64xf32, #tpu.memory_space<vmem>>
        tpu.wait_dma2 semaphore(%run_scoped3A_110 : memref<!tpu.dma_semaphore, #tpu.memory_space<semaphore_mem>>) src(%dma_wait3A_130 : memref<128x64xf32, #tpu.memory_space<vmem>>) dst(%dma_wait3A_126 : memref<128x64xf32, #tpu.memory_space<hbm>>)
        tpu.yield
      }) : () -> ()
    }
    %scan3A_94 = arith.constant 5 : i32
    return
  }
}

module attributes {stable_mosaic.version = 14 : i64} {
  func.func @_qkv_body(%arg0: i32, %arg1: i32, %arg2: memref<256x128xf32, #tpu.memory_space<vmem>>, %arg3: memref<1x128x64xf32, #tpu.memory_space<vmem>>, %arg4: memref<1x1x64xf32, #tpu.memory_space<vmem>>, %arg5: memref<1x128x64xf32, #tpu.memory_space<vmem>>, %arg6: memref<1x1x64xf32, #tpu.memory_space<vmem>>, %arg7: memref<1x128x64xf32, #tpu.memory_space<vmem>>, %arg8: memref<1x256x64xf32, #tpu.memory_space<vmem>>, %arg9: memref<1x256x64xf32, #tpu.memory_space<vmem>>, %arg10: memref<1x256x64xf32, #tpu.memory_space<vmem>>) attributes {dimension_semantics = [#tpu.dimension_semantics<arbitrary>, #tpu.dimension_semantics<arbitrary>], iteration_bounds = array<i64: 40, 2>, scalar_prefetch = 0 : i64, scratch_operands = 0 : i64, tpu.core_type = #tpu.core_type<tc>, window_params = [{transform_indices = @transform_0, window_bounds = array<i64: 256, 128>}, {transform_indices = @transform_1, window_bounds = array<i64: 1, 128, 64>}, {transform_indices = @transform_2, window_bounds = array<i64: 1, 1, 64>}, {transform_indices = @transform_3, window_bounds = array<i64: 1, 128, 64>}, {transform_indices = @transform_4, window_bounds = array<i64: 1, 1, 64>}, {transform_indices = @transform_5, window_bounds = array<i64: 1, 128, 64>}, {transform_indices = @transform_6, window_bounds = array<i64: 1, 256, 64>}, {transform_indices = @transform_7, window_bounds = array<i64: 1, 256, 64>}, {transform_indices = @transform_8, window_bounds = array<i64: 1, 256, 64>}]} {
    %get3A = arith.constant 0 : index
    %get3A_0 = arith.constant 0 : index
    %get3A_1 = vector.load %arg2[%get3A, %get3A_0] : memref<256x128xf32, #tpu.memory_space<vmem>>, vector<256x128xf32>
    %get3A_2 = arith.constant 0 : index
    %get3A_3 = arith.constant 0 : index
    %get3A_4 = arith.constant 0 : index
    %get3A_5 = vector.load %arg3[%get3A_2, %get3A_3, %get3A_4] : memref<1x128x64xf32, #tpu.memory_space<vmem>>, vector<1x128x64xf32>
    %get3A_6 = vector.shape_cast %get3A_5 : vector<1x128x64xf32> to vector<128x64xf32>
    %dot_general3A = arith.constant dense<0.000000e+00> : vector<256x64xf32>
    %dot_general3A_7 = tpu.matmul %get3A_1, %get3A_6, %dot_general3A {dimension_numbers = #tpu.dot_dimension_numbers<[1], [0], [0], [1], [0, 0, 1, 1], [], []>, transpose_lhs_hint = false} : vector<256x128xf32>, vector<128x64xf32>, vector<256x64xf32> -> vector<256x64xf32>
    %get3A_8 = arith.constant 0 : index
    %get3A_9 = arith.constant 0 : index
    %get3A_10 = arith.constant 0 : index
    %get3A_11 = vector.load %arg4[%get3A_8, %get3A_9, %get3A_10] : memref<1x1x64xf32, #tpu.memory_space<vmem>>, vector<1x1x64xf32>
    %get3A_12 = vector.shape_cast %get3A_11 : vector<1x1x64xf32> to vector<1x64xf32>
    %add3A = vector.broadcast %get3A_12 : vector<1x64xf32> to vector<256x64xf32>
    %add3A_13 = arith.addf %dot_general3A_7, %add3A : vector<256x64xf32>
    %max3A = arith.constant 0.000000e+00 : f32
    %max3A_14 = vector.broadcast %max3A : f32 to vector<256x64xf32>
    %max3A_15 = arith.maximumf %add3A_13, %max3A_14 : vector<256x64xf32>
    %swap3A = arith.constant 0 : index
    %swap3A_16 = arith.constant 0 : index
    %swap3A_17 = arith.constant 0 : index
    %swap3A_18 = vector.load %arg8[%swap3A, %swap3A_16, %swap3A_17] : memref<1x256x64xf32, #tpu.memory_space<vmem>>, vector<1x256x64xf32>
    %swap3A_19 = vector.shape_cast %swap3A_18 : vector<1x256x64xf32> to vector<256x64xf32>
    %swap3A_20 = vector.shape_cast %max3A_15 : vector<256x64xf32> to vector<1x256x64xf32>
    tpu.vector_store %arg8[%swap3A, %swap3A_16, %swap3A_17], %swap3A_20 {strides = array<i32>} : memref<1x256x64xf32, #tpu.memory_space<vmem>>, vector<1x256x64xf32>,
    %get3A_21 = arith.constant 0 : index
    %get3A_22 = arith.constant 0 : index
    %get3A_23 = arith.constant 0 : index
    %get3A_24 = vector.load %arg5[%get3A_21, %get3A_22, %get3A_23] : memref<1x128x64xf32, #tpu.memory_space<vmem>>, vector<1x128x64xf32>
    %get3A_25 = vector.shape_cast %get3A_24 : vector<1x128x64xf32> to vector<128x64xf32>
    %dot_general3A_26 = arith.constant dense<0.000000e+00> : vector<256x64xf32>
    %dot_general3A_27 = tpu.matmul %get3A_1, %get3A_25, %dot_general3A_26 {dimension_numbers = #tpu.dot_dimension_numbers<[1], [0], [0], [1], [0, 0, 1, 1], [], []>, transpose_lhs_hint = false} : vector<256x128xf32>, vector<128x64xf32>, vector<256x64xf32> -> vector<256x64xf32>
    %get3A_28 = arith.constant 0 : index
    %get3A_29 = arith.constant 0 : index
    %get3A_30 = arith.constant 0 : index
    %get3A_31 = vector.load %arg6[%get3A_28, %get3A_29, %get3A_30] : memref<1x1x64xf32, #tpu.memory_space<vmem>>, vector<1x1x64xf32>
    %get3A_32 = vector.shape_cast %get3A_31 : vector<1x1x64xf32> to vector<1x64xf32>
    %add3A_33 = vector.broadcast %get3A_32 : vector<1x64xf32> to vector<256x64xf32>
    %add3A_34 = arith.addf %dot_general3A_27, %add3A_33 : vector<256x64xf32>
    %max3A_35 = arith.constant 0.000000e+00 : f32
    %max3A_36 = vector.broadcast %max3A_35 : f32 to vector<256x64xf32>
    %max3A_37 = arith.maximumf %add3A_34, %max3A_36 : vector<256x64xf32>
    %swap3A_38 = arith.constant 0 : index
    %swap3A_39 = arith.constant 0 : index
    %swap3A_40 = arith.constant 0 : index
    %swap3A_41 = vector.load %arg9[%swap3A_38, %swap3A_39, %swap3A_40] : memref<1x256x64xf32, #tpu.memory_space<vmem>>, vector<1x256x64xf32>
    %swap3A_42 = vector.shape_cast %swap3A_41 : vector<1x256x64xf32> to vector<256x64xf32>
    %swap3A_43 = vector.shape_cast %max3A_37 : vector<256x64xf32> to vector<1x256x64xf32>
    tpu.vector_store %arg9[%swap3A_38, %swap3A_39, %swap3A_40], %swap3A_43 {strides = array<i32>} : memref<1x256x64xf32, #tpu.memory_space<vmem>>, vector<1x256x64xf32>,
    %get3A_44 = arith.constant 0 : index
    %get3A_45 = arith.constant 0 : index
    %get3A_46 = arith.constant 0 : index
    %get3A_47 = vector.load %arg7[%get3A_44, %get3A_45, %get3A_46] : memref<1x128x64xf32, #tpu.memory_space<vmem>>, vector<1x128x64xf32>
    %get3A_48 = vector.shape_cast %get3A_47 : vector<1x128x64xf32> to vector<128x64xf32>
    %dot_general3A_49 = arith.constant dense<0.000000e+00> : vector<256x64xf32>
    %dot_general3A_50 = tpu.matmul %get3A_1, %get3A_48, %dot_general3A_49 {dimension_numbers = #tpu.dot_dimension_numbers<[1], [0], [0], [1], [0, 0, 1, 1], [], []>, transpose_lhs_hint = false} : vector<256x128xf32>, vector<128x64xf32>, vector<256x64xf32> -> vector<256x64xf32>
    %swap3A_51 = arith.constant 0 : index
    %swap3A_52 = arith.constant 0 : index
    %swap3A_53 = arith.constant 0 : index
    %swap3A_54 = vector.load %arg10[%swap3A_51, %swap3A_52, %swap3A_53] : memref<1x256x64xf32, #tpu.memory_space<vmem>>, vector<1x256x64xf32>
    %swap3A_55 = vector.shape_cast %swap3A_54 : vector<1x256x64xf32> to vector<256x64xf32>
    %swap3A_56 = vector.shape_cast %dot_general3A_50 : vector<256x64xf32> to vector<1x256x64xf32>
    tpu.vector_store %arg10[%swap3A_51, %swap3A_52, %swap3A_53], %swap3A_56 {strides = array<i32>} : memref<1x256x64xf32, #tpu.memory_space<vmem>>, vector<1x256x64xf32>,
    return
  }
  func.func @transform_0(%arg0: i32, %arg1: i32) -> (i32, i32) {
    %c0_i32 = arith.constant 0 : i32
    %c0_i32_0 = arith.constant 0 : i32
    return %arg0, %c0_i32 : i32, i32
  }
  func.func @transform_1(%arg0: i32, %arg1: i32) -> (i32, i32, i32) {
    %c0_i32 = arith.constant 0 : i32
    %c0_i32_0 = arith.constant 0 : i32
    %c0_i32_1 = arith.constant 0 : i32
    return %arg1, %c0_i32, %c0_i32_0 : i32, i32, i32
  }
  func.func @transform_2(%arg0: i32, %arg1: i32) -> (i32, i32, i32) {
    %c0_i32 = arith.constant 0 : i32
    %c0_i32_0 = arith.constant 0 : i32
    %c0_i32_1 = arith.constant 0 : i32
    return %arg1, %c0_i32, %c0_i32_0 : i32, i32, i32
  }
  func.func @transform_3(%arg0: i32, %arg1: i32) -> (i32, i32, i32) {
    %c0_i32 = arith.constant 0 : i32
    %c0_i32_0 = arith.constant 0 : i32
    %c0_i32_1 = arith.constant 0 : i32
    return %arg1, %c0_i32, %c0_i32_0 : i32, i32, i32
  }
  func.func @transform_4(%arg0: i32, %arg1: i32) -> (i32, i32, i32) {
    %c0_i32 = arith.constant 0 : i32
    %c0_i32_0 = arith.constant 0 : i32
    %c0_i32_1 = arith.constant 0 : i32
    return %arg1, %c0_i32, %c0_i32_0 : i32, i32, i32
  }
  func.func @transform_5(%arg0: i32, %arg1: i32) -> (i32, i32, i32) {
    %c0_i32 = arith.constant 0 : i32
    %c0_i32_0 = arith.constant 0 : i32
    %c0_i32_1 = arith.constant 0 : i32
    return %arg1, %c0_i32, %c0_i32_0 : i32, i32, i32
  }
  func.func @transform_6(%arg0: i32, %arg1: i32) -> (i32, i32, i32) {
    %c0_i32 = arith.constant 0 : i32
    %c0_i32_0 = arith.constant 0 : i32
    return %arg1, %arg0, %c0_i32 : i32, i32, i32
  }
  func.func @transform_7(%arg0: i32, %arg1: i32) -> (i32, i32, i32) {
    %c0_i32 = arith.constant 0 : i32
    %c0_i32_0 = arith.constant 0 : i32
    return %arg1, %arg0, %c0_i32 : i32, i32, i32
  }
  func.func @transform_8(%arg0: i32, %arg1: i32) -> (i32, i32, i32) {
    %c0_i32 = arith.constant 0 : i32
    %c0_i32_0 = arith.constant 0 : i32
    return %arg1, %arg0, %c0_i32 : i32, i32, i32
  }
}

</mosaic_0001>

<sc_bundles>
// kernel: kernel.5.cloned.1.call-start
scs
__scs_entry_jumppad:
0x0: {  	(pc) =	sbr.rel $0x88, $3  }
0x1: {  	(tag) =	ssettag $0x0;
	lr =	simm.s32 $0x1  }
0x2: {  	[smem:$0x3F99] =	sst lr;
	_ =	strace $0xD0000000  }
0x3: {  	_ = 	snop  }
0x4: {  	_ = 	snop  }
0x5: {  	_ = 	snop  }
0x6: {  	_ = 	snop  }
0x7: {  	_ = 	snop  }
__scs_overlays_trampoline_lowered:
0x8: {  	[smem:$0x3FA8] =	sst s0  }
0x9: {  	[smem:$0x3FA9] =	sst s1  }
0xa: {  	[smem:$0x3FAA] =	sst s2  }
0xb: {  	[smem:$0x3FAB] =	sst s3  }
0xc: {  	[smem:$0x3FAC] =	sst s4  }
0xd: {  	[smem:$0x3FAD] =	sst s5  }
0xe: {  	[smem:$0x3FAE] =	sst s6  }
0xf: {  	[smem:$0x3FAF] =	sst s7  }
0x10: {  	[smem:$0x3FB0] =	sst s8  }
0x11: {  	[smem:$0x3FB1] =	sst s9;
	s0 =	simm.s32 @!p0 $0x0  }
0x12: {  	s1 =	sld [smem:$0x3F97];
	s0 =	simm.s32 @p0 $0x1  }
0x13: {  	[smem:$0x3FB2] =	sst s0;
	s0 =	simm.s32 @!p1 $0x0  }
0x14: {  	s2 =	sld [smem:$0x3F96];
	s0 =	simm.s32 @p1 $0x1  }
0x15: {  	[smem:$0x3FB3] =	sst s0;
	s0 =	simm.s32 @!p2 $0x0  }
0x16: {  	s3 =	sld [smem:$0x3FDB];
	s0 =	simm.s32 @p2 $0x1  }
0x17: {  	s4 =	simm.s32 $0x1BF5;
	[smem:$0x3FB5] =	sst s0  }
0x18: {  	s0 =	sld [smem:$0x3F98];
	_ =	swait.ge [sflag:s4], $0x0  }
0x19: {  	s7 =	sld [smem:$0x3F99]  }
0x1a: {  	s8 =	sadd.s32 $0xFFFFE003, lr  }
0x1b: {  	s9 =	sadd.s32 $0xFFFFFEF7, lr;
	s5 =	simm.s32 $0xFFFFFFFF;
	p2 =	slt.u32 s8, $0xFFFFF086  }
0x1c: {  	p1 =	slt.u32 s9, $0xF7A;
	s5 =	simm.s32 @!p2 $0x0  }
0x1d: {  	s5 =	simm.s32 @p1 $0x1;
	p0 =	seq.s32 s7, s2  }
0x1e: {  	s7 =	smul.u32 @!p0 $0xF7A, s2;
	p2 =	seq.s32 @!p0 s5, $0x0  }
0x1f: {  	s9 =	smul.u32 $0xF7A, s1;
	s8 =	simm.s32 @!p0 $0x1BF5;
	p2 =	por !p2, p0  }
0x20: {  	[sflag:s8] =	ssyncset.s32 @!p0 $0xFFFFF086;
	s6 =	sadd.s32 @!p0 s3, s7;
	s7 =	simm.s32 @!p0 $0x108  }
0x21: {  	s3 =	sadd.s32 s3, s9;
	s6 =	sadd.s32 @!p0 $0x88, s6;
	s7 =	simm.s32 @p2 $0x1082  }
0x22: {  	[simem:s7], [sflag:s8] =	dma.local @!p0 [hbm:s6], $0xF7A  }
0x23: {  	s9 =	sor.u32 $0xD0000000, s2;
	s6 =	simm.s32 $0x108;
	_ =	swait.ge @!p0 [sflag:s8], $0x0  }
0x24: {  	s3 =	sadd.s32 $0x88, s3;
	s6 =	simm.s32 @!p1 $0x1082;
	[sflag:s4] =	ssyncset.s32 $0xFFFFF086  }
0x25: {  	[simem:s6], [sflag:s4] =	dma.local [hbm:s3], $0xF7A  }
0x26: {  	[smem:$0x3F99] =	sst s1;
	(tag) =	ssettag s2;
	_ =	strace s9  }
0x27: {  	s1 =	sld [smem:$0x3FA9]  }
0x28: {  	s2 =	sld [smem:$0x3FAA]  }
0x29: {  	s4 =	sld [smem:$0x3FAC]  }
0x2a: {  	p0 =	seq.s32 s5, $0x0;
	s5 =	sld [smem:$0x3FAD]  }
0x2b: {  	s6 =	sld [smem:$0x3FAE]  }
0x2c: {  	s7 =	sld [smem:$0x3FAF]  }
0x2d: {  	s3 =	simm.s32 $0x108;
	s8 =	sld [smem:$0x3FB0]  }
0x2e: {  	s3 =	simm.s32 @!p0 $0x1082;
	s9 =	sld [smem:$0x3FB1]  }
0x2f: {  	lr =	sadd.s32 s0, s3;
	s0 =	sld [smem:$0x3FA8]  }
0x30: {  	s3 =	sld [smem:$0x3FAB]  }
0x31: {  	[smem:$0x3FB4] =	sst s10  }
0x32: {  	s10 =	sld [smem:$0x3FB2];
	_ =	sdelay $0x3  }
0x33: {  	p0 =	seq.s32 s10, $0x1;
	s10 =	sld [smem:$0x3FB4];
	_ =	sdelay $0x3  }
0x34: {  	[smem:$0x3FB4] =	sst s10  }
0x35: {  	s10 =	sld [smem:$0x3FB3];
	_ =	sdelay $0x3  }
0x36: {  	p1 =	seq.s32 s10, $0x1;
	s10 =	sld [smem:$0x3FB4];
	_ =	sdelay $0x3  }
0x37: {  	[smem:$0x3FB4] =	sst s10  }
0x38: {  	s10 =	sld [smem:$0x3FB5]  }
0x39: {  	_ = 	snop;
	(pc) =	sbr.ind lr, $3  }
0x3a: {  	_ = 	snop  }
0x3b: {  	_ = 	snop  }
0x3c: {  	p2 =	seq.s32 s10, $0x1;
	s10 =	sld [smem:$0x3FB4]  }
0x3d: {  	_ =	shalt  }
0x3e: {  	_ =	shalt  }
0x3f: {  	_ =	shalt  }
0x40: {  	_ =	shalt  }
0x41: {  	_ =	shalt  }
0x42: {  	_ =	shalt  }
0x43: {  	_ =	shalt  }
0x44: {  	_ =	shalt  }
0x45: {  	_ =	shalt  }
0x46: {  	_ =	shalt  }
0x47: {  	_ =	shalt  }
0x48: {  	_ =	shalt  }
0x49: {  	_ =	shalt  }
0x4a: {  	_ =	shalt  }
0x4b: {  	_ =	shalt  }
0x4c: {  	_ =	shalt  }
0x4d: {  	_ =	shalt  }
0x4e: {  	_ =	shalt  }
0x4f: {  	_ =	shalt  }
0x50: {  	_ =	shalt  }
0x51: {  	_ =	shalt  }
0x52: {  	_ =	shalt  }
0x53: {  	_ =	shalt  }
0x54: {  	_ =	shalt  }
0x55: {  	_ =	shalt  }
0x56: {  	_ =	shalt  }
0x57: {  	_ =	shalt  }
0x58: {  	_ =	shalt  }
0x59: {  	_ =	shalt  }
0x5a: {  	_ =	shalt  }
0x5b: {  	_ =	shalt  }
0x5c: {  	_ =	shalt  }
0x5d: {  	_ =	shalt  }
0x5e: {  	_ =	shalt  }
0x5f: {  	_ =	shalt  }
0x60: {  	_ =	shalt  }
0x61: {  	_ =	shalt  }
0x62: {  	_ =	shalt  }
0x63: {  	_ =	shalt  }
0x64: {  	_ =	shalt  }
0x65: {  	_ =	shalt  }
0x66: {  	_ =	shalt  }
0x67: {  	_ =	shalt  }
0x68: {  	_ =	shalt  }
0x69: {  	_ =	shalt  }
0x6a: {  	_ =	shalt  }
0x6b: {  	_ =	shalt  }
0x6c: {  	_ =	shalt  }
0x6d: {  	_ =	shalt  }
0x6e: {  	_ =	shalt  }
0x6f: {  	_ =	shalt  }
0x70: {  	_ =	shalt  }
0x71: {  	_ =	shalt  }
0x72: {  	_ =	shalt  }
0x73: {  	_ =	shalt  }
0x74: {  	_ =	shalt  }
0x75: {  	_ =	shalt  }
0x76: {  	_ =	shalt  }
0x77: {  	_ =	shalt  }
0x78: {  	_ =	shalt  }
0x79: {  	_ =	shalt  }
0x7a: {  	_ =	shalt  }
0x7b: {  	_ =	shalt  }
0x7c: {  	_ =	shalt  }
0x7d: {  	_ =	shalt  }
0x7e: {  	_ =	shalt  }
0x7f: {  	_ =	shalt  }
0x80: {  	_ =	shalt  }
0x81: {  	_ =	shalt  }
0x82: {  	_ =	shalt  }
0x83: {  	_ =	shalt  }
0x84: {  	_ =	shalt  }
0x85: {  	_ =	shalt  }
0x86: {  	_ =	shalt  }
0x87: {  	_ =	shalt  }
.Lfunc_end0:
.L_simem_size_0:
called_computation_lowered:
.L_overlay_start_0:
0x88: {  	s2 =	sld [smem:$0x3FD9]  }
0x89: {  	s3 =	sld [smem:$0x3FFE];
	_ =	sdelay $0x1  }
0x8a: {  	s1 =	srdreg.scid  }
0x8b: {  	s0 =	sand.u32 $0x1, s1  }
0x8c: {  	s17 =	sshll.u32 s0, $0xA;
	s2 =	sadd.s32 s3, s2  }
0x8d: {  	s2 =	sadd.s32 s2, s17  }
0x8e: {  	[smem:$0x3FC0] =	sst s2  }
0x8f: {  	_ = 	snop  }
0x90: {  	s2 =	sld [smem:$0x3FC2]  }
0x91: {  	s18 =	sld [smem:$0x3FD0];
	(tm) =	ssettm $0x1  }
0x92: {  	s4 =	sld [smem:$0x3FFB];
	_ =	sdelay $0x3  }
0x93: {  	_ =	strace s4  }
0x94: {  	s4 =	sld [smem:$0x3FFC];
	_ =	sdelay $0x3  }
0x95: {  	_ =	strace s4  }
0x96: {  	s4 =	sld [smem:$0x3FFD];
	_ =	sdelay $0x3  }
0x97: {  	_ =	strace s4  }
0x98: {  	_ =	strace $0x8FFFFFFF  }
0x99: {  	s19 =	sld [smem:$0x3FDB];
	_ =	sdelay $0x1  }
0x9a: {  	s5 =	simm.s32 $_scs_section_size  }
0x9b: {  	s6 =	simm.s32 $_size__tile_overlayer_lowered;
	s7 =	simm.s32 $_tile_overlayer_lowered  }
0x9c: {  	s22 =	simm.s32 $0x1BFF;
	s21 =	sshll.u32 s7, $0x1;
	s4 =	sadd.s32 s5, s19  }
0x9d: {  	s8 =	simm.s32 $0x0;
	s20 =	sshll.u32 s6, $0x1;
	s6 =	sadd.s32 s21, s4  }
0x9e: {  	[timem:s8], [sflag:s22] =	dma.local [hbm:s6], s20  }
0x9f: {  	_ =	swait.ge [sflag:s22], s20  }
0xa0: {  	s5 =	ssub.s32 $0x0, s20;
	[sflag:s22] =	ssyncset.done $0x0  }
0xa1: {  	[sflag:s22] =	ssyncadd.s32 s5;
	_ =	sdelay $0x1  }
0xa2: {  	s23 =	simm.s32 $0x1B8B  }
0xa3: {  	_ =	swait.ge [sflag:s23], $0x1  }
0xa4: {  	[sflag:s23] =	ssyncset.done $0x0  }
0xa5: {  	s25 =	simm.s32 $0x1B8E;
	s24 =	sld [smem:$0x3FFE];
	[sflag:s23] =	ssyncadd.s32 $0xFFFFFFFF  }
0xa6: {  	s26 =	simm.s32 $execute0_lowered;
	[smem:$0x3FD2] =	sst s25  }
0xa7: {  	s6 =	sshll.u32 s26, $0x1;
	_ =	strace $0x80000046;
	[dreg:$0x1] =	wrdreg $0xFFFFFFFF  }
0xa8: {  	s28 =	simm.s32 $_size_execute0_lowered;
	s4 =	sadd.s32 s4, s6;
	[dreg:$0x0] =	wrdreg $0x0  }
0xa9: {  	s6 =	sshll.u32 s28, $0x1;
	[dreg:$0x2] =	wrdreg s4  }
0xaa: {  	[dreg:$0x3] =	wrdreg s6  }
0xab: {  	[dreg:$0x4] =	wrdreg $0xC0  }
0xac: {  	_ =	task [dreg:s8], $0x5FFFF  }
0xad: {  	[dreg:$0x1] =	wrdreg $0xFFFFFFFF  }
0xae: {  	[dreg:$0x0] =	wrdreg $0x60  }
0xaf: {  	[dreg:$0x2] =	wrdreg s24  }
0xb0: {  	[dreg:$0x3] =	wrdreg s18  }
0xb1: {  	[dreg:$0x4] =	wrdreg s2  }
0xb2: {  	[dreg:$0x5] =	wrdreg $0xD4400  }
0xb3: {  	[dreg:$0x6] =	wrdreg $0x174400  }
0xb4: {  	[dreg:$0x7] =	wrdreg $0x9  }
0xb5: {  	_ =	task.clear_ibuf [dreg:s8], $0x8FFFF;
	_ =	strace $0x90000046  }
0xb6: {  	s29 =	simm.s32 $0x9;
	_ =	strace $0x80000048  }
0xb7: {  	_ =	swait.ge [sflag:s29], $0x1  }
0xb8: {  	[sflag:s29] =	ssyncadd.s32 $0xFFFFFFFF  }
0xb9: {  	_ =	strace $0x90000048  }
0xba: {  	_ =	sfence  }
0xbb: {  	s30 =	sld [smem:$0x0];
	_ =	sdelay $0x2  }
0xbc: {  	s31 =	sshll.u32 s1, $0xD;
	s1 =	sshrl.u32 s1, $0x2  }
0xbd: {  	s3 =	sand.u32 $0x4000, s31;
	s1 =	sadd.s32 s1, s30  }
0xbe: {  	s0 =	sor.u32 s3, s0;
	s1 =	sshll.u32 s1, $0x11  }
0xbf: {  	s0 =	sor.u32 s1, s0  }
0xc0: {  	s0 =	sadd.s32 $0x8F2B, s0  }
0xc1: {  	[sflag:s0] =	ssyncadd.remote.s32 $0x1  }
0xc2: {  	_ =	sfence.sel $0xFFFF  }
0xc3: {  	[dreg:$0x0] =	wrdreg $0xFFFFFFFF;
	(pc) =	sbr.abs _section_cstart, $3  }
0xc4: {  	[dreg:$0x1] =	wrdreg $0xFFFFFFFF  }
0xc5: {  	_ =	task.clear_ibuf [dreg:s8], $0x2FFFF;
	_ =	strace $0x9FFFFFFF  }
0xc6: {  	(tm) =	ssettm $0x7FFFFFFF  }
0xc7: {  	_ =	shalt  }
tec
execute0_lowered:
.L_overlay_start_1:
0x0: {  	(tag) =	ssettag $0x1  }
0x1: {  	s0 =	rddreg [dreg:$0x0]  }
0x2: {  	s1 =	rddreg [dreg:$0x1]  }
0x3: {  	s5 =	rddreg [dreg:$0x2]  }
0x4: {  	s2 =	rddreg [dreg:$0x3]  }
0x5: {  	s3 =	rddreg [dreg:$0x4];
	s6 =	srdreg.scid;
	s4 =	simm.s32 $0x0  }
0x6: {  	s13 =	stileid.u32;
	s28 =	simm.s32 $0x80;
	s29 =	simm.s32 $0x400  }
0x7: {  	s31 =	simm.s32 $0x8400;
	s30 =	simm.s32 $0x8;
	s16 =	smul.u32 $0x280, s13  }
0x8: {  	s7 =	sand.u32 $0x1, s6;
	[smem:$0x7FF] =	sst s4;
	s10 =	smul.u32 $0x28000, s13  }
0x9: {  	s9 =	sadd.s32 $0x5B200, s0;
	s15 =	sadd.s32 $0x5C600, s0;
	s12 =	smul.u32 $0xA000, s13  }
0xa: {  	s18 =	smul.u32 $0x5200, s13;
	_ =	strace $0x80000047;
	[dreg:$0x6] =	wrdreg s9  }
0xb: {  	s13 =	sshll.u32 s13, $0x6;
	s6 =	smul.u32 $0x14000, s7;
	[dreg:$0x7] =	wrdreg s15  }
0xc: {  	s17 =	sshll.u32 s7, $0x3;
	s7 =	ssub.s32 $0x2, s7;
	s13 =	sor.u32 $0x1C09, s13  }
0xd: {  	s9 =	simm.s32 $0x180;
	[dreg:$0x8] =	wrdreg s16;
	s11 =	sshrl.u32 s7, $0x1  }
0xe: {  	s10 =	sshrl.u32 s10, $0x2;
	s12 =	sshrl.u32 s12, $0x2;
	[dreg:$0x9] =	wrdreg s13  }
0xf: {  	s19 =	sshrl.u32 s18, $0x3;
	s20 =	sor.u32 $0x180, s18;
	s21 =	sadd.s32 $0x200, s18  }
0x10: {  	s22 =	sadd.s32 $0x280, s18;
	s23 =	sadd.s32 $0x300, s18;
	s5 =	sadd.s32 s5, s17  }
0x11: {  	s16 =	simm.s32 $0x380;
	s8 =	sadd.s32 s6, s0;
	[dreg:$0xc] =	wrdreg s20  }
0x12: {  	s6 =	sadd.s32 $0x50E00, s0;
	s0 =	sadd.s32 s17, s0;
	[dreg:$0xd] =	wrdreg s21  }
0x13: {  	s7 =	ssub.s32 s7, s11;
	s10 =	sadd.s32 s10, s2;
	[dreg:$0xe] =	wrdreg s22  }
0x14: {  	s12 =	sadd.s32 s12, s3;
	s14 =	sadd.s32 s1, s19;
	[dreg:$0xf] =	wrdreg s23  }
0x15: {  	[dreg:$0x10] =	wrdreg s5;
	s11 =	simm.s32 $0xA400;
	s20 =	simm.s32 $0x2  }
0x16: {  	s22 =	simm.s32 $0x7;
	s23 =	simm.s32 $0x5;
	s17 =	simm.s32 $0x6  }
0x17: {  	[dreg:$0xa] =	wrdreg s14;
	s13 =	sadd.s32 s6, s19;
	s14 =	sadd.s32 $0xE00, s8  }
0x18: {  	s15 =	sadd.s32 $0x28E00, s8;
	s0 =	sadd.s32 $0x5CC00, s0;
	[dreg:$0xb] =	wrdreg s13  }
0x19: {  	s24 =	smax.u32 s7, $0x1;
	s25 =	sshrl.u32 s10, $0x3;
	[dreg:$0x11] =	wrdreg s0  }
0x1a: {  	s26 =	sshrl.u32 s12, $0x3;
	s12 =	simm.s32 $0xC400;
	[dreg:$0x12] =	wrdreg s24  }
0x1b: {  	v0 =	vimm.s32 $0xF;
	vm0 =	vmmov $0x1;
	vm1 =	vcmask $0x310;
	s10 =	simm.s32 $0xCC00;
	s7 =	simm.s32 $0x0;
	[dreg:$0x13] =	wrdreg s25  }
0x1c: {  	vm2 =	vcmask $0x710;
	vm3 =	vcmask $0xB10;
	v1 =	vimm.s32 $0x0;
	s13 =	sadd.s32 $0xA0E00, s8;
	s24 =	simm.s32 $0x9;
	[dreg:$0x14] =	wrdreg s26  }
0x1d: {  	v2 =	vimm.s32 $0x1;
	v3 =	vimm.s32 $0x2;
	v4 =	vimm.s32 $0x3;
	s0 =	simm.s32 $0x1;
	s25 =	simm.s32 $0x100;
	s26 =	simm.s32 $0x300  }
.LBB2_1:
0x1e: {  	[dreg:$0x15] =	wrdreg s7  }
0x1f: {  	s5 =	rddreg [dreg:$0x6]  }
0x20: {  	s18 =	rddreg [dreg:$0x9]  }
0x21: {  	s8 =	rddreg [dreg:$0x13]  }
0x22: {  	[spmem:s8], [sflag:s18] =	dma.local [hbm:s5], $0x1400  }
0x23: {  	_ =	swait.ge [sflag:s24], $0x1400  }
0x24: {  	[sflag:s24] =	ssyncset.done $0x0;
	s19 =	rddreg [dreg:$0x7]  }
0x25: {  	s21 =	rddreg [dreg:$0x14];
	[sflag:s24] =	ssyncadd.s32 $0xFFFFEC00  }
0x26: {  	[spmem:s21], [sflag:s18] =	dma.local [hbm:s19], $0x500  }
0x27: {  	_ =	swait.ge [sflag:s24], $0x500  }
0x28: {  	[sflag:s24] =	ssyncset.done $0x0  }
0x29: {  	s8 =	rddreg [dreg:$0xa];
	[sflag:s24] =	ssyncadd.s32 $0xFFFFFB00  }
0x2a: {  	[tilespmem:s4], [sflag:$0x9] =	stream.linear.gather [hbm4b:s8+s4], $0x200, $0x38;
	[tilespmem:$0x19C40] =	vst v63  }
0x2b: {  	_ =	swait.ge [sflag:s24], $0x200  }
0x2c: {  	[sflag:s24] =	ssyncset.done $0x0  }
0x2d: {  	s19 =	simm.s32 $0x200;
	s18 =	rddreg [dreg:$0xb];
	[sflag:s24] =	ssyncadd.s32 $0xFFFFFE00  }
0x2e: {  	[tilespmem:s19], [sflag:$0x9] =	stream.linear.gather [hbm4b:s18+s4], $0x200, $0x38;
	[tilespmem:$0x19C40] =	vst v63  }
0x2f: {  	_ =	swait.ge [sflag:s24], $0x200  }
0x30: {  	[sflag:s24] =	ssyncset.done $0x0  }
0x31: {  	[sflag:s24] =	ssyncadd.s32 $0xFFFFFE00  }
0x32: {  	[bflag:$0x0] =	sbarrier.arrive $0xFFFF  }
0x33: {  	[tilespmem:s29], [sflag:$0x1] =	stream.indirect.gather [hbm4b:s13+s28], $0x40, s4, s28, $0xb8;
	[tilespmem:$0x19C40] =	vst v63  }
0x34: {  	s21 =	simm.s32 $0x4400  }
0x35: {  	[tilespmem:s21], [sflag:$0x1] =	stream.indirect.gather [hbm4b:s14+s28], $0x40, s19, s28, $0xb8;
	[tilespmem:$0x19C40] =	vst v63  }
0x36: {  	s18 =	simm.s32 $0x0  }
0x37: {  	[tilespmem:s31], [sflag:$0x1] =	stream.indirect.gather [hbm4b:s15+s28], $0x40, s19, s28, $0xb8;
	[tilespmem:$0x19C40] =	vst v63  }
.LBB2_2:
0x38: {  	_ =	swait.ge [sflag:s0], $0x2000  }
0x39: {  	[sflag:s0] =	ssyncset.done $0x0  }
0x3a: {  	[sflag:s0] =	ssyncadd.s32 $0xFFFFE000  }
0x3b: {  	_ =	swait.ge [sflag:s0], $0x2000  }
0x3c: {  	[sflag:s0] =	ssyncset.done $0x0  }
0x3d: {  	[sflag:s0] =	ssyncadd.s32 $0xFFFFE000  }
0x3e: {  	_ =	swait.ge [sflag:s0], $0x2000  }
0x3f: {  	p0 =	seq.s32 s18, $0x0;
	[sflag:s0] =	ssyncset.done $0x0  }
0x40: {  	s5 =	simm.s32 @!p0 $0x8;
	[sflag:s0] =	ssyncadd.s32 $0xFFFFE000  }
0x41: {  	_ =	swait.ge @!p0 [sflag:s5], $0x800  }
0x42: {  	[sflag:s5] =	ssyncset.done @!p0 $0x0  }
0x43: {  	[sflag:s5] =	ssyncadd.s32 @!p0 $0xFFFFF800  }
0x44: {  	_ =	swait.ge @!p0 [sflag:s5], $0x2000  }
0x45: {  	s7 =	sshll.u32 @!p0 s18, $0x9;
	s8 =	rddreg [dreg:$0xc]  }
0x46: {  	[sflag:s5] =	ssyncset.done @!p0 $0x0;
	s7 =	sadd.s32 @!p0 s7, s8  }
0x47: {  	[sflag:s5] =	ssyncadd.s32 @!p0 $0xFFFFE000;
	s5 =	sshrl.u32 @!p0 s7, $0x3  }
0x48: {  	s19 =	simm.s32 @!p0 $0x180;
	s8 =	simm.s32 @!p0 $0x0;
	s7 =	sadd.s32 @!p0 s1, s5  }
0x49: {  	[tilespmem:s19], [sflag:$0x6] =	stream.linear.gather @!p0 [hbm4b:s7+s8], $0x80, $0x38;
	[tilespmem:$0x19C40] =	vst v63  }
0x4a: {  	s5 =	sadd.s32 @!p0 s6, s5;
	s7 =	simm.s32 @!p0 $0x380  }
0x4b: {  	[tilespmem:s7], [sflag:$0x6] =	stream.linear.gather @!p0 [hbm4b:s5+s8], $0x80, $0x38;
	[tilespmem:$0x19C40] =	vst v63  }
0x4c: {  	s5 =	simm.s32 @!p0 $0x4  }
0x4d: {  	_ =	swait.ge @!p0 [sflag:s5], $0x80  }
0x4e: {  	[sflag:s5] =	ssyncset.done @!p0 $0x0  }
0x4f: {  	[sflag:s5] =	ssyncadd.s32 @!p0 $0xFFFFFF80  }
0x50: {  	_ =	swait.ge @!p0 [sflag:s5], $0x80  }
0x51: {  	[sflag:s5] =	ssyncset.done @!p0 $0x0  }
0x52: {  	s8 =	simm.s32 $0x2400;
	[sflag:s5] =	ssyncadd.s32 @!p0 $0xFFFFFF80  }
0x53: {  	[tilespmem:s8], [sflag:$0x2] =	stream.indirect.gather [hbm4b:s13+s28], $0x40, s28, s28, $0xb8;
	[tilespmem:$0x19C40] =	vst v63  }
0x54: {  	s21 =	simm.s32 $0x6400;
	s19 =	simm.s32 $0x280  }
0x55: {  	[tilespmem:s21], [sflag:$0x2] =	stream.indirect.gather [hbm4b:s14+s28], $0x40, s19, s28, $0xb8;
	[tilespmem:$0x19C40] =	vst v63  }
0x56: {  	_ = 	snop  }
0x57: {  	[tilespmem:s11], [sflag:$0x2] =	stream.indirect.gather [hbm4b:s15+s28], $0x40, s19, s28, $0xb8;
	[tilespmem:$0x19C40] =	vst v63  }
0x58: {  	s5 =	simm.s32 $0xC420;
	s21 =	sshll.u32 s18, $0x2;
	s19 =	simm.s32 $0x0  }
.LBB2_3:
0x59: {  	s7 =	sshra.s32 s19, $0x2  }
0x5a: {  	v5 =	vld [tilespmem:s7+$0x400]  }
0x5b: {  	v6 =	vld [tilespmem:s7+$0x4400]  }
0x5c: {  	v7 =	vld [tilespmem:s7+$0x410]  }
0x5d: {  	v8 =	vld [tilespmem:s7+$0x4410]  }
0x5e: {  	v9 =	vld [tilespmem:s7+$0x420]  }
0x5f: {  	v10 =	vld [tilespmem:s7+$0x4420]  }
0x60: {  	v11 =	vld [tilespmem:s7+$0x430]  }
0x61: {  	v12 =	vld [tilespmem:s7+$0x4430]  }
0x62: {  	v5 =	vmul.f32 v6, v5  }
0x63: {  	v6 =	vmul.f32 v8, v7  }
0x64: {  	v14 =	vld [tilespmem:s7+$0x4440];
	(xrf2) =	vadd.scan.msk.f32 $0xffff, v5  }
0x65: {  	v7 =	vld [tilespmem:s7+$0x440];
	v5 =	vmul.f32 v10, v9;
	(xrf2) =	vadd.scan.msk.f32 $0xffff, v6  }
0x66: {  	v6 =	vmul.f32 v12, v11  }
0x67: {  	v15 =	vld [tilespmem:s7+$0x450];
	(xrf2) =	vadd.scan.msk.f32 $0xffff, v5  }
0x68: {  	v16 =	vld [tilespmem:s7+$0x4450];
	(xrf2) =	vadd.scan.msk.f32 $0xffff, v6  }
0x69: {  	v5 =	vld [tilespmem:s7+$0x460]  }
0x6a: {  	v6 =	vld [tilespmem:s7+$0x4460];
	v7 =	vmul.f32 v14, v7  }
0x6b: {  	v17 =	vld [tilespmem:s7+$0x470]  }
0x6c: {  	v18 =	vld [tilespmem:s7+$0x4470]  }
0x6d: {  	v9 =	vmul.f32 v16, v15;
	(xrf2) =	vadd.scan.msk.f32 $0xffff, v7  }
0x6e: {  	v7, _, _ =	vpop (xrf2)  }
0x6f: {  	v5 =	vmul.f32 v6, v5;
	(xrf2) =	vadd.scan.msk.f32 $0xffff, v9;
	v19, _, _ =	vpop (xrf2);
	v6 =	vperm.xlane v7, v0  }
0x70: {  	v20 =	vld [tilespmem:s7+$0x4480];
	v9 =	vperm.xlane v19, v0  }
0x71: {  	v13 =	vld [tilespmem:s7+$0x4490];
	v8 =	vmul.f32 v18, v17;
	(xrf2) =	vadd.scan.msk.f32 $0xffff, v5;
	v21, _, _ =	vpop (xrf2);
	v5 =	vmul.f32 $1.442695020e+00, v6  }
0x72: {  	v7 =	vld [tilespmem:s7+$0x480];
	v22, _, _ =	vpop (xrf2);
	v11 =	vperm.xlane v21, v0;
	v9 =	vmul.f32 $1.442695020e+00, v9  }
0x73: {  	(xrf2) =	vadd.scan.msk.f32 $0xffff, v8;
	v6 =	vld [tilespmem:s7+$0x490];
	(erf) = vpow2.f32 v5;
	v5 =	vperm.xlane v22, v0  }
0x74: {  	v24 =	vmul.f32 $1.442695020e+00, v11  }
0x75: {  	v23 =	vld [tilespmem:s7+$0x4A0];
	(erf) = vpow2.f32 v9;
	v5 =	vmul.f32 $1.442695020e+00, v5  }
0x76: {  	v25 =	vld [tilespmem:s7+$0x44A0];
	(erf) = vpow2.f32 v24  }
0x77: {  	v26 =	vld [tilespmem:s7+$0x4B0];
	v28, _, _ =	vpop (xrf2);
	v7 =	vmul.f32 v20, v7;
	(erf) = vpow2.f32 v5  }
0x78: {  	v27 =	vld [tilespmem:s7+$0x44B0];
	v10 =	vperm.xlane v28, v0;
	v5 =	vmul.f32 v13, v6  }
0x79: {  	v30 =	vld [tilespmem:s7+$0x8400];
	v29, _, _ =	vpop (xrf2);
	(xrf2) =	vadd.scan.msk.f32 $0xffff, v7  }
0x7a: {  	v31 =	vld [tilespmem:s7+$0x8410];
	(xrf2) =	vadd.scan.msk.f32 $0xffff, v5;
	v5 =	vmul.f32 $1.442695020e+00, v10  }
0x7b: {  	v14 =	vld [tilespmem:s7+$0x8420];
	v32, _, _ =	vpop (xrf2)  }
0x7c: {  	v7 =	vperm.xlane v29, v0;
	v15 =	vpop (erf);
	(erf) = vpow2.f32 v5;
	v5 =	vld [tilespmem:s7+$0x8430]  }
0x7d: {  	v33 =	vld [tilespmem:s7+$0x44C0];
	v8 =	vmul.f32 v27, v26;
	v9 =	vmul.f32 v25, v23;
	v16, _, _ =	vpop (xrf2)  }
0x7e: {  	v6 =	vld [tilespmem:s7+$0x4C0];
	v7 =	vmul.f32 $1.442695020e+00, v7;
	v34 =	vpop (erf);
	v13 =	vmul.f32 v30, v15  }
0x7f: {  	v17 =	vld [tilespmem:s7+$0x44D0];
	(xrf2) =	vadd.scan.msk.f32 $0xffff, v9;
	v12 =	vperm.xlane v32, v0;
	v35 =	vpop (erf);
	v10 =	vmul.f32 v31, v34  }
0x80: {  	(erf) = vpow2.f32 v7;
	v7 =	vld [tilespmem:s7+$0x4D0];
	v36 =	vnsel vm0, $0x0, v15;
	[tilespmem:s7+$0x8400] =	vst v13;
	v14 =	vmul.f32 v14, v35;
	v19 =	vpop (erf)  }
0x81: {  	v37 =	vld [tilespmem:s7+$0x44E0];
	v16 =	vperm.xlane v16, v0;
	v9 =	vsel vm1, v36, v34;
	[tilespmem:s7+$0x8410] =	vst v10;
	v5 =	vmul.f32 v5, v19  }
0x82: {  	v38 =	vld [tilespmem:s7+$0x4F0];
	(xrf2) =	vadd.scan.msk.f32 $0xffff, v8;
	v12 =	vmul.f32 $1.442695020e+00, v12;
	v8 =	vsel vm2, v9, v35;
	[tilespmem:s7+$0x8420] =	vst v14  }
0x83: {  	v39 =	vld [tilespmem:s7+$0x44F0];
	v6 =	vmul.f32 v33, v6;
	v16 =	vmul.f32 $1.442695020e+00, v16;
	[tilespmem:s7+$0x8430] =	vst v5;
	v5 =	vsel vm3, v8, v19  }
0x84: {  	v18 =	vld [tilespmem:s7+$0x4E0];
	(erf) = vpow2.f32 v12;
	v40, _, _ =	vpop (xrf2);
	[tilespmem:s5+$0xFFFFFFE0] =	vst v5  }
0x85: {  	(erf) = vpow2.f32 v16;
	v7 =	vmul.f32 v17, v7;
	(xrf2) =	vadd.scan.msk.f32 $0xffff, v6;
	v41, _, _ =	vpop (xrf2);
	v6 =	vld [tilespmem:s7+$0x8440]  }
0x86: {  	v11 =	vperm.xlane v40, v0;
	v5 =	vperm.xlane v41, v0  }
0x87: {  	(xrf2) =	vadd.scan.msk.f32 $0xffff, v7  }
0x88: {  	v7 =	vmul.f32 $1.442695020e+00, v11;
	v42 =	vld [tilespmem:s7+$0x8450];
	v5 =	vmul.f32 $1.442695020e+00, v5  }
0x89: {  	v43 =	vmul.f32 v37, v18;
	v45 =	vld [tilespmem:s7+$0x8460];
	v46 =	vpop (erf)  }
0x8a: {  	v44, _, _ =	vpop (xrf2);
	(erf) = vpow2.f32 v7;
	v7 =	vld [tilespmem:s7+$0x8470];
	v6 =	vmul.f32 v6, v46  }
0x8b: {  	v9 =	vmul.f32 v39, v38;
	(xrf2) =	vadd.scan.msk.f32 $0xffff, v43;
	v47 =	vpop (erf)  }
0x8c: {  	v48 =	vperm.xlane v44, v0;
	(erf) = vpow2.f32 v5;
	v5, _, _ =	vpop (xrf2);
	[tilespmem:s7+$0x8440] =	vst v6;
	v6 =	vnsel vm0, $0x0, v46  }
0x8d: {  	v49 =	vpop (erf);
	v8 =	vmul.f32 v42, v47;
	v5 =	vperm.xlane v5, v0;
	v6 =	vsel vm1, v6, v47  }
0x8e: {  	v11 =	vmul.f32 $1.442695020e+00, v48;
	v50 =	vpop (erf);
	(xrf2) =	vadd.scan.msk.f32 $0xffff, v9;
	v13 =	vmul.f32 v45, v49;
	v6 =	vsel vm2, v6, v49  }
0x8f: {  	[tilespmem:s7+$0x8450] =	vst v8;
	v7 =	vmul.f32 v7, v50;
	v5 =	vmul.f32 $1.442695020e+00, v5  }
0x90: {  	(erf) = vpow2.f32 v11;
	[tilespmem:s7+$0x8460] =	vst v13;
	v51, _, _ =	vpop (xrf2)  }
0x91: {  	[tilespmem:s7+$0x8470] =	vst v7;
	(erf) = vpow2.f32 v5;
	v5 =	vsel vm3, v6, v50;
	v6, _, _ =	vpop (xrf2)  }
0x92: {  	v7 =	vperm.xlane v51, v0;
	[tilespmem:s5+$0xFFFFFFF0] =	vst v5;
	v5 =	vperm.xlane v6, v0  }
0x93: {  	v6 =	vld [tilespmem:s7+$0x8480]  }
0x94: {  	v7 =	vmul.f32 $1.442695020e+00, v7;
	v52 =	vld [tilespmem:s7+$0x8490];
	v5 =	vmul.f32 $1.442695020e+00, v5  }
0x95: {  	v55 =	vpop (erf);
	v54 =	vld [tilespmem:s7+$0x84A0]  }
0x96: {  	v53, _, _ =	vpop (xrf2);
	(erf) = vpow2.f32 v7;
	v7 =	vld [tilespmem:s7+$0x84B0]  }
0x97: {  	v56 =	vpop (erf);
	v9 =	vperm.xlane v53, v0  }
0x98: {  	(erf) = vpow2.f32 v5;
	v6 =	vmul.f32 v6, v55;
	v5, _, _ =	vpop (xrf2)  }
0x99: {  	v57 =	vpop (erf);
	v8 =	vmul.f32 v52, v56;
	v5 =	vperm.xlane v5, v0  }
0x9a: {  	v9 =	vmul.f32 $1.442695020e+00, v9;
	v10 =	vmul.f32 v54, v57;
	v58 =	vpop (erf);
	[tilespmem:s7+$0x8480] =	vst v6;
	v6 =	vnsel vm0, $0x0, v55  }
0x9b: {  	[tilespmem:s7+$0x8490] =	vst v8;
	v7 =	vmul.f32 v7, v58;
	v6 =	vsel vm1, v6, v56;
	v5 =	vmul.f32 $1.442695020e+00, v5  }
0x9c: {  	(erf) = vpow2.f32 v9;
	[tilespmem:s7+$0x84A0] =	vst v10;
	v6 =	vsel vm2, v6, v57  }
0x9d: {  	[tilespmem:s7+$0x84B0] =	vst v7;
	(erf) = vpow2.f32 v5;
	v5 =	vsel vm3, v6, v58  }
0x9e: {  	[tilespmem:s5+$0x0] =	vst v5  }
0x9f: {  	v5 =	vld [tilespmem:s7+$0x84C0]  }
0xa0: {  	v6 =	vld [tilespmem:s7+$0x84D0]  }
0xa1: {  	v7 =	vld [tilespmem:s7+$0x84E0]  }
0xa2: {  	v59 =	vld [tilespmem:s7+$0x84F0]  }
0xa3: {  	v60 =	vpop (erf)  }
0xa4: {  	v61 =	vpop (erf);
	v5 =	vmul.f32 v5, v60  }
0xa5: {  	p0 =	sne.s32 s19, $0x7C00;
	v62 =	vpop (erf);
	v6 =	vmul.f32 v6, v61  }
.Ltmp0:
0xa6: {  	v7 =	vmul.f32 v7, v62;
	v63 =	vpop (erf);
	[tilespmem:s7+$0x84C0] =	vst v5;
	v5 =	vnsel vm0, $0x0, v60;
	(pc) =	sbr.rel @p0 .LBB2_3-.Ltmp0, $4  }
0xa7: {  	[tilespmem:s7+$0x84D0] =	vst v6;
	v5 =	vsel vm1, v5, v61;
	v6 =	vmul.f32 v59, v63  }
0xa8: {  	[tilespmem:s7+$0x84E0] =	vst v7;
	v5 =	vsel vm2, v5, v62  }
0xa9: {  	[tilespmem:s7+$0x84F0] =	vst v6;
	v5 =	vsel vm3, v5, v63  }
0xaa: {  	s19 =	sadd.s32 $0x400, s19;
	[tilespmem:s5+$0x10] =	vst v5;
	s5 =	sadd.s32 $0x40, s5  }
0xab: {  	[spmem:s3] =	stream.indirect.scatter.add.f32 [tilespmem:s12], [sflag:$0x7], $0x10, s4, s28, $0xb8;
	[tilespmem:$0x19C40] =	vst v63  }
0xac: {  	_ = 	snop  }
0xad: {  	[spmem:s2] =	stream.indirect.scatter.add.f32 [tilespmem:s31], [sflag:$0x7], $0x40, s4, s28, $0xb8;
	[tilespmem:$0x19C40] =	vst v63  }
0xae: {  	_ =	swait.ge [sflag:s20], $0x2000  }
0xaf: {  	[sflag:s20] =	ssyncset.done $0x0  }
0xb0: {  	[sflag:s20] =	ssyncadd.s32 $0xFFFFE000  }
0xb1: {  	_ =	swait.ge [sflag:s20], $0x2000  }
0xb2: {  	[sflag:s20] =	ssyncset.done $0x0  }
0xb3: {  	[sflag:s20] =	ssyncadd.s32 $0xFFFFE000  }
0xb4: {  	_ =	swait.ge [sflag:s20], $0x2000  }
0xb5: {  	[sflag:s20] =	ssyncset.done $0x0  }
0xb6: {  	[sflag:s20] =	ssyncadd.s32 $0xFFFFE000  }
0xb7: {  	_ =	swait.ge [sflag:s22], $0x800  }
0xb8: {  	[sflag:s22] =	ssyncset.done $0x0  }
0xb9: {  	[sflag:s22] =	ssyncadd.s32 $0xFFFFF800  }
0xba: {  	p0 =	seq.s32 s18, $0x28;
	_ =	swait.ge [sflag:s22], $0x2000  }
0xbb: {  	s19 =	sshll.u32 @!p0 s18, $0x9;
	s5 =	rddreg [dreg:$0xd]  }
0xbc: {  	s5 =	sadd.s32 @!p0 s19, s5  }
0xbd: {  	[sflag:s22] =	ssyncset.done $0x0;
	s5 =	sshrl.u32 @!p0 s5, $0x3  }
0xbe: {  	s8 =	simm.s32 @!p0 $0x0;
	[sflag:s22] =	ssyncadd.s32 $0xFFFFE000;
	s7 =	sadd.s32 @!p0 s1, s5  }
0xbf: {  	[tilespmem:s8], [sflag:$0x3] =	stream.linear.gather @!p0 [hbm4b:s7+s8], $0x80, $0x38;
	[tilespmem:$0x19C40] =	vst v63  }
0xc0: {  	s5 =	sadd.s32 @!p0 s6, s5;
	s7 =	simm.s32 @!p0 $0x200  }
0xc1: {  	[tilespmem:s7], [sflag:$0x3] =	stream.linear.gather @!p0 [hbm4b:s5+s8], $0x80, $0x38;
	[tilespmem:$0x19C40] =	vst v63  }
0xc2: {  	s5 =	sadd.s32 @!p0 $0xFFFFFFFC, s21  }
0xc3: {  	p1 =	sgt.u32 @!p0 s5, $0x9F  }
0xc4: {  	p1 =	por p0, !p1  }
0xc5: {  	_ =	swait.ge @p1 [sflag:s23], $0x80  }
0xc6: {  	[sflag:s23] =	ssyncset.done @p1 $0x0  }
0xc7: {  	[sflag:s23] =	ssyncadd.s32 @p1 $0xFFFFFF80  }
0xc8: {  	_ =	swait.ge @p1 [sflag:s23], $0x80  }
0xc9: {  	[sflag:s23] =	ssyncset.done @p1 $0x0  }
0xca: {  	[sflag:s23] =	ssyncadd.s32 @p1 $0xFFFFFF80  }
0xcb: {  	[tilespmem:s29], [sflag:$0x1] =	stream.indirect.gather [hbm4b:s13+s28], $0x40, s25, s28, $0xb8;
	[tilespmem:$0x19C40] =	vst v63  }
0xcc: {  	s21 =	simm.s32 $0x4400  }
0xcd: {  	[tilespmem:s21], [sflag:$0x1] =	stream.indirect.gather [hbm4b:s14+s28], $0x40, s26, s28, $0xb8;
	[tilespmem:$0x19C40] =	vst v63  }
0xce: {  	s5 =	simm.s32 $0xCC30;
	s21 =	simm.s32 $0x0  }
0xcf: {  	[tilespmem:s31], [sflag:$0x1] =	stream.indirect.gather [hbm4b:s15+s28], $0x40, s26, s28, $0xb8;
	[tilespmem:$0x19C40] =	vst v63  }
.LBB2_5:
0xd0: {  	s7 =	sshra.s32 s21, $0x2  }
0xd1: {  	v5 =	vld [tilespmem:s7+$0x2400]  }
0xd2: {  	v6 =	vld [tilespmem:s7+$0x6400]  }
0xd3: {  	v7 =	vld [tilespmem:s7+$0x2410]  }
0xd4: {  	v8 =	vld [tilespmem:s7+$0x6410]  }
0xd5: {  	v9 =	vld [tilespmem:s7+$0x2420]  }
0xd6: {  	v10 =	vld [tilespmem:s7+$0x6420]  }
0xd7: {  	v11 =	vld [tilespmem:s7+$0x2430]  }
0xd8: {  	v12 =	vld [tilespmem:s7+$0x6430]  }
0xd9: {  	v5 =	vmul.f32 v6, v5  }
0xda: {  	v6 =	vmul.f32 v8, v7  }
0xdb: {  	v14 =	vld [tilespmem:s7+$0x6440];
	(xrf2) =	vadd.scan.msk.f32 $0xffff, v5  }
0xdc: {  	v7 =	vld [tilespmem:s7+$0x2440];
	v5 =	vmul.f32 v10, v9;
	(xrf2) =	vadd.scan.msk.f32 $0xffff, v6  }
0xdd: {  	v6 =	vmul.f32 v12, v11  }
0xde: {  	v15 =	vld [tilespmem:s7+$0x2450];
	(xrf2) =	vadd.scan.msk.f32 $0xffff, v5  }
0xdf: {  	v16 =	vld [tilespmem:s7+$0x6450];
	(xrf2) =	vadd.scan.msk.f32 $0xffff, v6  }
0xe0: {  	v5 =	vld [tilespmem:s7+$0x2460]  }
0xe1: {  	v6 =	vld [tilespmem:s7+$0x6460];
	v7 =	vmul.f32 v14, v7  }
0xe2: {  	v17 =	vld [tilespmem:s7+$0x2470]  }
0xe3: {  	v18 =	vld [tilespmem:s7+$0x6470]  }
0xe4: {  	v9 =	vmul.f32 v16, v15;
	(xrf2) =	vadd.scan.msk.f32 $0xffff, v7  }
0xe5: {  	v7, _, _ =	vpop (xrf2)  }
0xe6: {  	v5 =	vmul.f32 v6, v5;
	(xrf2) =	vadd.scan.msk.f32 $0xffff, v9;
	v19, _, _ =	vpop (xrf2);
	v6 =	vperm.xlane v7, v0  }
0xe7: {  	v20 =	vld [tilespmem:s7+$0x6480];
	v9 =	vperm.xlane v19, v0  }
0xe8: {  	v13 =	vld [tilespmem:s7+$0x6490];
	v8 =	vmul.f32 v18, v17;
	(xrf2) =	vadd.scan.msk.f32 $0xffff, v5;
	v21, _, _ =	vpop (xrf2);
	v5 =	vmul.f32 $1.442695020e+00, v6  }
0xe9: {  	v7 =	vld [tilespmem:s7+$0x2480];
	v22, _, _ =	vpop (xrf2);
	v11 =	vperm.xlane v21, v0;
	v9 =	vmul.f32 $1.442695020e+00, v9  }
0xea: {  	(xrf2) =	vadd.scan.msk.f32 $0xffff, v8;
	v6 =	vld [tilespmem:s7+$0x2490];
	(erf) = vpow2.f32 v5;
	v5 =	vperm.xlane v22, v0  }
0xeb: {  	v24 =	vmul.f32 $1.442695020e+00, v11  }
0xec: {  	v23 =	vld [tilespmem:s7+$0x24A0];
	(erf) = vpow2.f32 v9;
	v5 =	vmul.f32 $1.442695020e+00, v5  }
0xed: {  	v25 =	vld [tilespmem:s7+$0x64A0];
	(erf) = vpow2.f32 v24  }
0xee: {  	v26 =	vld [tilespmem:s7+$0x24B0];
	v28, _, _ =	vpop (xrf2);
	v7 =	vmul.f32 v20, v7;
	(erf) = vpow2.f32 v5  }
0xef: {  	v27 =	vld [tilespmem:s7+$0x64B0];
	v10 =	vperm.xlane v28, v0;
	v5 =	vmul.f32 v13, v6  }
0xf0: {  	v30 =	vld [tilespmem:s7+$0xA400];
	v29, _, _ =	vpop (xrf2);
	(xrf2) =	vadd.scan.msk.f32 $0xffff, v7  }
0xf1: {  	v31 =	vld [tilespmem:s7+$0xA410];
	(xrf2) =	vadd.scan.msk.f32 $0xffff, v5;
	v5 =	vmul.f32 $1.442695020e+00, v10  }
0xf2: {  	v14 =	vld [tilespmem:s7+$0xA420];
	v32, _, _ =	vpop (xrf2)  }
0xf3: {  	v7 =	vperm.xlane v29, v0;
	v15 =	vpop (erf);
	(erf) = vpow2.f32 v5;
	v5 =	vld [tilespmem:s7+$0xA430]  }
0xf4: {  	v33 =	vld [tilespmem:s7+$0x64C0];
	v8 =	vmul.f32 v27, v26;
	v9 =	vmul.f32 v25, v23;
	v16, _, _ =	vpop (xrf2)  }
0xf5: {  	v6 =	vld [tilespmem:s7+$0x24C0];
	v7 =	vmul.f32 $1.442695020e+00, v7;
	v34 =	vpop (erf);
	v13 =	vmul.f32 v30, v15  }
0xf6: {  	v17 =	vld [tilespmem:s7+$0x64D0];
	(xrf2) =	vadd.scan.msk.f32 $0xffff, v9;
	v12 =	vperm.xlane v32, v0;
	v35 =	vpop (erf);
	v10 =	vmul.f32 v31, v34  }
0xf7: {  	(erf) = vpow2.f32 v7;
	v7 =	vld [tilespmem:s7+$0x24D0];
	v36 =	vnsel vm0, $0x0, v15;
	[tilespmem:s7+$0xA400] =	vst v13;
	v14 =	vmul.f32 v14, v35;
	v19 =	vpop (erf)  }
0xf8: {  	v37 =	vld [tilespmem:s7+$0x64E0];
	v16 =	vperm.xlane v16, v0;
	v9 =	vsel vm1, v36, v34;
	[tilespmem:s7+$0xA410] =	vst v10;
	v5 =	vmul.f32 v5, v19  }
0xf9: {  	v38 =	vld [tilespmem:s7+$0x24F0];
	(xrf2) =	vadd.scan.msk.f32 $0xffff, v8;
	v12 =	vmul.f32 $1.442695020e+00, v12;
	v8 =	vsel vm2, v9, v35;
	[tilespmem:s7+$0xA420] =	vst v14  }
0xfa: {  	v39 =	vld [tilespmem:s7+$0x64F0];
	v6 =	vmul.f32 v33, v6;
	v16 =	vmul.f32 $1.442695020e+00, v16;
	[tilespmem:s7+$0xA430] =	vst v5;
	v5 =	vsel vm3, v8, v19  }
0xfb: {  	v18 =	vld [tilespmem:s7+$0x24E0];
	(erf) = vpow2.f32 v12;
	v40, _, _ =	vpop (xrf2);
	[tilespmem:s5+$0xFFFFFFD0] =	vst v5  }
0xfc: {  	(erf) = vpow2.f32 v16;
	v7 =	vmul.f32 v17, v7;
	(xrf2) =	vadd.scan.msk.f32 $0xffff, v6;
	v41, _, _ =	vpop (xrf2);
	v6 =	vld [tilespmem:s7+$0xA440]  }
0xfd: {  	v11 =	vperm.xlane v40, v0;
	v5 =	vperm.xlane v41, v0  }
0xfe: {  	(xrf2) =	vadd.scan.msk.f32 $0xffff, v7  }
0xff: {  	v7 =	vmul.f32 $1.442695020e+00, v11;
	v42 =	vld [tilespmem:s7+$0xA450];
	v5 =	vmul.f32 $1.442695020e+00, v5  }
0x100: {  	v43 =	vmul.f32 v37, v18;
	v45 =	vld [tilespmem:s7+$0xA460];
	v46 =	vpop (erf)  }
0x101: {  	v44, _, _ =	vpop (xrf2);
	(erf) = vpow2.f32 v7;
	v7 =	vld [tilespmem:s7+$0xA470];
	v6 =	vmul.f32 v6, v46  }
0x102: {  	v9 =	vmul.f32 v39, v38;
	(xrf2) =	vadd.scan.msk.f32 $0xffff, v43;
	v47 =	vpop (erf)  }
0x103: {  	v48 =	vperm.xlane v44, v0;
	(erf) = vpow2.f32 v5;
	v5, _, _ =	vpop (xrf2);
	[tilespmem:s7+$0xA440] =	vst v6;
	v6 =	vnsel vm0, $0x0, v46  }
0x104: {  	v49 =	vpop (erf);
	v8 =	vmul.f32 v42, v47;
	v5 =	vperm.xlane v5, v0;
	v6 =	vsel vm1, v6, v47  }
0x105: {  	v11 =	vmul.f32 $1.442695020e+00, v48;
	v50 =	vpop (erf);
	(xrf2) =	vadd.scan.msk.f32 $0xffff, v9;
	v13 =	vmul.f32 v45, v49;
	v6 =	vsel vm2, v6, v49  }
0x106: {  	[tilespmem:s7+$0xA450] =	vst v8;
	v7 =	vmul.f32 v7, v50;
	v5 =	vmul.f32 $1.442695020e+00, v5  }
0x107: {  	(erf) = vpow2.f32 v11;
	[tilespmem:s7+$0xA460] =	vst v13;
	v51, _, _ =	vpop (xrf2)  }
0x108: {  	[tilespmem:s7+$0xA470] =	vst v7;
	(erf) = vpow2.f32 v5;
	v5 =	vsel vm3, v6, v50;
	v6, _, _ =	vpop (xrf2)  }
0x109: {  	v7 =	vperm.xlane v51, v0;
	[tilespmem:s5+$0xFFFFFFE0] =	vst v5;
	v5 =	vperm.xlane v6, v0  }
0x10a: {  	v6 =	vld [tilespmem:s7+$0xA480]  }
0x10b: {  	v7 =	vmul.f32 $1.442695020e+00, v7;
	v52 =	vld [tilespmem:s7+$0xA490];
	v5 =	vmul.f32 $1.442695020e+00, v5  }
0x10c: {  	v55 =	vpop (erf);
	v54 =	vld [tilespmem:s7+$0xA4A0]  }
0x10d: {  	v53, _, _ =	vpop (xrf2);
	(erf) = vpow2.f32 v7;
	v7 =	vld [tilespmem:s7+$0xA4B0]  }
0x10e: {  	v56 =	vpop (erf);
	v9 =	vperm.xlane v53, v0  }
0x10f: {  	(erf) = vpow2.f32 v5;
	v6 =	vmul.f32 v6, v55;
	v5, _, _ =	vpop (xrf2)  }
0x110: {  	v57 =	vpop (erf);
	v8 =	vmul.f32 v52, v56;
	v5 =	vperm.xlane v5, v0  }
0x111: {  	v9 =	vmul.f32 $1.442695020e+00, v9;
	v10 =	vmul.f32 v54, v57;
	v58 =	vpop (erf);
	[tilespmem:s7+$0xA480] =	vst v6;
	v6 =	vnsel vm0, $0x0, v55  }
0x112: {  	[tilespmem:s7+$0xA490] =	vst v8;
	v7 =	vmul.f32 v7, v58;
	v6 =	vsel vm1, v6, v56;
	v5 =	vmul.f32 $1.442695020e+00, v5  }
0x113: {  	(erf) = vpow2.f32 v9;
	[tilespmem:s7+$0xA4A0] =	vst v10;
	v6 =	vsel vm2, v6, v57  }
0x114: {  	[tilespmem:s7+$0xA4B0] =	vst v7;
	(erf) = vpow2.f32 v5;
	v5 =	vsel vm3, v6, v58  }
0x115: {  	[tilespmem:s5+$0xFFFFFFF0] =	vst v5  }
0x116: {  	v5 =	vld [tilespmem:s7+$0xA4C0]  }
0x117: {  	v6 =	vld [tilespmem:s7+$0xA4D0]  }
0x118: {  	v7 =	vld [tilespmem:s7+$0xA4E0]  }
0x119: {  	v59 =	vld [tilespmem:s7+$0xA4F0]  }
0x11a: {  	v60 =	vpop (erf)  }
0x11b: {  	v61 =	vpop (erf);
	v5 =	vmul.f32 v5, v60  }
0x11c: {  	p1 =	sne.s32 s21, $0x7C00;
	v62 =	vpop (erf);
	v6 =	vmul.f32 v6, v61  }
.Ltmp1:
0x11d: {  	v7 =	vmul.f32 v7, v62;
	v63 =	vpop (erf);
	[tilespmem:s7+$0xA4C0] =	vst v5;
	v5 =	vnsel vm0, $0x0, v60;
	(pc) =	sbr.rel @p1 .LBB2_5-.Ltmp1, $4  }
0x11e: {  	[tilespmem:s7+$0xA4D0] =	vst v6;
	v5 =	vsel vm1, v5, v61;
	v6 =	vmul.f32 v59, v63  }
0x11f: {  	[tilespmem:s7+$0xA4E0] =	vst v7;
	v5 =	vsel vm2, v5, v62  }
0x120: {  	[tilespmem:s7+$0xA4F0] =	vst v6;
	v5 =	vsel vm3, v5, v63  }
0x121: {  	s21 =	sadd.s32 $0x400, s21;
	[tilespmem:s5+$0x0] =	vst v5;
	s5 =	sadd.s32 $0x40, s5  }
0x122: {  	[spmem:s3] =	stream.indirect.scatter.add.f32 [tilespmem:s10], [sflag:$0x8], $0x10, s28, s28, $0xb8;
	[tilespmem:$0x19C40] =	vst v63  }
0x123: {  	_ = 	snop  }
0x124: {  	[spmem:s2] =	stream.indirect.scatter.add.f32 [tilespmem:s11], [sflag:$0x8], $0x40, s28, s28, $0xb8;
	[tilespmem:$0x19C40] =	vst v63  }
0x125: {  	_ =	swait.ge [sflag:s0], $0x2000  }
0x126: {  	[sflag:s0] =	ssyncset.done $0x0  }
0x127: {  	[sflag:s0] =	ssyncadd.s32 $0xFFFFE000  }
0x128: {  	_ =	swait.ge [sflag:s0], $0x2000  }
0x129: {  	[sflag:s0] =	ssyncset.done $0x0  }
0x12a: {  	[sflag:s0] =	ssyncadd.s32 $0xFFFFE000  }
0x12b: {  	_ =	swait.ge [sflag:s0], $0x2000  }
0x12c: {  	[sflag:s0] =	ssyncset.done $0x0  }
0x12d: {  	[sflag:s0] =	ssyncadd.s32 $0xFFFFE000  }
0x12e: {  	_ =	swait.ge [sflag:s30], $0x800  }
0x12f: {  	[sflag:s30] =	ssyncset.done $0x0  }
0x130: {  	[sflag:s30] =	ssyncadd.s32 $0xFFFFF800  }
0x131: {  	_ =	swait.ge [sflag:s30], $0x2000  }
0x132: {  	s5 =	rddreg [dreg:$0xe]  }
0x133: {  	s8 =	simm.s32 @!p0 $0x0;
	s5 =	sadd.s32 @!p0 s19, s5  }
0x134: {  	s21 =	simm.s32 @!p0 $0x80;
	[sflag:s30] =	ssyncset.done $0x0;
	s5 =	sshrl.u32 @!p0 s5, $0x3  }
0x135: {  	p1 =	seq.s32 @!p0 s18, $0x0;
	[sflag:s30] =	ssyncadd.s32 $0xFFFFE000;
	s7 =	sadd.s32 @!p0 s1, s5  }
0x136: {  	[tilespmem:s21], [sflag:$0x4] =	stream.linear.gather @!p0 [hbm4b:s7+s8], $0x80, $0x38;
	[tilespmem:$0x19C40] =	vst v63  }
0x137: {  	p1 =	por p0, !p1;
	s5 =	sadd.s32 @!p0 s6, s5;
	s7 =	simm.s32 @!p0 $0x280  }
0x138: {  	[tilespmem:s7], [sflag:$0x4] =	stream.linear.gather @!p0 [hbm4b:s5+s8], $0x80, $0x38;
	[tilespmem:$0x19C40] =	vst v63  }
0x139: {  	_ =	swait.ge @p1 [sflag:s17], $0x80  }
0x13a: {  	[sflag:s17] =	ssyncset.done @p1 $0x0  }
0x13b: {  	[sflag:s17] =	ssyncadd.s32 @p1 $0xFFFFFF80  }
0x13c: {  	_ =	swait.ge @p1 [sflag:s17], $0x80  }
0x13d: {  	[sflag:s17] =	ssyncset.done @p1 $0x0  }
0x13e: {  	s8 =	simm.s32 $0x2400;
	[sflag:s17] =	ssyncadd.s32 @p1 $0xFFFFFF80  }
0x13f: {  	[tilespmem:s8], [sflag:$0x2] =	stream.indirect.gather [hbm4b:s13+s28], $0x40, s9, s28, $0xb8;
	[tilespmem:$0x19C40] =	vst v63  }
0x140: {  	s21 =	simm.s32 $0x6400  }
0x141: {  	[tilespmem:s21], [sflag:$0x2] =	stream.indirect.gather [hbm4b:s14+s28], $0x40, s16, s28, $0xb8;
	[tilespmem:$0x19C40] =	vst v63  }
0x142: {  	s5 =	simm.s32 $0xC420;
	s21 =	simm.s32 $0x0  }
0x143: {  	[tilespmem:s11], [sflag:$0x2] =	stream.indirect.gather [hbm4b:s15+s28], $0x40, s16, s28, $0xb8;
	[tilespmem:$0x19C40] =	vst v63  }
.LBB2_7:
0x144: {  	s7 =	sshra.s32 s21, $0x2  }
0x145: {  	v5 =	vld [tilespmem:s7+$0x400]  }
0x146: {  	v6 =	vld [tilespmem:s7+$0x4400]  }
0x147: {  	v7 =	vld [tilespmem:s7+$0x410]  }
0x148: {  	v8 =	vld [tilespmem:s7+$0x4410]  }
0x149: {  	v9 =	vld [tilespmem:s7+$0x420]  }
0x14a: {  	v10 =	vld [tilespmem:s7+$0x4420]  }
0x14b: {  	v11 =	vld [tilespmem:s7+$0x430]  }
0x14c: {  	v12 =	vld [tilespmem:s7+$0x4430]  }
0x14d: {  	v5 =	vmul.f32 v6, v5  }
0x14e: {  	v6 =	vmul.f32 v8, v7  }
0x14f: {  	v14 =	vld [tilespmem:s7+$0x4440];
	(xrf2) =	vadd.scan.msk.f32 $0xffff, v5  }
0x150: {  	v7 =	vld [tilespmem:s7+$0x440];
	v5 =	vmul.f32 v10, v9;
	(xrf2) =	vadd.scan.msk.f32 $0xffff, v6  }
0x151: {  	v6 =	vmul.f32 v12, v11  }
0x152: {  	v15 =	vld [tilespmem:s7+$0x450];
	(xrf2) =	vadd.scan.msk.f32 $0xffff, v5  }
0x153: {  	v16 =	vld [tilespmem:s7+$0x4450];
	(xrf2) =	vadd.scan.msk.f32 $0xffff, v6  }
0x154: {  	v5 =	vld [tilespmem:s7+$0x460]  }
0x155: {  	v6 =	vld [tilespmem:s7+$0x4460];
	v7 =	vmul.f32 v14, v7  }
0x156: {  	v17 =	vld [tilespmem:s7+$0x470]  }
0x157: {  	v18 =	vld [tilespmem:s7+$0x4470]  }
0x158: {  	v9 =	vmul.f32 v16, v15;
	(xrf2) =	vadd.scan.msk.f32 $0xffff, v7  }
0x159: {  	v7, _, _ =	vpop (xrf2)  }
0x15a: {  	v5 =	vmul.f32 v6, v5;
	(xrf2) =	vadd.scan.msk.f32 $0xffff, v9;
	v19, _, _ =	vpop (xrf2);
	v6 =	vperm.xlane v7, v0  }
0x15b: {  	v20 =	vld [tilespmem:s7+$0x4480];
	v9 =	vperm.xlane v19, v0  }
0x15c: {  	v13 =	vld [tilespmem:s7+$0x4490];
	v8 =	vmul.f32 v18, v17;
	(xrf2) =	vadd.scan.msk.f32 $0xffff, v5;
	v21, _, _ =	vpop (xrf2);
	v5 =	vmul.f32 $1.442695020e+00, v6  }
0x15d: {  	v7 =	vld [tilespmem:s7+$0x480];
	v22, _, _ =	vpop (xrf2);
	v11 =	vperm.xlane v21, v0;
	v9 =	vmul.f32 $1.442695020e+00, v9  }
0x15e: {  	(xrf2) =	vadd.scan.msk.f32 $0xffff, v8;
	v6 =	vld [tilespmem:s7+$0x490];
	(erf) = vpow2.f32 v5;
	v5 =	vperm.xlane v22, v0  }
0x15f: {  	v24 =	vmul.f32 $1.442695020e+00, v11  }
0x160: {  	v23 =	vld [tilespmem:s7+$0x4A0];
	(erf) = vpow2.f32 v9;
	v5 =	vmul.f32 $1.442695020e+00, v5  }
0x161: {  	v25 =	vld [tilespmem:s7+$0x44A0];
	(erf) = vpow2.f32 v24  }
0x162: {  	v26 =	vld [tilespmem:s7+$0x4B0];
	v28, _, _ =	vpop (xrf2);
	v7 =	vmul.f32 v20, v7;
	(erf) = vpow2.f32 v5  }
0x163: {  	v27 =	vld [tilespmem:s7+$0x44B0];
	v10 =	vperm.xlane v28, v0;
	v5 =	vmul.f32 v13, v6  }
0x164: {  	v30 =	vld [tilespmem:s7+$0x8400];
	v29, _, _ =	vpop (xrf2);
	(xrf2) =	vadd.scan.msk.f32 $0xffff, v7  }
0x165: {  	v31 =	vld [tilespmem:s7+$0x8410];
	(xrf2) =	vadd.scan.msk.f32 $0xffff, v5;
	v5 =	vmul.f32 $1.442695020e+00, v10  }
0x166: {  	v14 =	vld [tilespmem:s7+$0x8420];
	v32, _, _ =	vpop (xrf2)  }
0x167: {  	v7 =	vperm.xlane v29, v0;
	v15 =	vpop (erf);
	(erf) = vpow2.f32 v5;
	v5 =	vld [tilespmem:s7+$0x8430]  }
0x168: {  	v33 =	vld [tilespmem:s7+$0x44C0];
	v8 =	vmul.f32 v27, v26;
	v9 =	vmul.f32 v25, v23;
	v16, _, _ =	vpop (xrf2)  }
0x169: {  	v6 =	vld [tilespmem:s7+$0x4C0];
	v7 =	vmul.f32 $1.442695020e+00, v7;
	v34 =	vpop (erf);
	v13 =	vmul.f32 v30, v15  }
0x16a: {  	v17 =	vld [tilespmem:s7+$0x44D0];
	(xrf2) =	vadd.scan.msk.f32 $0xffff, v9;
	v12 =	vperm.xlane v32, v0;
	v35 =	vpop (erf);
	v10 =	vmul.f32 v31, v34  }
0x16b: {  	(erf) = vpow2.f32 v7;
	v7 =	vld [tilespmem:s7+$0x4D0];
	v36 =	vnsel vm0, $0x0, v15;
	[tilespmem:s7+$0x8400] =	vst v13;
	v14 =	vmul.f32 v14, v35;
	v19 =	vpop (erf)  }
0x16c: {  	v37 =	vld [tilespmem:s7+$0x44E0];
	v16 =	vperm.xlane v16, v0;
	v9 =	vsel vm1, v36, v34;
	[tilespmem:s7+$0x8410] =	vst v10;
	v5 =	vmul.f32 v5, v19  }
0x16d: {  	v38 =	vld [tilespmem:s7+$0x4F0];
	(xrf2) =	vadd.scan.msk.f32 $0xffff, v8;
	v12 =	vmul.f32 $1.442695020e+00, v12;
	v8 =	vsel vm2, v9, v35;
	[tilespmem:s7+$0x8420] =	vst v14  }
0x16e: {  	v39 =	vld [tilespmem:s7+$0x44F0];
	v6 =	vmul.f32 v33, v6;
	v16 =	vmul.f32 $1.442695020e+00, v16;
	[tilespmem:s7+$0x8430] =	vst v5;
	v5 =	vsel vm3, v8, v19  }
0x16f: {  	v18 =	vld [tilespmem:s7+$0x4E0];
	(erf) = vpow2.f32 v12;
	v40, _, _ =	vpop (xrf2);
	[tilespmem:s5+$0xFFFFFFE0] =	vst v5  }
0x170: {  	(erf) = vpow2.f32 v16;
	v7 =	vmul.f32 v17, v7;
	(xrf2) =	vadd.scan.msk.f32 $0xffff, v6;
	v41, _, _ =	vpop (xrf2);
	v6 =	vld [tilespmem:s7+$0x8440]  }
0x171: {  	v11 =	vperm.xlane v40, v0;
	v5 =	vperm.xlane v41, v0  }
0x172: {  	(xrf2) =	vadd.scan.msk.f32 $0xffff, v7  }
0x173: {  	v7 =	vmul.f32 $1.442695020e+00, v11;
	v42 =	vld [tilespmem:s7+$0x8450];
	v5 =	vmul.f32 $1.442695020e+00, v5  }
0x174: {  	v43 =	vmul.f32 v37, v18;
	v45 =	vld [tilespmem:s7+$0x8460];
	v46 =	vpop (erf)  }
0x175: {  	v44, _, _ =	vpop (xrf2);
	(erf) = vpow2.f32 v7;
	v7 =	vld [tilespmem:s7+$0x8470];
	v6 =	vmul.f32 v6, v46  }
0x176: {  	v9 =	vmul.f32 v39, v38;
	(xrf2) =	vadd.scan.msk.f32 $0xffff, v43;
	v47 =	vpop (erf)  }
0x177: {  	v48 =	vperm.xlane v44, v0;
	(erf) = vpow2.f32 v5;
	v5, _, _ =	vpop (xrf2);
	[tilespmem:s7+$0x8440] =	vst v6;
	v6 =	vnsel vm0, $0x0, v46  }
0x178: {  	v49 =	vpop (erf);
	v8 =	vmul.f32 v42, v47;
	v5 =	vperm.xlane v5, v0;
	v6 =	vsel vm1, v6, v47  }
0x179: {  	v11 =	vmul.f32 $1.442695020e+00, v48;
	v50 =	vpop (erf);
	(xrf2) =	vadd.scan.msk.f32 $0xffff, v9;
	v13 =	vmul.f32 v45, v49;
	v6 =	vsel vm2, v6, v49  }
0x17a: {  	[tilespmem:s7+$0x8450] =	vst v8;
	v7 =	vmul.f32 v7, v50;
	v5 =	vmul.f32 $1.442695020e+00, v5  }
0x17b: {  	(erf) = vpow2.f32 v11;
	[tilespmem:s7+$0x8460] =	vst v13;
	v51, _, _ =	vpop (xrf2)  }
0x17c: {  	[tilespmem:s7+$0x8470] =	vst v7;
	(erf) = vpow2.f32 v5;
	v5 =	vsel vm3, v6, v50;
	v6, _, _ =	vpop (xrf2)  }
0x17d: {  	v7 =	vperm.xlane v51, v0;
	[tilespmem:s5+$0xFFFFFFF0] =	vst v5;
	v5 =	vperm.xlane v6, v0  }
0x17e: {  	v6 =	vld [tilespmem:s7+$0x8480]  }
0x17f: {  	v7 =	vmul.f32 $1.442695020e+00, v7;
	v52 =	vld [tilespmem:s7+$0x8490];
	v5 =	vmul.f32 $1.442695020e+00, v5  }
0x180: {  	v55 =	vpop (erf);
	v54 =	vld [tilespmem:s7+$0x84A0]  }
0x181: {  	v53, _, _ =	vpop (xrf2);
	(erf) = vpow2.f32 v7;
	v7 =	vld [tilespmem:s7+$0x84B0]  }
0x182: {  	v56 =	vpop (erf);
	v9 =	vperm.xlane v53, v0  }
0x183: {  	(erf) = vpow2.f32 v5;
	v6 =	vmul.f32 v6, v55;
	v5, _, _ =	vpop (xrf2)  }
0x184: {  	v57 =	vpop (erf);
	v8 =	vmul.f32 v52, v56;
	v5 =	vperm.xlane v5, v0  }
0x185: {  	v9 =	vmul.f32 $1.442695020e+00, v9;
	v10 =	vmul.f32 v54, v57;
	v58 =	vpop (erf);
	[tilespmem:s7+$0x8480] =	vst v6;
	v6 =	vnsel vm0, $0x0, v55  }
0x186: {  	[tilespmem:s7+$0x8490] =	vst v8;
	v7 =	vmul.f32 v7, v58;
	v6 =	vsel vm1, v6, v56;
	v5 =	vmul.f32 $1.442695020e+00, v5  }
0x187: {  	(erf) = vpow2.f32 v9;
	[tilespmem:s7+$0x84A0] =	vst v10;
	v6 =	vsel vm2, v6, v57  }
0x188: {  	[tilespmem:s7+$0x84B0] =	vst v7;
	(erf) = vpow2.f32 v5;
	v5 =	vsel vm3, v6, v58  }
0x189: {  	[tilespmem:s5+$0x0] =	vst v5  }
0x18a: {  	v5 =	vld [tilespmem:s7+$0x84C0]  }
0x18b: {  	v6 =	vld [tilespmem:s7+$0x84D0]  }
0x18c: {  	v7 =	vld [tilespmem:s7+$0x84E0]  }
0x18d: {  	v59 =	vld [tilespmem:s7+$0x84F0]  }
0x18e: {  	v60 =	vpop (erf)  }
0x18f: {  	v61 =	vpop (erf);
	v5 =	vmul.f32 v5, v60  }
0x190: {  	p1 =	sne.s32 s21, $0x7C00;
	v62 =	vpop (erf);
	v6 =	vmul.f32 v6, v61  }
.Ltmp2:
0x191: {  	v7 =	vmul.f32 v7, v62;
	v63 =	vpop (erf);
	[tilespmem:s7+$0x84C0] =	vst v5;
	v5 =	vnsel vm0, $0x0, v60;
	(pc) =	sbr.rel @p1 .LBB2_7-.Ltmp2, $4  }
0x192: {  	[tilespmem:s7+$0x84D0] =	vst v6;
	v5 =	vsel vm1, v5, v61;
	v6 =	vmul.f32 v59, v63  }
0x193: {  	[tilespmem:s7+$0x84E0] =	vst v7;
	v5 =	vsel vm2, v5, v62  }
0x194: {  	[tilespmem:s7+$0x84F0] =	vst v6;
	v5 =	vsel vm3, v5, v63  }
0x195: {  	s21 =	sadd.s32 $0x400, s21;
	[tilespmem:s5+$0x10] =	vst v5;
	s5 =	sadd.s32 $0x40, s5  }
0x196: {  	[spmem:s3] =	stream.indirect.scatter.add.f32 [tilespmem:s12], [sflag:$0x7], $0x10, s25, s28, $0xb8;
	[tilespmem:$0x19C40] =	vst v63  }
0x197: {  	_ = 	snop  }
0x198: {  	[spmem:s2] =	stream.indirect.scatter.add.f32 [tilespmem:s31], [sflag:$0x7], $0x40, s25, s28, $0xb8;
	[tilespmem:$0x19C40] =	vst v63  }
0x199: {  	_ =	swait.ge [sflag:s20], $0x2000  }
0x19a: {  	[sflag:s20] =	ssyncset.done $0x0  }
0x19b: {  	[sflag:s20] =	ssyncadd.s32 $0xFFFFE000  }
0x19c: {  	_ =	swait.ge [sflag:s20], $0x2000  }
0x19d: {  	[sflag:s20] =	ssyncset.done $0x0  }
0x19e: {  	[sflag:s20] =	ssyncadd.s32 $0xFFFFE000  }
0x19f: {  	_ =	swait.ge [sflag:s20], $0x2000  }
0x1a0: {  	[sflag:s20] =	ssyncset.done $0x0  }
0x1a1: {  	[sflag:s20] =	ssyncadd.s32 $0xFFFFE000  }
0x1a2: {  	_ =	swait.ge [sflag:s22], $0x800  }
0x1a3: {  	[sflag:s22] =	ssyncset.done $0x0  }
0x1a4: {  	[sflag:s22] =	ssyncadd.s32 $0xFFFFF800  }
0x1a5: {  	_ =	swait.ge [sflag:s22], $0x2000  }
0x1a6: {  	s5 =	rddreg [dreg:$0xf]  }
0x1a7: {  	s5 =	sadd.s32 @!p0 s19, s5  }
0x1a8: {  	s8 =	simm.s32 @!p0 $0x0;
	[sflag:s22] =	ssyncset.done $0x0;
	s5 =	sshrl.u32 @!p0 s5, $0x3  }
0x1a9: {  	[sflag:s22] =	ssyncadd.s32 $0xFFFFE000;
	s19 =	simm.s32 @!p0 $0x100;
	s7 =	sadd.s32 @!p0 s1, s5  }
0x1aa: {  	[tilespmem:s19], [sflag:$0x5] =	stream.linear.gather @!p0 [hbm4b:s7+s8], $0x80, $0x38;
	[tilespmem:$0x19C40] =	vst v63  }
0x1ab: {  	s5 =	sadd.s32 @!p0 s6, s5;
	s7 =	simm.s32 @!p0 $0x300  }
0x1ac: {  	[tilespmem:s7], [sflag:$0x5] =	stream.linear.gather @!p0 [hbm4b:s5+s8], $0x80, $0x38;
	[tilespmem:$0x19C40] =	vst v63  }
0x1ad: {  	s5 =	simm.s32 @!p0 $0x3  }
0x1ae: {  	_ =	swait.ge @!p0 [sflag:s5], $0x80  }
0x1af: {  	[sflag:s5] =	ssyncset.done @!p0 $0x0  }
0x1b0: {  	[sflag:s5] =	ssyncadd.s32 @!p0 $0xFFFFFF80  }
0x1b1: {  	_ =	swait.ge @!p0 [sflag:s5], $0x80  }
0x1b2: {  	[sflag:s5] =	ssyncset.done @!p0 $0x0  }
0x1b3: {  	s7 =	simm.s32 @!p0 $0x400;
	[sflag:s5] =	ssyncadd.s32 @!p0 $0xFFFFFF80;
	s5 =	simm.s32 @!p0 $0x80  }
0x1b4: {  	[tilespmem:s7], [sflag:$0x1] =	stream.indirect.gather @!p0 [hbm4b:s13+s5], $0x40, s8, s5, $0xb8;
	[tilespmem:$0x19C40] =	vst v63  }
0x1b5: {  	s7 =	simm.s32 @!p0 $0x200;
	s8 =	simm.s32 @!p0 $0x4400  }
0x1b6: {  	[tilespmem:s8], [sflag:$0x1] =	stream.indirect.gather @!p0 [hbm4b:s14+s5], $0x40, s7, s5, $0xb8;
	[tilespmem:$0x19C40] =	vst v63  }
0x1b7: {  	s8 =	simm.s32 @!p0 $0x8400  }
0x1b8: {  	[tilespmem:s8], [sflag:$0x1] =	stream.indirect.gather @!p0 [hbm4b:s15+s5], $0x40, s7, s5, $0xb8;
	[tilespmem:$0x19C40] =	vst v63  }
0x1b9: {  	s19 =	simm.s32 $0x0;
	s5 =	simm.s32 $0xCC30  }
.LBB2_9:
0x1ba: {  	s7 =	sshra.s32 s19, $0x2  }
0x1bb: {  	v5 =	vld [tilespmem:s7+$0x2400]  }
0x1bc: {  	v6 =	vld [tilespmem:s7+$0x6400]  }
0x1bd: {  	v7 =	vld [tilespmem:s7+$0x2410]  }
0x1be: {  	v8 =	vld [tilespmem:s7+$0x6410]  }
0x1bf: {  	v9 =	vld [tilespmem:s7+$0x2420]  }
0x1c0: {  	v10 =	vld [tilespmem:s7+$0x6420]  }
0x1c1: {  	v11 =	vld [tilespmem:s7+$0x2430]  }
0x1c2: {  	v12 =	vld [tilespmem:s7+$0x6430]  }
0x1c3: {  	v5 =	vmul.f32 v6, v5  }
0x1c4: {  	v6 =	vmul.f32 v8, v7  }
0x1c5: {  	v14 =	vld [tilespmem:s7+$0x6440];
	(xrf2) =	vadd.scan.msk.f32 $0xffff, v5  }
0x1c6: {  	v7 =	vld [tilespmem:s7+$0x2440];
	v5 =	vmul.f32 v10, v9;
	(xrf2) =	vadd.scan.msk.f32 $0xffff, v6  }
0x1c7: {  	v6 =	vmul.f32 v12, v11  }
0x1c8: {  	v15 =	vld [tilespmem:s7+$0x2450];
	(xrf2) =	vadd.scan.msk.f32 $0xffff, v5  }
0x1c9: {  	v16 =	vld [tilespmem:s7+$0x6450];
	(xrf2) =	vadd.scan.msk.f32 $0xffff, v6  }
0x1ca: {  	v5 =	vld [tilespmem:s7+$0x2460]  }
0x1cb: {  	v6 =	vld [tilespmem:s7+$0x6460];
	v7 =	vmul.f32 v14, v7  }
0x1cc: {  	v17 =	vld [tilespmem:s7+$0x2470]  }
0x1cd: {  	v18 =	vld [tilespmem:s7+$0x6470]  }
0x1ce: {  	v9 =	vmul.f32 v16, v15;
	(xrf2) =	vadd.scan.msk.f32 $0xffff, v7  }
0x1cf: {  	v7, _, _ =	vpop (xrf2)  }
0x1d0: {  	v5 =	vmul.f32 v6, v5;
	(xrf2) =	vadd.scan.msk.f32 $0xffff, v9;
	v19, _, _ =	vpop (xrf2);
	v6 =	vperm.xlane v7, v0  }
0x1d1: {  	v20 =	vld [tilespmem:s7+$0x6480];
	v9 =	vperm.xlane v19, v0  }
0x1d2: {  	v13 =	vld [tilespmem:s7+$0x6490];
	v8 =	vmul.f32 v18, v17;
	(xrf2) =	vadd.scan.msk.f32 $0xffff, v5;
	v21, _, _ =	vpop (xrf2);
	v5 =	vmul.f32 $1.442695020e+00, v6  }
0x1d3: {  	v7 =	vld [tilespmem:s7+$0x2480];
	v22, _, _ =	vpop (xrf2);
	v11 =	vperm.xlane v21, v0;
	v9 =	vmul.f32 $1.442695020e+00, v9  }
0x1d4: {  	(xrf2) =	vadd.scan.msk.f32 $0xffff, v8;
	v6 =	vld [tilespmem:s7+$0x2490];
	(erf) = vpow2.f32 v5;
	v5 =	vperm.xlane v22, v0  }
0x1d5: {  	v24 =	vmul.f32 $1.442695020e+00, v11  }
0x1d6: {  	v23 =	vld [tilespmem:s7+$0x24A0];
	(erf) = vpow2.f32 v9;
	v5 =	vmul.f32 $1.442695020e+00, v5  }
0x1d7: {  	v25 =	vld [tilespmem:s7+$0x64A0];
	(erf) = vpow2.f32 v24  }
0x1d8: {  	v26 =	vld [tilespmem:s7+$0x24B0];
	v28, _, _ =	vpop (xrf2);
	v7 =	vmul.f32 v20, v7;
	(erf) = vpow2.f32 v5  }
0x1d9: {  	v27 =	vld [tilespmem:s7+$0x64B0];
	v10 =	vperm.xlane v28, v0;
	v5 =	vmul.f32 v13, v6  }
0x1da: {  	v30 =	vld [tilespmem:s7+$0xA400];
	v29, _, _ =	vpop (xrf2);
	(xrf2) =	vadd.scan.msk.f32 $0xffff, v7  }
0x1db: {  	v31 =	vld [tilespmem:s7+$0xA410];
	(xrf2) =	vadd.scan.msk.f32 $0xffff, v5;
	v5 =	vmul.f32 $1.442695020e+00, v10  }
0x1dc: {  	v14 =	vld [tilespmem:s7+$0xA420];
	v32, _, _ =	vpop (xrf2)  }
0x1dd: {  	v7 =	vperm.xlane v29, v0;
	v15 =	vpop (erf);
	(erf) = vpow2.f32 v5;
	v5 =	vld [tilespmem:s7+$0xA430]  }
0x1de: {  	v33 =	vld [tilespmem:s7+$0x64C0];
	v8 =	vmul.f32 v27, v26;
	v9 =	vmul.f32 v25, v23;
	v16, _, _ =	vpop (xrf2)  }
0x1df: {  	v6 =	vld [tilespmem:s7+$0x24C0];
	v7 =	vmul.f32 $1.442695020e+00, v7;
	v34 =	vpop (erf);
	v13 =	vmul.f32 v30, v15  }
0x1e0: {  	v17 =	vld [tilespmem:s7+$0x64D0];
	(xrf2) =	vadd.scan.msk.f32 $0xffff, v9;
	v12 =	vperm.xlane v32, v0;
	v35 =	vpop (erf);
	v10 =	vmul.f32 v31, v34  }
0x1e1: {  	(erf) = vpow2.f32 v7;
	v7 =	vld [tilespmem:s7+$0x24D0];
	v36 =	vnsel vm0, $0x0, v15;
	[tilespmem:s7+$0xA400] =	vst v13;
	v14 =	vmul.f32 v14, v35;
	v19 =	vpop (erf)  }
0x1e2: {  	v37 =	vld [tilespmem:s7+$0x64E0];
	v16 =	vperm.xlane v16, v0;
	v9 =	vsel vm1, v36, v34;
	[tilespmem:s7+$0xA410] =	vst v10;
	v5 =	vmul.f32 v5, v19  }
0x1e3: {  	v38 =	vld [tilespmem:s7+$0x24F0];
	(xrf2) =	vadd.scan.msk.f32 $0xffff, v8;
	v12 =	vmul.f32 $1.442695020e+00, v12;
	v8 =	vsel vm2, v9, v35;
	[tilespmem:s7+$0xA420] =	vst v14  }
0x1e4: {  	v39 =	vld [tilespmem:s7+$0x64F0];
	v6 =	vmul.f32 v33, v6;
	v16 =	vmul.f32 $1.442695020e+00, v16;
	[tilespmem:s7+$0xA430] =	vst v5;
	v5 =	vsel vm3, v8, v19  }
0x1e5: {  	v18 =	vld [tilespmem:s7+$0x24E0];
	(erf) = vpow2.f32 v12;
	v40, _, _ =	vpop (xrf2);
	[tilespmem:s5+$0xFFFFFFD0] =	vst v5  }
0x1e6: {  	(erf) = vpow2.f32 v16;
	v7 =	vmul.f32 v17, v7;
	(xrf2) =	vadd.scan.msk.f32 $0xffff, v6;
	v41, _, _ =	vpop (xrf2);
	v6 =	vld [tilespmem:s7+$0xA440]  }
0x1e7: {  	v11 =	vperm.xlane v40, v0;
	v5 =	vperm.xlane v41, v0  }
0x1e8: {  	(xrf2) =	vadd.scan.msk.f32 $0xffff, v7  }
0x1e9: {  	v7 =	vmul.f32 $1.442695020e+00, v11;
	v42 =	vld [tilespmem:s7+$0xA450];
	v5 =	vmul.f32 $1.442695020e+00, v5  }
0x1ea: {  	v43 =	vmul.f32 v37, v18;
	v45 =	vld [tilespmem:s7+$0xA460];
	v46 =	vpop (erf)  }
0x1eb: {  	v44, _, _ =	vpop (xrf2);
	(erf) = vpow2.f32 v7;
	v7 =	vld [tilespmem:s7+$0xA470];
	v6 =	vmul.f32 v6, v46  }
0x1ec: {  	v9 =	vmul.f32 v39, v38;
	(xrf2) =	vadd.scan.msk.f32 $0xffff, v43;
	v47 =	vpop (erf)  }
0x1ed: {  	v48 =	vperm.xlane v44, v0;
	(erf) = vpow2.f32 v5;
	v5, _, _ =	vpop (xrf2);
	[tilespmem:s7+$0xA440] =	vst v6;
	v6 =	vnsel vm0, $0x0, v46  }
0x1ee: {  	v49 =	vpop (erf);
	v8 =	vmul.f32 v42, v47;
	v5 =	vperm.xlane v5, v0;
	v6 =	vsel vm1, v6, v47  }
0x1ef: {  	v11 =	vmul.f32 $1.442695020e+00, v48;
	v50 =	vpop (erf);
	(xrf2) =	vadd.scan.msk.f32 $0xffff, v9;
	v13 =	vmul.f32 v45, v49;
	v6 =	vsel vm2, v6, v49  }
0x1f0: {  	[tilespmem:s7+$0xA450] =	vst v8;
	v7 =	vmul.f32 v7, v50;
	v5 =	vmul.f32 $1.442695020e+00, v5  }
0x1f1: {  	(erf) = vpow2.f32 v11;
	[tilespmem:s7+$0xA460] =	vst v13;
	v51, _, _ =	vpop (xrf2)  }
0x1f2: {  	[tilespmem:s7+$0xA470] =	vst v7;
	(erf) = vpow2.f32 v5;
	v5 =	vsel vm3, v6, v50;
	v6, _, _ =	vpop (xrf2)  }
0x1f3: {  	v7 =	vperm.xlane v51, v0;
	[tilespmem:s5+$0xFFFFFFE0] =	vst v5;
	v5 =	vperm.xlane v6, v0  }
0x1f4: {  	v6 =	vld [tilespmem:s7+$0xA480]  }
0x1f5: {  	v7 =	vmul.f32 $1.442695020e+00, v7;
	v52 =	vld [tilespmem:s7+$0xA490];
	v5 =	vmul.f32 $1.442695020e+00, v5  }
0x1f6: {  	v55 =	vpop (erf);
	v54 =	vld [tilespmem:s7+$0xA4A0]  }
0x1f7: {  	v53, _, _ =	vpop (xrf2);
	(erf) = vpow2.f32 v7;
	v7 =	vld [tilespmem:s7+$0xA4B0]  }
0x1f8: {  	v56 =	vpop (erf);
	v9 =	vperm.xlane v53, v0  }
0x1f9: {  	(erf) = vpow2.f32 v5;
	v6 =	vmul.f32 v6, v55;
	v5, _, _ =	vpop (xrf2)  }
0x1fa: {  	v57 =	vpop (erf);
	v8 =	vmul.f32 v52, v56;
	v5 =	vperm.xlane v5, v0  }
0x1fb: {  	v9 =	vmul.f32 $1.442695020e+00, v9;
	v10 =	vmul.f32 v54, v57;
	v58 =	vpop (erf);
	[tilespmem:s7+$0xA480] =	vst v6;
	v6 =	vnsel vm0, $0x0, v55  }
0x1fc: {  	[tilespmem:s7+$0xA490] =	vst v8;
	v7 =	vmul.f32 v7, v58;
	v6 =	vsel vm1, v6, v56;
	v5 =	vmul.f32 $1.442695020e+00, v5  }
0x1fd: {  	(erf) = vpow2.f32 v9;
	[tilespmem:s7+$0xA4A0] =	vst v10;
	v6 =	vsel vm2, v6, v57  }
0x1fe: {  	[tilespmem:s7+$0xA4B0] =	vst v7;
	(erf) = vpow2.f32 v5;
	v5 =	vsel vm3, v6, v58  }
0x1ff: {  	[tilespmem:s5+$0xFFFFFFF0] =	vst v5  }
0x200: {  	v5 =	vld [tilespmem:s7+$0xA4C0]  }
0x201: {  	v6 =	vld [tilespmem:s7+$0xA4D0]  }
0x202: {  	v7 =	vld [tilespmem:s7+$0xA4E0]  }
0x203: {  	v59 =	vld [tilespmem:s7+$0xA4F0]  }
0x204: {  	v60 =	vpop (erf)  }
0x205: {  	v61 =	vpop (erf);
	v5 =	vmul.f32 v5, v60  }
0x206: {  	p0 =	sne.s32 s19, $0x7C00;
	v62 =	vpop (erf);
	v6 =	vmul.f32 v6, v61  }
.Ltmp3:
0x207: {  	v7 =	vmul.f32 v7, v62;
	v63 =	vpop (erf);
	[tilespmem:s7+$0xA4C0] =	vst v5;
	v5 =	vnsel vm0, $0x0, v60;
	(pc) =	sbr.rel @p0 .LBB2_9-.Ltmp3, $4  }
0x208: {  	[tilespmem:s7+$0xA4D0] =	vst v6;
	v5 =	vsel vm1, v5, v61;
	v6 =	vmul.f32 v59, v63  }
0x209: {  	[tilespmem:s7+$0xA4E0] =	vst v7;
	v5 =	vsel vm2, v5, v62  }
0x20a: {  	[tilespmem:s7+$0xA4F0] =	vst v6;
	v5 =	vsel vm3, v5, v63  }
0x20b: {  	s19 =	sadd.s32 $0x400, s19;
	[tilespmem:s5+$0x0] =	vst v5;
	s5 =	sadd.s32 $0x40, s5  }
0x20c: {  	s18 =	sadd.s32 $0x1, s18  }
0x20d: {  	p0 =	sne.s32 s18, $0x29  }
.Ltmp4:
0x20e: {  	_ = 	snop;
	(pc) =	sbr.rel @p0 .LBB2_2-.Ltmp4, $4  }
0x20f: {  	_ = 	snop  }
0x210: {  	[spmem:s3] =	stream.indirect.scatter.add.f32 [tilespmem:s10], [sflag:$0x8], $0x10, s9, s28, $0xb8;
	[tilespmem:$0x19C40] =	vst v63  }
0x211: {  	_ = 	snop  }
0x212: {  	[spmem:s2] =	stream.indirect.scatter.add.f32 [tilespmem:s11], [sflag:$0x8], $0x40, s9, s28, $0xb8;
	[tilespmem:$0x19C40] =	vst v63  }
0x213: {  	_ =	swait.ge [sflag:s30], $0x800  }
0x214: {  	[sflag:s30] =	ssyncset.done $0x0  }
0x215: {  	[sflag:s30] =	ssyncadd.s32 $0xFFFFF800  }
0x216: {  	_ =	swait.ge [sflag:s30], $0x2000  }
0x217: {  	[sflag:s30] =	ssyncset.done $0x0  }
0x218: {  	[sflag:s30] =	ssyncadd.s32 $0xFFFFE000  }
0x219: {  	[bflag:$0x0] =	sbarrier.arrive $0xFFFF  }
0x21a: {  	s5 =	simm.s32 $0x0;
	s8 =	simm.s32 $0xD400;
	s7 =	rddreg [dreg:$0x10]  }
0x21b: {  	[tilespmem:s8], [sflag:$0x9] =	stream.linear.gather [hbm4b:s7+s5], $0x40, $0x38;
	[tilespmem:$0x19C40] =	vst v63  }
0x21c: {  	_ =	swait.ge [sflag:s24], $0x40  }
0x21d: {  	[sflag:s24] =	ssyncset.done $0x0  }
0x21e: {  	[sflag:s24] =	ssyncadd.s32 $0xFFFFFFC0  }
0x21f: {  	v5 =	vld [tilespmem:$0xD400]  }
0x220: {  	v6 =	vld [tilespmem:$0xD410]  }
0x221: {  	v7 =	vld [tilespmem:$0xD420]  }
0x222: {  	v8 =	vld [tilespmem:$0xD430]  }
.LBB2_12:
0x223: {  	s7 =	sshll.u32 s5, $0x7;
	s8 =	rddreg [dreg:$0x8]  }
0x224: {  	s7 =	sadd.s32 s8, s7  }
0x225: {  	s8 =	sshll.u32 s7, $0x6  }
0x226: {  	s8 =	sand.u32 $0x3FFFFFC0, s8  }
0x227: {  	s8 =	sadd.s32 s8, s2  }
0x228: {  	[tilespmem:s29], [sflag:$0x9] =	stream.linear.gather [spmem:s8], $0x2000, $0x38;
	[tilespmem:$0x19C40] =	vst v63  }
0x229: {  	s7 =	sshll.u32 s7, $0x4;
	_ =	swait.ge [sflag:s24], $0x2000  }
0x22a: {  	s21 =	sand.u32 $0x3FFFFFF0, s7;
	[sflag:s24] =	ssyncset.done $0x0  }
0x22b: {  	s8 =	sadd.s32 s21, s3;
	[sflag:s24] =	ssyncadd.s32 $0xFFFFE000  }
0x22c: {  	[tilespmem:s12], [sflag:$0x9] =	stream.linear.gather [spmem:s8], $0x800, $0x38;
	[tilespmem:$0x19C40] =	vst v63  }
0x22d: {  	_ =	swait.ge [sflag:s24], $0x800  }
0x22e: {  	[sflag:s24] =	ssyncset.done $0x0  }
0x22f: {  	s18 =	simm.s32 $0xC410;
	[sflag:s24] =	ssyncadd.s32 $0xFFFFF800  }
0x230: {  	v9 =	vld [tilespmem:s18+$0xFFFFFFF0];
	_ =	sdelay $0x4  }
0x231: {  	(erf) = vrcp.f32 v9;
	_ =	sdelay $0x5  }
0x232: {  	s19 =	simm.s32 $0x440  }
0x233: {  	v9 =	vld [tilespmem:s19+$0xFFFFFFF0]  }
0x234: {  	v10 =	vld [tilespmem:s19+$0xFFFFFFC0]  }
0x235: {  	v11 =	vld [tilespmem:s19+$0xFFFFFFD0];
	v12 =	vpop (erf)  }
0x236: {  	v13 =	vld [tilespmem:s19+$0xFFFFFFE0];
	v14 =	vperm.xlane v12, v4  }
0x237: {  	v15 =	vperm.xlane v12, v1  }
0x238: {  	v16 =	vperm.xlane v12, v2;
	v9 =	vmul.f32 v14, v9  }
0x239: {  	v12 =	vperm.xlane v12, v3;
	v10 =	vmul.f32 v15, v10  }
0x23a: {  	v11 =	vmul.f32 v16, v11;
	v9 =	vadd.f32 v9, v8  }
0x23b: {  	v12 =	vmul.f32 v12, v13;
	v10 =	vadd.f32 v10, v5  }
0x23c: {  	v11 =	vadd.f32 v11, v6;
	[tilespmem:s19+$0xFFFFFFF0] =	vst v9  }
0x23d: {  	v9 =	vadd.f32 v12, v7;
	[tilespmem:s19+$0xFFFFFFC0] =	vst v10  }
0x23e: {  	[tilespmem:s19+$0xFFFFFFD0] =	vst v11  }
0x23f: {  	[tilespmem:s19+$0xFFFFFFE0] =	vst v9  }
0x240: {  	v9 =	vld [tilespmem:s18+$0x0];
	_ =	sdelay $0x4  }
0x241: {  	(erf) = vrcp.f32 v9;
	_ =	sdelay $0x7  }
0x242: {  	v15 =	vld [tilespmem:s19+$0x10]  }
0x243: {  	v12 =	vld [tilespmem:s19+$0x0];
	v10 =	vpop (erf)  }
0x244: {  	v9 =	vld [tilespmem:s19+$0x30];
	v13 =	vperm.xlane v10, v1;
	v63 =	vperm.xlane v10, v2  }
0x245: {  	v11 =	vperm.xlane v10, v3;
	v14 =	vperm.xlane v10, v4;
	v10 =	vld [tilespmem:s19+$0x20];
	_ =	sdelay $0x3  }
0x246: {  	s21 =	simm.s32 $0x440;
	s8 =	simm.s32 $0x0;
	v13 =	vmul.f32 v13, v12;
	v12 =	vmul.f32 v63, v15  }
.LBB2_13:
0x247: {  	s8 =	sadd.s32 $0x2, s8;
	v10 =	vmul.f32 v11, v10;
	v9 =	vmul.f32 v14, v9;
	s18 =	sadd.s32 $0x20, s18;
	s19 =	sadd.s32 $0x80, s19  }
0x248: {  	p0 =	slt.u32 s8, $0x7E;
	v11 =	vadd.f32 v13, v5;
	v12 =	vadd.f32 v12, v6  }
0x249: {  	v10 =	vadd.f32 v10, v7;
	v9 =	vadd.f32 v9, v8  }
0x24a: {  	[tilespmem:s21+$0x0] =	vst v11  }
0x24b: {  	[tilespmem:s21+$0x30] =	vst v9  }
0x24c: {  	[tilespmem:s21+$0x10] =	vst v12  }
0x24d: {  	[tilespmem:s21+$0x20] =	vst v10;
	s21 =	smov.u32 s19  }
0x24e: {  	v9 =	vld [tilespmem:s18+$0xFFFFFFF0];
	_ =	sdelay $0x4  }
0x24f: {  	(erf) = vrcp.f32 v9;
	_ =	sdelay $0x4  }
0x250: {  	v9 =	vld [tilespmem:s19+$0xFFFFFFE0]  }
0x251: {  	v10 =	vld [tilespmem:s19+$0xFFFFFFF0]  }
0x252: {  	v11 =	vld [tilespmem:s19+$0xFFFFFFC0]  }
0x253: {  	v12 =	vld [tilespmem:s19+$0xFFFFFFD0]  }
0x254: {  	v13 =	vpop (erf)  }
0x255: {  	v14 =	vperm.xlane v13, v1;
	v15 =	vperm.xlane v13, v4  }
0x256: {  	v16 =	vperm.xlane v13, v2;
	v13 =	vperm.xlane v13, v3  }
0x257: {  	v11 =	vmul.f32 v14, v11;
	v10 =	vmul.f32 v15, v10  }
0x258: {  	v9 =	vmul.f32 v13, v9;
	v12 =	vmul.f32 v16, v12  }
0x259: {  	v11 =	vadd.f32 v11, v5;
	v10 =	vadd.f32 v10, v8  }
0x25a: {  	v9 =	vadd.f32 v9, v7;
	v12 =	vadd.f32 v12, v6  }
0x25b: {  	[tilespmem:s19+$0xFFFFFFF0] =	vst v10  }
0x25c: {  	[tilespmem:s19+$0xFFFFFFC0] =	vst v11  }
0x25d: {  	[tilespmem:s19+$0xFFFFFFD0] =	vst v12  }
0x25e: {  	[tilespmem:s19+$0xFFFFFFE0] =	vst v9  }
0x25f: {  	v9 =	vld [tilespmem:s18+$0x0];
	_ =	sdelay $0x4  }
0x260: {  	(erf) = vrcp.f32 v9;
	_ =	sdelay $0x4  }
0x261: {  	v9 =	vld [tilespmem:s19+$0x30]  }
0x262: {  	v12 =	vld [tilespmem:s19+$0x0]  }
0x263: {  	v15 =	vld [tilespmem:s19+$0x10]  }
.Ltmp5:
0x264: {  	v10 =	vld [tilespmem:s19+$0x20];
	(pc) =	sbr.rel @p0 .LBB2_13-.Ltmp5, $4  }
0x265: {  	v13 =	vpop (erf)  }
0x266: {  	v16 =	vperm.xlane v13, v1;
	v17 =	vperm.xlane v13, v2  }
0x267: {  	v11 =	vperm.xlane v13, v3;
	v14 =	vperm.xlane v13, v4  }
0x268: {  	v13 =	vmul.f32 v16, v12;
	v12 =	vmul.f32 v17, v15  }
0x269: {  	_ = 	snop  }
0x26a: {  	v9 =	vmul.f32 v14, v9;
	v13 =	vadd.f32 v13, v5  }
0x26b: {  	v10 =	vmul.f32 v11, v10;
	v11 =	vadd.f32 v12, v6  }
0x26c: {  	v9 =	vadd.f32 v9, v8;
	[tilespmem:s21+$0x0] =	vst v13  }
0x26d: {  	s5 =	sadd.s32 $0x1, s5;
	v10 =	vadd.f32 v10, v7;
	[tilespmem:s21+$0x10] =	vst v11  }
0x26e: {  	s8 =	rddreg [dreg:$0x11];
	p0 =	sne.s32 s5, $0x5;
	[tilespmem:s21+$0x30] =	vst v9  }
.Ltmp6:
0x26f: {  	s7 =	sadd.s32 s7, s8;
	[tilespmem:s21+$0x20] =	vst v10;
	s21 =	simm.s32 $0x40;
	(pc) =	sbr.rel @p0 .LBB2_12-.Ltmp6, $4  }
0x270: {  	[hbm4b:s7+s21] =	stream.strided.scatter [tilespmem:s29], [sflag:$0x9], $0x2000, s28, s21, $0x38;
	[tilespmem:$0x19C40] =	vst v63  }
0x271: {  	_ =	swait.ge [sflag:s24], $0x2000  }
0x272: {  	[sflag:s24] =	ssyncset.done $0x0  }
0x273: {  	[sflag:s24] =	ssyncadd.s32 $0xFFFFE000  }
0x274: {  	s7 =	rddreg [dreg:$0x15]  }
0x275: {  	s5 =	rddreg [dreg:$0x12];
	s7 =	sadd.s32 $0x1, s7  }
0x276: {  	p0 =	sne.s32 s7, s5  }
.Ltmp7:
0x277: {  	_ = 	snop;
	(pc) =	sbr.rel @p0 .LBB2_1-.Ltmp7, $1  }
0x278: {  	_ =	sdelay $0x3  }
0x279: {  	_ =	sfence.sel $0x180000  }
0x27a: {  	[bflag:$0x0] =	sbarrier.arrive $0xFFFF  }
0x27b: {  	_ =	strace $0x90000047  }
0x27c: {  	s0 =	stileid.u32;
	[bflag:$0x2] =	sbarrier.arrive $0xFFFF  }
0x27d: {  	p0 =	sne.s32 s0, $0x0;
	s0 =	rddreg [dreg:$0x5]  }
0x27e: {  	s0 =	sadd.s32 @!p0 $0x100000, s0  }
0x27f: {  	[sflag:s0] =	ssyncadd.tile.s32 @!p0 $0x1;
	_ =	shalt  }
.Lfunc_end2:
_tile_overlayer_lowered:
.L_overlay_start_2:
0x280: {  	(tag) =	ssettag $0x2  }
0x281: {  	s0 =	rddreg [dreg:$0x0];
	s2 =	stileid.u32  }
0x282: {  	s1 =	rddreg [dreg:$0x1];
	p0 =	sne.s32 s2, $0x0  }
0x283: {  	s3 =	rddreg [dreg:$0x2];
	[bflag:$0x3] =	sbarrier.arrive $0xFFFF;
	s2 =	simm.s32 @!p0 $0x1C09  }
0x284: {  	[timem:s3], [sflag:s2] =	dma.local @!p0 [hbm:s0], s1  }
0x285: {  	s0 =	simm.s32 @!p0 $0x9  }
0x286: {  	_ =	swait.ge @!p0 [sflag:s0], s1  }
0x287: {  	s1 =	ssub.s32 @!p0 $0x0, s1;
	[sflag:s0] =	ssyncset.done @!p0 $0x0  }
0x288: {  	[sflag:s0] =	ssyncadd.s32 @!p0 s1  }
0x289: {  	[bflag:$0x3] =	sbarrier.arrive $0xFFFF  }
0x28a: {  	_ =	shalt  }

</sc_bundles>
